<compile_context>
chip_gen: v7x
topology: tpu7x:2x2x1
jax: 0.10.2.dev20260603
libtpu: 0.0.44.dev20260713+nightly
codegen_flags: <defaults>
</compile_context>

<pallas_src>
import functools

import jax
import jax.numpy as jnp
from jax import lax
from jax.experimental import pallas as pl
from jax.experimental.pallas import tpu as pltpu
from jax.experimental.pallas import tpu_sc as plsc

_NS_IN = 2562
_NS_OUT = 10242
_NALPHA = 6
_B = 8
_C = 128
_NBLK = 641
_NPAD = _NBLK * 16
_XW = _NALPHA * _NS_IN
_XWF = _XW + 4
_OW = _NALPHA * _NS_OUT
_SPLIT = 4 * _NS_OUT

_NC = 2
_NS = 16
_NW = _NC * _NS
_P = _B * _C
_PPW = _P // _NW


def _make_unpool():
    mesh = plsc.VectorSubcoreMesh(core_axis_name="c", subcore_axis_name="s")

    @functools.partial(
        pl.kernel,
        mesh=mesh,
        compiler_params=pltpu.CompilerParams(
            use_tc_tiling_on_sc=False, needs_layout_passes=False
        ),
        out_type=jax.ShapeDtypeStruct((_B, _C, _OW), jnp.float32),
        scratch_types=[
            pltpu.VMEM((_NPAD,), jnp.int32),
            pltpu.VMEM((_NPAD,), jnp.int32),
            pltpu.VMEM((_XW,), jnp.float32),
            pltpu.VMEM((_XW,), jnp.float32),
            pltpu.VMEM((_OW,), jnp.float32),
            pltpu.SemaphoreType.DMA,
            pltpu.SemaphoreType.DMA,
            pltpu.SemaphoreType.DMA,
            pltpu.SemaphoreType.DMA,
        ],
    )
    def unpool(x_hbm, i0_hbm, i1_hbm, out_hbm,
               i0_v, i1_v, in0_v, in1_v, out_v, si0, si1, so1, so2):
        ins_v = (in0_v, in1_v)
        sems_i = (si0, si1)

        wid = lax.axis_index("s") * _NC + lax.axis_index("c")
        b = wid // 4
        c0 = (wid % 4) * _PPW

        pltpu.sync_copy(i0_hbm, i0_v)
        pltpu.sync_copy(i1_hbm, i1_v)

        def piece1(c):
            return pltpu.make_async_copy(
                out_v.at[pl.ds(0, _SPLIT)],
                out_hbm.at[b, c, pl.ds(0, _SPLIT)],
                so1,
            )

        def piece2(c):
            return pltpu.make_async_copy(
                out_v.at[pl.ds(_SPLIT, _OW - _SPLIT)],
                out_hbm.at[b, c, pl.ds(_SPLIT, _OW - _SPLIT)],
                so2,
            )

        def in_copy(s, c):
            return pltpu.make_async_copy(x_hbm.at[b, c], ins_v[s], sems_i[s])

        def gather_pass(s, alphas):
            @plsc.parallel_loop(0, _NBLK, unroll=4)
            def jblk(j):
                o = pl.multiple_of(j * 16, 16)
                i0 = i0_v[pl.ds(o, 16)]
                i1 = i1_v[pl.ds(o, 16)]
                ovec = lax.broadcasted_iota(jnp.int32, (16,), 0) + o
                m = ovec < _NS_OUT
                for a in alphas:
                    g0 = plsc.load_gather(ins_v[s], [i0 + a * _NS_IN])
                    g1 = plsc.load_gather(ins_v[s], [i1 + a * _NS_IN])
                    plsc.store_scatter(
                        out_v, [ovec + a * _NS_OUT], (g0 + g1) * 0.5, mask=m
                    )

        def iter_unit(s, c, first, prefetch):
            in_copy(s, c).wait()
            if not first:
                piece1(c).wait()
            gather_pass(s, (0, 1, 2, 3))
            piece1(c).start()
            if not first:
                piece2(c).wait()
            gather_pass(s, (4, 5))
            piece2(c).start()
            if prefetch:
                in_copy(s, c + 2).start()

        in_copy(0, c0).start()
        in_copy(1, c0 + 1).start()

        iter_unit(0, c0, first=True, prefetch=True)

        def outer(h, carry):
            k = 2 * h + 1
            iter_unit(1, c0 + k, first=False, prefetch=True)
            iter_unit(0, c0 + k + 1, first=False, prefetch=True)
            return carry

        lax.fori_loop(0, (_PPW - 4) // 2, outer, 0)

        iter_unit(1, c0 + _PPW - 3, first=False, prefetch=True)
        iter_unit(0, c0 + _PPW - 2, first=False, prefetch=False)
        iter_unit(1, c0 + _PPW - 1, first=False, prefetch=False)
        piece1(c0 + _PPW - 1).wait()
        piece2(c0 + _PPW - 1).wait()

    return unpool


_unpool = _make_unpool()


def kernel(x, index):
    idx = index.astype(jnp.int32)
    i0 = jnp.pad(idx[:_NS_OUT, 0] % _NS_IN, (0, _NPAD - _NS_OUT))
    i1 = jnp.pad(idx[:_NS_OUT, 1] % _NS_IN, (0, _NPAD - _NS_OUT))
    return _unpool(x, i0, i1)

# --- scband reference (transcript-rebuilt; emitter-appended) ---
"""Pipeline reference for scband-so3-spatial-unpool-82016695485138 (READ-ONLY COPY).

The authoritative reference and input builder live on the scoring server;
editing this copy changes nothing except your own understanding.
"""

import jax, jax.numpy as jnp
import numpy as np

NS_IN = 2562    # 10*4^4 + 2 (icosahedral level 4)
NS_OUT = 10242  # 10*4^5 + 2 (icosahedral level 5)
NALPHA = 6      # rotation copies (hyper-icosahedre F dim)
B = 8
C = 128


def setup_inputs(seed: int = 0) -> dict:
    key = jax.random.key(seed)
    kx, ki = jax.random.split(key)
    x = jax.random.normal(kx, (B, C, NALPHA * NS_IN), dtype=jnp.float32)
    # Synthesize the expansion index the same way __init__ builds it from the
    # precomputed mesh file: base indices of shape [NS_OUT, 2] with values in
    # [0, NS_IN), broadcast over nalpha rotation copies with per-copy offsets.
    base = jax.random.randint(ki, (NS_OUT, 2), 0, NS_IN)
    index = (base[None, :, :] + (jnp.arange(NALPHA) * NS_IN)[:, None, None]).reshape(-1, 2)
    return {"x": x, "index": index}


def reference(x, index):
    # avg_unpool: gather pairs of parent vertices along the last (spatial) dim
    # and average them -> output spatial dim = NALPHA * NS_OUT.
    gathered = x[..., index]          # [B, C, NALPHA*NS_OUT, 2]
    out = gathered.mean(axis=-1)      # [B, C, NALPHA*NS_OUT]
    return out

if __name__ == "__main__":
    import jax
    _d = setup_inputs()
    print(jax.jit(kernel)(*tuple(_d.values())))

</pallas_src>

<mosaic_0001>
#map = affine_map<(d0, d1) -> (0, 0, 0)>
#map1 = affine_map<(d0, d1) -> (0)>
module attributes {stable_mosaic.version = 14 : i64} {
  func.func @unpool(%arg0: i32, %arg1: i32, %arg2: memref<8x128x15372xf32, #tpu.memory_space<hbm>>, %arg3: memref<10256xi32, #tpu.memory_space<hbm>>, %arg4: memref<10256xi32, #tpu.memory_space<hbm>>, %arg5: memref<8x128x61452xf32, #tpu.memory_space<hbm>>, %arg6: memref<10256xi32, #tpu.memory_space<vmem>>, %arg7: memref<10256xi32, #tpu.memory_space<vmem>>, %arg8: memref<15372xf32, #tpu.memory_space<vmem>>, %arg9: memref<15372xf32, #tpu.memory_space<vmem>>, %arg10: memref<61452xf32, #tpu.memory_space<vmem>>, %arg11: memref<!tpu.dma_semaphore, #tpu.memory_space<semaphore_mem>>, %arg12: memref<!tpu.dma_semaphore, #tpu.memory_space<semaphore_mem>>, %arg13: memref<!tpu.dma_semaphore, #tpu.memory_space<semaphore_mem>>, %arg14: memref<!tpu.dma_semaphore, #tpu.memory_space<semaphore_mem>>) attributes {dimension_semantics = [#tpu.dimension_semantics<core_parallel>, #tpu.dimension_semantics<subcore_parallel>], iteration_bounds = array<i64: 2, 16>, scalar_prefetch = 0 : i64, scratch_operands = 9 : i64, tpu.core_type = #tpu.core_type<sc_vector_subcore>, window_params = [{transform_indices = #map}, {transform_indices = #map1}, {transform_indices = #map1}, {transform_indices = #map}]} {
    %mul3A = arith.constant 2 : i32
    %mul3A_0 = arith.muli %arg1, %mul3A : i32
    %add3A = arith.addi %mul3A_0, %arg0 : i32
    %jit3A = arith.constant 4 : i32
    %div3A = arith.divsi %add3A, %jit3A : i32
    %sign3A = arith.constant 0 : i32
    %sign3A_1 = arith.cmpi sgt, %add3A, %sign3A : i32
    %sign3A_2 = arith.extui %sign3A_1 : i1 to i32
    %sign3A_3 = arith.constant 0 : i32
    %sign3A_4 = arith.cmpi slt, %add3A, %sign3A_3 : i32
    %sign3A_5 = arith.extui %sign3A_4 : i1 to i32
    %sign3A_6 = arith.subi %sign3A_2, %sign3A_5 : i32
    %sign3A_7 = arith.constant 0 : i32
    %sign3A_8 = arith.cmpi sgt, %jit3A, %sign3A_7 : i32
    %sign3A_9 = arith.extui %sign3A_8 : i1 to i32
    %sign3A_10 = arith.constant 0 : i32
    %sign3A_11 = arith.cmpi slt, %jit3A, %sign3A_10 : i32
    %sign3A_12 = arith.extui %sign3A_11 : i1 to i32
    %sign3A_13 = arith.subi %sign3A_9, %sign3A_12 : i32
    %ne3A = arith.cmpi ne, %sign3A_6, %sign3A_13 : i32
    %rem3A = arith.remsi %add3A, %jit3A : i32
    %ne3A_14 = arith.constant 0 : i32
    %ne3A_15 = arith.cmpi ne, %rem3A, %ne3A_14 : i32
    %and3A = arith.andi %ne3A, %ne3A_15 : i1
    %sub3A = arith.constant 1 : i32
    %sub3A_16 = arith.subi %div3A, %sub3A : i32
    %select_n3A = arith.select %and3A, %sub3A_16, %div3A : i32
    %jit3A_17 = arith.constant 4 : i32
    %eq3A = arith.constant 0 : i32
    %eq3A_18 = arith.cmpi eq, %jit3A_17, %eq3A : i32
    %jit3A_19 = arith.constant 1 : i32
    %select_n3A_20 = arith.select %eq3A_18, %jit3A_19, %jit3A_17 : i32
    %rem3A_21 = arith.remsi %add3A, %select_n3A_20 : i32
    %ne3A_22 = arith.constant 0 : i32
    %ne3A_23 = arith.cmpi ne, %rem3A_21, %ne3A_22 : i32
    %lt3A = arith.constant 0 : i32
    %lt3A_24 = arith.cmpi slt, %rem3A_21, %lt3A : i32
    %lt3A_25 = arith.constant 0 : i32
    %lt3A_26 = arith.cmpi slt, %select_n3A_20, %lt3A_25 : i32
    %ne3A_27 = arith.xori %lt3A_24, %lt3A_26 : i1
    %and3A_28 = arith.andi %ne3A_27, %ne3A_23 : i1
    %add3A_29 = arith.addi %rem3A_21, %select_n3A_20 : i32
    %select_n3A_30 = arith.select %and3A_28, %add3A_29, %rem3A_21 : i32
    %mul3A_31 = arith.constant 32 : i32
    %mul3A_32 = arith.muli %select_n3A_30, %mul3A_31 : i32
    "tpu.region"() ({
      %run_scoped3A = tpu.sem_alloc : memref<!tpu.dma_semaphore, #tpu.memory_space<semaphore_mem>>
      tpu.enqueue_dma source(%arg3 : memref<10256xi32, #tpu.memory_space<hbm>>) target(%arg6 : memref<10256xi32, #tpu.memory_space<vmem>>) target_semaphore(%run_scoped3A : memref<!tpu.dma_semaphore, #tpu.memory_space<semaphore_mem>>)
      tpu.wait_dma2 semaphore(%run_scoped3A : memref<!tpu.dma_semaphore, #tpu.memory_space<semaphore_mem>>) src(%arg3 : memref<10256xi32, #tpu.memory_space<hbm>>) dst(%arg6 : memref<10256xi32, #tpu.memory_space<vmem>>)
      tpu.yield
    }) : () -> ()
    "tpu.region"() ({
      %run_scoped3A = tpu.sem_alloc : memref<!tpu.dma_semaphore, #tpu.memory_space<semaphore_mem>>
      tpu.enqueue_dma source(%arg4 : memref<10256xi32, #tpu.memory_space<hbm>>) target(%arg7 : memref<10256xi32, #tpu.memory_space<vmem>>) target_semaphore(%run_scoped3A : memref<!tpu.dma_semaphore, #tpu.memory_space<semaphore_mem>>)
      tpu.wait_dma2 semaphore(%run_scoped3A : memref<!tpu.dma_semaphore, #tpu.memory_space<semaphore_mem>>) src(%arg4 : memref<10256xi32, #tpu.memory_space<hbm>>) dst(%arg7 : memref<10256xi32, #tpu.memory_space<vmem>>)
      tpu.yield
    }) : () -> ()
    %dma_start3A = arith.constant 0 : i32
    %dma_start3A_33 = tpu.memref_slice %arg2[%select_n3A, %mul3A_32, %dma_start3A] : memref<8x128x15372xf32, #tpu.memory_space<hbm>> -> memref<1x1x15372xf32, #tpu.memory_space<hbm>>
    %dma_start3A_34 = tpu.memref_squeeze %dma_start3A_33 : memref<1x1x15372xf32, #tpu.memory_space<hbm>> -> memref<15372xf32, #tpu.memory_space<hbm>>
    %dma_start3A_35 = arith.constant 0 : i32
    %dma_start3A_36 = tpu.memref_slice %arg2[%select_n3A, %mul3A_32, %dma_start3A_35] : memref<8x128x15372xf32, #tpu.memory_space<hbm>> -> memref<1x1x15372xf32, #tpu.memory_space<hbm>>
    %dma_start3A_37 = tpu.memref_squeeze %dma_start3A_36 : memref<1x1x15372xf32, #tpu.memory_space<hbm>> -> memref<15372xf32, #tpu.memory_space<hbm>>
    tpu.enqueue_dma source(%dma_start3A_37 : memref<15372xf32, #tpu.memory_space<hbm>>) target(%arg8 : memref<15372xf32, #tpu.memory_space<vmem>>) target_semaphore(%arg11 : memref<!tpu.dma_semaphore, #tpu.memory_space<semaphore_mem>>)
    %add3A_38 = arith.constant 1 : i32
    %add3A_39 = arith.addi %mul3A_32, %add3A_38 : i32
    %dma_start3A_40 = arith.constant 0 : i32
    %dma_start3A_41 = tpu.memref_slice %arg2[%select_n3A, %add3A_39, %dma_start3A_40] : memref<8x128x15372xf32, #tpu.memory_space<hbm>> -> memref<1x1x15372xf32, #tpu.memory_space<hbm>>
    %dma_start3A_42 = tpu.memref_squeeze %dma_start3A_41 : memref<1x1x15372xf32, #tpu.memory_space<hbm>> -> memref<15372xf32, #tpu.memory_space<hbm>>
    %dma_start3A_43 = arith.constant 0 : i32
    %dma_start3A_44 = tpu.memref_slice %arg2[%select_n3A, %add3A_39, %dma_start3A_43] : memref<8x128x15372xf32, #tpu.memory_space<hbm>> -> memref<1x1x15372xf32, #tpu.memory_space<hbm>>
    %dma_start3A_45 = tpu.memref_squeeze %dma_start3A_44 : memref<1x1x15372xf32, #tpu.memory_space<hbm>> -> memref<15372xf32, #tpu.memory_space<hbm>>
    tpu.enqueue_dma source(%dma_start3A_45 : memref<15372xf32, #tpu.memory_space<hbm>>) target(%arg9 : memref<15372xf32, #tpu.memory_space<vmem>>) target_semaphore(%arg12 : memref<!tpu.dma_semaphore, #tpu.memory_space<semaphore_mem>>)
    %dma_wait3A = arith.constant 0 : i32
    %dma_wait3A_46 = tpu.memref_slice %arg2[%select_n3A, %mul3A_32, %dma_wait3A] : memref<8x128x15372xf32, #tpu.memory_space<hbm>> -> memref<1x1x15372xf32, #tpu.memory_space<hbm>>
    %dma_wait3A_47 = tpu.memref_squeeze %dma_wait3A_46 : memref<1x1x15372xf32, #tpu.memory_space<hbm>> -> memref<15372xf32, #tpu.memory_space<hbm>>
    %dma_wait3A_48 = arith.constant 0 : i32
    %dma_wait3A_49 = tpu.memref_slice %arg2[%select_n3A, %mul3A_32, %dma_wait3A_48] : memref<8x128x15372xf32, #tpu.memory_space<hbm>> -> memref<1x1x15372xf32, #tpu.memory_space<hbm>>
    %dma_wait3A_50 = tpu.memref_squeeze %dma_wait3A_49 : memref<1x1x15372xf32, #tpu.memory_space<hbm>> -> memref<15372xf32, #tpu.memory_space<hbm>>
    tpu.wait_dma2 semaphore(%arg11 : memref<!tpu.dma_semaphore, #tpu.memory_space<semaphore_mem>>) src(%dma_wait3A_50 : memref<15372xf32, #tpu.memory_space<hbm>>) dst(%arg8 : memref<15372xf32, #tpu.memory_space<vmem>>)
    %parallel_loop3A = arith.constant 0 : i32
    %parallel_loop3A_51 = arith.constant 641 : i32
    %parallel_loop3A_52 = arith.constant 1 : i32
    scf.for %parallel_loop3A_293 = %parallel_loop3A to %parallel_loop3A_51 step %parallel_loop3A_52  : i32 {
      %parallel_loop3A_294 = arith.constant 16 : i32
      %parallel_loop3A_295 = arith.muli %parallel_loop3A_293, %parallel_loop3A_294 : i32
      %parallel_loop3A_296 = tpu.assume_multiple %parallel_loop3A_295, 16 : i32
      %parallel_loop3A_297 = arith.index_cast %parallel_loop3A_296 : i32 to index
      %parallel_loop3A_298 = tpu.vector_load %arg6[%parallel_loop3A_297] {strides = array<i32>} : memref<10256xi32, #tpu.memory_space<vmem>>, vector<16xi32>,
      %parallel_loop3A_299 = arith.index_cast %parallel_loop3A_296 : i32 to index
      %parallel_loop3A_300 = tpu.vector_load %arg7[%parallel_loop3A_299] {strides = array<i32>} : memref<10256xi32, #tpu.memory_space<vmem>>, vector<16xi32>,
      %parallel_loop3A_301 = tpu.iota {dimensions = array<i32: 0>} : vector<16xi32>
      %parallel_loop3A_302 = vector.broadcast %parallel_loop3A_296 : i32 to vector<16xi32>
      %parallel_loop3A_303 = arith.addi %parallel_loop3A_301, %parallel_loop3A_302 : vector<16xi32>
      %parallel_loop3A_304 = arith.constant 10242 : i32
      %parallel_loop3A_305 = vector.broadcast %parallel_loop3A_304 : i32 to vector<16xi32>
      %parallel_loop3A_306 = arith.cmpi slt, %parallel_loop3A_303, %parallel_loop3A_305 : vector<16xi32>
      %parallel_loop3A_307 = arith.constant 0 : i32
      %parallel_loop3A_308 = vector.broadcast %parallel_loop3A_307 : i32 to vector<16xi32>
      %parallel_loop3A_309 = arith.addi %parallel_loop3A_298, %parallel_loop3A_308 : vector<16xi32>
      %parallel_loop3A_310 = tpu.vector_load_idx %arg8[%parallel_loop3A_309] : memref<15372xf32, #tpu.memory_space<vmem>>[vector<16xi32>], vector<16xf32>,
      %parallel_loop3A_311 = arith.constant 0 : i32
      %parallel_loop3A_312 = vector.broadcast %parallel_loop3A_311 : i32 to vector<16xi32>
      %parallel_loop3A_313 = arith.addi %parallel_loop3A_300, %parallel_loop3A_312 : vector<16xi32>
      %parallel_loop3A_314 = tpu.vector_load_idx %arg8[%parallel_loop3A_313] : memref<15372xf32, #tpu.memory_space<vmem>>[vector<16xi32>], vector<16xf32>,
      %parallel_loop3A_315 = arith.constant 0 : i32
      %parallel_loop3A_316 = vector.broadcast %parallel_loop3A_315 : i32 to vector<16xi32>
      %parallel_loop3A_317 = arith.addi %parallel_loop3A_303, %parallel_loop3A_316 : vector<16xi32>
      %parallel_loop3A_318 = arith.addf %parallel_loop3A_310, %parallel_loop3A_314 : vector<16xf32>
      %parallel_loop3A_319 = arith.constant 5.000000e-01 : f32
      %parallel_loop3A_320 = vector.broadcast %parallel_loop3A_319 : f32 to vector<16xf32>
      %parallel_loop3A_321 = arith.mulf %parallel_loop3A_318, %parallel_loop3A_320 : vector<16xf32>
      tpu.vector_store_idx %arg10[%parallel_loop3A_317], %parallel_loop3A_321 masked %parallel_loop3A_306 : memref<61452xf32, #tpu.memory_space<vmem>>[vector<16xi32>], vector<16xf32>, vector<16xi1>
      %parallel_loop3A_322 = arith.constant 2562 : i32
      %parallel_loop3A_323 = vector.broadcast %parallel_loop3A_322 : i32 to vector<16xi32>
      %parallel_loop3A_324 = arith.addi %parallel_loop3A_298, %parallel_loop3A_323 : vector<16xi32>
      %parallel_loop3A_325 = tpu.vector_load_idx %arg8[%parallel_loop3A_324] : memref<15372xf32, #tpu.memory_space<vmem>>[vector<16xi32>], vector<16xf32>,
      %parallel_loop3A_326 = arith.constant 2562 : i32
      %parallel_loop3A_327 = vector.broadcast %parallel_loop3A_326 : i32 to vector<16xi32>
      %parallel_loop3A_328 = arith.addi %parallel_loop3A_300, %parallel_loop3A_327 : vector<16xi32>
      %parallel_loop3A_329 = tpu.vector_load_idx %arg8[%parallel_loop3A_328] : memref<15372xf32, #tpu.memory_space<vmem>>[vector<16xi32>], vector<16xf32>,
      %parallel_loop3A_330 = arith.constant 10242 : i32
      %parallel_loop3A_331 = vector.broadcast %parallel_loop3A_330 : i32 to vector<16xi32>
      %parallel_loop3A_332 = arith.addi %parallel_loop3A_303, %parallel_loop3A_331 : vector<16xi32>
      %parallel_loop3A_333 = arith.addf %parallel_loop3A_325, %parallel_loop3A_329 : vector<16xf32>
      %parallel_loop3A_334 = arith.constant 5.000000e-01 : f32
      %parallel_loop3A_335 = vector.broadcast %parallel_loop3A_334 : f32 to vector<16xf32>
      %parallel_loop3A_336 = arith.mulf %parallel_loop3A_333, %parallel_loop3A_335 : vector<16xf32>
      tpu.vector_store_idx %arg10[%parallel_loop3A_332], %parallel_loop3A_336 masked %parallel_loop3A_306 : memref<61452xf32, #tpu.memory_space<vmem>>[vector<16xi32>], vector<16xf32>, vector<16xi1>
      %parallel_loop3A_337 = arith.constant 5124 : i32
      %parallel_loop3A_338 = vector.broadcast %parallel_loop3A_337 : i32 to vector<16xi32>
      %parallel_loop3A_339 = arith.addi %parallel_loop3A_298, %parallel_loop3A_338 : vector<16xi32>
      %parallel_loop3A_340 = tpu.vector_load_idx %arg8[%parallel_loop3A_339] : memref<15372xf32, #tpu.memory_space<vmem>>[vector<16xi32>], vector<16xf32>,
      %parallel_loop3A_341 = arith.constant 5124 : i32
      %parallel_loop3A_342 = vector.broadcast %parallel_loop3A_341 : i32 to vector<16xi32>
      %parallel_loop3A_343 = arith.addi %parallel_loop3A_300, %parallel_loop3A_342 : vector<16xi32>
      %parallel_loop3A_344 = tpu.vector_load_idx %arg8[%parallel_loop3A_343] : memref<15372xf32, #tpu.memory_space<vmem>>[vector<16xi32>], vector<16xf32>,
      %parallel_loop3A_345 = arith.constant 20484 : i32
      %parallel_loop3A_346 = vector.broadcast %parallel_loop3A_345 : i32 to vector<16xi32>
      %parallel_loop3A_347 = arith.addi %parallel_loop3A_303, %parallel_loop3A_346 : vector<16xi32>
      %parallel_loop3A_348 = arith.addf %parallel_loop3A_340, %parallel_loop3A_344 : vector<16xf32>
      %parallel_loop3A_349 = arith.constant 5.000000e-01 : f32
      %parallel_loop3A_350 = vector.broadcast %parallel_loop3A_349 : f32 to vector<16xf32>
      %parallel_loop3A_351 = arith.mulf %parallel_loop3A_348, %parallel_loop3A_350 : vector<16xf32>
      tpu.vector_store_idx %arg10[%parallel_loop3A_347], %parallel_loop3A_351 masked %parallel_loop3A_306 : memref<61452xf32, #tpu.memory_space<vmem>>[vector<16xi32>], vector<16xf32>, vector<16xi1>
      %parallel_loop3A_352 = arith.constant 7686 : i32
      %parallel_loop3A_353 = vector.broadcast %parallel_loop3A_352 : i32 to vector<16xi32>
      %parallel_loop3A_354 = arith.addi %parallel_loop3A_298, %parallel_loop3A_353 : vector<16xi32>
      %parallel_loop3A_355 = tpu.vector_load_idx %arg8[%parallel_loop3A_354] : memref<15372xf32, #tpu.memory_space<vmem>>[vector<16xi32>], vector<16xf32>,
      %parallel_loop3A_356 = arith.constant 7686 : i32
      %parallel_loop3A_357 = vector.broadcast %parallel_loop3A_356 : i32 to vector<16xi32>
      %parallel_loop3A_358 = arith.addi %parallel_loop3A_300, %parallel_loop3A_357 : vector<16xi32>
      %parallel_loop3A_359 = tpu.vector_load_idx %arg8[%parallel_loop3A_358] : memref<15372xf32, #tpu.memory_space<vmem>>[vector<16xi32>], vector<16xf32>,
      %parallel_loop3A_360 = arith.constant 30726 : i32
      %parallel_loop3A_361 = vector.broadcast %parallel_loop3A_360 : i32 to vector<16xi32>
      %parallel_loop3A_362 = arith.addi %parallel_loop3A_303, %parallel_loop3A_361 : vector<16xi32>
      %parallel_loop3A_363 = arith.addf %parallel_loop3A_355, %parallel_loop3A_359 : vector<16xf32>
      %parallel_loop3A_364 = arith.constant 5.000000e-01 : f32
      %parallel_loop3A_365 = vector.broadcast %parallel_loop3A_364 : f32 to vector<16xf32>
      %parallel_loop3A_366 = arith.mulf %parallel_loop3A_363, %parallel_loop3A_365 : vector<16xf32>
      tpu.vector_store_idx %arg10[%parallel_loop3A_362], %parallel_loop3A_366 masked %parallel_loop3A_306 : memref<61452xf32, #tpu.memory_space<vmem>>[vector<16xi32>], vector<16xf32>, vector<16xi1>
    } {sc.loop_unroll_factor = 4 : i64, sc.parallel_access}
    %dma_start3A_53 = arith.constant 0 : i32
    %dma_start3A_54 = tpu.memref_slice %arg10[%dma_start3A_53] : memref<61452xf32, #tpu.memory_space<vmem>> -> memref<40968xf32, #tpu.memory_space<vmem>>
    %dma_start3A_55 = arith.constant 0 : i32
    %dma_start3A_56 = tpu.memref_slice %arg5[%select_n3A, %mul3A_32, %dma_start3A_55] : memref<8x128x61452xf32, #tpu.memory_space<hbm>> -> memref<1x1x40968xf32, #tpu.memory_space<hbm>>
    %dma_start3A_57 = tpu.memref_squeeze %dma_start3A_56 : memref<1x1x40968xf32, #tpu.memory_space<hbm>> -> memref<40968xf32, #tpu.memory_space<hbm>>
    %dma_start3A_58 = arith.constant 0 : i32
    %dma_start3A_59 = tpu.memref_slice %arg5[%select_n3A, %mul3A_32, %dma_start3A_58] : memref<8x128x61452xf32, #tpu.memory_space<hbm>> -> memref<1x1x40968xf32, #tpu.memory_space<hbm>>
    %dma_start3A_60 = tpu.memref_squeeze %dma_start3A_59 : memref<1x1x40968xf32, #tpu.memory_space<hbm>> -> memref<40968xf32, #tpu.memory_space<hbm>>
    %dma_start3A_61 = arith.constant 0 : i32
    %dma_start3A_62 = tpu.memref_slice %arg10[%dma_start3A_61] : memref<61452xf32, #tpu.memory_space<vmem>> -> memref<40968xf32, #tpu.memory_space<vmem>>
    tpu.enqueue_dma source(%dma_start3A_62 : memref<40968xf32, #tpu.memory_space<vmem>>) target(%dma_start3A_60 : memref<40968xf32, #tpu.memory_space<hbm>>) target_semaphore(%arg13 : memref<!tpu.dma_semaphore, #tpu.memory_space<semaphore_mem>>)
    %parallel_loop3A_63 = arith.constant 0 : i32
    %parallel_loop3A_64 = arith.constant 641 : i32
    %parallel_loop3A_65 = arith.constant 1 : i32
    scf.for %parallel_loop3A_293 = %parallel_loop3A_63 to %parallel_loop3A_64 step %parallel_loop3A_65  : i32 {
      %parallel_loop3A_294 = arith.constant 16 : i32
      %parallel_loop3A_295 = arith.muli %parallel_loop3A_293, %parallel_loop3A_294 : i32
      %parallel_loop3A_296 = tpu.assume_multiple %parallel_loop3A_295, 16 : i32
      %parallel_loop3A_297 = arith.index_cast %parallel_loop3A_296 : i32 to index
      %parallel_loop3A_298 = tpu.vector_load %arg6[%parallel_loop3A_297] {strides = array<i32>} : memref<10256xi32, #tpu.memory_space<vmem>>, vector<16xi32>,
      %parallel_loop3A_299 = arith.index_cast %parallel_loop3A_296 : i32 to index
      %parallel_loop3A_300 = tpu.vector_load %arg7[%parallel_loop3A_299] {strides = array<i32>} : memref<10256xi32, #tpu.memory_space<vmem>>, vector<16xi32>,
      %parallel_loop3A_301 = tpu.iota {dimensions = array<i32: 0>} : vector<16xi32>
      %parallel_loop3A_302 = vector.broadcast %parallel_loop3A_296 : i32 to vector<16xi32>
      %parallel_loop3A_303 = arith.addi %parallel_loop3A_301, %parallel_loop3A_302 : vector<16xi32>
      %parallel_loop3A_304 = arith.constant 10242 : i32
      %parallel_loop3A_305 = vector.broadcast %parallel_loop3A_304 : i32 to vector<16xi32>
      %parallel_loop3A_306 = arith.cmpi slt, %parallel_loop3A_303, %parallel_loop3A_305 : vector<16xi32>
      %parallel_loop3A_307 = arith.constant 10248 : i32
      %parallel_loop3A_308 = vector.broadcast %parallel_loop3A_307 : i32 to vector<16xi32>
      %parallel_loop3A_309 = arith.addi %parallel_loop3A_298, %parallel_loop3A_308 : vector<16xi32>
      %parallel_loop3A_310 = tpu.vector_load_idx %arg8[%parallel_loop3A_309] : memref<15372xf32, #tpu.memory_space<vmem>>[vector<16xi32>], vector<16xf32>,
      %parallel_loop3A_311 = arith.constant 10248 : i32
      %parallel_loop3A_312 = vector.broadcast %parallel_loop3A_311 : i32 to vector<16xi32>
      %parallel_loop3A_313 = arith.addi %parallel_loop3A_300, %parallel_loop3A_312 : vector<16xi32>
      %parallel_loop3A_314 = tpu.vector_load_idx %arg8[%parallel_loop3A_313] : memref<15372xf32, #tpu.memory_space<vmem>>[vector<16xi32>], vector<16xf32>,
      %parallel_loop3A_315 = arith.constant 40968 : i32
      %parallel_loop3A_316 = vector.broadcast %parallel_loop3A_315 : i32 to vector<16xi32>
      %parallel_loop3A_317 = arith.addi %parallel_loop3A_303, %parallel_loop3A_316 : vector<16xi32>
      %parallel_loop3A_318 = arith.addf %parallel_loop3A_310, %parallel_loop3A_314 : vector<16xf32>
      %parallel_loop3A_319 = arith.constant 5.000000e-01 : f32
      %parallel_loop3A_320 = vector.broadcast %parallel_loop3A_319 : f32 to vector<16xf32>
      %parallel_loop3A_321 = arith.mulf %parallel_loop3A_318, %parallel_loop3A_320 : vector<16xf32>
      tpu.vector_store_idx %arg10[%parallel_loop3A_317], %parallel_loop3A_321 masked %parallel_loop3A_306 : memref<61452xf32, #tpu.memory_space<vmem>>[vector<16xi32>], vector<16xf32>, vector<16xi1>
      %parallel_loop3A_322 = arith.constant 12810 : i32
      %parallel_loop3A_323 = vector.broadcast %parallel_loop3A_322 : i32 to vector<16xi32>
      %parallel_loop3A_324 = arith.addi %parallel_loop3A_298, %parallel_loop3A_323 : vector<16xi32>
      %parallel_loop3A_325 = tpu.vector_load_idx %arg8[%parallel_loop3A_324] : memref<15372xf32, #tpu.memory_space<vmem>>[vector<16xi32>], vector<16xf32>,
      %parallel_loop3A_326 = arith.constant 12810 : i32
      %parallel_loop3A_327 = vector.broadcast %parallel_loop3A_326 : i32 to vector<16xi32>
      %parallel_loop3A_328 = arith.addi %parallel_loop3A_300, %parallel_loop3A_327 : vector<16xi32>
      %parallel_loop3A_329 = tpu.vector_load_idx %arg8[%parallel_loop3A_328] : memref<15372xf32, #tpu.memory_space<vmem>>[vector<16xi32>], vector<16xf32>,
      %parallel_loop3A_330 = arith.constant 51210 : i32
      %parallel_loop3A_331 = vector.broadcast %parallel_loop3A_330 : i32 to vector<16xi32>
      %parallel_loop3A_332 = arith.addi %parallel_loop3A_303, %parallel_loop3A_331 : vector<16xi32>
      %parallel_loop3A_333 = arith.addf %parallel_loop3A_325, %parallel_loop3A_329 : vector<16xf32>
      %parallel_loop3A_334 = arith.constant 5.000000e-01 : f32
      %parallel_loop3A_335 = vector.broadcast %parallel_loop3A_334 : f32 to vector<16xf32>
      %parallel_loop3A_336 = arith.mulf %parallel_loop3A_333, %parallel_loop3A_335 : vector<16xf32>
      tpu.vector_store_idx %arg10[%parallel_loop3A_332], %parallel_loop3A_336 masked %parallel_loop3A_306 : memref<61452xf32, #tpu.memory_space<vmem>>[vector<16xi32>], vector<16xf32>, vector<16xi1>
    } {sc.loop_unroll_factor = 4 : i64, sc.parallel_access}
    %dma_start3A_66 = arith.constant 40968 : i32
    %dma_start3A_67 = tpu.memref_slice %arg10[%dma_start3A_66] : memref<61452xf32, #tpu.memory_space<vmem>> -> memref<20484xf32, #tpu.memory_space<vmem>>
    %dma_start3A_68 = arith.constant 40968 : i32
    %dma_start3A_69 = tpu.memref_slice %arg5[%select_n3A, %mul3A_32, %dma_start3A_68] : memref<8x128x61452xf32, #tpu.memory_space<hbm>> -> memref<1x1x20484xf32, #tpu.memory_space<hbm>>
    %dma_start3A_70 = tpu.memref_squeeze %dma_start3A_69 : memref<1x1x20484xf32, #tpu.memory_space<hbm>> -> memref<20484xf32, #tpu.memory_space<hbm>>
    %dma_start3A_71 = arith.constant 40968 : i32
    %dma_start3A_72 = tpu.memref_slice %arg5[%select_n3A, %mul3A_32, %dma_start3A_71] : memref<8x128x61452xf32, #tpu.memory_space<hbm>> -> memref<1x1x20484xf32, #tpu.memory_space<hbm>>
    %dma_start3A_73 = tpu.memref_squeeze %dma_start3A_72 : memref<1x1x20484xf32, #tpu.memory_space<hbm>> -> memref<20484xf32, #tpu.memory_space<hbm>>
    %dma_start3A_74 = arith.constant 40968 : i32
    %dma_start3A_75 = tpu.memref_slice %arg10[%dma_start3A_74] : memref<61452xf32, #tpu.memory_space<vmem>> -> memref<20484xf32, #tpu.memory_space<vmem>>
    tpu.enqueue_dma source(%dma_start3A_75 : memref<20484xf32, #tpu.memory_space<vmem>>) target(%dma_start3A_73 : memref<20484xf32, #tpu.memory_space<hbm>>) target_semaphore(%arg14 : memref<!tpu.dma_semaphore, #tpu.memory_space<semaphore_mem>>)
    %add3A_76 = arith.constant 2 : i32
    %add3A_77 = arith.addi %mul3A_32, %add3A_76 : i32
    %dma_start3A_78 = arith.constant 0 : i32
    %dma_start3A_79 = tpu.memref_slice %arg2[%select_n3A, %add3A_77, %dma_start3A_78] : memref<8x128x15372xf32, #tpu.memory_space<hbm>> -> memref<1x1x15372xf32, #tpu.memory_space<hbm>>
    %dma_start3A_80 = tpu.memref_squeeze %dma_start3A_79 : memref<1x1x15372xf32, #tpu.memory_space<hbm>> -> memref<15372xf32, #tpu.memory_space<hbm>>
    %dma_start3A_81 = arith.constant 0 : i32
    %dma_start3A_82 = tpu.memref_slice %arg2[%select_n3A, %add3A_77, %dma_start3A_81] : memref<8x128x15372xf32, #tpu.memory_space<hbm>> -> memref<1x1x15372xf32, #tpu.memory_space<hbm>>
    %dma_start3A_83 = tpu.memref_squeeze %dma_start3A_82 : memref<1x1x15372xf32, #tpu.memory_space<hbm>> -> memref<15372xf32, #tpu.memory_space<hbm>>
    tpu.enqueue_dma source(%dma_start3A_83 : memref<15372xf32, #tpu.memory_space<hbm>>) target(%arg8 : memref<15372xf32, #tpu.memory_space<vmem>>) target_semaphore(%arg11 : memref<!tpu.dma_semaphore, #tpu.memory_space<semaphore_mem>>)
    %scan3A = arith.constant 0 : i32
    %scan3A_84 = arith.constant 0 : i32
    %scan3A_85 = arith.constant 14 : i32
    %scan3A_86 = arith.addi %scan3A_84, %scan3A_85 : i32
    %scan3A_87 = arith.constant 1 : i32
    scf.for %scan3A_293 = %scan3A_84 to %scan3A_86 step %scan3A_87  : i32 {
      %mul3A_294 = arith.constant 2 : i32
      %mul3A_295 = arith.muli %mul3A_294, %scan3A_293 : i32
      %add3A_296 = arith.constant 1 : i32
      %add3A_297 = arith.addi %mul3A_295, %add3A_296 : i32
      %add3A_298 = arith.addi %mul3A_32, %add3A_297 : i32
      %dma_wait3A_299 = arith.constant 0 : i32
      %dma_wait3A_300 = tpu.memref_slice %arg2[%select_n3A, %add3A_298, %dma_wait3A_299] : memref<8x128x15372xf32, #tpu.memory_space<hbm>> -> memref<1x1x15372xf32, #tpu.memory_space<hbm>>
      %dma_wait3A_301 = tpu.memref_squeeze %dma_wait3A_300 : memref<1x1x15372xf32, #tpu.memory_space<hbm>> -> memref<15372xf32, #tpu.memory_space<hbm>>
      %dma_wait3A_302 = arith.constant 0 : i32
      %dma_wait3A_303 = tpu.memref_slice %arg2[%select_n3A, %add3A_298, %dma_wait3A_302] : memref<8x128x15372xf32, #tpu.memory_space<hbm>> -> memref<1x1x15372xf32, #tpu.memory_space<hbm>>
      %dma_wait3A_304 = tpu.memref_squeeze %dma_wait3A_303 : memref<1x1x15372xf32, #tpu.memory_space<hbm>> -> memref<15372xf32, #tpu.memory_space<hbm>>
      tpu.wait_dma2 semaphore(%arg12 : memref<!tpu.dma_semaphore, #tpu.memory_space<semaphore_mem>>) src(%dma_wait3A_304 : memref<15372xf32, #tpu.memory_space<hbm>>) dst(%arg9 : memref<15372xf32, #tpu.memory_space<vmem>>)
      %dma_wait3A_305 = arith.constant 0 : i32
      %dma_wait3A_306 = tpu.memref_slice %arg10[%dma_wait3A_305] : memref<61452xf32, #tpu.memory_space<vmem>> -> memref<40968xf32, #tpu.memory_space<vmem>>
      %dma_wait3A_307 = arith.constant 0 : i32
      %dma_wait3A_308 = tpu.memref_slice %arg5[%select_n3A, %add3A_298, %dma_wait3A_307] : memref<8x128x61452xf32, #tpu.memory_space<hbm>> -> memref<1x1x40968xf32, #tpu.memory_space<hbm>>
      %dma_wait3A_309 = tpu.memref_squeeze %dma_wait3A_308 : memref<1x1x40968xf32, #tpu.memory_space<hbm>> -> memref<40968xf32, #tpu.memory_space<hbm>>
      %dma_wait3A_310 = arith.constant 0 : i32
      %dma_wait3A_311 = tpu.memref_slice %arg5[%select_n3A, %add3A_298, %dma_wait3A_310] : memref<8x128x61452xf32, #tpu.memory_space<hbm>> -> memref<1x1x40968xf32, #tpu.memory_space<hbm>>
      %dma_wait3A_312 = tpu.memref_squeeze %dma_wait3A_311 : memref<1x1x40968xf32, #tpu.memory_space<hbm>> -> memref<40968xf32, #tpu.memory_space<hbm>>
      %dma_wait3A_313 = arith.constant 0 : i32
      %dma_wait3A_314 = tpu.memref_slice %arg10[%dma_wait3A_313] : memref<61452xf32, #tpu.memory_space<vmem>> -> memref<40968xf32, #tpu.memory_space<vmem>>
      tpu.wait_dma2 semaphore(%arg13 : memref<!tpu.dma_semaphore, #tpu.memory_space<semaphore_mem>>) src(%dma_wait3A_314 : memref<40968xf32, #tpu.memory_space<vmem>>) dst(%dma_wait3A_312 : memref<40968xf32, #tpu.memory_space<hbm>>)
      %parallel_loop3A_315 = arith.constant 0 : i32
      %parallel_loop3A_316 = arith.constant 641 : i32
      %parallel_loop3A_317 = arith.constant 1 : i32
      scf.for %parallel_loop3A_422 = %parallel_loop3A_315 to %parallel_loop3A_316 step %parallel_loop3A_317  : i32 {
        %parallel_loop3A_423 = arith.constant 16 : i32
        %parallel_loop3A_424 = arith.muli %parallel_loop3A_422, %parallel_loop3A_423 : i32
        %parallel_loop3A_425 = tpu.assume_multiple %parallel_loop3A_424, 16 : i32
        %parallel_loop3A_426 = arith.index_cast %parallel_loop3A_425 : i32 to index
        %parallel_loop3A_427 = tpu.vector_load %arg6[%parallel_loop3A_426] {strides = array<i32>} : memref<10256xi32, #tpu.memory_space<vmem>>, vector<16xi32>,
        %parallel_loop3A_428 = arith.index_cast %parallel_loop3A_425 : i32 to index
        %parallel_loop3A_429 = tpu.vector_load %arg7[%parallel_loop3A_428] {strides = array<i32>} : memref<10256xi32, #tpu.memory_space<vmem>>, vector<16xi32>,
        %parallel_loop3A_430 = tpu.iota {dimensions = array<i32: 0>} : vector<16xi32>
        %parallel_loop3A_431 = vector.broadcast %parallel_loop3A_425 : i32 to vector<16xi32>
        %parallel_loop3A_432 = arith.addi %parallel_loop3A_430, %parallel_loop3A_431 : vector<16xi32>
        %parallel_loop3A_433 = arith.constant 10242 : i32
        %parallel_loop3A_434 = vector.broadcast %parallel_loop3A_433 : i32 to vector<16xi32>
        %parallel_loop3A_435 = arith.cmpi slt, %parallel_loop3A_432, %parallel_loop3A_434 : vector<16xi32>
        %parallel_loop3A_436 = arith.constant 0 : i32
        %parallel_loop3A_437 = vector.broadcast %parallel_loop3A_436 : i32 to vector<16xi32>
        %parallel_loop3A_438 = arith.addi %parallel_loop3A_427, %parallel_loop3A_437 : vector<16xi32>
        %parallel_loop3A_439 = tpu.vector_load_idx %arg9[%parallel_loop3A_438] : memref<15372xf32, #tpu.memory_space<vmem>>[vector<16xi32>], vector<16xf32>,
        %parallel_loop3A_440 = arith.constant 0 : i32
        %parallel_loop3A_441 = vector.broadcast %parallel_loop3A_440 : i32 to vector<16xi32>
        %parallel_loop3A_442 = arith.addi %parallel_loop3A_429, %parallel_loop3A_441 : vector<16xi32>
        %parallel_loop3A_443 = tpu.vector_load_idx %arg9[%parallel_loop3A_442] : memref<15372xf32, #tpu.memory_space<vmem>>[vector<16xi32>], vector<16xf32>,
        %parallel_loop3A_444 = arith.constant 0 : i32
        %parallel_loop3A_445 = vector.broadcast %parallel_loop3A_444 : i32 to vector<16xi32>
        %parallel_loop3A_446 = arith.addi %parallel_loop3A_432, %parallel_loop3A_445 : vector<16xi32>
        %parallel_loop3A_447 = arith.addf %parallel_loop3A_439, %parallel_loop3A_443 : vector<16xf32>
        %parallel_loop3A_448 = arith.constant 5.000000e-01 : f32
        %parallel_loop3A_449 = vector.broadcast %parallel_loop3A_448 : f32 to vector<16xf32>
        %parallel_loop3A_450 = arith.mulf %parallel_loop3A_447, %parallel_loop3A_449 : vector<16xf32>
        tpu.vector_store_idx %arg10[%parallel_loop3A_446], %parallel_loop3A_450 masked %parallel_loop3A_435 : memref<61452xf32, #tpu.memory_space<vmem>>[vector<16xi32>], vector<16xf32>, vector<16xi1>
        %parallel_loop3A_451 = arith.constant 2562 : i32
        %parallel_loop3A_452 = vector.broadcast %parallel_loop3A_451 : i32 to vector<16xi32>
        %parallel_loop3A_453 = arith.addi %parallel_loop3A_427, %parallel_loop3A_452 : vector<16xi32>
        %parallel_loop3A_454 = tpu.vector_load_idx %arg9[%parallel_loop3A_453] : memref<15372xf32, #tpu.memory_space<vmem>>[vector<16xi32>], vector<16xf32>,
        %parallel_loop3A_455 = arith.constant 2562 : i32
        %parallel_loop3A_456 = vector.broadcast %parallel_loop3A_455 : i32 to vector<16xi32>
        %parallel_loop3A_457 = arith.addi %parallel_loop3A_429, %parallel_loop3A_456 : vector<16xi32>
        %parallel_loop3A_458 = tpu.vector_load_idx %arg9[%parallel_loop3A_457] : memref<15372xf32, #tpu.memory_space<vmem>>[vector<16xi32>], vector<16xf32>,
        %parallel_loop3A_459 = arith.constant 10242 : i32
        %parallel_loop3A_460 = vector.broadcast %parallel_loop3A_459 : i32 to vector<16xi32>
        %parallel_loop3A_461 = arith.addi %parallel_loop3A_432, %parallel_loop3A_460 : vector<16xi32>
        %parallel_loop3A_462 = arith.addf %parallel_loop3A_454, %parallel_loop3A_458 : vector<16xf32>
        %parallel_loop3A_463 = arith.constant 5.000000e-01 : f32
        %parallel_loop3A_464 = vector.broadcast %parallel_loop3A_463 : f32 to vector<16xf32>
        %parallel_loop3A_465 = arith.mulf %parallel_loop3A_462, %parallel_loop3A_464 : vector<16xf32>
        tpu.vector_store_idx %arg10[%parallel_loop3A_461], %parallel_loop3A_465 masked %parallel_loop3A_435 : memref<61452xf32, #tpu.memory_space<vmem>>[vector<16xi32>], vector<16xf32>, vector<16xi1>
        %parallel_loop3A_466 = arith.constant 5124 : i32
        %parallel_loop3A_467 = vector.broadcast %parallel_loop3A_466 : i32 to vector<16xi32>
        %parallel_loop3A_468 = arith.addi %parallel_loop3A_427, %parallel_loop3A_467 : vector<16xi32>
        %parallel_loop3A_469 = tpu.vector_load_idx %arg9[%parallel_loop3A_468] : memref<15372xf32, #tpu.memory_space<vmem>>[vector<16xi32>], vector<16xf32>,
        %parallel_loop3A_470 = arith.constant 5124 : i32
        %parallel_loop3A_471 = vector.broadcast %parallel_loop3A_470 : i32 to vector<16xi32>
        %parallel_loop3A_472 = arith.addi %parallel_loop3A_429, %parallel_loop3A_471 : vector<16xi32>
        %parallel_loop3A_473 = tpu.vector_load_idx %arg9[%parallel_loop3A_472] : memref<15372xf32, #tpu.memory_space<vmem>>[vector<16xi32>], vector<16xf32>,
        %parallel_loop3A_474 = arith.constant 20484 : i32
        %parallel_loop3A_475 = vector.broadcast %parallel_loop3A_474 : i32 to vector<16xi32>
        %parallel_loop3A_476 = arith.addi %parallel_loop3A_432, %parallel_loop3A_475 : vector<16xi32>
        %parallel_loop3A_477 = arith.addf %parallel_loop3A_469, %parallel_loop3A_473 : vector<16xf32>
        %parallel_loop3A_478 = arith.constant 5.000000e-01 : f32
        %parallel_loop3A_479 = vector.broadcast %parallel_loop3A_478 : f32 to vector<16xf32>
        %parallel_loop3A_480 = arith.mulf %parallel_loop3A_477, %parallel_loop3A_479 : vector<16xf32>
        tpu.vector_store_idx %arg10[%parallel_loop3A_476], %parallel_loop3A_480 masked %parallel_loop3A_435 : memref<61452xf32, #tpu.memory_space<vmem>>[vector<16xi32>], vector<16xf32>, vector<16xi1>
        %parallel_loop3A_481 = arith.constant 7686 : i32
        %parallel_loop3A_482 = vector.broadcast %parallel_loop3A_481 : i32 to vector<16xi32>
        %parallel_loop3A_483 = arith.addi %parallel_loop3A_427, %parallel_loop3A_482 : vector<16xi32>
        %parallel_loop3A_484 = tpu.vector_load_idx %arg9[%parallel_loop3A_483] : memref<15372xf32, #tpu.memory_space<vmem>>[vector<16xi32>], vector<16xf32>,
        %parallel_loop3A_485 = arith.constant 7686 : i32
        %parallel_loop3A_486 = vector.broadcast %parallel_loop3A_485 : i32 to vector<16xi32>
        %parallel_loop3A_487 = arith.addi %parallel_loop3A_429, %parallel_loop3A_486 : vector<16xi32>
        %parallel_loop3A_488 = tpu.vector_load_idx %arg9[%parallel_loop3A_487] : memref<15372xf32, #tpu.memory_space<vmem>>[vector<16xi32>], vector<16xf32>,
        %parallel_loop3A_489 = arith.constant 30726 : i32
        %parallel_loop3A_490 = vector.broadcast %parallel_loop3A_489 : i32 to vector<16xi32>
        %parallel_loop3A_491 = arith.addi %parallel_loop3A_432, %parallel_loop3A_490 : vector<16xi32>
        %parallel_loop3A_492 = arith.addf %parallel_loop3A_484, %parallel_loop3A_488 : vector<16xf32>
        %parallel_loop3A_493 = arith.constant 5.000000e-01 : f32
        %parallel_loop3A_494 = vector.broadcast %parallel_loop3A_493 : f32 to vector<16xf32>
        %parallel_loop3A_495 = arith.mulf %parallel_loop3A_492, %parallel_loop3A_494 : vector<16xf32>
        tpu.vector_store_idx %arg10[%parallel_loop3A_491], %parallel_loop3A_495 masked %parallel_loop3A_435 : memref<61452xf32, #tpu.memory_space<vmem>>[vector<16xi32>], vector<16xf32>, vector<16xi1>
      } {sc.loop_unroll_factor = 4 : i64, sc.parallel_access}
      %dma_start3A_318 = arith.constant 0 : i32
      %dma_start3A_319 = tpu.memref_slice %arg10[%dma_start3A_318] : memref<61452xf32, #tpu.memory_space<vmem>> -> memref<40968xf32, #tpu.memory_space<vmem>>
      %dma_start3A_320 = arith.constant 0 : i32
      %dma_start3A_321 = tpu.memref_slice %arg5[%select_n3A, %add3A_298, %dma_start3A_320] : memref<8x128x61452xf32, #tpu.memory_space<hbm>> -> memref<1x1x40968xf32, #tpu.memory_space<hbm>>
      %dma_start3A_322 = tpu.memref_squeeze %dma_start3A_321 : memref<1x1x40968xf32, #tpu.memory_space<hbm>> -> memref<40968xf32, #tpu.memory_space<hbm>>
      %dma_start3A_323 = arith.constant 0 : i32
      %dma_start3A_324 = tpu.memref_slice %arg5[%select_n3A, %add3A_298, %dma_start3A_323] : memref<8x128x61452xf32, #tpu.memory_space<hbm>> -> memref<1x1x40968xf32, #tpu.memory_space<hbm>>
      %dma_start3A_325 = tpu.memref_squeeze %dma_start3A_324 : memref<1x1x40968xf32, #tpu.memory_space<hbm>> -> memref<40968xf32, #tpu.memory_space<hbm>>
      %dma_start3A_326 = arith.constant 0 : i32
      %dma_start3A_327 = tpu.memref_slice %arg10[%dma_start3A_326] : memref<61452xf32, #tpu.memory_space<vmem>> -> memref<40968xf32, #tpu.memory_space<vmem>>
      tpu.enqueue_dma source(%dma_start3A_327 : memref<40968xf32, #tpu.memory_space<vmem>>) target(%dma_start3A_325 : memref<40968xf32, #tpu.memory_space<hbm>>) target_semaphore(%arg13 : memref<!tpu.dma_semaphore, #tpu.memory_space<semaphore_mem>>)
      %dma_wait3A_328 = arith.constant 40968 : i32
      %dma_wait3A_329 = tpu.memref_slice %arg10[%dma_wait3A_328] : memref<61452xf32, #tpu.memory_space<vmem>> -> memref<20484xf32, #tpu.memory_space<vmem>>
      %dma_wait3A_330 = arith.constant 40968 : i32
      %dma_wait3A_331 = tpu.memref_slice %arg5[%select_n3A, %add3A_298, %dma_wait3A_330] : memref<8x128x61452xf32, #tpu.memory_space<hbm>> -> memref<1x1x20484xf32, #tpu.memory_space<hbm>>
      %dma_wait3A_332 = tpu.memref_squeeze %dma_wait3A_331 : memref<1x1x20484xf32, #tpu.memory_space<hbm>> -> memref<20484xf32, #tpu.memory_space<hbm>>
      %dma_wait3A_333 = arith.constant 40968 : i32
      %dma_wait3A_334 = tpu.memref_slice %arg5[%select_n3A, %add3A_298, %dma_wait3A_333] : memref<8x128x61452xf32, #tpu.memory_space<hbm>> -> memref<1x1x20484xf32, #tpu.memory_space<hbm>>
      %dma_wait3A_335 = tpu.memref_squeeze %dma_wait3A_334 : memref<1x1x20484xf32, #tpu.memory_space<hbm>> -> memref<20484xf32, #tpu.memory_space<hbm>>
      %dma_wait3A_336 = arith.constant 40968 : i32
      %dma_wait3A_337 = tpu.memref_slice %arg10[%dma_wait3A_336] : memref<61452xf32, #tpu.memory_space<vmem>> -> memref<20484xf32, #tpu.memory_space<vmem>>
      tpu.wait_dma2 semaphore(%arg14 : memref<!tpu.dma_semaphore, #tpu.memory_space<semaphore_mem>>) src(%dma_wait3A_337 : memref<20484xf32, #tpu.memory_space<vmem>>) dst(%dma_wait3A_335 : memref<20484xf32, #tpu.memory_space<hbm>>)
      %parallel_loop3A_338 = arith.constant 0 : i32
      %parallel_loop3A_339 = arith.constant 641 : i32
      %parallel_loop3A_340 = arith.constant 1 : i32
      scf.for %parallel_loop3A_422 = %parallel_loop3A_338 to %parallel_loop3A_339 step %parallel_loop3A_340  : i32 {
        %parallel_loop3A_423 = arith.constant 16 : i32
        %parallel_loop3A_424 = arith.muli %parallel_loop3A_422, %parallel_loop3A_423 : i32
        %parallel_loop3A_425 = tpu.assume_multiple %parallel_loop3A_424, 16 : i32
        %parallel_loop3A_426 = arith.index_cast %parallel_loop3A_425 : i32 to index
        %parallel_loop3A_427 = tpu.vector_load %arg6[%parallel_loop3A_426] {strides = array<i32>} : memref<10256xi32, #tpu.memory_space<vmem>>, vector<16xi32>,
        %parallel_loop3A_428 = arith.index_cast %parallel_loop3A_425 : i32 to index
        %parallel_loop3A_429 = tpu.vector_load %arg7[%parallel_loop3A_428] {strides = array<i32>} : memref<10256xi32, #tpu.memory_space<vmem>>, vector<16xi32>,
        %parallel_loop3A_430 = tpu.iota {dimensions = array<i32: 0>} : vector<16xi32>
        %parallel_loop3A_431 = vector.broadcast %parallel_loop3A_425 : i32 to vector<16xi32>
        %parallel_loop3A_432 = arith.addi %parallel_loop3A_430, %parallel_loop3A_431 : vector<16xi32>
        %parallel_loop3A_433 = arith.constant 10242 : i32
        %parallel_loop3A_434 = vector.broadcast %parallel_loop3A_433 : i32 to vector<16xi32>
        %parallel_loop3A_435 = arith.cmpi slt, %parallel_loop3A_432, %parallel_loop3A_434 : vector<16xi32>
        %parallel_loop3A_436 = arith.constant 10248 : i32
        %parallel_loop3A_437 = vector.broadcast %parallel_loop3A_436 : i32 to vector<16xi32>
        %parallel_loop3A_438 = arith.addi %parallel_loop3A_427, %parallel_loop3A_437 : vector<16xi32>
        %parallel_loop3A_439 = tpu.vector_load_idx %arg9[%parallel_loop3A_438] : memref<15372xf32, #tpu.memory_space<vmem>>[vector<16xi32>], vector<16xf32>,
        %parallel_loop3A_440 = arith.constant 10248 : i32
        %parallel_loop3A_441 = vector.broadcast %parallel_loop3A_440 : i32 to vector<16xi32>
        %parallel_loop3A_442 = arith.addi %parallel_loop3A_429, %parallel_loop3A_441 : vector<16xi32>
        %parallel_loop3A_443 = tpu.vector_load_idx %arg9[%parallel_loop3A_442] : memref<15372xf32, #tpu.memory_space<vmem>>[vector<16xi32>], vector<16xf32>,
        %parallel_loop3A_444 = arith.constant 40968 : i32
        %parallel_loop3A_445 = vector.broadcast %parallel_loop3A_444 : i32 to vector<16xi32>
        %parallel_loop3A_446 = arith.addi %parallel_loop3A_432, %parallel_loop3A_445 : vector<16xi32>
        %parallel_loop3A_447 = arith.addf %parallel_loop3A_439, %parallel_loop3A_443 : vector<16xf32>
        %parallel_loop3A_448 = arith.constant 5.000000e-01 : f32
        %parallel_loop3A_449 = vector.broadcast %parallel_loop3A_448 : f32 to vector<16xf32>
        %parallel_loop3A_450 = arith.mulf %parallel_loop3A_447, %parallel_loop3A_449 : vector<16xf32>
        tpu.vector_store_idx %arg10[%parallel_loop3A_446], %parallel_loop3A_450 masked %parallel_loop3A_435 : memref<61452xf32, #tpu.memory_space<vmem>>[vector<16xi32>], vector<16xf32>, vector<16xi1>
        %parallel_loop3A_451 = arith.constant 12810 : i32
        %parallel_loop3A_452 = vector.broadcast %parallel_loop3A_451 : i32 to vector<16xi32>
        %parallel_loop3A_453 = arith.addi %parallel_loop3A_427, %parallel_loop3A_452 : vector<16xi32>
        %parallel_loop3A_454 = tpu.vector_load_idx %arg9[%parallel_loop3A_453] : memref<15372xf32, #tpu.memory_space<vmem>>[vector<16xi32>], vector<16xf32>,
        %parallel_loop3A_455 = arith.constant 12810 : i32
        %parallel_loop3A_456 = vector.broadcast %parallel_loop3A_455 : i32 to vector<16xi32>
        %parallel_loop3A_457 = arith.addi %parallel_loop3A_429, %parallel_loop3A_456 : vector<16xi32>
        %parallel_loop3A_458 = tpu.vector_load_idx %arg9[%parallel_loop3A_457] : memref<15372xf32, #tpu.memory_space<vmem>>[vector<16xi32>], vector<16xf32>,
        %parallel_loop3A_459 = arith.constant 51210 : i32
        %parallel_loop3A_460 = vector.broadcast %parallel_loop3A_459 : i32 to vector<16xi32>
        %parallel_loop3A_461 = arith.addi %parallel_loop3A_432, %parallel_loop3A_460 : vector<16xi32>
        %parallel_loop3A_462 = arith.addf %parallel_loop3A_454, %parallel_loop3A_458 : vector<16xf32>
        %parallel_loop3A_463 = arith.constant 5.000000e-01 : f32
        %parallel_loop3A_464 = vector.broadcast %parallel_loop3A_463 : f32 to vector<16xf32>
        %parallel_loop3A_465 = arith.mulf %parallel_loop3A_462, %parallel_loop3A_464 : vector<16xf32>
        tpu.vector_store_idx %arg10[%parallel_loop3A_461], %parallel_loop3A_465 masked %parallel_loop3A_435 : memref<61452xf32, #tpu.memory_space<vmem>>[vector<16xi32>], vector<16xf32>, vector<16xi1>
      } {sc.loop_unroll_factor = 4 : i64, sc.parallel_access}
      %dma_start3A_341 = arith.constant 40968 : i32
      %dma_start3A_342 = tpu.memref_slice %arg10[%dma_start3A_341] : memref<61452xf32, #tpu.memory_space<vmem>> -> memref<20484xf32, #tpu.memory_space<vmem>>
      %dma_start3A_343 = arith.constant 40968 : i32
      %dma_start3A_344 = tpu.memref_slice %arg5[%select_n3A, %add3A_298, %dma_start3A_343] : memref<8x128x61452xf32, #tpu.memory_space<hbm>> -> memref<1x1x20484xf32, #tpu.memory_space<hbm>>
      %dma_start3A_345 = tpu.memref_squeeze %dma_start3A_344 : memref<1x1x20484xf32, #tpu.memory_space<hbm>> -> memref<20484xf32, #tpu.memory_space<hbm>>
      %dma_start3A_346 = arith.constant 40968 : i32
      %dma_start3A_347 = tpu.memref_slice %arg5[%select_n3A, %add3A_298, %dma_start3A_346] : memref<8x128x61452xf32, #tpu.memory_space<hbm>> -> memref<1x1x20484xf32, #tpu.memory_space<hbm>>
      %dma_start3A_348 = tpu.memref_squeeze %dma_start3A_347 : memref<1x1x20484xf32, #tpu.memory_space<hbm>> -> memref<20484xf32, #tpu.memory_space<hbm>>
      %dma_start3A_349 = arith.constant 40968 : i32
      %dma_start3A_350 = tpu.memref_slice %arg10[%dma_start3A_349] : memref<61452xf32, #tpu.memory_space<vmem>> -> memref<20484xf32, #tpu.memory_space<vmem>>
      tpu.enqueue_dma source(%dma_start3A_350 : memref<20484xf32, #tpu.memory_space<vmem>>) target(%dma_start3A_348 : memref<20484xf32, #tpu.memory_space<hbm>>) target_semaphore(%arg14 : memref<!tpu.dma_semaphore, #tpu.memory_space<semaphore_mem>>)
      %add3A_351 = arith.constant 2 : i32
      %add3A_352 = arith.addi %add3A_298, %add3A_351 : i32
      %dma_start3A_353 = arith.constant 0 : i32
      %dma_start3A_354 = tpu.memref_slice %arg2[%select_n3A, %add3A_352, %dma_start3A_353] : memref<8x128x15372xf32, #tpu.memory_space<hbm>> -> memref<1x1x15372xf32, #tpu.memory_space<hbm>>
      %dma_start3A_355 = tpu.memref_squeeze %dma_start3A_354 : memref<1x1x15372xf32, #tpu.memory_space<hbm>> -> memref<15372xf32, #tpu.memory_space<hbm>>
      %dma_start3A_356 = arith.constant 0 : i32
      %dma_start3A_357 = tpu.memref_slice %arg2[%select_n3A, %add3A_352, %dma_start3A_356] : memref<8x128x15372xf32, #tpu.memory_space<hbm>> -> memref<1x1x15372xf32, #tpu.memory_space<hbm>>
      %dma_start3A_358 = tpu.memref_squeeze %dma_start3A_357 : memref<1x1x15372xf32, #tpu.memory_space<hbm>> -> memref<15372xf32, #tpu.memory_space<hbm>>
      tpu.enqueue_dma source(%dma_start3A_358 : memref<15372xf32, #tpu.memory_space<hbm>>) target(%arg9 : memref<15372xf32, #tpu.memory_space<vmem>>) target_semaphore(%arg12 : memref<!tpu.dma_semaphore, #tpu.memory_space<semaphore_mem>>)
      %add3A_359 = arith.addi %mul3A_32, %add3A_297 : i32
      %add3A_360 = arith.constant 1 : i32
      %add3A_361 = arith.addi %add3A_359, %add3A_360 : i32
      %dma_wait3A_362 = arith.constant 0 : i32
      %dma_wait3A_363 = tpu.memref_slice %arg2[%select_n3A, %add3A_361, %dma_wait3A_362] : memref<8x128x15372xf32, #tpu.memory_space<hbm>> -> memref<1x1x15372xf32, #tpu.memory_space<hbm>>
      %dma_wait3A_364 = tpu.memref_squeeze %dma_wait3A_363 : memref<1x1x15372xf32, #tpu.memory_space<hbm>> -> memref<15372xf32, #tpu.memory_space<hbm>>
      %dma_wait3A_365 = arith.constant 0 : i32
      %dma_wait3A_366 = tpu.memref_slice %arg2[%select_n3A, %add3A_361, %dma_wait3A_365] : memref<8x128x15372xf32, #tpu.memory_space<hbm>> -> memref<1x1x15372xf32, #tpu.memory_space<hbm>>
      %dma_wait3A_367 = tpu.memref_squeeze %dma_wait3A_366 : memref<1x1x15372xf32, #tpu.memory_space<hbm>> -> memref<15372xf32, #tpu.memory_space<hbm>>
      tpu.wait_dma2 semaphore(%arg11 : memref<!tpu.dma_semaphore, #tpu.memory_space<semaphore_mem>>) src(%dma_wait3A_367 : memref<15372xf32, #tpu.memory_space<hbm>>) dst(%arg8 : memref<15372xf32, #tpu.memory_space<vmem>>)
      %dma_wait3A_368 = arith.constant 0 : i32
      %dma_wait3A_369 = tpu.memref_slice %arg10[%dma_wait3A_368] : memref<61452xf32, #tpu.memory_space<vmem>> -> memref<40968xf32, #tpu.memory_space<vmem>>
      %dma_wait3A_370 = arith.constant 0 : i32
      %dma_wait3A_371 = tpu.memref_slice %arg5[%select_n3A, %add3A_361, %dma_wait3A_370] : memref<8x128x61452xf32, #tpu.memory_space<hbm>> -> memref<1x1x40968xf32, #tpu.memory_space<hbm>>
      %dma_wait3A_372 = tpu.memref_squeeze %dma_wait3A_371 : memref<1x1x40968xf32, #tpu.memory_space<hbm>> -> memref<40968xf32, #tpu.memory_space<hbm>>
      %dma_wait3A_373 = arith.constant 0 : i32
      %dma_wait3A_374 = tpu.memref_slice %arg5[%select_n3A, %add3A_361, %dma_wait3A_373] : memref<8x128x61452xf32, #tpu.memory_space<hbm>> -> memref<1x1x40968xf32, #tpu.memory_space<hbm>>
      %dma_wait3A_375 = tpu.memref_squeeze %dma_wait3A_374 : memref<1x1x40968xf32, #tpu.memory_space<hbm>> -> memref<40968xf32, #tpu.memory_space<hbm>>
      %dma_wait3A_376 = arith.constant 0 : i32
      %dma_wait3A_377 = tpu.memref_slice %arg10[%dma_wait3A_376] : memref<61452xf32, #tpu.memory_space<vmem>> -> memref<40968xf32, #tpu.memory_space<vmem>>
      tpu.wait_dma2 semaphore(%arg13 : memref<!tpu.dma_semaphore, #tpu.memory_space<semaphore_mem>>) src(%dma_wait3A_377 : memref<40968xf32, #tpu.memory_space<vmem>>) dst(%dma_wait3A_375 : memref<40968xf32, #tpu.memory_space<hbm>>)
      %parallel_loop3A_378 = arith.constant 0 : i32
      %parallel_loop3A_379 = arith.constant 641 : i32
      %parallel_loop3A_380 = arith.constant 1 : i32
      scf.for %parallel_loop3A_422 = %parallel_loop3A_378 to %parallel_loop3A_379 step %parallel_loop3A_380  : i32 {
        %parallel_loop3A_423 = arith.constant 16 : i32
        %parallel_loop3A_424 = arith.muli %parallel_loop3A_422, %parallel_loop3A_423 : i32
        %parallel_loop3A_425 = tpu.assume_multiple %parallel_loop3A_424, 16 : i32
        %parallel_loop3A_426 = arith.index_cast %parallel_loop3A_425 : i32 to index
        %parallel_loop3A_427 = tpu.vector_load %arg6[%parallel_loop3A_426] {strides = array<i32>} : memref<10256xi32, #tpu.memory_space<vmem>>, vector<16xi32>,
        %parallel_loop3A_428 = arith.index_cast %parallel_loop3A_425 : i32 to index
        %parallel_loop3A_429 = tpu.vector_load %arg7[%parallel_loop3A_428] {strides = array<i32>} : memref<10256xi32, #tpu.memory_space<vmem>>, vector<16xi32>,
        %parallel_loop3A_430 = tpu.iota {dimensions = array<i32: 0>} : vector<16xi32>
        %parallel_loop3A_431 = vector.broadcast %parallel_loop3A_425 : i32 to vector<16xi32>
        %parallel_loop3A_432 = arith.addi %parallel_loop3A_430, %parallel_loop3A_431 : vector<16xi32>
        %parallel_loop3A_433 = arith.constant 10242 : i32
        %parallel_loop3A_434 = vector.broadcast %parallel_loop3A_433 : i32 to vector<16xi32>
        %parallel_loop3A_435 = arith.cmpi slt, %parallel_loop3A_432, %parallel_loop3A_434 : vector<16xi32>
        %parallel_loop3A_436 = arith.constant 0 : i32
        %parallel_loop3A_437 = vector.broadcast %parallel_loop3A_436 : i32 to vector<16xi32>
        %parallel_loop3A_438 = arith.addi %parallel_loop3A_427, %parallel_loop3A_437 : vector<16xi32>
        %parallel_loop3A_439 = tpu.vector_load_idx %arg8[%parallel_loop3A_438] : memref<15372xf32, #tpu.memory_space<vmem>>[vector<16xi32>], vector<16xf32>,
        %parallel_loop3A_440 = arith.constant 0 : i32
        %parallel_loop3A_441 = vector.broadcast %parallel_loop3A_440 : i32 to vector<16xi32>
        %parallel_loop3A_442 = arith.addi %parallel_loop3A_429, %parallel_loop3A_441 : vector<16xi32>
        %parallel_loop3A_443 = tpu.vector_load_idx %arg8[%parallel_loop3A_442] : memref<15372xf32, #tpu.memory_space<vmem>>[vector<16xi32>], vector<16xf32>,
        %parallel_loop3A_444 = arith.constant 0 : i32
        %parallel_loop3A_445 = vector.broadcast %parallel_loop3A_444 : i32 to vector<16xi32>
        %parallel_loop3A_446 = arith.addi %parallel_loop3A_432, %parallel_loop3A_445 : vector<16xi32>
        %parallel_loop3A_447 = arith.addf %parallel_loop3A_439, %parallel_loop3A_443 : vector<16xf32>
        %parallel_loop3A_448 = arith.constant 5.000000e-01 : f32
        %parallel_loop3A_449 = vector.broadcast %parallel_loop3A_448 : f32 to vector<16xf32>
        %parallel_loop3A_450 = arith.mulf %parallel_loop3A_447, %parallel_loop3A_449 : vector<16xf32>
        tpu.vector_store_idx %arg10[%parallel_loop3A_446], %parallel_loop3A_450 masked %parallel_loop3A_435 : memref<61452xf32, #tpu.memory_space<vmem>>[vector<16xi32>], vector<16xf32>, vector<16xi1>
        %parallel_loop3A_451 = arith.constant 2562 : i32
        %parallel_loop3A_452 = vector.broadcast %parallel_loop3A_451 : i32 to vector<16xi32>
        %parallel_loop3A_453 = arith.addi %parallel_loop3A_427, %parallel_loop3A_452 : vector<16xi32>
        %parallel_loop3A_454 = tpu.vector_load_idx %arg8[%parallel_loop3A_453] : memref<15372xf32, #tpu.memory_space<vmem>>[vector<16xi32>], vector<16xf32>,
        %parallel_loop3A_455 = arith.constant 2562 : i32
        %parallel_loop3A_456 = vector.broadcast %parallel_loop3A_455 : i32 to vector<16xi32>
        %parallel_loop3A_457 = arith.addi %parallel_loop3A_429, %parallel_loop3A_456 : vector<16xi32>
        %parallel_loop3A_458 = tpu.vector_load_idx %arg8[%parallel_loop3A_457] : memref<15372xf32, #tpu.memory_space<vmem>>[vector<16xi32>], vector<16xf32>,
        %parallel_loop3A_459 = arith.constant 10242 : i32
        %parallel_loop3A_460 = vector.broadcast %parallel_loop3A_459 : i32 to vector<16xi32>
        %parallel_loop3A_461 = arith.addi %parallel_loop3A_432, %parallel_loop3A_460 : vector<16xi32>
        %parallel_loop3A_462 = arith.addf %parallel_loop3A_454, %parallel_loop3A_458 : vector<16xf32>
        %parallel_loop3A_463 = arith.constant 5.000000e-01 : f32
        %parallel_loop3A_464 = vector.broadcast %parallel_loop3A_463 : f32 to vector<16xf32>
        %parallel_loop3A_465 = arith.mulf %parallel_loop3A_462, %parallel_loop3A_464 : vector<16xf32>
        tpu.vector_store_idx %arg10[%parallel_loop3A_461], %parallel_loop3A_465 masked %parallel_loop3A_435 : memref<61452xf32, #tpu.memory_space<vmem>>[vector<16xi32>], vector<16xf32>, vector<16xi1>
        %parallel_loop3A_466 = arith.constant 5124 : i32
        %parallel_loop3A_467 = vector.broadcast %parallel_loop3A_466 : i32 to vector<16xi32>
        %parallel_loop3A_468 = arith.addi %parallel_loop3A_427, %parallel_loop3A_467 : vector<16xi32>
        %parallel_loop3A_469 = tpu.vector_load_idx %arg8[%parallel_loop3A_468] : memref<15372xf32, #tpu.memory_space<vmem>>[vector<16xi32>], vector<16xf32>,
        %parallel_loop3A_470 = arith.constant 5124 : i32
        %parallel_loop3A_471 = vector.broadcast %parallel_loop3A_470 : i32 to vector<16xi32>
        %parallel_loop3A_472 = arith.addi %parallel_loop3A_429, %parallel_loop3A_471 : vector<16xi32>
        %parallel_loop3A_473 = tpu.vector_load_idx %arg8[%parallel_loop3A_472] : memref<15372xf32, #tpu.memory_space<vmem>>[vector<16xi32>], vector<16xf32>,
        %parallel_loop3A_474 = arith.constant 20484 : i32
        %parallel_loop3A_475 = vector.broadcast %parallel_loop3A_474 : i32 to vector<16xi32>
        %parallel_loop3A_476 = arith.addi %parallel_loop3A_432, %parallel_loop3A_475 : vector<16xi32>
        %parallel_loop3A_477 = arith.addf %parallel_loop3A_469, %parallel_loop3A_473 : vector<16xf32>
        %parallel_loop3A_478 = arith.constant 5.000000e-01 : f32
        %parallel_loop3A_479 = vector.broadcast %parallel_loop3A_478 : f32 to vector<16xf32>
        %parallel_loop3A_480 = arith.mulf %parallel_loop3A_477, %parallel_loop3A_479 : vector<16xf32>
        tpu.vector_store_idx %arg10[%parallel_loop3A_476], %parallel_loop3A_480 masked %parallel_loop3A_435 : memref<61452xf32, #tpu.memory_space<vmem>>[vector<16xi32>], vector<16xf32>, vector<16xi1>
        %parallel_loop3A_481 = arith.constant 7686 : i32
        %parallel_loop3A_482 = vector.broadcast %parallel_loop3A_481 : i32 to vector<16xi32>
        %parallel_loop3A_483 = arith.addi %parallel_loop3A_427, %parallel_loop3A_482 : vector<16xi32>
        %parallel_loop3A_484 = tpu.vector_load_idx %arg8[%parallel_loop3A_483] : memref<15372xf32, #tpu.memory_space<vmem>>[vector<16xi32>], vector<16xf32>,
        %parallel_loop3A_485 = arith.constant 7686 : i32
        %parallel_loop3A_486 = vector.broadcast %parallel_loop3A_485 : i32 to vector<16xi32>
        %parallel_loop3A_487 = arith.addi %parallel_loop3A_429, %parallel_loop3A_486 : vector<16xi32>
        %parallel_loop3A_488 = tpu.vector_load_idx %arg8[%parallel_loop3A_487] : memref<15372xf32, #tpu.memory_space<vmem>>[vector<16xi32>], vector<16xf32>,
        %parallel_loop3A_489 = arith.constant 30726 : i32
        %parallel_loop3A_490 = vector.broadcast %parallel_loop3A_489 : i32 to vector<16xi32>
        %parallel_loop3A_491 = arith.addi %parallel_loop3A_432, %parallel_loop3A_490 : vector<16xi32>
        %parallel_loop3A_492 = arith.addf %parallel_loop3A_484, %parallel_loop3A_488 : vector<16xf32>
        %parallel_loop3A_493 = arith.constant 5.000000e-01 : f32
        %parallel_loop3A_494 = vector.broadcast %parallel_loop3A_493 : f32 to vector<16xf32>
        %parallel_loop3A_495 = arith.mulf %parallel_loop3A_492, %parallel_loop3A_494 : vector<16xf32>
        tpu.vector_store_idx %arg10[%parallel_loop3A_491], %parallel_loop3A_495 masked %parallel_loop3A_435 : memref<61452xf32, #tpu.memory_space<vmem>>[vector<16xi32>], vector<16xf32>, vector<16xi1>
      } {sc.loop_unroll_factor = 4 : i64, sc.parallel_access}
      %dma_start3A_381 = arith.constant 0 : i32
      %dma_start3A_382 = tpu.memref_slice %arg10[%dma_start3A_381] : memref<61452xf32, #tpu.memory_space<vmem>> -> memref<40968xf32, #tpu.memory_space<vmem>>
      %dma_start3A_383 = arith.constant 0 : i32
      %dma_start3A_384 = tpu.memref_slice %arg5[%select_n3A, %add3A_361, %dma_start3A_383] : memref<8x128x61452xf32, #tpu.memory_space<hbm>> -> memref<1x1x40968xf32, #tpu.memory_space<hbm>>
      %dma_start3A_385 = tpu.memref_squeeze %dma_start3A_384 : memref<1x1x40968xf32, #tpu.memory_space<hbm>> -> memref<40968xf32, #tpu.memory_space<hbm>>
      %dma_start3A_386 = arith.constant 0 : i32
      %dma_start3A_387 = tpu.memref_slice %arg5[%select_n3A, %add3A_361, %dma_start3A_386] : memref<8x128x61452xf32, #tpu.memory_space<hbm>> -> memref<1x1x40968xf32, #tpu.memory_space<hbm>>
      %dma_start3A_388 = tpu.memref_squeeze %dma_start3A_387 : memref<1x1x40968xf32, #tpu.memory_space<hbm>> -> memref<40968xf32, #tpu.memory_space<hbm>>
      %dma_start3A_389 = arith.constant 0 : i32
      %dma_start3A_390 = tpu.memref_slice %arg10[%dma_start3A_389] : memref<61452xf32, #tpu.memory_space<vmem>> -> memref<40968xf32, #tpu.memory_space<vmem>>
      tpu.enqueue_dma source(%dma_start3A_390 : memref<40968xf32, #tpu.memory_space<vmem>>) target(%dma_start3A_388 : memref<40968xf32, #tpu.memory_space<hbm>>) target_semaphore(%arg13 : memref<!tpu.dma_semaphore, #tpu.memory_space<semaphore_mem>>)
      %dma_wait3A_391 = arith.constant 40968 : i32
      %dma_wait3A_392 = tpu.memref_slice %arg10[%dma_wait3A_391] : memref<61452xf32, #tpu.memory_space<vmem>> -> memref<20484xf32, #tpu.memory_space<vmem>>
      %dma_wait3A_393 = arith.constant 40968 : i32
      %dma_wait3A_394 = tpu.memref_slice %arg5[%select_n3A, %add3A_361, %dma_wait3A_393] : memref<8x128x61452xf32, #tpu.memory_space<hbm>> -> memref<1x1x20484xf32, #tpu.memory_space<hbm>>
      %dma_wait3A_395 = tpu.memref_squeeze %dma_wait3A_394 : memref<1x1x20484xf32, #tpu.memory_space<hbm>> -> memref<20484xf32, #tpu.memory_space<hbm>>
      %dma_wait3A_396 = arith.constant 40968 : i32
      %dma_wait3A_397 = tpu.memref_slice %arg5[%select_n3A, %add3A_361, %dma_wait3A_396] : memref<8x128x61452xf32, #tpu.memory_space<hbm>> -> memref<1x1x20484xf32, #tpu.memory_space<hbm>>
      %dma_wait3A_398 = tpu.memref_squeeze %dma_wait3A_397 : memref<1x1x20484xf32, #tpu.memory_space<hbm>> -> memref<20484xf32, #tpu.memory_space<hbm>>
      %dma_wait3A_399 = arith.constant 40968 : i32
      %dma_wait3A_400 = tpu.memref_slice %arg10[%dma_wait3A_399] : memref<61452xf32, #tpu.memory_space<vmem>> -> memref<20484xf32, #tpu.memory_space<vmem>>
      tpu.wait_dma2 semaphore(%arg14 : memref<!tpu.dma_semaphore, #tpu.memory_space<semaphore_mem>>) src(%dma_wait3A_400 : memref<20484xf32, #tpu.memory_space<vmem>>) dst(%dma_wait3A_398 : memref<20484xf32, #tpu.memory_space<hbm>>)
      %parallel_loop3A_401 = arith.constant 0 : i32
      %parallel_loop3A_402 = arith.constant 641 : i32
      %parallel_loop3A_403 = arith.constant 1 : i32
      scf.for %parallel_loop3A_422 = %parallel_loop3A_401 to %parallel_loop3A_402 step %parallel_loop3A_403  : i32 {
        %parallel_loop3A_423 = arith.constant 16 : i32
        %parallel_loop3A_424 = arith.muli %parallel_loop3A_422, %parallel_loop3A_423 : i32
        %parallel_loop3A_425 = tpu.assume_multiple %parallel_loop3A_424, 16 : i32
        %parallel_loop3A_426 = arith.index_cast %parallel_loop3A_425 : i32 to index
        %parallel_loop3A_427 = tpu.vector_load %arg6[%parallel_loop3A_426] {strides = array<i32>} : memref<10256xi32, #tpu.memory_space<vmem>>, vector<16xi32>,
        %parallel_loop3A_428 = arith.index_cast %parallel_loop3A_425 : i32 to index
        %parallel_loop3A_429 = tpu.vector_load %arg7[%parallel_loop3A_428] {strides = array<i32>} : memref<10256xi32, #tpu.memory_space<vmem>>, vector<16xi32>,
        %parallel_loop3A_430 = tpu.iota {dimensions = array<i32: 0>} : vector<16xi32>
        %parallel_loop3A_431 = vector.broadcast %parallel_loop3A_425 : i32 to vector<16xi32>
        %parallel_loop3A_432 = arith.addi %parallel_loop3A_430, %parallel_loop3A_431 : vector<16xi32>
        %parallel_loop3A_433 = arith.constant 10242 : i32
        %parallel_loop3A_434 = vector.broadcast %parallel_loop3A_433 : i32 to vector<16xi32>
        %parallel_loop3A_435 = arith.cmpi slt, %parallel_loop3A_432, %parallel_loop3A_434 : vector<16xi32>
        %parallel_loop3A_436 = arith.constant 10248 : i32
        %parallel_loop3A_437 = vector.broadcast %parallel_loop3A_436 : i32 to vector<16xi32>
        %parallel_loop3A_438 = arith.addi %parallel_loop3A_427, %parallel_loop3A_437 : vector<16xi32>
        %parallel_loop3A_439 = tpu.vector_load_idx %arg8[%parallel_loop3A_438] : memref<15372xf32, #tpu.memory_space<vmem>>[vector<16xi32>], vector<16xf32>,
        %parallel_loop3A_440 = arith.constant 10248 : i32
        %parallel_loop3A_441 = vector.broadcast %parallel_loop3A_440 : i32 to vector<16xi32>
        %parallel_loop3A_442 = arith.addi %parallel_loop3A_429, %parallel_loop3A_441 : vector<16xi32>
        %parallel_loop3A_443 = tpu.vector_load_idx %arg8[%parallel_loop3A_442] : memref<15372xf32, #tpu.memory_space<vmem>>[vector<16xi32>], vector<16xf32>,
        %parallel_loop3A_444 = arith.constant 40968 : i32
        %parallel_loop3A_445 = vector.broadcast %parallel_loop3A_444 : i32 to vector<16xi32>
        %parallel_loop3A_446 = arith.addi %parallel_loop3A_432, %parallel_loop3A_445 : vector<16xi32>
        %parallel_loop3A_447 = arith.addf %parallel_loop3A_439, %parallel_loop3A_443 : vector<16xf32>
        %parallel_loop3A_448 = arith.constant 5.000000e-01 : f32
        %parallel_loop3A_449 = vector.broadcast %parallel_loop3A_448 : f32 to vector<16xf32>
        %parallel_loop3A_450 = arith.mulf %parallel_loop3A_447, %parallel_loop3A_449 : vector<16xf32>
        tpu.vector_store_idx %arg10[%parallel_loop3A_446], %parallel_loop3A_450 masked %parallel_loop3A_435 : memref<61452xf32, #tpu.memory_space<vmem>>[vector<16xi32>], vector<16xf32>, vector<16xi1>
        %parallel_loop3A_451 = arith.constant 12810 : i32
        %parallel_loop3A_452 = vector.broadcast %parallel_loop3A_451 : i32 to vector<16xi32>
        %parallel_loop3A_453 = arith.addi %parallel_loop3A_427, %parallel_loop3A_452 : vector<16xi32>
        %parallel_loop3A_454 = tpu.vector_load_idx %arg8[%parallel_loop3A_453] : memref<15372xf32, #tpu.memory_space<vmem>>[vector<16xi32>], vector<16xf32>,
        %parallel_loop3A_455 = arith.constant 12810 : i32
        %parallel_loop3A_456 = vector.broadcast %parallel_loop3A_455 : i32 to vector<16xi32>
        %parallel_loop3A_457 = arith.addi %parallel_loop3A_429, %parallel_loop3A_456 : vector<16xi32>
        %parallel_loop3A_458 = tpu.vector_load_idx %arg8[%parallel_loop3A_457] : memref<15372xf32, #tpu.memory_space<vmem>>[vector<16xi32>], vector<16xf32>,
        %parallel_loop3A_459 = arith.constant 51210 : i32
        %parallel_loop3A_460 = vector.broadcast %parallel_loop3A_459 : i32 to vector<16xi32>
        %parallel_loop3A_461 = arith.addi %parallel_loop3A_432, %parallel_loop3A_460 : vector<16xi32>
        %parallel_loop3A_462 = arith.addf %parallel_loop3A_454, %parallel_loop3A_458 : vector<16xf32>
        %parallel_loop3A_463 = arith.constant 5.000000e-01 : f32
        %parallel_loop3A_464 = vector.broadcast %parallel_loop3A_463 : f32 to vector<16xf32>
        %parallel_loop3A_465 = arith.mulf %parallel_loop3A_462, %parallel_loop3A_464 : vector<16xf32>
        tpu.vector_store_idx %arg10[%parallel_loop3A_461], %parallel_loop3A_465 masked %parallel_loop3A_435 : memref<61452xf32, #tpu.memory_space<vmem>>[vector<16xi32>], vector<16xf32>, vector<16xi1>
      } {sc.loop_unroll_factor = 4 : i64, sc.parallel_access}
      %dma_start3A_404 = arith.constant 40968 : i32
      %dma_start3A_405 = tpu.memref_slice %arg10[%dma_start3A_404] : memref<61452xf32, #tpu.memory_space<vmem>> -> memref<20484xf32, #tpu.memory_space<vmem>>
      %dma_start3A_406 = arith.constant 40968 : i32
      %dma_start3A_407 = tpu.memref_slice %arg5[%select_n3A, %add3A_361, %dma_start3A_406] : memref<8x128x61452xf32, #tpu.memory_space<hbm>> -> memref<1x1x20484xf32, #tpu.memory_space<hbm>>
      %dma_start3A_408 = tpu.memref_squeeze %dma_start3A_407 : memref<1x1x20484xf32, #tpu.memory_space<hbm>> -> memref<20484xf32, #tpu.memory_space<hbm>>
      %dma_start3A_409 = arith.constant 40968 : i32
      %dma_start3A_410 = tpu.memref_slice %arg5[%select_n3A, %add3A_361, %dma_start3A_409] : memref<8x128x61452xf32, #tpu.memory_space<hbm>> -> memref<1x1x20484xf32, #tpu.memory_space<hbm>>
      %dma_start3A_411 = tpu.memref_squeeze %dma_start3A_410 : memref<1x1x20484xf32, #tpu.memory_space<hbm>> -> memref<20484xf32, #tpu.memory_space<hbm>>
      %dma_start3A_412 = arith.constant 40968 : i32
      %dma_start3A_413 = tpu.memref_slice %arg10[%dma_start3A_412] : memref<61452xf32, #tpu.memory_space<vmem>> -> memref<20484xf32, #tpu.memory_space<vmem>>
      tpu.enqueue_dma source(%dma_start3A_413 : memref<20484xf32, #tpu.memory_space<vmem>>) target(%dma_start3A_411 : memref<20484xf32, #tpu.memory_space<hbm>>) target_semaphore(%arg14 : memref<!tpu.dma_semaphore, #tpu.memory_space<semaphore_mem>>)
      %add3A_414 = arith.constant 2 : i32
      %add3A_415 = arith.addi %add3A_361, %add3A_414 : i32
      %dma_start3A_416 = arith.constant 0 : i32
      %dma_start3A_417 = tpu.memref_slice %arg2[%select_n3A, %add3A_415, %dma_start3A_416] : memref<8x128x15372xf32, #tpu.memory_space<hbm>> -> memref<1x1x15372xf32, #tpu.memory_space<hbm>>
      %dma_start3A_418 = tpu.memref_squeeze %dma_start3A_417 : memref<1x1x15372xf32, #tpu.memory_space<hbm>> -> memref<15372xf32, #tpu.memory_space<hbm>>
      %dma_start3A_419 = arith.constant 0 : i32
      %dma_start3A_420 = tpu.memref_slice %arg2[%select_n3A, %add3A_415, %dma_start3A_419] : memref<8x128x15372xf32, #tpu.memory_space<hbm>> -> memref<1x1x15372xf32, #tpu.memory_space<hbm>>
      %dma_start3A_421 = tpu.memref_squeeze %dma_start3A_420 : memref<1x1x15372xf32, #tpu.memory_space<hbm>> -> memref<15372xf32, #tpu.memory_space<hbm>>
      tpu.enqueue_dma source(%dma_start3A_421 : memref<15372xf32, #tpu.memory_space<hbm>>) target(%arg8 : memref<15372xf32, #tpu.memory_space<vmem>>) target_semaphore(%arg11 : memref<!tpu.dma_semaphore, #tpu.memory_space<semaphore_mem>>)
    }
    %scan3A_88 = arith.constant 14 : i32
    %add3A_89 = arith.constant 32 : i32
    %add3A_90 = arith.addi %mul3A_32, %add3A_89 : i32
    %sub3A_91 = arith.constant 3 : i32
    %sub3A_92 = arith.subi %add3A_90, %sub3A_91 : i32
    %dma_wait3A_93 = arith.constant 0 : i32
    %dma_wait3A_94 = tpu.memref_slice %arg2[%select_n3A, %sub3A_92, %dma_wait3A_93] : memref<8x128x15372xf32, #tpu.memory_space<hbm>> -> memref<1x1x15372xf32, #tpu.memory_space<hbm>>
    %dma_wait3A_95 = tpu.memref_squeeze %dma_wait3A_94 : memref<1x1x15372xf32, #tpu.memory_space<hbm>> -> memref<15372xf32, #tpu.memory_space<hbm>>
    %dma_wait3A_96 = arith.constant 0 : i32
    %dma_wait3A_97 = tpu.memref_slice %arg2[%select_n3A, %sub3A_92, %dma_wait3A_96] : memref<8x128x15372xf32, #tpu.memory_space<hbm>> -> memref<1x1x15372xf32, #tpu.memory_space<hbm>>
    %dma_wait3A_98 = tpu.memref_squeeze %dma_wait3A_97 : memref<1x1x15372xf32, #tpu.memory_space<hbm>> -> memref<15372xf32, #tpu.memory_space<hbm>>
    tpu.wait_dma2 semaphore(%arg12 : memref<!tpu.dma_semaphore, #tpu.memory_space<semaphore_mem>>) src(%dma_wait3A_98 : memref<15372xf32, #tpu.memory_space<hbm>>) dst(%arg9 : memref<15372xf32, #tpu.memory_space<vmem>>)
    %dma_wait3A_99 = arith.constant 0 : i32
    %dma_wait3A_100 = tpu.memref_slice %arg10[%dma_wait3A_99] : memref<61452xf32, #tpu.memory_space<vmem>> -> memref<40968xf32, #tpu.memory_space<vmem>>
    %dma_wait3A_101 = arith.constant 0 : i32
    %dma_wait3A_102 = tpu.memref_slice %arg5[%select_n3A, %sub3A_92, %dma_wait3A_101] : memref<8x128x61452xf32, #tpu.memory_space<hbm>> -> memref<1x1x40968xf32, #tpu.memory_space<hbm>>
    %dma_wait3A_103 = tpu.memref_squeeze %dma_wait3A_102 : memref<1x1x40968xf32, #tpu.memory_space<hbm>> -> memref<40968xf32, #tpu.memory_space<hbm>>
    %dma_wait3A_104 = arith.constant 0 : i32
    %dma_wait3A_105 = tpu.memref_slice %arg5[%select_n3A, %sub3A_92, %dma_wait3A_104] : memref<8x128x61452xf32, #tpu.memory_space<hbm>> -> memref<1x1x40968xf32, #tpu.memory_space<hbm>>
    %dma_wait3A_106 = tpu.memref_squeeze %dma_wait3A_105 : memref<1x1x40968xf32, #tpu.memory_space<hbm>> -> memref<40968xf32, #tpu.memory_space<hbm>>
    %dma_wait3A_107 = arith.constant 0 : i32
    %dma_wait3A_108 = tpu.memref_slice %arg10[%dma_wait3A_107] : memref<61452xf32, #tpu.memory_space<vmem>> -> memref<40968xf32, #tpu.memory_space<vmem>>
    tpu.wait_dma2 semaphore(%arg13 : memref<!tpu.dma_semaphore, #tpu.memory_space<semaphore_mem>>) src(%dma_wait3A_108 : memref<40968xf32, #tpu.memory_space<vmem>>) dst(%dma_wait3A_106 : memref<40968xf32, #tpu.memory_space<hbm>>)
    %parallel_loop3A_109 = arith.constant 0 : i32
    %parallel_loop3A_110 = arith.constant 641 : i32
    %parallel_loop3A_111 = arith.constant 1 : i32
    scf.for %parallel_loop3A_293 = %parallel_loop3A_109 to %parallel_loop3A_110 step %parallel_loop3A_111  : i32 {
      %parallel_loop3A_294 = arith.constant 16 : i32
      %parallel_loop3A_295 = arith.muli %parallel_loop3A_293, %parallel_loop3A_294 : i32
      %parallel_loop3A_296 = tpu.assume_multiple %parallel_loop3A_295, 16 : i32
      %parallel_loop3A_297 = arith.index_cast %parallel_loop3A_296 : i32 to index
      %parallel_loop3A_298 = tpu.vector_load %arg6[%parallel_loop3A_297] {strides = array<i32>} : memref<10256xi32, #tpu.memory_space<vmem>>, vector<16xi32>,
      %parallel_loop3A_299 = arith.index_cast %parallel_loop3A_296 : i32 to index
      %parallel_loop3A_300 = tpu.vector_load %arg7[%parallel_loop3A_299] {strides = array<i32>} : memref<10256xi32, #tpu.memory_space<vmem>>, vector<16xi32>,
      %parallel_loop3A_301 = tpu.iota {dimensions = array<i32: 0>} : vector<16xi32>
      %parallel_loop3A_302 = vector.broadcast %parallel_loop3A_296 : i32 to vector<16xi32>
      %parallel_loop3A_303 = arith.addi %parallel_loop3A_301, %parallel_loop3A_302 : vector<16xi32>
      %parallel_loop3A_304 = arith.constant 10242 : i32
      %parallel_loop3A_305 = vector.broadcast %parallel_loop3A_304 : i32 to vector<16xi32>
      %parallel_loop3A_306 = arith.cmpi slt, %parallel_loop3A_303, %parallel_loop3A_305 : vector<16xi32>
      %parallel_loop3A_307 = arith.constant 0 : i32
      %parallel_loop3A_308 = vector.broadcast %parallel_loop3A_307 : i32 to vector<16xi32>
      %parallel_loop3A_309 = arith.addi %parallel_loop3A_298, %parallel_loop3A_308 : vector<16xi32>
      %parallel_loop3A_310 = tpu.vector_load_idx %arg9[%parallel_loop3A_309] : memref<15372xf32, #tpu.memory_space<vmem>>[vector<16xi32>], vector<16xf32>,
      %parallel_loop3A_311 = arith.constant 0 : i32
      %parallel_loop3A_312 = vector.broadcast %parallel_loop3A_311 : i32 to vector<16xi32>
      %parallel_loop3A_313 = arith.addi %parallel_loop3A_300, %parallel_loop3A_312 : vector<16xi32>
      %parallel_loop3A_314 = tpu.vector_load_idx %arg9[%parallel_loop3A_313] : memref<15372xf32, #tpu.memory_space<vmem>>[vector<16xi32>], vector<16xf32>,
      %parallel_loop3A_315 = arith.constant 0 : i32
      %parallel_loop3A_316 = vector.broadcast %parallel_loop3A_315 : i32 to vector<16xi32>
      %parallel_loop3A_317 = arith.addi %parallel_loop3A_303, %parallel_loop3A_316 : vector<16xi32>
      %parallel_loop3A_318 = arith.addf %parallel_loop3A_310, %parallel_loop3A_314 : vector<16xf32>
      %parallel_loop3A_319 = arith.constant 5.000000e-01 : f32
      %parallel_loop3A_320 = vector.broadcast %parallel_loop3A_319 : f32 to vector<16xf32>
      %parallel_loop3A_321 = arith.mulf %parallel_loop3A_318, %parallel_loop3A_320 : vector<16xf32>
      tpu.vector_store_idx %arg10[%parallel_loop3A_317], %parallel_loop3A_321 masked %parallel_loop3A_306 : memref<61452xf32, #tpu.memory_space<vmem>>[vector<16xi32>], vector<16xf32>, vector<16xi1>
      %parallel_loop3A_322 = arith.constant 2562 : i32
      %parallel_loop3A_323 = vector.broadcast %parallel_loop3A_322 : i32 to vector<16xi32>
      %parallel_loop3A_324 = arith.addi %parallel_loop3A_298, %parallel_loop3A_323 : vector<16xi32>
      %parallel_loop3A_325 = tpu.vector_load_idx %arg9[%parallel_loop3A_324] : memref<15372xf32, #tpu.memory_space<vmem>>[vector<16xi32>], vector<16xf32>,
      %parallel_loop3A_326 = arith.constant 2562 : i32
      %parallel_loop3A_327 = vector.broadcast %parallel_loop3A_326 : i32 to vector<16xi32>
      %parallel_loop3A_328 = arith.addi %parallel_loop3A_300, %parallel_loop3A_327 : vector<16xi32>
      %parallel_loop3A_329 = tpu.vector_load_idx %arg9[%parallel_loop3A_328] : memref<15372xf32, #tpu.memory_space<vmem>>[vector<16xi32>], vector<16xf32>,
      %parallel_loop3A_330 = arith.constant 10242 : i32
      %parallel_loop3A_331 = vector.broadcast %parallel_loop3A_330 : i32 to vector<16xi32>
      %parallel_loop3A_332 = arith.addi %parallel_loop3A_303, %parallel_loop3A_331 : vector<16xi32>
      %parallel_loop3A_333 = arith.addf %parallel_loop3A_325, %parallel_loop3A_329 : vector<16xf32>
      %parallel_loop3A_334 = arith.constant 5.000000e-01 : f32
      %parallel_loop3A_335 = vector.broadcast %parallel_loop3A_334 : f32 to vector<16xf32>
      %parallel_loop3A_336 = arith.mulf %parallel_loop3A_333, %parallel_loop3A_335 : vector<16xf32>
      tpu.vector_store_idx %arg10[%parallel_loop3A_332], %parallel_loop3A_336 masked %parallel_loop3A_306 : memref<61452xf32, #tpu.memory_space<vmem>>[vector<16xi32>], vector<16xf32>, vector<16xi1>
      %parallel_loop3A_337 = arith.constant 5124 : i32
      %parallel_loop3A_338 = vector.broadcast %parallel_loop3A_337 : i32 to vector<16xi32>
      %parallel_loop3A_339 = arith.addi %parallel_loop3A_298, %parallel_loop3A_338 : vector<16xi32>
      %parallel_loop3A_340 = tpu.vector_load_idx %arg9[%parallel_loop3A_339] : memref<15372xf32, #tpu.memory_space<vmem>>[vector<16xi32>], vector<16xf32>,
      %parallel_loop3A_341 = arith.constant 5124 : i32
      %parallel_loop3A_342 = vector.broadcast %parallel_loop3A_341 : i32 to vector<16xi32>
      %parallel_loop3A_343 = arith.addi %parallel_loop3A_300, %parallel_loop3A_342 : vector<16xi32>
      %parallel_loop3A_344 = tpu.vector_load_idx %arg9[%parallel_loop3A_343] : memref<15372xf32, #tpu.memory_space<vmem>>[vector<16xi32>], vector<16xf32>,
      %parallel_loop3A_345 = arith.constant 20484 : i32
      %parallel_loop3A_346 = vector.broadcast %parallel_loop3A_345 : i32 to vector<16xi32>
      %parallel_loop3A_347 = arith.addi %parallel_loop3A_303, %parallel_loop3A_346 : vector<16xi32>
      %parallel_loop3A_348 = arith.addf %parallel_loop3A_340, %parallel_loop3A_344 : vector<16xf32>
      %parallel_loop3A_349 = arith.constant 5.000000e-01 : f32
      %parallel_loop3A_350 = vector.broadcast %parallel_loop3A_349 : f32 to vector<16xf32>
      %parallel_loop3A_351 = arith.mulf %parallel_loop3A_348, %parallel_loop3A_350 : vector<16xf32>
      tpu.vector_store_idx %arg10[%parallel_loop3A_347], %parallel_loop3A_351 masked %parallel_loop3A_306 : memref<61452xf32, #tpu.memory_space<vmem>>[vector<16xi32>], vector<16xf32>, vector<16xi1>
      %parallel_loop3A_352 = arith.constant 7686 : i32
      %parallel_loop3A_353 = vector.broadcast %parallel_loop3A_352 : i32 to vector<16xi32>
      %parallel_loop3A_354 = arith.addi %parallel_loop3A_298, %parallel_loop3A_353 : vector<16xi32>
      %parallel_loop3A_355 = tpu.vector_load_idx %arg9[%parallel_loop3A_354] : memref<15372xf32, #tpu.memory_space<vmem>>[vector<16xi32>], vector<16xf32>,
      %parallel_loop3A_356 = arith.constant 7686 : i32
      %parallel_loop3A_357 = vector.broadcast %parallel_loop3A_356 : i32 to vector<16xi32>
      %parallel_loop3A_358 = arith.addi %parallel_loop3A_300, %parallel_loop3A_357 : vector<16xi32>
      %parallel_loop3A_359 = tpu.vector_load_idx %arg9[%parallel_loop3A_358] : memref<15372xf32, #tpu.memory_space<vmem>>[vector<16xi32>], vector<16xf32>,
      %parallel_loop3A_360 = arith.constant 30726 : i32
      %parallel_loop3A_361 = vector.broadcast %parallel_loop3A_360 : i32 to vector<16xi32>
      %parallel_loop3A_362 = arith.addi %parallel_loop3A_303, %parallel_loop3A_361 : vector<16xi32>
      %parallel_loop3A_363 = arith.addf %parallel_loop3A_355, %parallel_loop3A_359 : vector<16xf32>
      %parallel_loop3A_364 = arith.constant 5.000000e-01 : f32
      %parallel_loop3A_365 = vector.broadcast %parallel_loop3A_364 : f32 to vector<16xf32>
      %parallel_loop3A_366 = arith.mulf %parallel_loop3A_363, %parallel_loop3A_365 : vector<16xf32>
      tpu.vector_store_idx %arg10[%parallel_loop3A_362], %parallel_loop3A_366 masked %parallel_loop3A_306 : memref<61452xf32, #tpu.memory_space<vmem>>[vector<16xi32>], vector<16xf32>, vector<16xi1>
    } {sc.loop_unroll_factor = 4 : i64, sc.parallel_access}
    %dma_start3A_112 = arith.constant 0 : i32
    %dma_start3A_113 = tpu.memref_slice %arg10[%dma_start3A_112] : memref<61452xf32, #tpu.memory_space<vmem>> -> memref<40968xf32, #tpu.memory_space<vmem>>
    %dma_start3A_114 = arith.constant 0 : i32
    %dma_start3A_115 = tpu.memref_slice %arg5[%select_n3A, %sub3A_92, %dma_start3A_114] : memref<8x128x61452xf32, #tpu.memory_space<hbm>> -> memref<1x1x40968xf32, #tpu.memory_space<hbm>>
    %dma_start3A_116 = tpu.memref_squeeze %dma_start3A_115 : memref<1x1x40968xf32, #tpu.memory_space<hbm>> -> memref<40968xf32, #tpu.memory_space<hbm>>
    %dma_start3A_117 = arith.constant 0 : i32
    %dma_start3A_118 = tpu.memref_slice %arg5[%select_n3A, %sub3A_92, %dma_start3A_117] : memref<8x128x61452xf32, #tpu.memory_space<hbm>> -> memref<1x1x40968xf32, #tpu.memory_space<hbm>>
    %dma_start3A_119 = tpu.memref_squeeze %dma_start3A_118 : memref<1x1x40968xf32, #tpu.memory_space<hbm>> -> memref<40968xf32, #tpu.memory_space<hbm>>
    %dma_start3A_120 = arith.constant 0 : i32
    %dma_start3A_121 = tpu.memref_slice %arg10[%dma_start3A_120] : memref<61452xf32, #tpu.memory_space<vmem>> -> memref<40968xf32, #tpu.memory_space<vmem>>
    tpu.enqueue_dma source(%dma_start3A_121 : memref<40968xf32, #tpu.memory_space<vmem>>) target(%dma_start3A_119 : memref<40968xf32, #tpu.memory_space<hbm>>) target_semaphore(%arg13 : memref<!tpu.dma_semaphore, #tpu.memory_space<semaphore_mem>>)
    %dma_wait3A_122 = arith.constant 40968 : i32
    %dma_wait3A_123 = tpu.memref_slice %arg10[%dma_wait3A_122] : memref<61452xf32, #tpu.memory_space<vmem>> -> memref<20484xf32, #tpu.memory_space<vmem>>
    %dma_wait3A_124 = arith.constant 40968 : i32
    %dma_wait3A_125 = tpu.memref_slice %arg5[%select_n3A, %sub3A_92, %dma_wait3A_124] : memref<8x128x61452xf32, #tpu.memory_space<hbm>> -> memref<1x1x20484xf32, #tpu.memory_space<hbm>>
    %dma_wait3A_126 = tpu.memref_squeeze %dma_wait3A_125 : memref<1x1x20484xf32, #tpu.memory_space<hbm>> -> memref<20484xf32, #tpu.memory_space<hbm>>
    %dma_wait3A_127 = arith.constant 40968 : i32
    %dma_wait3A_128 = tpu.memref_slice %arg5[%select_n3A, %sub3A_92, %dma_wait3A_127] : memref<8x128x61452xf32, #tpu.memory_space<hbm>> -> memref<1x1x20484xf32, #tpu.memory_space<hbm>>
    %dma_wait3A_129 = tpu.memref_squeeze %dma_wait3A_128 : memref<1x1x20484xf32, #tpu.memory_space<hbm>> -> memref<20484xf32, #tpu.memory_space<hbm>>
    %dma_wait3A_130 = arith.constant 40968 : i32
    %dma_wait3A_131 = tpu.memref_slice %arg10[%dma_wait3A_130] : memref<61452xf32, #tpu.memory_space<vmem>> -> memref<20484xf32, #tpu.memory_space<vmem>>
    tpu.wait_dma2 semaphore(%arg14 : memref<!tpu.dma_semaphore, #tpu.memory_space<semaphore_mem>>) src(%dma_wait3A_131 : memref<20484xf32, #tpu.memory_space<vmem>>) dst(%dma_wait3A_129 : memref<20484xf32, #tpu.memory_space<hbm>>)
    %parallel_loop3A_132 = arith.constant 0 : i32
    %parallel_loop3A_133 = arith.constant 641 : i32
    %parallel_loop3A_134 = arith.constant 1 : i32
    scf.for %parallel_loop3A_293 = %parallel_loop3A_132 to %parallel_loop3A_133 step %parallel_loop3A_134  : i32 {
      %parallel_loop3A_294 = arith.constant 16 : i32
      %parallel_loop3A_295 = arith.muli %parallel_loop3A_293, %parallel_loop3A_294 : i32
      %parallel_loop3A_296 = tpu.assume_multiple %parallel_loop3A_295, 16 : i32
      %parallel_loop3A_297 = arith.index_cast %parallel_loop3A_296 : i32 to index
      %parallel_loop3A_298 = tpu.vector_load %arg6[%parallel_loop3A_297] {strides = array<i32>} : memref<10256xi32, #tpu.memory_space<vmem>>, vector<16xi32>,
      %parallel_loop3A_299 = arith.index_cast %parallel_loop3A_296 : i32 to index
      %parallel_loop3A_300 = tpu.vector_load %arg7[%parallel_loop3A_299] {strides = array<i32>} : memref<10256xi32, #tpu.memory_space<vmem>>, vector<16xi32>,
      %parallel_loop3A_301 = tpu.iota {dimensions = array<i32: 0>} : vector<16xi32>
      %parallel_loop3A_302 = vector.broadcast %parallel_loop3A_296 : i32 to vector<16xi32>
      %parallel_loop3A_303 = arith.addi %parallel_loop3A_301, %parallel_loop3A_302 : vector<16xi32>
      %parallel_loop3A_304 = arith.constant 10242 : i32
      %parallel_loop3A_305 = vector.broadcast %parallel_loop3A_304 : i32 to vector<16xi32>
      %parallel_loop3A_306 = arith.cmpi slt, %parallel_loop3A_303, %parallel_loop3A_305 : vector<16xi32>
      %parallel_loop3A_307 = arith.constant 10248 : i32
      %parallel_loop3A_308 = vector.broadcast %parallel_loop3A_307 : i32 to vector<16xi32>
      %parallel_loop3A_309 = arith.addi %parallel_loop3A_298, %parallel_loop3A_308 : vector<16xi32>
      %parallel_loop3A_310 = tpu.vector_load_idx %arg9[%parallel_loop3A_309] : memref<15372xf32, #tpu.memory_space<vmem>>[vector<16xi32>], vector<16xf32>,
      %parallel_loop3A_311 = arith.constant 10248 : i32
      %parallel_loop3A_312 = vector.broadcast %parallel_loop3A_311 : i32 to vector<16xi32>
      %parallel_loop3A_313 = arith.addi %parallel_loop3A_300, %parallel_loop3A_312 : vector<16xi32>
      %parallel_loop3A_314 = tpu.vector_load_idx %arg9[%parallel_loop3A_313] : memref<15372xf32, #tpu.memory_space<vmem>>[vector<16xi32>], vector<16xf32>,
      %parallel_loop3A_315 = arith.constant 40968 : i32
      %parallel_loop3A_316 = vector.broadcast %parallel_loop3A_315 : i32 to vector<16xi32>
      %parallel_loop3A_317 = arith.addi %parallel_loop3A_303, %parallel_loop3A_316 : vector<16xi32>
      %parallel_loop3A_318 = arith.addf %parallel_loop3A_310, %parallel_loop3A_314 : vector<16xf32>
      %parallel_loop3A_319 = arith.constant 5.000000e-01 : f32
      %parallel_loop3A_320 = vector.broadcast %parallel_loop3A_319 : f32 to vector<16xf32>
      %parallel_loop3A_321 = arith.mulf %parallel_loop3A_318, %parallel_loop3A_320 : vector<16xf32>
      tpu.vector_store_idx %arg10[%parallel_loop3A_317], %parallel_loop3A_321 masked %parallel_loop3A_306 : memref<61452xf32, #tpu.memory_space<vmem>>[vector<16xi32>], vector<16xf32>, vector<16xi1>
      %parallel_loop3A_322 = arith.constant 12810 : i32
      %parallel_loop3A_323 = vector.broadcast %parallel_loop3A_322 : i32 to vector<16xi32>
      %parallel_loop3A_324 = arith.addi %parallel_loop3A_298, %parallel_loop3A_323 : vector<16xi32>
      %parallel_loop3A_325 = tpu.vector_load_idx %arg9[%parallel_loop3A_324] : memref<15372xf32, #tpu.memory_space<vmem>>[vector<16xi32>], vector<16xf32>,
      %parallel_loop3A_326 = arith.constant 12810 : i32
      %parallel_loop3A_327 = vector.broadcast %parallel_loop3A_326 : i32 to vector<16xi32>
      %parallel_loop3A_328 = arith.addi %parallel_loop3A_300, %parallel_loop3A_327 : vector<16xi32>
      %parallel_loop3A_329 = tpu.vector_load_idx %arg9[%parallel_loop3A_328] : memref<15372xf32, #tpu.memory_space<vmem>>[vector<16xi32>], vector<16xf32>,
      %parallel_loop3A_330 = arith.constant 51210 : i32
      %parallel_loop3A_331 = vector.broadcast %parallel_loop3A_330 : i32 to vector<16xi32>
      %parallel_loop3A_332 = arith.addi %parallel_loop3A_303, %parallel_loop3A_331 : vector<16xi32>
      %parallel_loop3A_333 = arith.addf %parallel_loop3A_325, %parallel_loop3A_329 : vector<16xf32>
      %parallel_loop3A_334 = arith.constant 5.000000e-01 : f32
      %parallel_loop3A_335 = vector.broadcast %parallel_loop3A_334 : f32 to vector<16xf32>
      %parallel_loop3A_336 = arith.mulf %parallel_loop3A_333, %parallel_loop3A_335 : vector<16xf32>
      tpu.vector_store_idx %arg10[%parallel_loop3A_332], %parallel_loop3A_336 masked %parallel_loop3A_306 : memref<61452xf32, #tpu.memory_space<vmem>>[vector<16xi32>], vector<16xf32>, vector<16xi1>
    } {sc.loop_unroll_factor = 4 : i64, sc.parallel_access}
    %dma_start3A_135 = arith.constant 40968 : i32
    %dma_start3A_136 = tpu.memref_slice %arg10[%dma_start3A_135] : memref<61452xf32, #tpu.memory_space<vmem>> -> memref<20484xf32, #tpu.memory_space<vmem>>
    %dma_start3A_137 = arith.constant 40968 : i32
    %dma_start3A_138 = tpu.memref_slice %arg5[%select_n3A, %sub3A_92, %dma_start3A_137] : memref<8x128x61452xf32, #tpu.memory_space<hbm>> -> memref<1x1x20484xf32, #tpu.memory_space<hbm>>
    %dma_start3A_139 = tpu.memref_squeeze %dma_start3A_138 : memref<1x1x20484xf32, #tpu.memory_space<hbm>> -> memref<20484xf32, #tpu.memory_space<hbm>>
    %dma_start3A_140 = arith.constant 40968 : i32
    %dma_start3A_141 = tpu.memref_slice %arg5[%select_n3A, %sub3A_92, %dma_start3A_140] : memref<8x128x61452xf32, #tpu.memory_space<hbm>> -> memref<1x1x20484xf32, #tpu.memory_space<hbm>>
    %dma_start3A_142 = tpu.memref_squeeze %dma_start3A_141 : memref<1x1x20484xf32, #tpu.memory_space<hbm>> -> memref<20484xf32, #tpu.memory_space<hbm>>
    %dma_start3A_143 = arith.constant 40968 : i32
    %dma_start3A_144 = tpu.memref_slice %arg10[%dma_start3A_143] : memref<61452xf32, #tpu.memory_space<vmem>> -> memref<20484xf32, #tpu.memory_space<vmem>>
    tpu.enqueue_dma source(%dma_start3A_144 : memref<20484xf32, #tpu.memory_space<vmem>>) target(%dma_start3A_142 : memref<20484xf32, #tpu.memory_space<hbm>>) target_semaphore(%arg14 : memref<!tpu.dma_semaphore, #tpu.memory_space<semaphore_mem>>)
    %add3A_145 = arith.constant 2 : i32
    %add3A_146 = arith.addi %sub3A_92, %add3A_145 : i32
    %dma_start3A_147 = arith.constant 0 : i32
    %dma_start3A_148 = tpu.memref_slice %arg2[%select_n3A, %add3A_146, %dma_start3A_147] : memref<8x128x15372xf32, #tpu.memory_space<hbm>> -> memref<1x1x15372xf32, #tpu.memory_space<hbm>>
    %dma_start3A_149 = tpu.memref_squeeze %dma_start3A_148 : memref<1x1x15372xf32, #tpu.memory_space<hbm>> -> memref<15372xf32, #tpu.memory_space<hbm>>
    %dma_start3A_150 = arith.constant 0 : i32
    %dma_start3A_151 = tpu.memref_slice %arg2[%select_n3A, %add3A_146, %dma_start3A_150] : memref<8x128x15372xf32, #tpu.memory_space<hbm>> -> memref<1x1x15372xf32, #tpu.memory_space<hbm>>
    %dma_start3A_152 = tpu.memref_squeeze %dma_start3A_151 : memref<1x1x15372xf32, #tpu.memory_space<hbm>> -> memref<15372xf32, #tpu.memory_space<hbm>>
    tpu.enqueue_dma source(%dma_start3A_152 : memref<15372xf32, #tpu.memory_space<hbm>>) target(%arg9 : memref<15372xf32, #tpu.memory_space<vmem>>) target_semaphore(%arg12 : memref<!tpu.dma_semaphore, #tpu.memory_space<semaphore_mem>>)
    %add3A_153 = arith.constant 32 : i32
    %add3A_154 = arith.addi %mul3A_32, %add3A_153 : i32
    %sub3A_155 = arith.constant 2 : i32
    %sub3A_156 = arith.subi %add3A_154, %sub3A_155 : i32
    %dma_wait3A_157 = arith.constant 0 : i32
    %dma_wait3A_158 = tpu.memref_slice %arg2[%select_n3A, %sub3A_156, %dma_wait3A_157] : memref<8x128x15372xf32, #tpu.memory_space<hbm>> -> memref<1x1x15372xf32, #tpu.memory_space<hbm>>
    %dma_wait3A_159 = tpu.memref_squeeze %dma_wait3A_158 : memref<1x1x15372xf32, #tpu.memory_space<hbm>> -> memref<15372xf32, #tpu.memory_space<hbm>>
    %dma_wait3A_160 = arith.constant 0 : i32
    %dma_wait3A_161 = tpu.memref_slice %arg2[%select_n3A, %sub3A_156, %dma_wait3A_160] : memref<8x128x15372xf32, #tpu.memory_space<hbm>> -> memref<1x1x15372xf32, #tpu.memory_space<hbm>>
    %dma_wait3A_162 = tpu.memref_squeeze %dma_wait3A_161 : memref<1x1x15372xf32, #tpu.memory_space<hbm>> -> memref<15372xf32, #tpu.memory_space<hbm>>
    tpu.wait_dma2 semaphore(%arg11 : memref<!tpu.dma_semaphore, #tpu.memory_space<semaphore_mem>>) src(%dma_wait3A_162 : memref<15372xf32, #tpu.memory_space<hbm>>) dst(%arg8 : memref<15372xf32, #tpu.memory_space<vmem>>)
    %dma_wait3A_163 = arith.constant 0 : i32
    %dma_wait3A_164 = tpu.memref_slice %arg10[%dma_wait3A_163] : memref<61452xf32, #tpu.memory_space<vmem>> -> memref<40968xf32, #tpu.memory_space<vmem>>
    %dma_wait3A_165 = arith.constant 0 : i32
    %dma_wait3A_166 = tpu.memref_slice %arg5[%select_n3A, %sub3A_156, %dma_wait3A_165] : memref<8x128x61452xf32, #tpu.memory_space<hbm>> -> memref<1x1x40968xf32, #tpu.memory_space<hbm>>
    %dma_wait3A_167 = tpu.memref_squeeze %dma_wait3A_166 : memref<1x1x40968xf32, #tpu.memory_space<hbm>> -> memref<40968xf32, #tpu.memory_space<hbm>>
    %dma_wait3A_168 = arith.constant 0 : i32
    %dma_wait3A_169 = tpu.memref_slice %arg5[%select_n3A, %sub3A_156, %dma_wait3A_168] : memref<8x128x61452xf32, #tpu.memory_space<hbm>> -> memref<1x1x40968xf32, #tpu.memory_space<hbm>>
    %dma_wait3A_170 = tpu.memref_squeeze %dma_wait3A_169 : memref<1x1x40968xf32, #tpu.memory_space<hbm>> -> memref<40968xf32, #tpu.memory_space<hbm>>
    %dma_wait3A_171 = arith.constant 0 : i32
    %dma_wait3A_172 = tpu.memref_slice %arg10[%dma_wait3A_171] : memref<61452xf32, #tpu.memory_space<vmem>> -> memref<40968xf32, #tpu.memory_space<vmem>>
    tpu.wait_dma2 semaphore(%arg13 : memref<!tpu.dma_semaphore, #tpu.memory_space<semaphore_mem>>) src(%dma_wait3A_172 : memref<40968xf32, #tpu.memory_space<vmem>>) dst(%dma_wait3A_170 : memref<40968xf32, #tpu.memory_space<hbm>>)
    %parallel_loop3A_173 = arith.constant 0 : i32
    %parallel_loop3A_174 = arith.constant 641 : i32
    %parallel_loop3A_175 = arith.constant 1 : i32
    scf.for %parallel_loop3A_293 = %parallel_loop3A_173 to %parallel_loop3A_174 step %parallel_loop3A_175  : i32 {
      %parallel_loop3A_294 = arith.constant 16 : i32
      %parallel_loop3A_295 = arith.muli %parallel_loop3A_293, %parallel_loop3A_294 : i32
      %parallel_loop3A_296 = tpu.assume_multiple %parallel_loop3A_295, 16 : i32
      %parallel_loop3A_297 = arith.index_cast %parallel_loop3A_296 : i32 to index
      %parallel_loop3A_298 = tpu.vector_load %arg6[%parallel_loop3A_297] {strides = array<i32>} : memref<10256xi32, #tpu.memory_space<vmem>>, vector<16xi32>,
      %parallel_loop3A_299 = arith.index_cast %parallel_loop3A_296 : i32 to index
      %parallel_loop3A_300 = tpu.vector_load %arg7[%parallel_loop3A_299] {strides = array<i32>} : memref<10256xi32, #tpu.memory_space<vmem>>, vector<16xi32>,
      %parallel_loop3A_301 = tpu.iota {dimensions = array<i32: 0>} : vector<16xi32>
      %parallel_loop3A_302 = vector.broadcast %parallel_loop3A_296 : i32 to vector<16xi32>
      %parallel_loop3A_303 = arith.addi %parallel_loop3A_301, %parallel_loop3A_302 : vector<16xi32>
      %parallel_loop3A_304 = arith.constant 10242 : i32
      %parallel_loop3A_305 = vector.broadcast %parallel_loop3A_304 : i32 to vector<16xi32>
      %parallel_loop3A_306 = arith.cmpi slt, %parallel_loop3A_303, %parallel_loop3A_305 : vector<16xi32>
      %parallel_loop3A_307 = arith.constant 0 : i32
      %parallel_loop3A_308 = vector.broadcast %parallel_loop3A_307 : i32 to vector<16xi32>
      %parallel_loop3A_309 = arith.addi %parallel_loop3A_298, %parallel_loop3A_308 : vector<16xi32>
      %parallel_loop3A_310 = tpu.vector_load_idx %arg8[%parallel_loop3A_309] : memref<15372xf32, #tpu.memory_space<vmem>>[vector<16xi32>], vector<16xf32>,
      %parallel_loop3A_311 = arith.constant 0 : i32
      %parallel_loop3A_312 = vector.broadcast %parallel_loop3A_311 : i32 to vector<16xi32>
      %parallel_loop3A_313 = arith.addi %parallel_loop3A_300, %parallel_loop3A_312 : vector<16xi32>
      %parallel_loop3A_314 = tpu.vector_load_idx %arg8[%parallel_loop3A_313] : memref<15372xf32, #tpu.memory_space<vmem>>[vector<16xi32>], vector<16xf32>,
      %parallel_loop3A_315 = arith.constant 0 : i32
      %parallel_loop3A_316 = vector.broadcast %parallel_loop3A_315 : i32 to vector<16xi32>
      %parallel_loop3A_317 = arith.addi %parallel_loop3A_303, %parallel_loop3A_316 : vector<16xi32>
      %parallel_loop3A_318 = arith.addf %parallel_loop3A_310, %parallel_loop3A_314 : vector<16xf32>
      %parallel_loop3A_319 = arith.constant 5.000000e-01 : f32
      %parallel_loop3A_320 = vector.broadcast %parallel_loop3A_319 : f32 to vector<16xf32>
      %parallel_loop3A_321 = arith.mulf %parallel_loop3A_318, %parallel_loop3A_320 : vector<16xf32>
      tpu.vector_store_idx %arg10[%parallel_loop3A_317], %parallel_loop3A_321 masked %parallel_loop3A_306 : memref<61452xf32, #tpu.memory_space<vmem>>[vector<16xi32>], vector<16xf32>, vector<16xi1>
      %parallel_loop3A_322 = arith.constant 2562 : i32
      %parallel_loop3A_323 = vector.broadcast %parallel_loop3A_322 : i32 to vector<16xi32>
      %parallel_loop3A_324 = arith.addi %parallel_loop3A_298, %parallel_loop3A_323 : vector<16xi32>
      %parallel_loop3A_325 = tpu.vector_load_idx %arg8[%parallel_loop3A_324] : memref<15372xf32, #tpu.memory_space<vmem>>[vector<16xi32>], vector<16xf32>,
      %parallel_loop3A_326 = arith.constant 2562 : i32
      %parallel_loop3A_327 = vector.broadcast %parallel_loop3A_326 : i32 to vector<16xi32>
      %parallel_loop3A_328 = arith.addi %parallel_loop3A_300, %parallel_loop3A_327 : vector<16xi32>
      %parallel_loop3A_329 = tpu.vector_load_idx %arg8[%parallel_loop3A_328] : memref<15372xf32, #tpu.memory_space<vmem>>[vector<16xi32>], vector<16xf32>,
      %parallel_loop3A_330 = arith.constant 10242 : i32
      %parallel_loop3A_331 = vector.broadcast %parallel_loop3A_330 : i32 to vector<16xi32>
      %parallel_loop3A_332 = arith.addi %parallel_loop3A_303, %parallel_loop3A_331 : vector<16xi32>
      %parallel_loop3A_333 = arith.addf %parallel_loop3A_325, %parallel_loop3A_329 : vector<16xf32>
      %parallel_loop3A_334 = arith.constant 5.000000e-01 : f32
      %parallel_loop3A_335 = vector.broadcast %parallel_loop3A_334 : f32 to vector<16xf32>
      %parallel_loop3A_336 = arith.mulf %parallel_loop3A_333, %parallel_loop3A_335 : vector<16xf32>
      tpu.vector_store_idx %arg10[%parallel_loop3A_332], %parallel_loop3A_336 masked %parallel_loop3A_306 : memref<61452xf32, #tpu.memory_space<vmem>>[vector<16xi32>], vector<16xf32>, vector<16xi1>
      %parallel_loop3A_337 = arith.constant 5124 : i32
      %parallel_loop3A_338 = vector.broadcast %parallel_loop3A_337 : i32 to vector<16xi32>
      %parallel_loop3A_339 = arith.addi %parallel_loop3A_298, %parallel_loop3A_338 : vector<16xi32>
      %parallel_loop3A_340 = tpu.vector_load_idx %arg8[%parallel_loop3A_339] : memref<15372xf32, #tpu.memory_space<vmem>>[vector<16xi32>], vector<16xf32>,
      %parallel_loop3A_341 = arith.constant 5124 : i32
      %parallel_loop3A_342 = vector.broadcast %parallel_loop3A_341 : i32 to vector<16xi32>
      %parallel_loop3A_343 = arith.addi %parallel_loop3A_300, %parallel_loop3A_342 : vector<16xi32>
      %parallel_loop3A_344 = tpu.vector_load_idx %arg8[%parallel_loop3A_343] : memref<15372xf32, #tpu.memory_space<vmem>>[vector<16xi32>], vector<16xf32>,
      %parallel_loop3A_345 = arith.constant 20484 : i32
      %parallel_loop3A_346 = vector.broadcast %parallel_loop3A_345 : i32 to vector<16xi32>
      %parallel_loop3A_347 = arith.addi %parallel_loop3A_303, %parallel_loop3A_346 : vector<16xi32>
      %parallel_loop3A_348 = arith.addf %parallel_loop3A_340, %parallel_loop3A_344 : vector<16xf32>
      %parallel_loop3A_349 = arith.constant 5.000000e-01 : f32
      %parallel_loop3A_350 = vector.broadcast %parallel_loop3A_349 : f32 to vector<16xf32>
      %parallel_loop3A_351 = arith.mulf %parallel_loop3A_348, %parallel_loop3A_350 : vector<16xf32>
      tpu.vector_store_idx %arg10[%parallel_loop3A_347], %parallel_loop3A_351 masked %parallel_loop3A_306 : memref<61452xf32, #tpu.memory_space<vmem>>[vector<16xi32>], vector<16xf32>, vector<16xi1>
      %parallel_loop3A_352 = arith.constant 7686 : i32
      %parallel_loop3A_353 = vector.broadcast %parallel_loop3A_352 : i32 to vector<16xi32>
      %parallel_loop3A_354 = arith.addi %parallel_loop3A_298, %parallel_loop3A_353 : vector<16xi32>
      %parallel_loop3A_355 = tpu.vector_load_idx %arg8[%parallel_loop3A_354] : memref<15372xf32, #tpu.memory_space<vmem>>[vector<16xi32>], vector<16xf32>,
      %parallel_loop3A_356 = arith.constant 7686 : i32
      %parallel_loop3A_357 = vector.broadcast %parallel_loop3A_356 : i32 to vector<16xi32>
      %parallel_loop3A_358 = arith.addi %parallel_loop3A_300, %parallel_loop3A_357 : vector<16xi32>
      %parallel_loop3A_359 = tpu.vector_load_idx %arg8[%parallel_loop3A_358] : memref<15372xf32, #tpu.memory_space<vmem>>[vector<16xi32>], vector<16xf32>,
      %parallel_loop3A_360 = arith.constant 30726 : i32
      %parallel_loop3A_361 = vector.broadcast %parallel_loop3A_360 : i32 to vector<16xi32>
      %parallel_loop3A_362 = arith.addi %parallel_loop3A_303, %parallel_loop3A_361 : vector<16xi32>
      %parallel_loop3A_363 = arith.addf %parallel_loop3A_355, %parallel_loop3A_359 : vector<16xf32>
      %parallel_loop3A_364 = arith.constant 5.000000e-01 : f32
      %parallel_loop3A_365 = vector.broadcast %parallel_loop3A_364 : f32 to vector<16xf32>
      %parallel_loop3A_366 = arith.mulf %parallel_loop3A_363, %parallel_loop3A_365 : vector<16xf32>
      tpu.vector_store_idx %arg10[%parallel_loop3A_362], %parallel_loop3A_366 masked %parallel_loop3A_306 : memref<61452xf32, #tpu.memory_space<vmem>>[vector<16xi32>], vector<16xf32>, vector<16xi1>
    } {sc.loop_unroll_factor = 4 : i64, sc.parallel_access}
    %dma_start3A_176 = arith.constant 0 : i32
    %dma_start3A_177 = tpu.memref_slice %arg10[%dma_start3A_176] : memref<61452xf32, #tpu.memory_space<vmem>> -> memref<40968xf32, #tpu.memory_space<vmem>>
    %dma_start3A_178 = arith.constant 0 : i32
    %dma_start3A_179 = tpu.memref_slice %arg5[%select_n3A, %sub3A_156, %dma_start3A_178] : memref<8x128x61452xf32, #tpu.memory_space<hbm>> -> memref<1x1x40968xf32, #tpu.memory_space<hbm>>
    %dma_start3A_180 = tpu.memref_squeeze %dma_start3A_179 : memref<1x1x40968xf32, #tpu.memory_space<hbm>> -> memref<40968xf32, #tpu.memory_space<hbm>>
    %dma_start3A_181 = arith.constant 0 : i32
    %dma_start3A_182 = tpu.memref_slice %arg5[%select_n3A, %sub3A_156, %dma_start3A_181] : memref<8x128x61452xf32, #tpu.memory_space<hbm>> -> memref<1x1x40968xf32, #tpu.memory_space<hbm>>
    %dma_start3A_183 = tpu.memref_squeeze %dma_start3A_182 : memref<1x1x40968xf32, #tpu.memory_space<hbm>> -> memref<40968xf32, #tpu.memory_space<hbm>>
    %dma_start3A_184 = arith.constant 0 : i32
    %dma_start3A_185 = tpu.memref_slice %arg10[%dma_start3A_184] : memref<61452xf32, #tpu.memory_space<vmem>> -> memref<40968xf32, #tpu.memory_space<vmem>>
    tpu.enqueue_dma source(%dma_start3A_185 : memref<40968xf32, #tpu.memory_space<vmem>>) target(%dma_start3A_183 : memref<40968xf32, #tpu.memory_space<hbm>>) target_semaphore(%arg13 : memref<!tpu.dma_semaphore, #tpu.memory_space<semaphore_mem>>)
    %dma_wait3A_186 = arith.constant 40968 : i32
    %dma_wait3A_187 = tpu.memref_slice %arg10[%dma_wait3A_186] : memref<61452xf32, #tpu.memory_space<vmem>> -> memref<20484xf32, #tpu.memory_space<vmem>>
    %dma_wait3A_188 = arith.constant 40968 : i32
    %dma_wait3A_189 = tpu.memref_slice %arg5[%select_n3A, %sub3A_156, %dma_wait3A_188] : memref<8x128x61452xf32, #tpu.memory_space<hbm>> -> memref<1x1x20484xf32, #tpu.memory_space<hbm>>
    %dma_wait3A_190 = tpu.memref_squeeze %dma_wait3A_189 : memref<1x1x20484xf32, #tpu.memory_space<hbm>> -> memref<20484xf32, #tpu.memory_space<hbm>>
    %dma_wait3A_191 = arith.constant 40968 : i32
    %dma_wait3A_192 = tpu.memref_slice %arg5[%select_n3A, %sub3A_156, %dma_wait3A_191] : memref<8x128x61452xf32, #tpu.memory_space<hbm>> -> memref<1x1x20484xf32, #tpu.memory_space<hbm>>
    %dma_wait3A_193 = tpu.memref_squeeze %dma_wait3A_192 : memref<1x1x20484xf32, #tpu.memory_space<hbm>> -> memref<20484xf32, #tpu.memory_space<hbm>>
    %dma_wait3A_194 = arith.constant 40968 : i32
    %dma_wait3A_195 = tpu.memref_slice %arg10[%dma_wait3A_194] : memref<61452xf32, #tpu.memory_space<vmem>> -> memref<20484xf32, #tpu.memory_space<vmem>>
    tpu.wait_dma2 semaphore(%arg14 : memref<!tpu.dma_semaphore, #tpu.memory_space<semaphore_mem>>) src(%dma_wait3A_195 : memref<20484xf32, #tpu.memory_space<vmem>>) dst(%dma_wait3A_193 : memref<20484xf32, #tpu.memory_space<hbm>>)
    %parallel_loop3A_196 = arith.constant 0 : i32
    %parallel_loop3A_197 = arith.constant 641 : i32
    %parallel_loop3A_198 = arith.constant 1 : i32
    scf.for %parallel_loop3A_293 = %parallel_loop3A_196 to %parallel_loop3A_197 step %parallel_loop3A_198  : i32 {
      %parallel_loop3A_294 = arith.constant 16 : i32
      %parallel_loop3A_295 = arith.muli %parallel_loop3A_293, %parallel_loop3A_294 : i32
      %parallel_loop3A_296 = tpu.assume_multiple %parallel_loop3A_295, 16 : i32
      %parallel_loop3A_297 = arith.index_cast %parallel_loop3A_296 : i32 to index
      %parallel_loop3A_298 = tpu.vector_load %arg6[%parallel_loop3A_297] {strides = array<i32>} : memref<10256xi32, #tpu.memory_space<vmem>>, vector<16xi32>,
      %parallel_loop3A_299 = arith.index_cast %parallel_loop3A_296 : i32 to index
      %parallel_loop3A_300 = tpu.vector_load %arg7[%parallel_loop3A_299] {strides = array<i32>} : memref<10256xi32, #tpu.memory_space<vmem>>, vector<16xi32>,
      %parallel_loop3A_301 = tpu.iota {dimensions = array<i32: 0>} : vector<16xi32>
      %parallel_loop3A_302 = vector.broadcast %parallel_loop3A_296 : i32 to vector<16xi32>
      %parallel_loop3A_303 = arith.addi %parallel_loop3A_301, %parallel_loop3A_302 : vector<16xi32>
      %parallel_loop3A_304 = arith.constant 10242 : i32
      %parallel_loop3A_305 = vector.broadcast %parallel_loop3A_304 : i32 to vector<16xi32>
      %parallel_loop3A_306 = arith.cmpi slt, %parallel_loop3A_303, %parallel_loop3A_305 : vector<16xi32>
      %parallel_loop3A_307 = arith.constant 10248 : i32
      %parallel_loop3A_308 = vector.broadcast %parallel_loop3A_307 : i32 to vector<16xi32>
      %parallel_loop3A_309 = arith.addi %parallel_loop3A_298, %parallel_loop3A_308 : vector<16xi32>
      %parallel_loop3A_310 = tpu.vector_load_idx %arg8[%parallel_loop3A_309] : memref<15372xf32, #tpu.memory_space<vmem>>[vector<16xi32>], vector<16xf32>,
      %parallel_loop3A_311 = arith.constant 10248 : i32
      %parallel_loop3A_312 = vector.broadcast %parallel_loop3A_311 : i32 to vector<16xi32>
      %parallel_loop3A_313 = arith.addi %parallel_loop3A_300, %parallel_loop3A_312 : vector<16xi32>
      %parallel_loop3A_314 = tpu.vector_load_idx %arg8[%parallel_loop3A_313] : memref<15372xf32, #tpu.memory_space<vmem>>[vector<16xi32>], vector<16xf32>,
      %parallel_loop3A_315 = arith.constant 40968 : i32
      %parallel_loop3A_316 = vector.broadcast %parallel_loop3A_315 : i32 to vector<16xi32>
      %parallel_loop3A_317 = arith.addi %parallel_loop3A_303, %parallel_loop3A_316 : vector<16xi32>
      %parallel_loop3A_318 = arith.addf %parallel_loop3A_310, %parallel_loop3A_314 : vector<16xf32>
      %parallel_loop3A_319 = arith.constant 5.000000e-01 : f32
      %parallel_loop3A_320 = vector.broadcast %parallel_loop3A_319 : f32 to vector<16xf32>
      %parallel_loop3A_321 = arith.mulf %parallel_loop3A_318, %parallel_loop3A_320 : vector<16xf32>
      tpu.vector_store_idx %arg10[%parallel_loop3A_317], %parallel_loop3A_321 masked %parallel_loop3A_306 : memref<61452xf32, #tpu.memory_space<vmem>>[vector<16xi32>], vector<16xf32>, vector<16xi1>
      %parallel_loop3A_322 = arith.constant 12810 : i32
      %parallel_loop3A_323 = vector.broadcast %parallel_loop3A_322 : i32 to vector<16xi32>
      %parallel_loop3A_324 = arith.addi %parallel_loop3A_298, %parallel_loop3A_323 : vector<16xi32>
      %parallel_loop3A_325 = tpu.vector_load_idx %arg8[%parallel_loop3A_324] : memref<15372xf32, #tpu.memory_space<vmem>>[vector<16xi32>], vector<16xf32>,
      %parallel_loop3A_326 = arith.constant 12810 : i32
      %parallel_loop3A_327 = vector.broadcast %parallel_loop3A_326 : i32 to vector<16xi32>
      %parallel_loop3A_328 = arith.addi %parallel_loop3A_300, %parallel_loop3A_327 : vector<16xi32>
      %parallel_loop3A_329 = tpu.vector_load_idx %arg8[%parallel_loop3A_328] : memref<15372xf32, #tpu.memory_space<vmem>>[vector<16xi32>], vector<16xf32>,
      %parallel_loop3A_330 = arith.constant 51210 : i32
      %parallel_loop3A_331 = vector.broadcast %parallel_loop3A_330 : i32 to vector<16xi32>
      %parallel_loop3A_332 = arith.addi %parallel_loop3A_303, %parallel_loop3A_331 : vector<16xi32>
      %parallel_loop3A_333 = arith.addf %parallel_loop3A_325, %parallel_loop3A_329 : vector<16xf32>
      %parallel_loop3A_334 = arith.constant 5.000000e-01 : f32
      %parallel_loop3A_335 = vector.broadcast %parallel_loop3A_334 : f32 to vector<16xf32>
      %parallel_loop3A_336 = arith.mulf %parallel_loop3A_333, %parallel_loop3A_335 : vector<16xf32>
      tpu.vector_store_idx %arg10[%parallel_loop3A_332], %parallel_loop3A_336 masked %parallel_loop3A_306 : memref<61452xf32, #tpu.memory_space<vmem>>[vector<16xi32>], vector<16xf32>, vector<16xi1>
    } {sc.loop_unroll_factor = 4 : i64, sc.parallel_access}
    %dma_start3A_199 = arith.constant 40968 : i32
    %dma_start3A_200 = tpu.memref_slice %arg10[%dma_start3A_199] : memref<61452xf32, #tpu.memory_space<vmem>> -> memref<20484xf32, #tpu.memory_space<vmem>>
    %dma_start3A_201 = arith.constant 40968 : i32
    %dma_start3A_202 = tpu.memref_slice %arg5[%select_n3A, %sub3A_156, %dma_start3A_201] : memref<8x128x61452xf32, #tpu.memory_space<hbm>> -> memref<1x1x20484xf32, #tpu.memory_space<hbm>>
    %dma_start3A_203 = tpu.memref_squeeze %dma_start3A_202 : memref<1x1x20484xf32, #tpu.memory_space<hbm>> -> memref<20484xf32, #tpu.memory_space<hbm>>
    %dma_start3A_204 = arith.constant 40968 : i32
    %dma_start3A_205 = tpu.memref_slice %arg5[%select_n3A, %sub3A_156, %dma_start3A_204] : memref<8x128x61452xf32, #tpu.memory_space<hbm>> -> memref<1x1x20484xf32, #tpu.memory_space<hbm>>
    %dma_start3A_206 = tpu.memref_squeeze %dma_start3A_205 : memref<1x1x20484xf32, #tpu.memory_space<hbm>> -> memref<20484xf32, #tpu.memory_space<hbm>>
    %dma_start3A_207 = arith.constant 40968 : i32
    %dma_start3A_208 = tpu.memref_slice %arg10[%dma_start3A_207] : memref<61452xf32, #tpu.memory_space<vmem>> -> memref<20484xf32, #tpu.memory_space<vmem>>
    tpu.enqueue_dma source(%dma_start3A_208 : memref<20484xf32, #tpu.memory_space<vmem>>) target(%dma_start3A_206 : memref<20484xf32, #tpu.memory_space<hbm>>) target_semaphore(%arg14 : memref<!tpu.dma_semaphore, #tpu.memory_space<semaphore_mem>>)
    %add3A_209 = arith.constant 32 : i32
    %add3A_210 = arith.addi %mul3A_32, %add3A_209 : i32
    %sub3A_211 = arith.constant 1 : i32
    %sub3A_212 = arith.subi %add3A_210, %sub3A_211 : i32
    %dma_wait3A_213 = arith.constant 0 : i32
    %dma_wait3A_214 = tpu.memref_slice %arg2[%select_n3A, %sub3A_212, %dma_wait3A_213] : memref<8x128x15372xf32, #tpu.memory_space<hbm>> -> memref<1x1x15372xf32, #tpu.memory_space<hbm>>
    %dma_wait3A_215 = tpu.memref_squeeze %dma_wait3A_214 : memref<1x1x15372xf32, #tpu.memory_space<hbm>> -> memref<15372xf32, #tpu.memory_space<hbm>>
    %dma_wait3A_216 = arith.constant 0 : i32
    %dma_wait3A_217 = tpu.memref_slice %arg2[%select_n3A, %sub3A_212, %dma_wait3A_216] : memref<8x128x15372xf32, #tpu.memory_space<hbm>> -> memref<1x1x15372xf32, #tpu.memory_space<hbm>>
    %dma_wait3A_218 = tpu.memref_squeeze %dma_wait3A_217 : memref<1x1x15372xf32, #tpu.memory_space<hbm>> -> memref<15372xf32, #tpu.memory_space<hbm>>
    tpu.wait_dma2 semaphore(%arg12 : memref<!tpu.dma_semaphore, #tpu.memory_space<semaphore_mem>>) src(%dma_wait3A_218 : memref<15372xf32, #tpu.memory_space<hbm>>) dst(%arg9 : memref<15372xf32, #tpu.memory_space<vmem>>)
    %dma_wait3A_219 = arith.constant 0 : i32
    %dma_wait3A_220 = tpu.memref_slice %arg10[%dma_wait3A_219] : memref<61452xf32, #tpu.memory_space<vmem>> -> memref<40968xf32, #tpu.memory_space<vmem>>
    %dma_wait3A_221 = arith.constant 0 : i32
    %dma_wait3A_222 = tpu.memref_slice %arg5[%select_n3A, %sub3A_212, %dma_wait3A_221] : memref<8x128x61452xf32, #tpu.memory_space<hbm>> -> memref<1x1x40968xf32, #tpu.memory_space<hbm>>
    %dma_wait3A_223 = tpu.memref_squeeze %dma_wait3A_222 : memref<1x1x40968xf32, #tpu.memory_space<hbm>> -> memref<40968xf32, #tpu.memory_space<hbm>>
    %dma_wait3A_224 = arith.constant 0 : i32
    %dma_wait3A_225 = tpu.memref_slice %arg5[%select_n3A, %sub3A_212, %dma_wait3A_224] : memref<8x128x61452xf32, #tpu.memory_space<hbm>> -> memref<1x1x40968xf32, #tpu.memory_space<hbm>>
    %dma_wait3A_226 = tpu.memref_squeeze %dma_wait3A_225 : memref<1x1x40968xf32, #tpu.memory_space<hbm>> -> memref<40968xf32, #tpu.memory_space<hbm>>
    %dma_wait3A_227 = arith.constant 0 : i32
    %dma_wait3A_228 = tpu.memref_slice %arg10[%dma_wait3A_227] : memref<61452xf32, #tpu.memory_space<vmem>> -> memref<40968xf32, #tpu.memory_space<vmem>>
    tpu.wait_dma2 semaphore(%arg13 : memref<!tpu.dma_semaphore, #tpu.memory_space<semaphore_mem>>) src(%dma_wait3A_228 : memref<40968xf32, #tpu.memory_space<vmem>>) dst(%dma_wait3A_226 : memref<40968xf32, #tpu.memory_space<hbm>>)
    %parallel_loop3A_229 = arith.constant 0 : i32
    %parallel_loop3A_230 = arith.constant 641 : i32
    %parallel_loop3A_231 = arith.constant 1 : i32
    scf.for %parallel_loop3A_293 = %parallel_loop3A_229 to %parallel_loop3A_230 step %parallel_loop3A_231  : i32 {
      %parallel_loop3A_294 = arith.constant 16 : i32
      %parallel_loop3A_295 = arith.muli %parallel_loop3A_293, %parallel_loop3A_294 : i32
      %parallel_loop3A_296 = tpu.assume_multiple %parallel_loop3A_295, 16 : i32
      %parallel_loop3A_297 = arith.index_cast %parallel_loop3A_296 : i32 to index
      %parallel_loop3A_298 = tpu.vector_load %arg6[%parallel_loop3A_297] {strides = array<i32>} : memref<10256xi32, #tpu.memory_space<vmem>>, vector<16xi32>,
      %parallel_loop3A_299 = arith.index_cast %parallel_loop3A_296 : i32 to index
      %parallel_loop3A_300 = tpu.vector_load %arg7[%parallel_loop3A_299] {strides = array<i32>} : memref<10256xi32, #tpu.memory_space<vmem>>, vector<16xi32>,
      %parallel_loop3A_301 = tpu.iota {dimensions = array<i32: 0>} : vector<16xi32>
      %parallel_loop3A_302 = vector.broadcast %parallel_loop3A_296 : i32 to vector<16xi32>
      %parallel_loop3A_303 = arith.addi %parallel_loop3A_301, %parallel_loop3A_302 : vector<16xi32>
      %parallel_loop3A_304 = arith.constant 10242 : i32
      %parallel_loop3A_305 = vector.broadcast %parallel_loop3A_304 : i32 to vector<16xi32>
      %parallel_loop3A_306 = arith.cmpi slt, %parallel_loop3A_303, %parallel_loop3A_305 : vector<16xi32>
      %parallel_loop3A_307 = arith.constant 0 : i32
      %parallel_loop3A_308 = vector.broadcast %parallel_loop3A_307 : i32 to vector<16xi32>
      %parallel_loop3A_309 = arith.addi %parallel_loop3A_298, %parallel_loop3A_308 : vector<16xi32>
      %parallel_loop3A_310 = tpu.vector_load_idx %arg9[%parallel_loop3A_309] : memref<15372xf32, #tpu.memory_space<vmem>>[vector<16xi32>], vector<16xf32>,
      %parallel_loop3A_311 = arith.constant 0 : i32
      %parallel_loop3A_312 = vector.broadcast %parallel_loop3A_311 : i32 to vector<16xi32>
      %parallel_loop3A_313 = arith.addi %parallel_loop3A_300, %parallel_loop3A_312 : vector<16xi32>
      %parallel_loop3A_314 = tpu.vector_load_idx %arg9[%parallel_loop3A_313] : memref<15372xf32, #tpu.memory_space<vmem>>[vector<16xi32>], vector<16xf32>,
      %parallel_loop3A_315 = arith.constant 0 : i32
      %parallel_loop3A_316 = vector.broadcast %parallel_loop3A_315 : i32 to vector<16xi32>
      %parallel_loop3A_317 = arith.addi %parallel_loop3A_303, %parallel_loop3A_316 : vector<16xi32>
      %parallel_loop3A_318 = arith.addf %parallel_loop3A_310, %parallel_loop3A_314 : vector<16xf32>
      %parallel_loop3A_319 = arith.constant 5.000000e-01 : f32
      %parallel_loop3A_320 = vector.broadcast %parallel_loop3A_319 : f32 to vector<16xf32>
      %parallel_loop3A_321 = arith.mulf %parallel_loop3A_318, %parallel_loop3A_320 : vector<16xf32>
      tpu.vector_store_idx %arg10[%parallel_loop3A_317], %parallel_loop3A_321 masked %parallel_loop3A_306 : memref<61452xf32, #tpu.memory_space<vmem>>[vector<16xi32>], vector<16xf32>, vector<16xi1>
      %parallel_loop3A_322 = arith.constant 2562 : i32
      %parallel_loop3A_323 = vector.broadcast %parallel_loop3A_322 : i32 to vector<16xi32>
      %parallel_loop3A_324 = arith.addi %parallel_loop3A_298, %parallel_loop3A_323 : vector<16xi32>
      %parallel_loop3A_325 = tpu.vector_load_idx %arg9[%parallel_loop3A_324] : memref<15372xf32, #tpu.memory_space<vmem>>[vector<16xi32>], vector<16xf32>,
      %parallel_loop3A_326 = arith.constant 2562 : i32
      %parallel_loop3A_327 = vector.broadcast %parallel_loop3A_326 : i32 to vector<16xi32>
      %parallel_loop3A_328 = arith.addi %parallel_loop3A_300, %parallel_loop3A_327 : vector<16xi32>
      %parallel_loop3A_329 = tpu.vector_load_idx %arg9[%parallel_loop3A_328] : memref<15372xf32, #tpu.memory_space<vmem>>[vector<16xi32>], vector<16xf32>,
      %parallel_loop3A_330 = arith.constant 10242 : i32
      %parallel_loop3A_331 = vector.broadcast %parallel_loop3A_330 : i32 to vector<16xi32>
      %parallel_loop3A_332 = arith.addi %parallel_loop3A_303, %parallel_loop3A_331 : vector<16xi32>
      %parallel_loop3A_333 = arith.addf %parallel_loop3A_325, %parallel_loop3A_329 : vector<16xf32>
      %parallel_loop3A_334 = arith.constant 5.000000e-01 : f32
      %parallel_loop3A_335 = vector.broadcast %parallel_loop3A_334 : f32 to vector<16xf32>
      %parallel_loop3A_336 = arith.mulf %parallel_loop3A_333, %parallel_loop3A_335 : vector<16xf32>
      tpu.vector_store_idx %arg10[%parallel_loop3A_332], %parallel_loop3A_336 masked %parallel_loop3A_306 : memref<61452xf32, #tpu.memory_space<vmem>>[vector<16xi32>], vector<16xf32>, vector<16xi1>
      %parallel_loop3A_337 = arith.constant 5124 : i32
      %parallel_loop3A_338 = vector.broadcast %parallel_loop3A_337 : i32 to vector<16xi32>
      %parallel_loop3A_339 = arith.addi %parallel_loop3A_298, %parallel_loop3A_338 : vector<16xi32>
      %parallel_loop3A_340 = tpu.vector_load_idx %arg9[%parallel_loop3A_339] : memref<15372xf32, #tpu.memory_space<vmem>>[vector<16xi32>], vector<16xf32>,
      %parallel_loop3A_341 = arith.constant 5124 : i32
      %parallel_loop3A_342 = vector.broadcast %parallel_loop3A_341 : i32 to vector<16xi32>
      %parallel_loop3A_343 = arith.addi %parallel_loop3A_300, %parallel_loop3A_342 : vector<16xi32>
      %parallel_loop3A_344 = tpu.vector_load_idx %arg9[%parallel_loop3A_343] : memref<15372xf32, #tpu.memory_space<vmem>>[vector<16xi32>], vector<16xf32>,
      %parallel_loop3A_345 = arith.constant 20484 : i32
      %parallel_loop3A_346 = vector.broadcast %parallel_loop3A_345 : i32 to vector<16xi32>
      %parallel_loop3A_347 = arith.addi %parallel_loop3A_303, %parallel_loop3A_346 : vector<16xi32>
      %parallel_loop3A_348 = arith.addf %parallel_loop3A_340, %parallel_loop3A_344 : vector<16xf32>
      %parallel_loop3A_349 = arith.constant 5.000000e-01 : f32
      %parallel_loop3A_350 = vector.broadcast %parallel_loop3A_349 : f32 to vector<16xf32>
      %parallel_loop3A_351 = arith.mulf %parallel_loop3A_348, %parallel_loop3A_350 : vector<16xf32>
      tpu.vector_store_idx %arg10[%parallel_loop3A_347], %parallel_loop3A_351 masked %parallel_loop3A_306 : memref<61452xf32, #tpu.memory_space<vmem>>[vector<16xi32>], vector<16xf32>, vector<16xi1>
      %parallel_loop3A_352 = arith.constant 7686 : i32
      %parallel_loop3A_353 = vector.broadcast %parallel_loop3A_352 : i32 to vector<16xi32>
      %parallel_loop3A_354 = arith.addi %parallel_loop3A_298, %parallel_loop3A_353 : vector<16xi32>
      %parallel_loop3A_355 = tpu.vector_load_idx %arg9[%parallel_loop3A_354] : memref<15372xf32, #tpu.memory_space<vmem>>[vector<16xi32>], vector<16xf32>,
      %parallel_loop3A_356 = arith.constant 7686 : i32
      %parallel_loop3A_357 = vector.broadcast %parallel_loop3A_356 : i32 to vector<16xi32>
      %parallel_loop3A_358 = arith.addi %parallel_loop3A_300, %parallel_loop3A_357 : vector<16xi32>
      %parallel_loop3A_359 = tpu.vector_load_idx %arg9[%parallel_loop3A_358] : memref<15372xf32, #tpu.memory_space<vmem>>[vector<16xi32>], vector<16xf32>,
      %parallel_loop3A_360 = arith.constant 30726 : i32
      %parallel_loop3A_361 = vector.broadcast %parallel_loop3A_360 : i32 to vector<16xi32>
      %parallel_loop3A_362 = arith.addi %parallel_loop3A_303, %parallel_loop3A_361 : vector<16xi32>
      %parallel_loop3A_363 = arith.addf %parallel_loop3A_355, %parallel_loop3A_359 : vector<16xf32>
      %parallel_loop3A_364 = arith.constant 5.000000e-01 : f32
      %parallel_loop3A_365 = vector.broadcast %parallel_loop3A_364 : f32 to vector<16xf32>
      %parallel_loop3A_366 = arith.mulf %parallel_loop3A_363, %parallel_loop3A_365 : vector<16xf32>
      tpu.vector_store_idx %arg10[%parallel_loop3A_362], %parallel_loop3A_366 masked %parallel_loop3A_306 : memref<61452xf32, #tpu.memory_space<vmem>>[vector<16xi32>], vector<16xf32>, vector<16xi1>
    } {sc.loop_unroll_factor = 4 : i64, sc.parallel_access}
    %dma_start3A_232 = arith.constant 0 : i32
    %dma_start3A_233 = tpu.memref_slice %arg10[%dma_start3A_232] : memref<61452xf32, #tpu.memory_space<vmem>> -> memref<40968xf32, #tpu.memory_space<vmem>>
    %dma_start3A_234 = arith.constant 0 : i32
    %dma_start3A_235 = tpu.memref_slice %arg5[%select_n3A, %sub3A_212, %dma_start3A_234] : memref<8x128x61452xf32, #tpu.memory_space<hbm>> -> memref<1x1x40968xf32, #tpu.memory_space<hbm>>
    %dma_start3A_236 = tpu.memref_squeeze %dma_start3A_235 : memref<1x1x40968xf32, #tpu.memory_space<hbm>> -> memref<40968xf32, #tpu.memory_space<hbm>>
    %dma_start3A_237 = arith.constant 0 : i32
    %dma_start3A_238 = tpu.memref_slice %arg5[%select_n3A, %sub3A_212, %dma_start3A_237] : memref<8x128x61452xf32, #tpu.memory_space<hbm>> -> memref<1x1x40968xf32, #tpu.memory_space<hbm>>
    %dma_start3A_239 = tpu.memref_squeeze %dma_start3A_238 : memref<1x1x40968xf32, #tpu.memory_space<hbm>> -> memref<40968xf32, #tpu.memory_space<hbm>>
    %dma_start3A_240 = arith.constant 0 : i32
    %dma_start3A_241 = tpu.memref_slice %arg10[%dma_start3A_240] : memref<61452xf32, #tpu.memory_space<vmem>> -> memref<40968xf32, #tpu.memory_space<vmem>>
    tpu.enqueue_dma source(%dma_start3A_241 : memref<40968xf32, #tpu.memory_space<vmem>>) target(%dma_start3A_239 : memref<40968xf32, #tpu.memory_space<hbm>>) target_semaphore(%arg13 : memref<!tpu.dma_semaphore, #tpu.memory_space<semaphore_mem>>)
    %dma_wait3A_242 = arith.constant 40968 : i32
    %dma_wait3A_243 = tpu.memref_slice %arg10[%dma_wait3A_242] : memref<61452xf32, #tpu.memory_space<vmem>> -> memref<20484xf32, #tpu.memory_space<vmem>>
    %dma_wait3A_244 = arith.constant 40968 : i32
    %dma_wait3A_245 = tpu.memref_slice %arg5[%select_n3A, %sub3A_212, %dma_wait3A_244] : memref<8x128x61452xf32, #tpu.memory_space<hbm>> -> memref<1x1x20484xf32, #tpu.memory_space<hbm>>
    %dma_wait3A_246 = tpu.memref_squeeze %dma_wait3A_245 : memref<1x1x20484xf32, #tpu.memory_space<hbm>> -> memref<20484xf32, #tpu.memory_space<hbm>>
    %dma_wait3A_247 = arith.constant 40968 : i32
    %dma_wait3A_248 = tpu.memref_slice %arg5[%select_n3A, %sub3A_212, %dma_wait3A_247] : memref<8x128x61452xf32, #tpu.memory_space<hbm>> -> memref<1x1x20484xf32, #tpu.memory_space<hbm>>
    %dma_wait3A_249 = tpu.memref_squeeze %dma_wait3A_248 : memref<1x1x20484xf32, #tpu.memory_space<hbm>> -> memref<20484xf32, #tpu.memory_space<hbm>>
    %dma_wait3A_250 = arith.constant 40968 : i32
    %dma_wait3A_251 = tpu.memref_slice %arg10[%dma_wait3A_250] : memref<61452xf32, #tpu.memory_space<vmem>> -> memref<20484xf32, #tpu.memory_space<vmem>>
    tpu.wait_dma2 semaphore(%arg14 : memref<!tpu.dma_semaphore, #tpu.memory_space<semaphore_mem>>) src(%dma_wait3A_251 : memref<20484xf32, #tpu.memory_space<vmem>>) dst(%dma_wait3A_249 : memref<20484xf32, #tpu.memory_space<hbm>>)
    %parallel_loop3A_252 = arith.constant 0 : i32
    %parallel_loop3A_253 = arith.constant 641 : i32
    %parallel_loop3A_254 = arith.constant 1 : i32
    scf.for %parallel_loop3A_293 = %parallel_loop3A_252 to %parallel_loop3A_253 step %parallel_loop3A_254  : i32 {
      %parallel_loop3A_294 = arith.constant 16 : i32
      %parallel_loop3A_295 = arith.muli %parallel_loop3A_293, %parallel_loop3A_294 : i32
      %parallel_loop3A_296 = tpu.assume_multiple %parallel_loop3A_295, 16 : i32
      %parallel_loop3A_297 = arith.index_cast %parallel_loop3A_296 : i32 to index
      %parallel_loop3A_298 = tpu.vector_load %arg6[%parallel_loop3A_297] {strides = array<i32>} : memref<10256xi32, #tpu.memory_space<vmem>>, vector<16xi32>,
      %parallel_loop3A_299 = arith.index_cast %parallel_loop3A_296 : i32 to index
      %parallel_loop3A_300 = tpu.vector_load %arg7[%parallel_loop3A_299] {strides = array<i32>} : memref<10256xi32, #tpu.memory_space<vmem>>, vector<16xi32>,
      %parallel_loop3A_301 = tpu.iota {dimensions = array<i32: 0>} : vector<16xi32>
      %parallel_loop3A_302 = vector.broadcast %parallel_loop3A_296 : i32 to vector<16xi32>
      %parallel_loop3A_303 = arith.addi %parallel_loop3A_301, %parallel_loop3A_302 : vector<16xi32>
      %parallel_loop3A_304 = arith.constant 10242 : i32
      %parallel_loop3A_305 = vector.broadcast %parallel_loop3A_304 : i32 to vector<16xi32>
      %parallel_loop3A_306 = arith.cmpi slt, %parallel_loop3A_303, %parallel_loop3A_305 : vector<16xi32>
      %parallel_loop3A_307 = arith.constant 10248 : i32
      %parallel_loop3A_308 = vector.broadcast %parallel_loop3A_307 : i32 to vector<16xi32>
      %parallel_loop3A_309 = arith.addi %parallel_loop3A_298, %parallel_loop3A_308 : vector<16xi32>
      %parallel_loop3A_310 = tpu.vector_load_idx %arg9[%parallel_loop3A_309] : memref<15372xf32, #tpu.memory_space<vmem>>[vector<16xi32>], vector<16xf32>,
      %parallel_loop3A_311 = arith.constant 10248 : i32
      %parallel_loop3A_312 = vector.broadcast %parallel_loop3A_311 : i32 to vector<16xi32>
      %parallel_loop3A_313 = arith.addi %parallel_loop3A_300, %parallel_loop3A_312 : vector<16xi32>
      %parallel_loop3A_314 = tpu.vector_load_idx %arg9[%parallel_loop3A_313] : memref<15372xf32, #tpu.memory_space<vmem>>[vector<16xi32>], vector<16xf32>,
      %parallel_loop3A_315 = arith.constant 40968 : i32
      %parallel_loop3A_316 = vector.broadcast %parallel_loop3A_315 : i32 to vector<16xi32>
      %parallel_loop3A_317 = arith.addi %parallel_loop3A_303, %parallel_loop3A_316 : vector<16xi32>
      %parallel_loop3A_318 = arith.addf %parallel_loop3A_310, %parallel_loop3A_314 : vector<16xf32>
      %parallel_loop3A_319 = arith.constant 5.000000e-01 : f32
      %parallel_loop3A_320 = vector.broadcast %parallel_loop3A_319 : f32 to vector<16xf32>
      %parallel_loop3A_321 = arith.mulf %parallel_loop3A_318, %parallel_loop3A_320 : vector<16xf32>
      tpu.vector_store_idx %arg10[%parallel_loop3A_317], %parallel_loop3A_321 masked %parallel_loop3A_306 : memref<61452xf32, #tpu.memory_space<vmem>>[vector<16xi32>], vector<16xf32>, vector<16xi1>
      %parallel_loop3A_322 = arith.constant 12810 : i32
      %parallel_loop3A_323 = vector.broadcast %parallel_loop3A_322 : i32 to vector<16xi32>
      %parallel_loop3A_324 = arith.addi %parallel_loop3A_298, %parallel_loop3A_323 : vector<16xi32>
      %parallel_loop3A_325 = tpu.vector_load_idx %arg9[%parallel_loop3A_324] : memref<15372xf32, #tpu.memory_space<vmem>>[vector<16xi32>], vector<16xf32>,
      %parallel_loop3A_326 = arith.constant 12810 : i32
      %parallel_loop3A_327 = vector.broadcast %parallel_loop3A_326 : i32 to vector<16xi32>
      %parallel_loop3A_328 = arith.addi %parallel_loop3A_300, %parallel_loop3A_327 : vector<16xi32>
      %parallel_loop3A_329 = tpu.vector_load_idx %arg9[%parallel_loop3A_328] : memref<15372xf32, #tpu.memory_space<vmem>>[vector<16xi32>], vector<16xf32>,
      %parallel_loop3A_330 = arith.constant 51210 : i32
      %parallel_loop3A_331 = vector.broadcast %parallel_loop3A_330 : i32 to vector<16xi32>
      %parallel_loop3A_332 = arith.addi %parallel_loop3A_303, %parallel_loop3A_331 : vector<16xi32>
      %parallel_loop3A_333 = arith.addf %parallel_loop3A_325, %parallel_loop3A_329 : vector<16xf32>
      %parallel_loop3A_334 = arith.constant 5.000000e-01 : f32
      %parallel_loop3A_335 = vector.broadcast %parallel_loop3A_334 : f32 to vector<16xf32>
      %parallel_loop3A_336 = arith.mulf %parallel_loop3A_333, %parallel_loop3A_335 : vector<16xf32>
      tpu.vector_store_idx %arg10[%parallel_loop3A_332], %parallel_loop3A_336 masked %parallel_loop3A_306 : memref<61452xf32, #tpu.memory_space<vmem>>[vector<16xi32>], vector<16xf32>, vector<16xi1>
    } {sc.loop_unroll_factor = 4 : i64, sc.parallel_access}
    %dma_start3A_255 = arith.constant 40968 : i32
    %dma_start3A_256 = tpu.memref_slice %arg10[%dma_start3A_255] : memref<61452xf32, #tpu.memory_space<vmem>> -> memref<20484xf32, #tpu.memory_space<vmem>>
    %dma_start3A_257 = arith.constant 40968 : i32
    %dma_start3A_258 = tpu.memref_slice %arg5[%select_n3A, %sub3A_212, %dma_start3A_257] : memref<8x128x61452xf32, #tpu.memory_space<hbm>> -> memref<1x1x20484xf32, #tpu.memory_space<hbm>>
    %dma_start3A_259 = tpu.memref_squeeze %dma_start3A_258 : memref<1x1x20484xf32, #tpu.memory_space<hbm>> -> memref<20484xf32, #tpu.memory_space<hbm>>
    %dma_start3A_260 = arith.constant 40968 : i32
    %dma_start3A_261 = tpu.memref_slice %arg5[%select_n3A, %sub3A_212, %dma_start3A_260] : memref<8x128x61452xf32, #tpu.memory_space<hbm>> -> memref<1x1x20484xf32, #tpu.memory_space<hbm>>
    %dma_start3A_262 = tpu.memref_squeeze %dma_start3A_261 : memref<1x1x20484xf32, #tpu.memory_space<hbm>> -> memref<20484xf32, #tpu.memory_space<hbm>>
    %dma_start3A_263 = arith.constant 40968 : i32
    %dma_start3A_264 = tpu.memref_slice %arg10[%dma_start3A_263] : memref<61452xf32, #tpu.memory_space<vmem>> -> memref<20484xf32, #tpu.memory_space<vmem>>
    tpu.enqueue_dma source(%dma_start3A_264 : memref<20484xf32, #tpu.memory_space<vmem>>) target(%dma_start3A_262 : memref<20484xf32, #tpu.memory_space<hbm>>) target_semaphore(%arg14 : memref<!tpu.dma_semaphore, #tpu.memory_space<semaphore_mem>>)
    %add3A_265 = arith.constant 32 : i32
    %add3A_266 = arith.addi %mul3A_32, %add3A_265 : i32
    %sub3A_267 = arith.constant 1 : i32
    %sub3A_268 = arith.subi %add3A_266, %sub3A_267 : i32
    %dma_wait3A_269 = arith.constant 0 : i32
    %dma_wait3A_270 = tpu.memref_slice %arg10[%dma_wait3A_269] : memref<61452xf32, #tpu.memory_space<vmem>> -> memref<40968xf32, #tpu.memory_space<vmem>>
    %dma_wait3A_271 = arith.constant 0 : i32
    %dma_wait3A_272 = tpu.memref_slice %arg5[%select_n3A, %sub3A_268, %dma_wait3A_271] : memref<8x128x61452xf32, #tpu.memory_space<hbm>> -> memref<1x1x40968xf32, #tpu.memory_space<hbm>>
    %dma_wait3A_273 = tpu.memref_squeeze %dma_wait3A_272 : memref<1x1x40968xf32, #tpu.memory_space<hbm>> -> memref<40968xf32, #tpu.memory_space<hbm>>
    %dma_wait3A_274 = arith.constant 0 : i32
    %dma_wait3A_275 = tpu.memref_slice %arg5[%select_n3A, %sub3A_268, %dma_wait3A_274] : memref<8x128x61452xf32, #tpu.memory_space<hbm>> -> memref<1x1x40968xf32, #tpu.memory_space<hbm>>
    %dma_wait3A_276 = tpu.memref_squeeze %dma_wait3A_275 : memref<1x1x40968xf32, #tpu.memory_space<hbm>> -> memref<40968xf32, #tpu.memory_space<hbm>>
    %dma_wait3A_277 = arith.constant 0 : i32
    %dma_wait3A_278 = tpu.memref_slice %arg10[%dma_wait3A_277] : memref<61452xf32, #tpu.memory_space<vmem>> -> memref<40968xf32, #tpu.memory_space<vmem>>
    tpu.wait_dma2 semaphore(%arg13 : memref<!tpu.dma_semaphore, #tpu.memory_space<semaphore_mem>>) src(%dma_wait3A_278 : memref<40968xf32, #tpu.memory_space<vmem>>) dst(%dma_wait3A_276 : memref<40968xf32, #tpu.memory_space<hbm>>)
    %add3A_279 = arith.constant 32 : i32
    %add3A_280 = arith.addi %mul3A_32, %add3A_279 : i32
    %sub3A_281 = arith.constant 1 : i32
    %sub3A_282 = arith.subi %add3A_280, %sub3A_281 : i32
    %dma_wait3A_283 = arith.constant 40968 : i32
    %dma_wait3A_284 = tpu.memref_slice %arg10[%dma_wait3A_283] : memref<61452xf32, #tpu.memory_space<vmem>> -> memref<20484xf32, #tpu.memory_space<vmem>>
    %dma_wait3A_285 = arith.constant 40968 : i32
    %dma_wait3A_286 = tpu.memref_slice %arg5[%select_n3A, %sub3A_282, %dma_wait3A_285] : memref<8x128x61452xf32, #tpu.memory_space<hbm>> -> memref<1x1x20484xf32, #tpu.memory_space<hbm>>
    %dma_wait3A_287 = tpu.memref_squeeze %dma_wait3A_286 : memref<1x1x20484xf32, #tpu.memory_space<hbm>> -> memref<20484xf32, #tpu.memory_space<hbm>>
    %dma_wait3A_288 = arith.constant 40968 : i32
    %dma_wait3A_289 = tpu.memref_slice %arg5[%select_n3A, %sub3A_282, %dma_wait3A_288] : memref<8x128x61452xf32, #tpu.memory_space<hbm>> -> memref<1x1x20484xf32, #tpu.memory_space<hbm>>
    %dma_wait3A_290 = tpu.memref_squeeze %dma_wait3A_289 : memref<1x1x20484xf32, #tpu.memory_space<hbm>> -> memref<20484xf32, #tpu.memory_space<hbm>>
    %dma_wait3A_291 = arith.constant 40968 : i32
    %dma_wait3A_292 = tpu.memref_slice %arg10[%dma_wait3A_291] : memref<61452xf32, #tpu.memory_space<vmem>> -> memref<20484xf32, #tpu.memory_space<vmem>>
    tpu.wait_dma2 semaphore(%arg14 : memref<!tpu.dma_semaphore, #tpu.memory_space<semaphore_mem>>) src(%dma_wait3A_292 : memref<20484xf32, #tpu.memory_space<vmem>>) dst(%dma_wait3A_290 : memref<20484xf32, #tpu.memory_space<hbm>>)
    return
  }
}

</mosaic_0001>

<sc_bundles>
// kernel: kernel.3.cloned.1.call-start
scs
__scs_entry_jumppad:
0x0: {  	(pc) =	sbr.rel $0x88, $3  }
0x1: {  	(tag) =	ssettag $0x0;
	lr =	simm.s32 $0x1  }
0x2: {  	[smem:$0x3F9F] =	sst lr;
	_ =	strace $0xD0000000  }
0x3: {  	_ = 	snop  }
0x4: {  	_ = 	snop  }
0x5: {  	_ = 	snop  }
0x6: {  	_ = 	snop  }
0x7: {  	_ = 	snop  }
__scs_overlays_trampoline_lowered:
0x8: {  	[smem:$0x3FAE] =	sst s0  }
0x9: {  	[smem:$0x3FAF] =	sst s1  }
0xa: {  	[smem:$0x3FB0] =	sst s2  }
0xb: {  	[smem:$0x3FB1] =	sst s3  }
0xc: {  	[smem:$0x3FB2] =	sst s4  }
0xd: {  	[smem:$0x3FB3] =	sst s5  }
0xe: {  	[smem:$0x3FB4] =	sst s6  }
0xf: {  	[smem:$0x3FB5] =	sst s7  }
0x10: {  	[smem:$0x3FB6] =	sst s8  }
0x11: {  	[smem:$0x3FB7] =	sst s9;
	s0 =	simm.s32 @!p0 $0x0  }
0x12: {  	s1 =	sld [smem:$0x3F9D];
	s0 =	simm.s32 @p0 $0x1  }
0x13: {  	[smem:$0x3FB8] =	sst s0;
	s0 =	simm.s32 @!p1 $0x0  }
0x14: {  	s2 =	sld [smem:$0x3F9C];
	s0 =	simm.s32 @p1 $0x1  }
0x15: {  	[smem:$0x3FB9] =	sst s0;
	s0 =	simm.s32 @!p2 $0x0  }
0x16: {  	s3 =	sld [smem:$0x3FDB];
	s0 =	simm.s32 @p2 $0x1  }
0x17: {  	s4 =	simm.s32 $0x1BF5;
	[smem:$0x3FBB] =	sst s0  }
0x18: {  	s0 =	sld [smem:$0x3F9E];
	_ =	swait.ge [sflag:s4], $0x0  }
0x19: {  	s7 =	sld [smem:$0x3F9F]  }
0x1a: {  	s8 =	sadd.s32 $0xFFFFE003, lr  }
0x1b: {  	s9 =	sadd.s32 $0xFFFFFEF7, lr;
	s5 =	simm.s32 $0xFFFFFFFF;
	p2 =	slt.u32 s8, $0xFFFFF086  }
0x1c: {  	p1 =	slt.u32 s9, $0xF7A;
	s5 =	simm.s32 @!p2 $0x0  }
0x1d: {  	s5 =	simm.s32 @p1 $0x1;
	p0 =	seq.s32 s7, s2  }
0x1e: {  	s7 =	smul.u32 @!p0 $0xF7A, s2;
	p2 =	seq.s32 @!p0 s5, $0x0  }
0x1f: {  	s9 =	smul.u32 $0xF7A, s1;
	s8 =	simm.s32 @!p0 $0x1BF5;
	p2 =	por !p2, p0  }
0x20: {  	[sflag:s8] =	ssyncset.s32 @!p0 $0xFFFFF086;
	s6 =	sadd.s32 @!p0 s3, s7;
	s7 =	simm.s32 @!p0 $0x108  }
0x21: {  	s3 =	sadd.s32 s3, s9;
	s6 =	sadd.s32 @!p0 $0x88, s6;
	s7 =	simm.s32 @p2 $0x1082  }
0x22: {  	[simem:s7], [sflag:s8] =	dma.local @!p0 [hbm:s6], $0xF7A  }
0x23: {  	s9 =	sor.u32 $0xD0000000, s2;
	s6 =	simm.s32 $0x108;
	_ =	swait.ge @!p0 [sflag:s8], $0x0  }
0x24: {  	s3 =	sadd.s32 $0x88, s3;
	s6 =	simm.s32 @!p1 $0x1082;
	[sflag:s4] =	ssyncset.s32 $0xFFFFF086  }
0x25: {  	[simem:s6], [sflag:s4] =	dma.local [hbm:s3], $0xF7A  }
0x26: {  	[smem:$0x3F9F] =	sst s1;
	(tag) =	ssettag s2;
	_ =	strace s9  }
0x27: {  	s1 =	sld [smem:$0x3FAF]  }
0x28: {  	s2 =	sld [smem:$0x3FB0]  }
0x29: {  	s4 =	sld [smem:$0x3FB2]  }
0x2a: {  	p0 =	seq.s32 s5, $0x0;
	s5 =	sld [smem:$0x3FB3]  }
0x2b: {  	s6 =	sld [smem:$0x3FB4]  }
0x2c: {  	s7 =	sld [smem:$0x3FB5]  }
0x2d: {  	s3 =	simm.s32 $0x108;
	s8 =	sld [smem:$0x3FB6]  }
0x2e: {  	s3 =	simm.s32 @!p0 $0x1082;
	s9 =	sld [smem:$0x3FB7]  }
0x2f: {  	lr =	sadd.s32 s0, s3;
	s0 =	sld [smem:$0x3FAE]  }
0x30: {  	s3 =	sld [smem:$0x3FB1]  }
0x31: {  	[smem:$0x3FBA] =	sst s10  }
0x32: {  	s10 =	sld [smem:$0x3FB8];
	_ =	sdelay $0x3  }
0x33: {  	p0 =	seq.s32 s10, $0x1;
	s10 =	sld [smem:$0x3FBA];
	_ =	sdelay $0x3  }
0x34: {  	[smem:$0x3FBA] =	sst s10  }
0x35: {  	s10 =	sld [smem:$0x3FB9];
	_ =	sdelay $0x3  }
0x36: {  	p1 =	seq.s32 s10, $0x1;
	s10 =	sld [smem:$0x3FBA];
	_ =	sdelay $0x3  }
0x37: {  	[smem:$0x3FBA] =	sst s10  }
0x38: {  	s10 =	sld [smem:$0x3FBB]  }
0x39: {  	_ = 	snop;
	(pc) =	sbr.ind lr, $3  }
0x3a: {  	_ = 	snop  }
0x3b: {  	_ = 	snop  }
0x3c: {  	p2 =	seq.s32 s10, $0x1;
	s10 =	sld [smem:$0x3FBA]  }
0x3d: {  	_ =	shalt  }
0x3e: {  	_ =	shalt  }
0x3f: {  	_ =	shalt  }
0x40: {  	_ =	shalt  }
0x41: {  	_ =	shalt  }
0x42: {  	_ =	shalt  }
0x43: {  	_ =	shalt  }
0x44: {  	_ =	shalt  }
0x45: {  	_ =	shalt  }
0x46: {  	_ =	shalt  }
0x47: {  	_ =	shalt  }
0x48: {  	_ =	shalt  }
0x49: {  	_ =	shalt  }
0x4a: {  	_ =	shalt  }
0x4b: {  	_ =	shalt  }
0x4c: {  	_ =	shalt  }
0x4d: {  	_ =	shalt  }
0x4e: {  	_ =	shalt  }
0x4f: {  	_ =	shalt  }
0x50: {  	_ =	shalt  }
0x51: {  	_ =	shalt  }
0x52: {  	_ =	shalt  }
0x53: {  	_ =	shalt  }
0x54: {  	_ =	shalt  }
0x55: {  	_ =	shalt  }
0x56: {  	_ =	shalt  }
0x57: {  	_ =	shalt  }
0x58: {  	_ =	shalt  }
0x59: {  	_ =	shalt  }
0x5a: {  	_ =	shalt  }
0x5b: {  	_ =	shalt  }
0x5c: {  	_ =	shalt  }
0x5d: {  	_ =	shalt  }
0x5e: {  	_ =	shalt  }
0x5f: {  	_ =	shalt  }
0x60: {  	_ =	shalt  }
0x61: {  	_ =	shalt  }
0x62: {  	_ =	shalt  }
0x63: {  	_ =	shalt  }
0x64: {  	_ =	shalt  }
0x65: {  	_ =	shalt  }
0x66: {  	_ =	shalt  }
0x67: {  	_ =	shalt  }
0x68: {  	_ =	shalt  }
0x69: {  	_ =	shalt  }
0x6a: {  	_ =	shalt  }
0x6b: {  	_ =	shalt  }
0x6c: {  	_ =	shalt  }
0x6d: {  	_ =	shalt  }
0x6e: {  	_ =	shalt  }
0x6f: {  	_ =	shalt  }
0x70: {  	_ =	shalt  }
0x71: {  	_ =	shalt  }
0x72: {  	_ =	shalt  }
0x73: {  	_ =	shalt  }
0x74: {  	_ =	shalt  }
0x75: {  	_ =	shalt  }
0x76: {  	_ =	shalt  }
0x77: {  	_ =	shalt  }
0x78: {  	_ =	shalt  }
0x79: {  	_ =	shalt  }
0x7a: {  	_ =	shalt  }
0x7b: {  	_ =	shalt  }
0x7c: {  	_ =	shalt  }
0x7d: {  	_ =	shalt  }
0x7e: {  	_ =	shalt  }
0x7f: {  	_ =	shalt  }
0x80: {  	_ =	shalt  }
0x81: {  	_ =	shalt  }
0x82: {  	_ =	shalt  }
0x83: {  	_ =	shalt  }
0x84: {  	_ =	shalt  }
0x85: {  	_ =	shalt  }
0x86: {  	_ =	shalt  }
0x87: {  	_ =	shalt  }
.Lfunc_end0:
.L_simem_size_0:
called_computation.1_lowered:
.L_overlay_start_0:
0x88: {  	s2 =	sld [smem:$0x3FD9]  }
0x89: {  	s3 =	sld [smem:$0x3FFE];
	_ =	sdelay $0x1  }
0x8a: {  	s1 =	srdreg.scid  }
0x8b: {  	s0 =	sand.u32 $0x1, s1  }
0x8c: {  	s17 =	sshll.u32 s0, $0xA;
	s2 =	sadd.s32 s3, s2  }
0x8d: {  	s2 =	sadd.s32 s2, s17  }
0x8e: {  	[smem:$0x3FC6] =	sst s2  }
0x8f: {  	_ = 	snop  }
0x90: {  	s2 =	sld [smem:$0x3FD0];
	(tm) =	ssettm $0x1  }
0x91: {  	s18 =	sld [smem:$0x3FFB];
	_ =	sdelay $0x3  }
0x92: {  	_ =	strace s18  }
0x93: {  	s3 =	sld [smem:$0x3FFC];
	_ =	sdelay $0x3  }
0x94: {  	_ =	strace s3  }
0x95: {  	s3 =	sld [smem:$0x3FFD];
	_ =	sdelay $0x3  }
0x96: {  	_ =	strace s3  }
0x97: {  	_ =	strace $0x8FFFFFFF  }
0x98: {  	s19 =	sld [smem:$0x3FDB];
	_ =	sdelay $0x1  }
0x99: {  	s4 =	simm.s32 $_scs_section_size  }
0x9a: {  	s5 =	simm.s32 $_size__tile_overlayer_lowered;
	s6 =	simm.s32 $_tile_overlayer_lowered  }
0x9b: {  	s22 =	simm.s32 $0x1BFF;
	s21 =	sshll.u32 s6, $0x1;
	s3 =	sadd.s32 s4, s19  }
0x9c: {  	s7 =	simm.s32 $0x0;
	s20 =	sshll.u32 s5, $0x1;
	s5 =	sadd.s32 s21, s3  }
0x9d: {  	[timem:s7], [sflag:s22] =	dma.local [hbm:s5], s20  }
0x9e: {  	_ =	swait.ge [sflag:s22], s20  }
0x9f: {  	s4 =	ssub.s32 $0x0, s20;
	[sflag:s22] =	ssyncset.done $0x0  }
0xa0: {  	[sflag:s22] =	ssyncadd.s32 s4;
	_ =	sdelay $0x1  }
0xa1: {  	s23 =	simm.s32 $0x1B8B  }
0xa2: {  	_ =	swait.ge [sflag:s23], $0x1  }
0xa3: {  	[sflag:s23] =	ssyncset.done $0x0  }
0xa4: {  	s25 =	simm.s32 $0x1B8E;
	s24 =	sld [smem:$0x3FFE];
	[sflag:s23] =	ssyncadd.s32 $0xFFFFFFFF  }
0xa5: {  	s26 =	simm.s32 $execute0_lowered;
	[smem:$0x3FD2] =	sst s25  }
0xa6: {  	s5 =	sshll.u32 s26, $0x1;
	_ =	strace $0x80000046;
	[dreg:$0x1] =	wrdreg $0xFFFFFFFF  }
0xa7: {  	s28 =	simm.s32 $_size_execute0_lowered;
	s3 =	sadd.s32 s3, s5;
	[dreg:$0x0] =	wrdreg $0x0  }
0xa8: {  	s5 =	sshll.u32 s28, $0x1;
	[dreg:$0x2] =	wrdreg s3  }
0xa9: {  	[dreg:$0x3] =	wrdreg s5  }
0xaa: {  	[dreg:$0x4] =	wrdreg $0xC0  }
0xab: {  	_ =	task [dreg:s7], $0x5FFFF  }
0xac: {  	[dreg:$0x1] =	wrdreg $0xFFFFFFFF  }
0xad: {  	[dreg:$0x0] =	wrdreg $0x60  }
0xae: {  	[dreg:$0x2] =	wrdreg s2  }
0xaf: {  	[dreg:$0x3] =	wrdreg s24  }
0xb0: {  	[dreg:$0x4] =	wrdreg $0x9  }
0xb1: {  	_ =	task.clear_ibuf [dreg:s7], $0x5FFFF;
	_ =	strace $0x90000046  }
0xb2: {  	s29 =	simm.s32 $0x9;
	_ =	strace $0x80000048  }
0xb3: {  	_ =	swait.ge [sflag:s29], $0x1  }
0xb4: {  	[sflag:s29] =	ssyncadd.s32 $0xFFFFFFFF  }
0xb5: {  	_ =	strace $0x90000048  }
0xb6: {  	_ =	sfence  }
0xb7: {  	s30 =	sld [smem:$0x0];
	_ =	sdelay $0x2  }
0xb8: {  	s31 =	sshll.u32 s1, $0xD;
	s1 =	sshrl.u32 s1, $0x2  }
0xb9: {  	s3 =	sand.u32 $0x4000, s31;
	s1 =	sadd.s32 s1, s30  }
0xba: {  	s0 =	sor.u32 s3, s0;
	s1 =	sshll.u32 s1, $0x11  }
0xbb: {  	s0 =	sor.u32 s1, s0  }
0xbc: {  	s0 =	sadd.s32 $0x8F2B, s0  }
0xbd: {  	[sflag:s0] =	ssyncadd.remote.s32 $0x1  }
0xbe: {  	_ =	sfence.sel $0xFFFF  }
0xbf: {  	[dreg:$0x0] =	wrdreg $0xFFFFFFFF;
	(pc) =	sbr.abs _section_cstart, $3  }
0xc0: {  	[dreg:$0x1] =	wrdreg $0xFFFFFFFF  }
0xc1: {  	_ =	task.clear_ibuf [dreg:s7], $0x2FFFF;
	_ =	strace $0x9FFFFFFF  }
0xc2: {  	(tm) =	ssettm $0x7FFFFFFF  }
0xc3: {  	_ =	shalt  }
tec
execute0_lowered:
.L_overlay_start_1:
0x0: {  	(tag) =	ssettag $0x1  }
0x1: {  	s2 =	rddreg [dreg:$0x0]  }
0x2: {  	s0 =	rddreg [dreg:$0x1];
	s4 =	stileid.u32  }
0x3: {  	s1 =	srdreg.scid;
	s28 =	simm.s32 $0x5020;
	s29 =	simm.s32 $0x8C30  }
0x4: {  	s30 =	simm.s32 $0x1;
	s31 =	simm.s32 $0xC840;
	s3 =	sshll.u32 s4, $0x1  }
0x5: {  	s1 =	sand.u32 $0x1, s1;
	s4 =	sshrl.u32 s4, $0x1;
	s10 =	sadd.s32 $0x800, s0  }
0x6: {  	s11 =	sadd.s32 $0x200, s0;
	s7 =	sadd.s32 $0xE00, s0;
	s5 =	sand.u32 $0x2, s3  }
0x7: {  	s3 =	simm.s32 $0x0;
	s8 =	smul.u32 $0x1E0800, s4;
	s6 =	sor.u32 s1, s5  }
0x8: {  	[smem:$0x7FF] =	sst s3;
	s5 =	smul.u32 $0x780800, s4;
	s1 =	ssub.s32 $0x2, s1  }
0x9: {  	s9 =	smul.u32 $0x78200, s6;
	_ =	strace $0x80000047;
	[dreg:$0x3] =	wrdreg s10  }
0xa: {  	[dreg:$0x4] =	wrdreg s11;
	s12 =	smul.u32 $0x1E0200, s6;
	s13 =	sshrl.u32 s1, $0x1  }
0xb: {  	s15 =	sshll.u32 s6, $0x5;
	s18 =	sshllo.u32 s6, $0x5;
	s0 =	ssub.s32 s1, s13  }
0xc: {  	s13 =	sor.u32 $0x1, s15;
	s20 =	smul.u32 $0x3C10, s18;
	s15 =	sadd.s32 $0xF010, s5  }
0xd: {  	s9 =	sadd.s32 s8, s9;
	s4 =	sadd.s32 s5, s12;
	s0 =	smax.u32 s0, $0x1  }
0xe: {  	s14 =	sshrl.u32 s9, $0x3;
	s16 =	sadd.s32 $0xA008, s4;
	s17 =	sshrl.u32 s4, $0x3  }
0xf: {  	s21 =	sadd.s32 $0x1BD1D8, s4;
	s6 =	sadd.s32 s8, s20;
	s4 =	sadd.s32 $0x1CC1E8, s4  }
0x10: {  	[dreg:$0x11] =	wrdreg s0;
	s11 =	sadd.s32 s2, s14;
	s1 =	sshrl.u32 s16, $0x3  }
0x11: {  	v0 =	vlaneseq.u32;
	s14 =	sadd.s32 $0x7820, s8;
	s10 =	sadd.s32 $0x782, s11;
	[dreg:$0x5] =	wrdreg s11  }
0x12: {  	v9 =	vadd.s32 $0x5002, v0;
	s16 =	sadd.s32 $0xB430, s8;
	s1 =	sadd.s32 s7, s1;
	[dreg:$0x6] =	wrdreg s10  }
0x13: {  	v62 =	vadd.s32 $0x7804, v0;
	[tilespmem:$0x1FF50] =	vst v9;
	s23 =	sshrl.u32 s21, $0x3;
	s19 =	sadd.s32 $0xF04, s11;
	[dreg:$0x8] =	wrdreg s1  }
0x14: {  	v1 =	vimm.s32 $0x10765432;
	v63 =	vadd.s32 $0xA006, v0;
	[tilespmem:$0x1FF60] =	vst v62;
	s6 =	sshrl.u32 s6, $0x3;
	s8 =	sadd.s32 s7, s23;
	[dreg:$0x9] =	wrdreg s19  }
0x15: {  	v3 =	vunpack.c.l.s4.s8 v1;
	v1 =	vor.u32 $0xFFFFFFC8, v0;
	v15 =	vmul.u32 $0xFFFFFFFF, v0;
	[tilespmem:$0x1FF70] =	vst v63;
	s4 =	sshrl.u32 s4, $0x3;
	s6 =	sadd.s32 s2, s6;
	[dreg:$0xb] =	wrdreg s8  }
0x16: {  	v18 =	vor.u32 $0x2800, v0;
	[tilespmem:$0x1FFA0] =	vst v1;
	s0 =	simm.s32 $0x16848;
	s4 =	sadd.s32 s7, s4;
	[dreg:$0xc] =	wrdreg s6  }
0x17: {  	v2 =	vimm.s32 $0x32107654;
	v51 =	vadd.s32 $0x2802, v15;
	[tilespmem:$0x1FFB0] =	vst v18;
	s10 =	sadd.s32 s7, s17;
	s1 =	smul.u32 $0xF010, s18;
	[dreg:$0xe] =	wrdreg s4  }
0x18: {  	v4 =	vimm.s32 $0x54321076;
	v52 =	vadd.s32 $0xA008, v0;
	[tilespmem:$0x1FFC0] =	vst v51;
	s4 =	simm.s32 $0x4;
	s22 =	sadd.s32 $0x3663A, s10;
	[dreg:$0x7] =	wrdreg s10  }
0x19: {  	v5 =	vunpack.c.l.s4.s8 v2;
	v2 =	vadd.s32 $0x2802, v0;
	v53 =	vand.u32 $0x7, v0;
	[tilespmem:$0x1FFD0] =	vst v52;
	s24 =	sadd.s32 $0x3843C, s10;
	[dreg:$0xa] =	wrdreg s22;
	s1 =	sadd.s32 s5, s1  }
0x1a: {  	v7 =	vunpack.c.l.s4.s8 v4;
	v8 =	vor.u32 $0xFFFFFFD8, v0;
	v54 =	vadd.s32 $0xC80A, v0;
	[tilespmem:$0x1FFE0] =	vst v53;
	[dreg:$0xd] =	wrdreg s24;
	s25 =	sadd.s32 $0xA008, s1;
	s1 =	sshrl.u32 s1, $0x3  }
0x1b: {  	v4 =	vadd.s32 $0x5004, v0;
	v6 =	vadd.s32 $0x7806, v0;
	[tilespmem:$0x1FFF0] =	vst v54;
	v15 =	vmovc v8;
	v8 =	vadd.s32 $0xC808, v0;
	s6 =	sshrl.u32 s25, $0x3;
	s1 =	sadd.s32 s7, s1;
	s25 =	simm.s32 $0x5  }
0x1c: {  	v16 =	vor.u32 $0xFFFFFFE8, v0;
	v17 =	vor.u32 $0xFFFFFFF8, v0;
	[tilespmem:$0x1FF80] =	vst v8;
	v8 =	vadd.s32 $0xF00A, v0;
	[dreg:$0xf] =	wrdreg s1;
	s26 =	sadd.s32 s7, s6;
	s1 =	simm.s32 $0x2  }
0x1d: {  	v3 =	vunpack.c.0.s8.s32 v3;
	v5 =	vunpack.c.0.s8.s32 v5;
	v7 =	vunpack.c.0.s8.s32 v7;
	[tilespmem:$0x1FF90] =	vst v8;
	s6 =	simm.s32 $0x0;
	[dreg:$0x10] =	wrdreg s26;
	s26 =	simm.s32 $0x3  }
.LBB2_1:
0x1e: {  	s8 =	rddreg [dreg:$0x3]  }
0x1f: {  	[tilespmem:s3], [sflag:$0x5] =	stream.linear.gather [hbm4b:s8+s3], $0x2810, $0x38;
	[tilespmem:$0x1B850] =	vst v63  }
0x20: {  	_ =	swait.ge [sflag:s25], $0x2810  }
0x21: {  	[sflag:s25] =	ssyncset.done $0x0  }
0x22: {  	s9 =	simm.s32 $0x2810;
	s20 =	rddreg [dreg:$0x4];
	[sflag:s25] =	ssyncadd.s32 $0xFFFFD7F0  }
0x23: {  	[tilespmem:s9], [sflag:$0x5] =	stream.linear.gather [hbm4b:s20+s3], $0x2810, $0x38;
	[tilespmem:$0x1B850] =	vst v63  }
0x24: {  	_ =	swait.ge [sflag:s25], $0x2810  }
0x25: {  	[sflag:s25] =	ssyncset.done $0x0  }
0x26: {  	s21 =	rddreg [dreg:$0x5];
	[sflag:s25] =	ssyncadd.s32 $0xFFFFD7F0  }
0x27: {  	[tilespmem:s28], [sflag:$0x1] =	stream.linear.gather [hbm4b:s21+s3], $0x3C10, $0x38;
	[tilespmem:$0x1B850] =	vst v63  }
0x28: {  	s22 =	rddreg [dreg:$0x6]  }
0x29: {  	[tilespmem:s29], [sflag:$0x2] =	stream.linear.gather [hbm4b:s22+s3], $0x3C10, $0x38;
	[tilespmem:$0x1B850] =	vst v63  }
0x2a: {  	_ =	swait.ge [sflag:s30], $0x3C10  }
0x2b: {  	[sflag:s30] =	ssyncset.done $0x0  }
0x2c: {  	s23 =	simm.s32 $0x20;
	[sflag:s30] =	ssyncadd.s32 $0xFFFFC3F0  }
0x2d: {  	s10 =	simm.s32 $0x2830;
	v21 =	vld [tilespmem:s23+$0x10]  }
0x2e: {  	v23 =	vld [tilespmem:s10+$0x10];
	_ =	sdelay $0x3  }
0x2f: {  	v24 =	vld [tilespmem:s23+$0xFFFFFFF0]  }
0x30: {  	v26 =	vld [tilespmem:s10+$0xFFFFFFF0];
	_ =	sdelay $0x1  }
0x31: {  	v22 =	vld.idx.msk [tilespmem:v21+s28+$0x0], $0xffff  }
0x32: {  	v25 =	vld.idx.msk [tilespmem:v23+s28+$0x0], $0xffff  }
0x33: {  	s24 =	simm.s32 $0x30;
	v29 =	vld [tilespmem:s23+$0x0]  }
0x34: {  	v28 =	vor.u32 s24, v0;
	v31 =	vld [tilespmem:s10+$0x0]  }
0x35: {  	vm0 =	vlt.u32 v28, $0x2802;
	v27 =	vld [tilespmem:s10+$0xFFFFFFE0]  }
0x36: {  	v28 =	vand.u32 v17, v28;
	v30 =	vld.idx.msk [tilespmem:v24+s28+$0x0], $0xffff  }
0x37: {  	v33 =	vld.idx.msk [tilespmem:v26+s28+$0x0], $0xffff;
	v22 =	vadd.f32 v25, v22;
	v25 =	vadd.s32 $0xA02, v21  }
0x38: {  	v32 =	vld [tilespmem:s23+$0xFFFFFFE0];
	s10 =	simm.s32 $0x10;
	v34 =	vadd.s32 $0xA02, v23  }
0x39: {  	v35 =	vor.u32 s10, v0;
	v22 =	vmul.f32 $5.000000000e-01, v22  }
0x3a: {  	vm2 =	vlt.u32 v35, $0x2802  }
0x3b: {  	v35 =	vand.u32 v15, v35;
	v36 =	vld.idx.msk [tilespmem:v29+s28+$0x0], $0xffff;
	[tilespmem:v28+s31+$0x0] =	vst.idx.msk vm0, v22  }
0x3c: {  	v22 =	vadd.s32 $0xA02, v24;
	v28 =	vadd.f32 v33, v30;
	v25 =	vld.idx.msk [tilespmem:v25+s28+$0x0], $0xffff  }
0x3d: {  	v30 =	vadd.s32 $0xA02, v26;
	v45 =	vld.idx.msk [tilespmem:v34+s28+$0x0], $0xffff  }
0x3e: {  	v37 =	vld.idx.msk [tilespmem:v31+s28+$0x0], $0xffff;
	v28 =	vmul.f32 $5.000000000e-01, v28  }
0x3f: {  	v41 =	vadd.s32 s24, v2;
	v46 =	vld.idx.msk [tilespmem:v27+s28+$0x0], $0xffff  }
0x40: {  	s17 =	simm.s32 $0x20;
	v39 =	vor.u32 s3, v0;
	v40 =	vld.idx.msk [tilespmem:v32+s28+$0x0], $0xffff;
	[tilespmem:v35+s31+$0x0] =	vst.idx.msk vm2, v28;
	v28 =	vand.u32 $0x7FF8, v41  }
0x41: {  	v38 =	vor.u32 s17, v0;
	vm3 =	vlt.u32 v39, $0x2802;
	v22 =	vld.idx.msk [tilespmem:v22+s28+$0x0], $0xffff;
	v28 =	vor.u32 v3, v28  }
0x42: {  	v48 =	vand.u32 v1, v39;
	v49 =	vadd.s32 $0x1404, v21;
	v30 =	vld.idx.msk [tilespmem:v30+s28+$0x0], $0xffff;
	v25 =	vadd.f32 v45, v25  }
0x43: {  	vm1 =	vlt.u32 v38, $0x2802;
	v42 =	vadd.s32 s10, v2;
	v51 =	vadd.s32 $0x1404, v23  }
0x44: {  	v38 =	vand.u32 v16, v38;
	v42 =	vand.u32 $0x7FF8, v42;
	v25 =	vmul.f32 $5.000000000e-01, v25  }
0x45: {  	v54 =	vor.u32 v3, v42;
	v53 =	vadd.s32 $0xA02, v31;
	v36 =	vadd.f32 v37, v36  }
0x46: {  	v47 =	vadd.s32 $0xA02, v29;
	v50 =	vadd.s32 $0xA02, v32;
	v34 =	vadd.f32 v46, v40;
	[tilespmem:v28+s31+$0x0] =	vst.idx.msk vm0, v25  }
0x47: {  	v52 =	vadd.s32 $0xA02, v27;
	v36 =	vmul.f32 $5.000000000e-01, v36;
	v28 =	vadd.f32 v30, v22;
	v33 =	vld.idx.msk [tilespmem:v49+s28+$0x0], $0xffff  }
0x48: {  	s12 =	simm.s32 $0x2870;
	v42 =	vadd.s32 $0x1404, v27;
	v34 =	vmul.f32 $5.000000000e-01, v34;
	v22 =	vadd.s32 $0x1E06, v27;
	v27 =	vld.idx.msk [tilespmem:v51+s28+$0x0], $0xffff  }
0x49: {  	v61 =	vld [tilespmem:s12+$0xFFFFFFE0];
	[tilespmem:v38+s31+$0x0] =	vst.idx.msk vm1, v36;
	v25 =	vadd.s32 $0x1404, v24;
	v28 =	vmul.f32 $5.000000000e-01, v28  }
0x4a: {  	v57 =	vadd.s32 s24, v4;
	v44 =	vld.idx.msk [tilespmem:v53+s28+$0x0], $0xffff;
	[tilespmem:v48+s31+$0x0] =	vst.idx.msk vm3, v34;
	v30 =	vadd.s32 $0x1E06, v24;
	v24 =	vadd.s32 $0x1404, v26  }
0x4b: {  	v35 =	vld.idx.msk [tilespmem:v47+s28+$0x0], $0xffff;
	[tilespmem:v54+s31+$0x0] =	vst.idx.msk vm2, v28;
	v28 =	vand.u32 $0xFFF8, v57  }
0x4c: {  	v39 =	vld.idx.msk [tilespmem:v50+s28+$0x0], $0xffff;
	v59 =	vor.u32 v5, v28  }
0x4d: {  	v40 =	vld.idx.msk [tilespmem:v52+s28+$0x0], $0xffff;
	v27 =	vadd.f32 v27, v33  }
0x4e: {  	v56 =	vadd.s32 s3, v2;
	v62 =	vadd.s32 s3, v6;
	v21 =	vadd.s32 $0x1E06, v21;
	v58 =	vld.idx.msk [tilespmem:v25+s28+$0x0], $0xffff  }
0x4f: {  	s11 =	simm.s32 $0x60;
	v55 =	vadd.s32 s17, v2;
	v63 =	vand.u32 $0xFFD8, v62;
	v45 =	vld.idx.msk [tilespmem:v24+s28+$0x0], $0xffff;
	v48 =	vmul.f32 $5.000000000e-01, v27  }
0x50: {  	vm8 =	vmmov vm2;
	v60 =	vadd.s32 $0x1E06, v23;
	v24 =	vadd.s32 s3, v4;
	v25 =	vld [tilespmem:s11+$0x10]  }
0x51: {  	v43 =	vadd.s32 $0x1404, v32;
	v8 =	vadd.s32 $0x1E06, v31;
	v47 =	vand.u32 $0xFFD8, v24;
	v24 =	vld [tilespmem:s12+$0x10];
	[tilespmem:v59+s31+$0x0] =	vst.idx.msk vm0, v48  }
0x52: {  	v19 =	vadd.s32 $0x1404, v61;
	v9 =	vadd.s32 $0x1E06, v61;
	v23 =	vadd.s32 s17, v4;
	v50 =	vld [tilespmem:s11+$0xFFFFFFF0];
	[tilespmem:$0x1FEF0] =	vst v8  }
0x53: {  	v23 =	vand.u32 $0xFFF8, v23;
	v37 =	vand.u32 $0x7FD8, v56;
	v51 =	vld.idx.msk [tilespmem:v21+s28+$0x0], $0xffff;
	v21 =	vadd.s32 s10, v6  }
0x54: {  	v56 =	vadd.s32 $0xA02, v61;
	v37 =	vor.u32 v3, v37;
	v21 =	vand.u32 $0xFFF8, v21  }
0x55: {  	v41 =	vadd.s32 $0x1404, v29;
	v34 =	vand.u32 $0x7FF8, v55;
	v52 =	vld.idx.msk [tilespmem:v60+s28+$0x0], $0xffff;
	v8 =	vor.u32 v7, v21  }
0x56: {  	v48 =	vadd.s32 $0x1E06, v26;
	v26 =	vadd.s32 $0x1E06, v29;
	v29 =	vadd.s32 s17, v6;
	v33 =	vld [tilespmem:s12+$0xFFFFFFF0];
	[tilespmem:$0x1FEE0] =	vst v8  }
0x57: {  	v38 =	vor.u32 v3, v34;
	v39 =	vadd.f32 v40, v39;
	v29 =	vand.u32 $0xFFF8, v29;
	v40 =	vld [tilespmem:s11+$0x0]  }
0x58: {  	v28 =	vadd.s32 s10, v4;
	v8 =	vor.u32 v7, v29;
	v29 =	vadd.f32 v44, v35;
	v44 =	vld.idx.msk [tilespmem:v25+s28+$0x0], $0xffff  }
0x59: {  	v11 =	vadd.s32 $0x1E06, v50;
	v27 =	vand.u32 $0xFFF8, v28;
	v34 =	vadd.f32 v45, v58;
	v45 =	vld.idx.msk [tilespmem:v24+s28+$0x0], $0xffff  }
0x5a: {  	v39 =	vmul.f32 $5.000000000e-01, v39;
	v28 =	vor.u32 v5, v47;
	v49 =	vor.u32 v5, v27;
	v55 =	vld [tilespmem:s12+$0x0]  }
0x5b: {  	s18 =	simm.s32 $0x70;
	v27 =	vor.u32 v5, v23;
	v23 =	vadd.s32 $0x1E06, v32;
	v60 =	vadd.s32 s24, v6;
	v57 =	vld [tilespmem:s11+$0xFFFFFFE0]  }
0x5c: {  	v54 =	vmul.f32 $5.000000000e-01, v34;
	v34 =	vor.u32 s18, v0;
	v32 =	vand.u32 $0xFFF8, v60;
	v47 =	vld.idx.msk [tilespmem:v61+s28+$0x0], $0xffff;
	[tilespmem:v37+s31+$0x0] =	vst.idx.msk vm3, v39  }
0x5d: {  	vm2 =	vlt.u32 v34, $0x2802;
	v61 =	vld.idx.msk [tilespmem:v50+s28+$0x0], $0xffff;
	[tilespmem:$0x1FEB0] =	vst v11;
	v11 =	vor.u32 v7, v32;
	v51 =	vadd.f32 v52, v51  }
0x5e: {  	v58 =	vadd.s32 $0xA02, v50;
	v59 =	vadd.s32 $0x1404, v50;
	v60 =	vand.u32 v17, v34;
	v50 =	vld.idx.msk [tilespmem:v33+s28+$0x0], $0xffff;
	[tilespmem:$0x1FEC0] =	vst v11  }
0x5f: {  	v35 =	vadd.s32 $0xA02, v25;
	v13 =	vmul.f32 $5.000000000e-01, v51;
	v39 =	vadd.f32 v45, v44;
	v43 =	vld.idx.msk [tilespmem:v43+s28+$0x0], $0xffff  }
0x60: {  	v10 =	vor.u32 v7, v63;
	s20 =	simm.s32 $0x50;
	v34 =	vadd.s32 $0xA02, v24;
	v42 =	vld.idx.msk [tilespmem:v42+s28+$0x0], $0xffff  }
0x61: {  	vm7 =	vmmov vm3;
	s21 =	simm.s32 $0x60;
	v11 =	vor.u32 s20, v0;
	v39 =	vmul.f32 $5.000000000e-01, v39;
	v62 =	vld.idx.msk [tilespmem:v40+s28+$0x0], $0xffff;
	[tilespmem:$0x1FED0] =	vst v13  }
0x62: {  	v12 =	vor.u32 s21, v0;
	v46 =	vadd.s32 $0x1404, v31;
	vm3 =	vlt.u32 v11, $0x2802;
	v13 =	vld.idx.msk [tilespmem:v55+s28+$0x0], $0xffff  }
0x63: {  	s19 =	simm.s32 $0x40;
	vm10 =	vlt.u32 v12, $0x2802;
	v53 =	vmul.f32 $5.000000000e-01, v29;
	v11 =	vand.u32 v15, v11;
	v14 =	vld.idx.msk [tilespmem:v57+s28+$0x0], $0xffff;
	[tilespmem:v60+s31+$0x0] =	vst.idx.msk vm2, v39  }
0x64: {  	v12 =	vand.u32 v16, v12;
	v32 =	vor.u32 s19, v0;
	v50 =	vadd.f32 v50, v61;
	v44 =	vld.idx.msk [tilespmem:v35+s28+$0x0], $0xffff  }
0x65: {  	v63 =	vadd.s32 $0xA02, v33;
	vm12 =	vlt.u32 v32, $0x2802;
	v45 =	vadd.s32 $0xA02, v57;
	[tilespmem:v38+s31+$0x0] =	vst.idx.msk vm1, v53;
	v52 =	vld.idx.msk [tilespmem:v34+s28+$0x0], $0xffff  }
0x66: {  	v39 =	vadd.s32 $0xA02, v40;
	v38 =	vand.u32 v1, v32;
	v41 =	vld.idx.msk [tilespmem:v41+s28+$0x0], $0xffff;
	v50 =	vmul.f32 $5.000000000e-01, v50  }
0x67: {  	v60 =	vadd.s32 $0xA02, v55;
	[tilespmem:v49+s31+$0x0] =	vst.idx.msk vm8, v54;
	v54 =	vld.idx.msk [tilespmem:v46+s28+$0x0], $0xffff;
	v34 =	vadd.s32 s18, v2;
	v13 =	vadd.f32 v13, v62  }
0x68: {  	v35 =	vadd.s32 s20, v2;
	[tilespmem:v11+s31+$0x0] =	vst.idx.msk vm3, v50;
	v11 =	vld.idx.msk [tilespmem:v30+s28+$0x0], $0xffff;
	v30 =	vand.u32 $0x7FF8, v34;
	v14 =	vadd.f32 v47, v14  }
0x69: {  	v42 =	vadd.f32 v42, v43;
	v47 =	vld.idx.msk [tilespmem:v58+s28+$0x0], $0xffff;
	v50 =	vor.u32 v3, v30;
	v13 =	vmul.f32 $5.000000000e-01, v13  }
0x6a: {  	v53 =	vand.u32 $0x7FF8, v35;
	v58 =	vld.idx.msk [tilespmem:v63+s28+$0x0], $0xffff;
	v30 =	vadd.f32 v52, v44;
	v14 =	vmul.f32 $5.000000000e-01, v14  }
0x6b: {  	v44 =	vadd.s32 $0x1404, v25;
	v52 =	vor.u32 v3, v53;
	v53 =	vld.idx.msk [tilespmem:v48+s28+$0x0], $0xffff;
	[tilespmem:v12+s31+$0x0] =	vst.idx.msk vm10, v13  }
0x6c: {  	v35 =	vmul.f32 $5.000000000e-01, v30;
	v12 =	vadd.s32 $0x1404, v24;
	[tilespmem:v38+s31+$0x0] =	vst.idx.msk vm12, v14;
	v14 =	vld.idx.msk [tilespmem:v39+s28+$0x0], $0xffff  }
0x6d: {  	v42 =	vmul.f32 $5.000000000e-01, v42;
	v62 =	vld.idx.msk [tilespmem:v45+s28+$0x0], $0xffff  }
0x6e: {  	v56 =	vld.idx.msk [tilespmem:v56+s28+$0x0], $0xffff;
	[tilespmem:v50+s31+$0x0] =	vst.idx.msk vm2, v35;
	v50 =	vadd.s32 s19, v4  }
0x6f: {  	v32 =	vadd.s32 s21, v4;
	[tilespmem:v28+s31+$0x0] =	vst.idx.msk vm7, v42;
	v35 =	vadd.f32 v58, v47;
	v42 =	vld.idx.msk [tilespmem:v60+s28+$0x0], $0xffff;
	v47 =	vand.u32 $0xFFD8, v50  }
0x70: {  	v38 =	vand.u32 $0xFFF8, v32;
	v44 =	vld.idx.msk [tilespmem:v44+s28+$0x0], $0xffff;
	v13 =	vor.u32 v5, v47  }
0x71: {  	vm9 =	vmmov vm0;
	vm0 =	vmmov vm1;
	v12 =	vld.idx.msk [tilespmem:v12+s28+$0x0], $0xffff;
	[tilespmem:$0x1FF00] =	vst v13;
	v13 =	vor.u32 v5, v38  }
0x72: {  	v48 =	vadd.s32 $0x1404, v33;
	v28 =	vmul.f32 $5.000000000e-01, v35;
	[tilespmem:$0x1FF10] =	vst v13;
	v13 =	vadd.s32 $0x1E06, v57  }
0x73: {  	v54 =	vadd.f32 v54, v41;
	v38 =	vld.idx.msk [tilespmem:v23+s28+$0x0], $0xffff;
	[tilespmem:$0x1FF20] =	vst v13  }
0x74: {  	v36 =	vadd.s32 s21, v2;
	v13 =	vadd.s32 $0x1E06, v40;
	[tilespmem:v52+s31+$0x0] =	vst.idx.msk vm3, v28  }
0x75: {  	v46 =	vand.u32 $0x7FF8, v36;
	v58 =	vmul.f32 $5.000000000e-01, v54;
	v23 =	vadd.s32 s18, v4;
	v28 =	vld.idx.msk [tilespmem:v22+s28+$0x0], $0xffff;
	[tilespmem:$0x1FF40] =	vst v13  }
0x76: {  	v36 =	vadd.s32 $0x1E06, v24;
	v63 =	vadd.s32 s20, v4;
	v22 =	vand.u32 $0xFFF8, v23;
	v60 =	vld.idx.msk [tilespmem:v59+s28+$0x0], $0xffff  }
0x77: {  	s22 =	simm.s32 $0xA0;
	v43 =	vand.u32 $0xFFF8, v63;
	v63 =	vadd.s32 s20, v6;
	v32 =	vor.u32 v5, v22;
	[tilespmem:v27+s31+$0x0] =	vst.idx.msk vm0, v58;
	v27 =	vld.idx.msk [tilespmem:v48+s28+$0x0], $0xffff  }
0x78: {  	s9 =	simm.s32 $0x28B0;
	v24 =	vand.u32 $0xFFF8, v63;
	v35 =	vadd.s32 $0x1E06, v25;
	v12 =	vadd.f32 v12, v44;
	v44 =	vld [tilespmem:s22+$0x10]  }
0x79: {  	v13 =	vor.u32 v7, v24;
	v25 =	vld [tilespmem:s9+$0x10]  }
0x7a: {  	v37 =	vadd.s32 s19, v2;
	v48 =	vld.idx.msk [tilespmem:v26+s28+$0x0], $0xffff;
	[tilespmem:$0x1FF30] =	vst v13;
	v12 =	vmul.f32 $5.000000000e-01, v12  }
0x7b: {  	v49 =	vand.u32 $0x7FD8, v37;
	v61 =	vadd.s32 $0x1404, v57;
	v57 =	vld [tilespmem:s22+$0xFFFFFFF0]  }
0x7c: {  	v51 =	vadd.s32 $0x1404, v55;
	vm11 =	vmmov vm3;
	v34 =	vor.u32 v3, v49;
	v52 =	vld [tilespmem:s9+$0xFFFFFFF0];
	[tilespmem:v32+s31+$0x0] =	vst.idx.msk vm2, v12  }
0x7d: {  	v49 =	vadd.s32 $0x1E06, v33;
	v30 =	vor.u32 v3, v46;
	v11 =	vadd.f32 v53, v11;
	v47 =	vld.idx.msk [tilespmem:v35+s28+$0x0], $0xffff  }
0x7e: {  	v46 =	vadd.s32 $0x1404, v40;
	v50 =	vor.u32 v5, v43;
	v26 =	vadd.s32 s19, v6;
	v40 =	vld.idx.msk [tilespmem:v36+s28+$0x0], $0xffff  }
0x7f: {  	v45 =	vmul.f32 $5.000000000e-01, v11;
	v37 =	vadd.f32 v56, v62;
	v26 =	vand.u32 $0xFFD8, v26  }
0x80: {  	s11 =	simm.s32 $0xB0;
	v24 =	vor.u32 v7, v26;
	v26 =	vadd.f32 v28, v38;
	v27 =	vadd.f32 v27, v60;
	v38 =	vld.idx.msk [tilespmem:v44+s28+$0x0], $0xffff  }
0x81: {  	v11 =	vor.u32 s11, v0;
	v23 =	vadd.s32 $0x1E06, v55;
	v29 =	vmul.f32 $5.000000000e-01, v37;
	v60 =	vld.idx.msk [tilespmem:v25+s28+$0x0], $0xffff  }
0x82: {  	vm3 =	vlt.u32 v11, $0x2802;
	v11 =	vand.u32 v17, v11;
	v55 =	vld [tilespmem:s22+$0x0];
	v54 =	vmul.f32 $5.000000000e-01, v27  }
0x83: {  	v35 =	vld [tilespmem:s9+$0x0];
	v27 =	vadd.s32 s18, v6;
	v59 =	vadd.s32 $0xA02, v57;
	v33 =	vadd.f32 v40, v47  }
0x84: {  	s24 =	simm.s32 $0xA0;
	v63 =	vadd.s32 $0x1404, v57;
	v43 =	vand.u32 $0xFFF8, v27;
	v27 =	vadd.s32 $0x1E06, v57;
	v57 =	vld.idx.msk [tilespmem:v57+s28+$0x0], $0xffff  }
0x85: {  	v12 =	vor.u32 s24, v0;
	v62 =	vor.u32 v7, v43;
	v43 =	vmul.f32 $5.000000000e-01, v33;
	v33 =	vld.idx.msk [tilespmem:v52+s28+$0x0], $0xffff  }
0x86: {  	s23 =	simm.s32 $0x90;
	v14 =	vadd.f32 v42, v14;
	[tilespmem:v34+s31+$0x0] =	vst.idx.msk vm12, v29;
	vm5 =	vlt.u32 v12, $0x2802;
	v29 =	vadd.f32 v60, v38  }
0x87: {  	s12 =	simm.s32 $0x80;
	v32 =	vand.u32 v16, v12;
	v12 =	vadd.s32 $0xA02, v25;
	v47 =	vor.u32 s23, v0  }
0x88: {  	v13 =	vor.u32 s12, v0;
	vm6 =	vlt.u32 v47, $0x2802;
	v29 =	vmul.f32 $5.000000000e-01, v29  }
0x89: {  	v14 =	vmul.f32 $5.000000000e-01, v14;
	v56 =	vld [tilespmem:s9+$0xFFFFFFE0];
	v36 =	vand.u32 v1, v13;
	v60 =	vand.u32 v15, v47  }
0x8a: {  	vm4 =	vlt.u32 v13, $0x2802;
	v13 =	vld.idx.msk [tilespmem:v19+s28+$0x0], $0xffff;
	v47 =	vadd.s32 s12, v2;
	[tilespmem:v11+s31+$0x0] =	vst.idx.msk vm3, v29;
	v29 =	vadd.f32 v33, v57  }
0x8b: {  	v34 =	vld.idx.msk [tilespmem:v55+s28+$0x0], $0xffff;
	v11 =	vand.u32 $0x7FD8, v47  }
0x8c: {  	[tilespmem:v30+s31+$0x0] =	vst.idx.msk vm10, v14;
	v42 =	vor.u32 v3, v11;
	v11 =	vld.idx.msk [tilespmem:v12+s28+$0x0], $0xffff;
	v12 =	vmul.f32 $5.000000000e-01, v29  }
0x8d: {  	[tilespmem:v50+s31+$0x0] =	vst.idx.msk vm11, v54;
	v19 =	vld.idx.msk [tilespmem:v35+s28+$0x0], $0xffff  }
0x8e: {  	v20 =	vld [tilespmem:s22+$0xFFFFFFE0];
	[tilespmem:v60+s31+$0x0] =	vst.idx.msk vm6, v12  }
0x8f: {  	v40 =	vld [tilespmem:$0x1FEC0];
	_ =	sdelay $0x1  }
0x90: {  	v61 =	vld.idx.msk [tilespmem:v61+s28+$0x0], $0xffff;
	v60 =	vadd.s32 s11, v2  }
0x91: {  	v12 =	vadd.f32 v19, v34;
	v34 =	vand.u32 $0x7FF8, v60;
	v60 =	vld [tilespmem:$0x1FED0];
	_ =	sdelay $0x1  }
0x92: {  	v53 =	vmul.f32 $5.000000000e-01, v26;
	v38 =	vadd.s32 $0xA02, v44  }
0x93: {  	v58 =	vadd.s32 $0xA02, v56;
	v28 =	vadd.s32 $0x1404, v56;
	v26 =	vadd.s32 $0x1E06, v56;
	v56 =	vld.idx.msk [tilespmem:v56+s28+$0x0], $0xffff  }
0x94: {  	v31 =	vld.idx.msk [tilespmem:v20+s28+$0x0], $0xffff  }
0x95: {  	v13 =	vadd.f32 v13, v61;
	v61 =	vld [tilespmem:$0x1FEB0];
	[tilespmem:v40+s31+$0x0] =	vst.idx.msk vm9, v60  }
0x96: {  	v40 =	vld [tilespmem:$0x1FEE0]  }
0x97: {  	v57 =	vld.idx.msk [tilespmem:v38+s28+$0x0], $0xffff;
	_ =	sdelay $0x3  }
0x98: {  	v31 =	vadd.f32 v56, v31;
	v12 =	vmul.f32 $5.000000000e-01, v12;
	v60 =	vor.u32 v3, v34  }
0x99: {  	vm13 =	vmmov vm2;
	v11 =	vadd.f32 v11, v57  }
0x9a: {  	v31 =	vmul.f32 $5.000000000e-01, v31;
	[tilespmem:v32+s31+$0x0] =	vst.idx.msk vm5, v12  }
0x9b: {  	v11 =	vmul.f32 $5.000000000e-01, v11;
	[tilespmem:v40+s31+$0x0] =	vst.idx.msk vm8, v45  }
0x9c: {  	v32 =	vld [tilespmem:$0x1FEF0];
	[tilespmem:v36+s31+$0x0] =	vst.idx.msk vm4, v31  }
0x9d: {  	[tilespmem:v60+s31+$0x0] =	vst.idx.msk vm3, v11  }
0x9e: {  	[tilespmem:v10+s31+$0x0] =	vst.idx.msk vm7, v53  }
0x9f: {  	[tilespmem:v62+s31+$0x0] =	vst.idx.msk vm13, v43  }
0xa0: {  	v10 =	vld [tilespmem:$0x1FF00];
	_ =	sdelay $0x1  }
0xa1: {  	vm2 =	vmmov vm0;
	vm0 =	vmmov vm12  }
0xa2: {  	v21 =	vadd.s32 $0xA02, v52;
	_ =	sdelay $0x1  }
0xa3: {  	v46 =	vld.idx.msk [tilespmem:v46+s28+$0x0], $0xffff  }
0xa4: {  	v51 =	vld.idx.msk [tilespmem:v51+s28+$0x0], $0xffff;
	v13 =	vmul.f32 $5.000000000e-01, v13  }
0xa5: {  	v59 =	vld.idx.msk [tilespmem:v59+s28+$0x0], $0xffff  }
0xa6: {  	v21 =	vld.idx.msk [tilespmem:v21+s28+$0x0], $0xffff;
	[tilespmem:v10+s31+$0x0] =	vst.idx.msk vm0, v13  }
0xa7: {  	v22 =	vadd.s32 s21, v6;
	v10 =	vld [tilespmem:$0x1FF10]  }
0xa8: {  	vm1 =	vmmov vm10;
	v22 =	vand.u32 $0xFFF8, v22  }
0xa9: {  	v41 =	vor.u32 v7, v22;
	v14 =	vadd.s32 s23, v2;
	v22 =	vadd.s32 $0xA02, v35;
	v54 =	vld.idx.msk [tilespmem:v61+s28+$0x0], $0xffff  }
0xaa: {  	v14 =	vand.u32 $0x7FF8, v14;
	v19 =	vadd.s32 s24, v4;
	v61 =	vld.idx.msk [tilespmem:v32+s28+$0x0], $0xffff  }
0xab: {  	v14 =	vor.u32 v3, v14;
	v19 =	vand.u32 $0xFFF8, v19;
	v57 =	vld.idx.msk [tilespmem:v49+s28+$0x0], $0xffff;
	v49 =	vadd.f32 v51, v46  }
0xac: {  	v32 =	vor.u32 v5, v19;
	v19 =	vadd.f32 v21, v59  }
0xad: {  	v39 =	vadd.s32 $0xA02, v55;
	v11 =	vmul.f32 $5.000000000e-01, v49  }
0xae: {  	v29 =	vadd.s32 $0x1404, v55;
	v49 =	vadd.s32 $0x1E06, v55;
	v55 =	vld.idx.msk [tilespmem:v22+s28+$0x0], $0xffff;
	v19 =	vmul.f32 $5.000000000e-01, v19  }
0xaf: {  	v22 =	vadd.f32 v61, v48;
	v48 =	vld.idx.msk [tilespmem:v9+s28+$0x0], $0xffff;
	[tilespmem:v10+s31+$0x0] =	vst.idx.msk vm1, v11  }
0xb0: {  	v10 =	vld [tilespmem:$0x1FF20];
	[tilespmem:v14+s31+$0x0] =	vst.idx.msk vm6, v19  }
0xb1: {  	v9 =	vld [tilespmem:$0x1FF30]  }
0xb2: {  	v37 =	vadd.s32 $0xA02, v20;
	_ =	sdelay $0x2  }
0xb3: {  	v50 =	vadd.s32 s23, v4;
	v60 =	vadd.f32 v57, v54  }
0xb4: {  	v12 =	vand.u32 $0xFFF8, v50;
	v50 =	vld.idx.msk [tilespmem:v39+s28+$0x0], $0xffff;
	v21 =	vadd.s32 s24, v6  }
0xb5: {  	v51 =	vadd.s32 $0x1404, v25;
	v39 =	vld.idx.msk [tilespmem:v37+s28+$0x0], $0xffff;
	v62 =	vand.u32 $0xFFF8, v21;
	v21 =	vmul.f32 $5.000000000e-01, v60  }
0xb6: {  	v46 =	vor.u32 v5, v12;
	v45 =	vadd.s32 $0x1404, v44;
	v12 =	vld.idx.msk [tilespmem:v58+s28+$0x0], $0xffff  }
0xb7: {  	v30 =	vadd.s32 s24, v2;
	[tilespmem:v9+s31+$0x0] =	vst.idx.msk vm11, v21  }
0xb8: {  	v30 =	vand.u32 $0x7FF8, v30;
	v56 =	vadd.s32 s12, v4;
	v9 =	vld [tilespmem:$0x1FF40]  }
0xb9: {  	v33 =	vadd.s32 $0x1404, v20;
	v47 =	vadd.s32 $0x1404, v52;
	v38 =	vor.u32 v3, v30  }
0xba: {  	v30 =	vadd.s32 $0x1404, v35;
	v44 =	vadd.s32 $0x1E06, v44;
	v31 =	vand.u32 $0xFFD8, v56;
	v58 =	vld.idx.msk [tilespmem:v51+s28+$0x0], $0xffff  }
0xbb: {  	v34 =	vor.u32 v5, v31;
	v31 =	vadd.s32 $0x1E06, v20;
	v20 =	vld.idx.msk [tilespmem:v45+s28+$0x0], $0xffff;
	v12 =	vadd.f32 v12, v39  }
0xbc: {  	v36 =	vadd.s32 $0x1E06, v35;
	v37 =	vadd.s32 $0x1E06, v52;
	v45 =	vadd.s32 s23, v6  }
0xbd: {  	v59 =	vmul.f32 $5.000000000e-01, v12;
	v11 =	vand.u32 $0xFFF8, v45;
	v14 =	vadd.s32 s11, v4;
	v54 =	vld.idx.msk [tilespmem:v63+s28+$0x0], $0xffff  }
0xbe: {  	v13 =	vadd.s32 s12, v6;
	v52 =	vor.u32 v7, v11;
	v11 =	vand.u32 $0xFFF8, v14;
	v45 =	vld.idx.msk [tilespmem:v10+s28+$0x0], $0xffff  }
0xbf: {  	v13 =	vand.u32 $0xFFD8, v13;
	v53 =	vmul.f32 $5.000000000e-01, v22;
	v56 =	vld.idx.msk [tilespmem:v47+s28+$0x0], $0xffff;
	v57 =	vor.u32 v5, v11  }
0xc0: {  	s17 =	simm.s32 $0x8;
	s18 =	simm.s32 $0xE0;
	v58 =	vadd.f32 v58, v20;
	v51 =	vor.u32 v7, v62;
	v43 =	vor.u32 v7, v13;
	v35 =	vld.idx.msk [tilespmem:v9+s28+$0x0], $0xffff  }
.LBB2_2:
0xc1: {  	v39 =	vld [tilespmem:s18+$0x10];
	v11 =	vadd.f32 v55, v50;
	v12 =	vadd.s32 $0x1E06, v25;
	s9 =	sadd.s32 $0x40, s9;
	[tilespmem:v8+s31+$0x0] =	vst.idx.msk vm2, v53;
	v9 =	vmovc v49;
	v10 =	vmov v52  }
0xc2: {  	v8 =	vmovc v41;
	v41 =	vmovc v51;
	vm7 =	vmmov vm6;
	vm8 =	vmmov vm3;
	v25 =	vld [tilespmem:s9+$0x10];
	[tilespmem:v42+s31+$0x0] =	vst.idx.msk vm4, v59;
	v13 =	vmul.f32 $5.000000000e-01, v58  }
0xc3: {  	vm2 =	vmmov vm1;
	v19 =	vadd.f32 v48, v45;
	v14 =	vld [tilespmem:s9+$0xFFFFFFE0];
	v11 =	vmul.f32 $5.000000000e-01, v11  }
0xc4: {  	vm1 =	vmmov vm5;
	v20 =	vld [tilespmem:s18+$0xFFFFFFF0];
	[tilespmem:v57+s31+$0x0] =	vst.idx.msk vm3, v13  }
0xc5: {  	s17 =	sadd.s32 $0x4, s17;
	v13 =	vadd.f32 v56, v54;
	v19 =	vmul.f32 $5.000000000e-01, v19;
	[tilespmem:v38+s31+$0x0] =	vst.idx.msk vm5, v11;
	v11 =	vld.idx.msk [tilespmem:v44+s28+$0x0], $0xffff  }
0xc6: {  	p0 =	slt.u32 s17, $0x27C;
	v12 =	vld.idx.msk [tilespmem:v12+s28+$0x0], $0xffff  }
0xc7: {  	v13 =	vmul.f32 $5.000000000e-01, v13;
	v45 =	vld [tilespmem:s9+$0xFFFFFFF0];
	[tilespmem:v24+s31+$0x0] =	vst.idx.msk vm0, v19;
	v24 =	vmov v43;
	vm0 =	vmmov vm4  }
0xc8: {  	v48 =	vadd.s32 $0xA02, v14;
	v19 =	vadd.s32 $0x1404, v14;
	v43 =	vadd.s32 $0x1E06, v14;
	v47 =	vld [tilespmem:s18+$0x0]  }
0xc9: {  	v49 =	vadd.s32 $0xA02, v20;
	v44 =	vadd.s32 $0x1404, v20;
	v38 =	vld.idx.msk [tilespmem:v39+s28+$0x0], $0xffff;
	[tilespmem:v46+s31+$0x0] =	vst.idx.msk vm6, v13;
	v13 =	vadd.s32 s11, v6  }
0xca: {  	v46 =	vadd.s32 $0x1E06, v20;
	v42 =	vld.idx.msk [tilespmem:v25+s28+$0x0], $0xffff;
	v13 =	vand.u32 $0xFFF8, v13  }
0xcb: {  	s12 =	sadd.s32 $0x40, s12;
	v51 =	vld [tilespmem:s9+$0x0];
	v13 =	vor.u32 v7, v13  }
0xcc: {  	v50 =	vor.u32 s12, v0;
	s19 =	sadd.s32 $0x10, s12;
	s8 =	sadd.s32 $0x20, s12;
	s11 =	sadd.s32 $0x30, s12;
	v11 =	vadd.f32 v12, v11;
	v52 =	vld [tilespmem:s18+$0xFFFFFFE0];
	v53 =	vadd.s32 $0xA02, v45  }
0xcd: {  	v54 =	vor.u32 s8, v0;
	v55 =	vor.u32 s11, v0;
	v12 =	vld.idx.msk [tilespmem:v14+s28+$0x0], $0xffff;
	v14 =	vor.u32 s19, v0  }
0xce: {  	vm3 =	vlt.u32 v55, $0x2802;
	v11 =	vmul.f32 $5.000000000e-01, v11;
	vm6 =	vlt.u32 v14, $0x2802;
	v20 =	vld.idx.msk [tilespmem:v20+s28+$0x0], $0xffff  }
0xcf: {  	vm5 =	vlt.u32 v54, $0x2802;
	vm4 =	vlt.u32 v50, $0x2802;
	v55 =	vand.u32 v17, v55;
	v56 =	vld.idx.msk [tilespmem:v45+s28+$0x0], $0xffff  }
0xd0: {  	v58 =	vadd.s32 $0xA02, v47;
	v38 =	vadd.f32 v42, v38;
	v42 =	vadd.s32 $0xA02, v39;
	v57 =	vld.idx.msk [tilespmem:v47+s28+$0x0], $0xffff;
	[tilespmem:v13+s31+$0x0] =	vst.idx.msk vm8, v11  }
0xd1: {  	v11 =	vand.u32 v15, v14;
	v13 =	vand.u32 v16, v54;
	v14 =	vadd.s32 $0xA02, v25;
	v54 =	vld.idx.msk [tilespmem:v33+s28+$0x0], $0xffff  }
0xd2: {  	v50 =	vand.u32 v1, v50;
	v59 =	vadd.s32 $0xA02, v52;
	v33 =	vmul.f32 $5.000000000e-01, v38;
	v60 =	vld.idx.msk [tilespmem:v28+s28+$0x0], $0xffff;
	v28 =	vmovc v19  }
0xd3: {  	v62 =	vadd.s32 $0xA02, v51;
	v38 =	vadd.s32 s8, v2;
	v19 =	vadd.s32 s19, v2;
	v61 =	vld.idx.msk [tilespmem:v51+s28+$0x0], $0xffff  }
0xd4: {  	v21 =	vadd.s32 s12, v2;
	v38 =	vand.u32 $0x7FF8, v38;
	v19 =	vand.u32 $0x7FF8, v19;
	v63 =	vld.idx.msk [tilespmem:v52+s28+$0x0], $0xffff;
	[tilespmem:v55+s31+$0x0] =	vst.idx.msk vm3, v33  }
0xd5: {  	v21 =	vand.u32 $0x7FD8, v21;
	v20 =	vadd.f32 v56, v20;
	v19 =	vor.u32 v3, v19;
	v55 =	vld.idx.msk [tilespmem:v42+s28+$0x0], $0xffff  }
0xd6: {  	v38 =	vor.u32 v3, v38;
	v33 =	vadd.s32 $0x1404, v52;
	v42 =	vor.u32 v3, v21;
	v14 =	vld.idx.msk [tilespmem:v14+s28+$0x0], $0xffff  }
0xd7: {  	v21 =	vadd.s32 $0x1404, v45;
	v20 =	vmul.f32 $5.000000000e-01, v20;
	v56 =	vld.idx.msk [tilespmem:v29+s28+$0x0], $0xffff;
	v29 =	vadd.s32 $0x1404, v47  }
0xd8: {  	v22 =	vadd.s32 s19, v4;
	v54 =	vadd.f32 v60, v54;
	v60 =	vld.idx.msk [tilespmem:v30+s28+$0x0], $0xffff;
	v30 =	vadd.s32 $0x1404, v51  }
0xd9: {  	[tilespmem:v11+s31+$0x0] =	vst.idx.msk vm6, v20;
	v11 =	vadd.f32 v61, v57;
	v20 =	vadd.s32 s8, v4;
	v57 =	vadd.s32 s11, v2;
	v61 =	vld.idx.msk [tilespmem:v27+s28+$0x0], $0xffff  }
0xda: {  	v12 =	vadd.f32 v12, v63;
	v63 =	vadd.s32 s12, v4;
	v27 =	vmovc v46;
	v49 =	vld.idx.msk [tilespmem:v49+s28+$0x0], $0xffff;
	v57 =	vand.u32 $0x7FF8, v57  }
0xdb: {  	v54 =	vmul.f32 $5.000000000e-01, v54;
	v53 =	vld.idx.msk [tilespmem:v53+s28+$0x0], $0xffff;
	v11 =	vmul.f32 $5.000000000e-01, v11;
	v57 =	vor.u32 v3, v57  }
0xdc: {  	v12 =	vmul.f32 $5.000000000e-01, v12;
	v14 =	vadd.f32 v14, v55;
	v55 =	vadd.s32 $0x1404, v39;
	v40 =	vld.idx.msk [tilespmem:v37+s28+$0x0], $0xffff  }
0xdd: {  	v22 =	vand.u32 $0xFFF8, v22;
	[tilespmem:v13+s31+$0x0] =	vst.idx.msk vm5, v11;
	v11 =	vand.u32 $0xFFF8, v20;
	v13 =	vadd.s32 $0x1404, v25;
	v20 =	vld.idx.msk [tilespmem:v23+s28+$0x0], $0xffff;
	v23 =	vmovc v36  }
0xde: {  	v14 =	vmul.f32 $5.000000000e-01, v14;
	v36 =	vadd.f32 v60, v56;
	[tilespmem:v50+s31+$0x0] =	vst.idx.msk vm4, v12;
	v12 =	vand.u32 $0xFFD8, v63;
	v50 =	vld.idx.msk [tilespmem:v58+s28+$0x0], $0xffff  }
0xdf: {  	v46 =	vor.u32 v5, v22;
	v11 =	vor.u32 v5, v11;
	v56 =	vld.idx.msk [tilespmem:v59+s28+$0x0], $0xffff;
	v12 =	vor.u32 v5, v12  }
0xe0: {  	v37 =	vadd.s32 $0x1E06, v45;
	v22 =	vld.idx.msk [tilespmem:v48+s28+$0x0], $0xffff;
	v48 =	vadd.s32 $0x1E06, v52;
	[tilespmem:v57+s31+$0x0] =	vst.idx.msk vm3, v14;
	v14 =	vmul.f32 $5.000000000e-01, v36  }
0xe1: {  	v45 =	vadd.f32 v53, v49;
	v49 =	vadd.s32 $0x1E06, v47;
	v36 =	vadd.s32 $0x1E06, v51;
	v47 =	vld.idx.msk [tilespmem:v55+s28+$0x0], $0xffff;
	[tilespmem:v34+s31+$0x0] =	vst.idx.msk vm0, v54  }
0xe2: {  	v51 =	vadd.s32 s19, v6;
	v52 =	vadd.s32 s8, v6;
	v40 =	vadd.f32 v40, v61;
	v13 =	vld.idx.msk [tilespmem:v13+s28+$0x0], $0xffff;
	[tilespmem:v32+s31+$0x0] =	vst.idx.msk vm1, v14  }
0xe3: {  	v34 =	vmovc v12;
	v14 =	vadd.s32 s12, v6;
	v53 =	vmul.f32 $5.000000000e-01, v45;
	v20 =	vadd.f32 v20, v35;
	v32 =	vmovc v11;
	v55 =	vld.idx.msk [tilespmem:v62+s28+$0x0], $0xffff  }
.Ltmp0:
0xe4: {  	v12 =	vand.u32 $0xFFF8, v52;
	v11 =	vand.u32 $0xFFF8, v51;
	v35 =	vmul.f32 $5.000000000e-01, v40;
	v45 =	vld.idx.msk [tilespmem:v31+s28+$0x0], $0xffff;
	v31 =	vmovc v48;
	(pc) =	sbr.rel @p0 .LBB2_2-.Ltmp0, $4  }
0xe5: {  	v14 =	vand.u32 $0xFFD8, v14;
	[tilespmem:v19+s31+$0x0] =	vst.idx.msk vm6, v53;
	v19 =	vadd.s32 s11, v4;
	v48 =	vld.idx.msk [tilespmem:v26+s28+$0x0], $0xffff;
	v53 =	vmul.f32 $5.000000000e-01, v20;
	v26 =	vmovc v43  }
0xe6: {  	v52 =	vor.u32 v7, v11;
	v20 =	vadd.f32 v22, v56;
	v54 =	vld.idx.msk [tilespmem:v44+s28+$0x0], $0xffff;
	v11 =	vand.u32 $0xFFF8, v19  }
0xe7: {  	v51 =	vor.u32 v7, v12;
	v43 =	vor.u32 v7, v14;
	v56 =	vld.idx.msk [tilespmem:v21+s28+$0x0], $0xffff;
	v57 =	vor.u32 v5, v11  }
0xe8: {  	s18 =	sadd.s32 $0x40, s18;
	v44 =	vadd.s32 $0x1E06, v39;
	v59 =	vmul.f32 $5.000000000e-01, v20;
	v58 =	vadd.f32 v13, v47;
	[tilespmem:v10+s31+$0x0] =	vst.idx.msk vm7, v35;
	v35 =	vld.idx.msk [tilespmem:v9+s28+$0x0], $0xffff  }
0xe9: {  	_ =	sdelay $0x2  }
0xea: {  	v11 =	vadd.f32 v55, v50;
	_ =	sdelay $0x1  }
0xeb: {  	[tilespmem:v42+s31+$0x0] =	vst.idx.msk vm4, v59;
	v11 =	vmul.f32 $5.000000000e-01, v11  }
0xec: {  	vm6 =	vmmov vm6;
	v12 =	vld.idx.msk [tilespmem:v33+s28+$0x0], $0xffff  }
0xed: {  	[tilespmem:v38+s31+$0x0] =	vst.idx.msk vm5, v11;
	v11 =	vld.idx.msk [tilespmem:v28+s28+$0x0], $0xffff  }
0xee: {  	v19 =	vmul.f32 $5.000000000e-01, v58;
	v20 =	vadd.f32 v56, v54;
	v14 =	vld.idx.msk [tilespmem:v29+s28+$0x0], $0xffff  }
0xef: {  	v13 =	vadd.s32 $0x1E06, v25;
	v21 =	vld.idx.msk [tilespmem:v30+s28+$0x0], $0xffff  }
0xf0: {  	vm4 =	vmmov vm4;
	[tilespmem:v57+s31+$0x0] =	vst.idx.msk vm3, v19;
	v19 =	vmul.f32 $5.000000000e-01, v20;
	_ =	sdelay $0x1  }
0xf1: {  	vm5 =	vmmov vm5;
	v20 =	vld.idx.msk [tilespmem:v44+s28+$0x0], $0xffff;
	[tilespmem:v46+s31+$0x0] =	vst.idx.msk vm6, v19;
	v11 =	vadd.f32 v11, v12  }
0xf2: {  	v19 =	vld.idx.msk [tilespmem:v37+s28+$0x0], $0xffff  }
0xf3: {  	v12 =	vld.idx.msk [tilespmem:v13+s28+$0x0], $0xffff;
	v14 =	vadd.f32 v21, v14;
	v11 =	vmul.f32 $5.000000000e-01, v11  }
0xf4: {  	v13 =	vld.idx.msk [tilespmem:v27+s28+$0x0], $0xffff  }
0xf5: {  	v21 =	vld.idx.msk [tilespmem:v23+s28+$0x0], $0xffff;
	v14 =	vmul.f32 $5.000000000e-01, v14;
	[tilespmem:v34+s31+$0x0] =	vst.idx.msk vm4, v11  }
0xf6: {  	v11 =	vld.idx.msk [tilespmem:v31+s28+$0x0], $0xffff  }
0xf7: {  	v22 =	vadd.s32 s11, v6;
	[tilespmem:v32+s31+$0x0] =	vst.idx.msk vm5, v14;
	v14 =	vld.idx.msk [tilespmem:v26+s28+$0x0], $0xffff  }
0xf8: {  	v22 =	vand.u32 $0xFFF8, v22;
	vm3 =	vmmov vm3;
	v23 =	vld.idx.msk [tilespmem:v49+s28+$0x0], $0xffff  }
0xf9: {  	v25 =	vadd.f32 v48, v45;
	v22 =	vor.u32 v7, v22;
	v26 =	vld.idx.msk [tilespmem:v36+s28+$0x0], $0xffff  }
0xfa: {  	vm1 =	vmmov vm1;
	v12 =	vadd.f32 v12, v20  }
0xfb: {  	v20 =	vmul.f32 $5.000000000e-01, v25;
	v13 =	vadd.f32 v19, v13  }
0xfc: {  	[tilespmem:v8+s31+$0x0] =	vst.idx.msk vm2, v53;
	v19 =	vadd.f32 v21, v35;
	v12 =	vmul.f32 $5.000000000e-01, v12  }
0xfd: {  	[tilespmem:v24+s31+$0x0] =	vst.idx.msk vm0, v20;
	v13 =	vmul.f32 $5.000000000e-01, v13;
	v11 =	vadd.f32 v14, v11  }
0xfe: {  	[tilespmem:v22+s31+$0x0] =	vst.idx.msk vm3, v12;
	v12 =	vmul.f32 $5.000000000e-01, v19;
	v14 =	vadd.f32 v26, v23  }
0xff: {  	[tilespmem:v52+s31+$0x0] =	vst.idx.msk vm6, v13;
	v11 =	vmul.f32 $5.000000000e-01, v11  }
0x100: {  	[tilespmem:v41+s31+$0x0] =	vst.idx.msk vm1, v12;
	v12 =	vmul.f32 $5.000000000e-01, v14  }
0x101: {  	[tilespmem:v43+s31+$0x0] =	vst.idx.msk vm4, v11  }
0x102: {  	[tilespmem:v51+s31+$0x0] =	vst.idx.msk vm5, v12  }
0x103: {  	v11 =	vld [tilespmem:$0x2800]  }
0x104: {  	v12 =	vld [tilespmem:$0x5010];
	_ =	sdelay $0x6  }
0x105: {  	v13 =	vld.idx.msk [tilespmem:v11+s28+$0x0], $0xffff  }
0x106: {  	v14 =	vld.idx.msk [tilespmem:v12+s28+$0x0], $0xffff;
	_ =	sdelay $0x4  }
0x107: {  	v13 =	vadd.f32 v14, v13;
	v14 =	vadd.s32 $0xA02, v11  }
0x108: {  	v19 =	vadd.s32 $0xA02, v12  }
0x109: {  	v13 =	vmul.f32 $5.000000000e-01, v13;
	_ =	sdelay $0x1  }
0x10a: {  	[tilespmem:v18+s31+$0x0] =	vst.idx.msk $0x3, v13  }
0x10b: {  	v13 =	vld.idx.msk [tilespmem:v14+s28+$0x0], $0xffff  }
0x10c: {  	v14 =	vld.idx.msk [tilespmem:v19+s28+$0x0], $0xffff  }
0x10d: {  	v8 =	vld [tilespmem:$0x1FF50];
	_ =	sdelay $0x3  }
0x10e: {  	v13 =	vadd.f32 v14, v13;
	v14 =	vadd.s32 $0x1404, v11  }
0x10f: {  	v19 =	vadd.s32 $0x1404, v12  }
0x110: {  	v13 =	vmul.f32 $5.000000000e-01, v13;
	_ =	sdelay $0x1  }
0x111: {  	[tilespmem:v8+s31+$0x0] =	vst.idx.msk $0x3, v13  }
0x112: {  	v13 =	vld.idx.msk [tilespmem:v14+s28+$0x0], $0xffff  }
0x113: {  	v14 =	vld.idx.msk [tilespmem:v19+s28+$0x0], $0xffff  }
0x114: {  	v8 =	vld [tilespmem:$0x1FF60];
	_ =	sdelay $0x3  }
0x115: {  	v11 =	vadd.s32 $0x1E06, v11;
	v13 =	vadd.f32 v14, v13  }
0x116: {  	v12 =	vadd.s32 $0x1E06, v12  }
0x117: {  	v13 =	vmul.f32 $5.000000000e-01, v13;
	_ =	sdelay $0x1  }
0x118: {  	[tilespmem:v8+s31+$0x0] =	vst.idx.msk $0x3, v13  }
0x119: {  	v11 =	vld.idx.msk [tilespmem:v11+s28+$0x0], $0xffff  }
0x11a: {  	v12 =	vld.idx.msk [tilespmem:v12+s28+$0x0], $0xffff  }
0x11b: {  	v8 =	vld [tilespmem:$0x1FF70];
	_ =	sdelay $0x3  }
0x11c: {  	v11 =	vadd.f32 v12, v11;
	_ =	sdelay $0x1  }
0x11d: {  	v11 =	vmul.f32 $5.000000000e-01, v11  }
0x11e: {  	v9 =	vld [tilespmem:$0x1FFD0]  }
0x11f: {  	s8 =	simm.s32 $0x0;
	s19 =	simm.s32 $0x20;
	s9 =	rddreg [dreg:$0x7];
	v10 =	vld [tilespmem:$0x1FFE0];
	[tilespmem:v8+s31+$0x0] =	vst.idx.msk $0x3, v11  }
0x120: {  	v55 =	vld [tilespmem:$0x1FFF0];
	[hbm4b:s9+s8] =	stream.linear.scatter [tilespmem:s31], [sflag:$0x3], $0xA008, $0x38  }
0x121: {  	s10 =	simm.s32 $0x2830;
	v11 =	vld [tilespmem:s19+$0x10]  }
0x122: {  	v12 =	vld [tilespmem:s10+$0x10]  }
0x123: {  	v8 =	vld [tilespmem:$0x1FFC0]  }
0x124: {  	v13 =	vld [tilespmem:s10+$0xFFFFFFE0]  }
0x125: {  	v14 =	vld [tilespmem:s19+$0xFFFFFFF0]  }
0x126: {  	v24 =	vld [tilespmem:s19+$0xFFFFFFE0];
	v19 =	vadd.s32 $0x2808, v11  }
0x127: {  	v20 =	vld [tilespmem:s10+$0xFFFFFFF0];
	v21 =	vadd.s32 $0x2808, v12  }
0x128: {  	s21 =	simm.s32 $0x10;
	s18 =	simm.s32 $0x70;
	v22 =	vld [tilespmem:s19+$0x0]  }
0x129: {  	s20 =	simm.s32 $0x30;
	s12 =	simm.s32 $0x60;
	v53 =	vmov s21;
	v61 =	vmov s18;
	v23 =	vld [tilespmem:s10+$0x0]  }
0x12a: {  	vm2 =	vmmov vm5;
	v30 =	vmov s20;
	v35 =	vld [tilespmem:s12+$0x10];
	v25 =	vadd.s32 $0x2808, v13  }
0x12b: {  	s22 =	simm.s32 $0x20;
	s11 =	simm.s32 $0x40;
	s23 =	simm.s32 $0x50;
	v31 =	vadd.s32 s20, v9;
	v51 =	vadd.s32 s21, v9;
	v50 =	vadd.s32 $0x2808, v24;
	v19 =	vld.idx.msk [tilespmem:v19+s28+$0x0], $0xffff  }
0x12c: {  	s24 =	simm.s32 $0x60;
	v52 =	vadd.s32 s22, v9;
	v48 =	vadd.s32 s11, v9;
	v60 =	vadd.s32 s23, v9;
	s9 =	simm.s32 $0x2870;
	v21 =	vld.idx.msk [tilespmem:v21+s28+$0x0], $0xffff  }
0x12d: {  	v62 =	vadd.s32 s18, v9;
	v63 =	vadd.s32 s24, v9;
	v38 =	vld [tilespmem:s9+$0xFFFFFFF0];
	v26 =	vadd.s32 $0x2808, v14  }
0x12e: {  	v33 =	vand.u32 $0xFFF8, v51;
	v49 =	vand.u32 $0xFFF8, v60;
	v39 =	vld [tilespmem:s12+$0x0];
	v27 =	vadd.s32 $0x2808, v20  }
0x12f: {  	vm4 =	vlt.u32 v30, v8;
	v30 =	vand.u32 $0xFFF8, v31;
	v29 =	vadd.s32 $0x2808, v23;
	v25 =	vld.idx.msk [tilespmem:v25+s28+$0x0], $0xffff  }
0x130: {  	v60 =	vmov s24;
	v33 =	vor.u32 v10, v33;
	v30 =	vor.u32 v10, v30;
	v32 =	vld.idx.msk [tilespmem:v50+s28+$0x0], $0xffff  }
0x131: {  	v41 =	vld [tilespmem:s9+$0x0];
	vm5 =	vlt.u32 v53, v8;
	v11 =	vadd.s32 $0x320A, v11;
	v19 =	vadd.f32 v21, v19  }
0x132: {  	vm3 =	vlt.u32 v61, v8;
	vm0 =	vmmov vm5;
	v12 =	vadd.s32 $0x320A, v12;
	v26 =	vld.idx.msk [tilespmem:v26+s28+$0x0], $0xffff  }
0x133: {  	v28 =	vadd.s32 $0x2808, v22;
	v31 =	vadd.s32 $0x320A, v22;
	v27 =	vld.idx.msk [tilespmem:v27+s28+$0x0], $0xffff;
	v19 =	vmul.f32 $5.000000000e-01, v19  }
0x134: {  	v34 =	vadd.s32 $0x320A, v23;
	v22 =	vmov s8;
	v40 =	vadd.s32 $0x2808, v35;
	v23 =	vld.idx.msk [tilespmem:v29+s28+$0x0], $0xffff  }
0x135: {  	v13 =	vadd.s32 $0x320A, v13;
	vm1 =	vlt.u32 v22, v8;
	v22 =	vadd.f32 v25, v32;
	v32 =	vld [tilespmem:s9+$0x10];
	[tilespmem:v30+s31+$0x0] =	vst.idx.msk vm4, v19  }
0x136: {  	v14 =	vadd.s32 $0x320A, v14;
	v20 =	vadd.s32 $0x320A, v20;
	v57 =	vadd.s32 $0x2808, v38;
	v11 =	vld.idx.msk [tilespmem:v11+s28+$0x0], $0xffff  }
0x137: {  	v24 =	vadd.s32 $0x320A, v24;
	v47 =	vadd.s32 $0x2808, v39;
	v58 =	vadd.s32 $0x2808, v41;
	v12 =	vld.idx.msk [tilespmem:v12+s28+$0x0], $0xffff  }
0x138: {  	v61 =	vadd.s32 $0x320A, v35;
	v29 =	vadd.s32 s8, v55;
	v21 =	vld.idx.msk [tilespmem:v28+s28+$0x0], $0xffff;
	v28 =	vadd.s32 s8, v9  }
0x139: {  	v40 =	vld.idx.msk [tilespmem:v40+s28+$0x0], $0xffff;
	v26 =	vadd.f32 v27, v26;
	v19 =	vmov s22;
	v30 =	vand.u32 $0xFFF8, v52  }
0x13a: {  	v28 =	vand.u32 $0xFFD8, v28;
	vm6 =	vlt.u32 v19, v8;
	v19 =	vor.u32 v10, v30;
	v30 =	vld [tilespmem:s12+$0xFFFFFFF0]  }
0x13b: {  	v46 =	vld.idx.msk [tilespmem:v57+s28+$0x0], $0xffff;
	v25 =	vadd.s32 s22, v55;
	v27 =	vor.u32 v10, v28;
	v36 =	vmul.f32 $5.000000000e-01, v26  }
0x13c: {  	v28 =	vmul.f32 $5.000000000e-01, v22;
	v54 =	vadd.s32 $0x2808, v32;
	v11 =	vadd.f32 v12, v11;
	v12 =	vld [tilespmem:s12+$0xFFFFFFE0]  }
0x13d: {  	v26 =	vld [tilespmem:s9+$0xFFFFFFE0];
	v22 =	vand.u32 $0x1FFF8, v25;
	v25 =	vand.u32 $0x1FFD8, v29;
	v29 =	vadd.s32 s20, v55  }
0x13e: {  	vm2 =	vmmov vm1;
	v47 =	vld.idx.msk [tilespmem:v47+s28+$0x0], $0xffff;
	v57 =	vmov s23;
	v29 =	vand.u32 $0x1FFF8, v29  }
0x13f: {  	v53 =	vld.idx.msk [tilespmem:v58+s28+$0x0], $0xffff;
	v22 =	vor.u32 v3, v22;
	v44 =	vor.u32 v3, v29;
	v56 =	vadd.s32 $0x2808, v30  }
0x140: {  	[tilespmem:v33+s31+$0x0] =	vst.idx.msk vm5, v36;
	vm5 =	vlt.u32 v60, v8;
	v21 =	vadd.f32 v23, v21;
	v23 =	vadd.s32 s21, v55  }
0x141: {  	v23 =	vand.u32 $0x1FFF8, v23;
	[tilespmem:v27+s31+$0x0] =	vst.idx.msk vm1, v28;
	v27 =	vadd.s32 $0x320A, v39;
	v39 =	vld.idx.msk [tilespmem:v54+s28+$0x0], $0xffff;
	v59 =	vadd.s32 $0x2808, v12  }
0x142: {  	v37 =	vmul.f32 $5.000000000e-01, v21;
	v21 =	vor.u32 v3, v23;
	v29 =	vadd.s32 $0x2808, v26;
	v45 =	vld.idx.msk [tilespmem:v24+s28+$0x0], $0xffff  }
0x143: {  	v23 =	vor.u32 v3, v25;
	vm1 =	vmmov vm6;
	v25 =	vadd.s32 $0x320A, v38;
	v13 =	vld.idx.msk [tilespmem:v13+s28+$0x0], $0xffff  }
0x144: {  	v28 =	vadd.s32 $0x320A, v41;
	v38 =	vor.u32 v10, v49;
	v43 =	vld.idx.msk [tilespmem:v56+s28+$0x0], $0xffff;
	v56 =	vand.u32 $0xFFF8, v62  }
0x145: {  	v33 =	vld.idx.msk [tilespmem:v14+s28+$0x0], $0xffff;
	v24 =	vadd.s32 $0x320A, v26;
	v26 =	vadd.s32 $0x320A, v30;
	v50 =	vor.u32 v10, v56  }
0x146: {  	v30 =	vadd.s32 s11, v55;
	[tilespmem:v19+s31+$0x0] =	vst.idx.msk vm6, v37;
	v19 =	vand.u32 $0xFFD8, v48;
	v58 =	vld.idx.msk [tilespmem:v59+s28+$0x0], $0xffff;
	v59 =	vadd.f32 v39, v40  }
0x147: {  	vm6 =	vlt.u32 v57, v8;
	v42 =	vld.idx.msk [tilespmem:v29+s28+$0x0], $0xffff;
	v62 =	vand.u32 $0xFFF8, v63;
	v63 =	vadd.s32 $0x320A, v32  }
0x148: {  	v35 =	vld.idx.msk [tilespmem:v20+s28+$0x0], $0xffff;
	v11 =	vmul.f32 $5.000000000e-01, v11;
	v41 =	vadd.f32 v13, v45;
	v14 =	vmul.f32 $5.000000000e-01, v59  }
0x149: {  	v31 =	vld.idx.msk [tilespmem:v31+s28+$0x0], $0xffff;
	v29 =	vadd.s32 $0x320A, v12;
	v12 =	vmov s11;
	v36 =	vor.u32 v10, v62  }
0x14a: {  	v34 =	vld.idx.msk [tilespmem:v34+s28+$0x0], $0xffff;
	vm7 =	vlt.u32 v12, v8;
	v20 =	vadd.f32 v46, v43;
	[tilespmem:v50+s31+$0x0] =	vst.idx.msk vm3, v14  }
0x14b: {  	v45 =	vadd.s32 s23, v55;
	v39 =	vor.u32 v10, v19;
	v43 =	vadd.f32 v53, v47;
	v32 =	vld.idx.msk [tilespmem:v61+s28+$0x0], $0xffff  }
0x14c: {  	s17 =	simm.s32 $0xA0;
	s12 =	simm.s32 $0x4;
	[tilespmem:v44+s31+$0x0] =	vst.idx.msk vm4, v11;
	v40 =	vmul.f32 $5.000000000e-01, v20;
	v44 =	vadd.f32 v42, v58;
	v42 =	vadd.s32 s24, v55;
	v37 =	vld.idx.msk [tilespmem:v63+s28+$0x0], $0xffff  }
.LBB2_4:
0x14d: {  	v11 =	vld [tilespmem:s17+$0x10];
	v12 =	vand.u32 $0x1FFF8, v45;
	v13 =	vmul.f32 $5.000000000e-01, v43;
	s9 =	sadd.s32 $0x40, s9;
	v14 =	vmul.f32 $5.000000000e-01, v41  }
0x14e: {  	v33 =	vadd.f32 v35, v33;
	v19 =	vld [tilespmem:s9+$0x10];
	v20 =	vmul.f32 $5.000000000e-01, v44;
	[tilespmem:v38+s31+$0x0] =	vst.idx.msk vm6, v40;
	v38 =	vand.u32 $0x1FFF8, v42  }
0x14f: {  	s12 =	sadd.s32 $0x4, s12;
	v30 =	vand.u32 $0x1FFD8, v30;
	v12 =	vor.u32 v3, v12;
	v35 =	vld [tilespmem:s9+$0xFFFFFFE0];
	[tilespmem:v36+s31+$0x0] =	vst.idx.msk vm5, v13;
	v13 =	vadd.s32 s18, v55  }
0x150: {  	p0 =	slt.u32 s12, $0x27C;
	v31 =	vadd.f32 v34, v31;
	v36 =	vld [tilespmem:s17+$0xFFFFFFF0];
	[tilespmem:v39+s31+$0x0] =	vst.idx.msk vm7, v20;
	v13 =	vand.u32 $0x1FFF8, v13;
	v20 =	vmul.f32 $5.000000000e-01, v33  }
0x151: {  	v30 =	vor.u32 v3, v30;
	v34 =	vor.u32 v3, v38;
	v33 =	vld [tilespmem:s9+$0xFFFFFFF0];
	v13 =	vor.u32 v3, v13  }
0x152: {  	v32 =	vadd.f32 v37, v32;
	v38 =	vld [tilespmem:s17+$0x0];
	v39 =	vadd.s32 $0x2808, v11;
	[tilespmem:v23+s31+$0x0] =	vst.idx.msk vm2, v14;
	v14 =	vmul.f32 $5.000000000e-01, v31;
	v23 =	vmovc v30  }
0x153: {  	vm2 =	vmmov vm7;
	v30 =	vld [tilespmem:s9+$0x0];
	v31 =	vadd.s32 $0x2808, v19;
	[tilespmem:v21+s31+$0x0] =	vst.idx.msk vm0, v20;
	v21 =	vmovc v12;
	vm0 =	vmmov vm6  }
0x154: {  	v32 =	vmul.f32 $5.000000000e-01, v32;
	v12 =	vld [tilespmem:s17+$0xFFFFFFE0];
	v20 =	vadd.s32 $0x2808, v35;
	v35 =	vadd.s32 $0x320A, v35;
	[tilespmem:v22+s31+$0x0] =	vst.idx.msk vm1, v14;
	v22 =	vmovc v34  }
0x155: {  	vm1 =	vmmov vm5;
	v14 =	vadd.s32 $0x2808, v36;
	v34 =	vadd.s32 $0x320A, v36;
	v37 =	vld.idx.msk [tilespmem:v29+s28+$0x0], $0xffff  }
0x156: {  	v36 =	vadd.s32 $0x2808, v33;
	v40 =	vadd.s32 $0x320A, v33;
	v41 =	vld.idx.msk [tilespmem:v24+s28+$0x0], $0xffff;
	[tilespmem:v13+s31+$0x0] =	vst.idx.msk vm3, v32;
	v24 =	vmov v35  }
0x157: {  	v13 =	vadd.s32 $0x2808, v38;
	v42 =	vadd.s32 $0x320A, v38;
	v32 =	vld.idx.msk [tilespmem:v39+s28+$0x0], $0xffff  }
0x158: {  	v33 =	vadd.s32 $0x2808, v30;
	v46 =	vadd.s32 $0x320A, v30;
	v31 =	vld.idx.msk [tilespmem:v31+s28+$0x0], $0xffff  }
0x159: {  	s11 =	sadd.s32 $0x40, s11;
	v35 =	vadd.s32 $0x2808, v12;
	v20 =	vld.idx.msk [tilespmem:v20+s28+$0x0], $0xffff;
	v29 =	vadd.s32 $0x320A, v12  }
0x15a: {  	s8 =	sadd.s32 $0x10, s11;
	s10 =	sadd.s32 $0x20, s11;
	s18 =	sadd.s32 $0x30, s11;
	v38 =	vadd.s32 s11, v9;
	v30 =	vadd.s32 s11, v55;
	v12 =	vmov s11;
	v14 =	vld.idx.msk [tilespmem:v14+s28+$0x0], $0xffff  }
0x15b: {  	v43 =	vmov s18;
	v44 =	vadd.s32 s18, v9;
	v39 =	vadd.s32 s8, v9;
	v36 =	vld.idx.msk [tilespmem:v36+s28+$0x0], $0xffff  }
0x15c: {  	v45 =	vadd.s32 s10, v9;
	vm3 =	vlt.u32 v43, v8;
	v43 =	vand.u32 $0xFFF8, v44;
	v13 =	vld.idx.msk [tilespmem:v13+s28+$0x0], $0xffff  }
0x15d: {  	v44 =	vmov s8;
	v43 =	vor.u32 v10, v43;
	v39 =	vand.u32 $0xFFF8, v39;
	v47 =	vld.idx.msk [tilespmem:v33+s28+$0x0], $0xffff  }
0x15e: {  	v49 =	vmov s10;
	v11 =	vadd.s32 $0x320A, v11;
	v31 =	vadd.f32 v31, v32;
	v48 =	vld.idx.msk [tilespmem:v35+s28+$0x0], $0xffff  }
0x15f: {  	v45 =	vand.u32 $0xFFF8, v45;
	v19 =	vadd.s32 $0x320A, v19;
	v32 =	vand.u32 $0xFFD8, v38;
	v33 =	vld.idx.msk [tilespmem:v26+s28+$0x0], $0xffff;
	v26 =	vmovc v34  }
.Ltmp1:
0x160: {  	vm6 =	vlt.u32 v44, v8;
	v38 =	vor.u32 v10, v39;
	v34 =	vmul.f32 $5.000000000e-01, v31;
	v35 =	vld.idx.msk [tilespmem:v25+s28+$0x0], $0xffff;
	v25 =	vmovc v40;
	(pc) =	sbr.rel @p0 .LBB2_4-.Ltmp1, $4  }
0x161: {  	vm5 =	vlt.u32 v49, v8;
	v14 =	vadd.f32 v36, v14;
	v36 =	vor.u32 v10, v45;
	v31 =	vld.idx.msk [tilespmem:v27+s28+$0x0], $0xffff  }
0x162: {  	vm7 =	vlt.u32 v12, v8;
	v39 =	vor.u32 v10, v32;
	[tilespmem:v43+s31+$0x0] =	vst.idx.msk vm3, v34;
	v34 =	vld.idx.msk [tilespmem:v28+s28+$0x0], $0xffff  }
0x163: {  	v41 =	vadd.f32 v41, v37;
	v27 =	vmovc v42;
	v40 =	vmul.f32 $5.000000000e-01, v14;
	v43 =	vadd.f32 v47, v13;
	v32 =	vld.idx.msk [tilespmem:v11+s28+$0x0], $0xffff  }
0x164: {  	s17 =	sadd.s32 $0x40, s17;
	v45 =	vadd.s32 s8, v55;
	v42 =	vadd.s32 s10, v55;
	v28 =	vmovc v46;
	v44 =	vadd.f32 v20, v48;
	v37 =	vld.idx.msk [tilespmem:v19+s28+$0x0], $0xffff  }
0x165: {  	_ =	sdelay $0x4  }
0x166: {  	v12 =	vmul.f32 $5.000000000e-01, v43;
	[tilespmem:v38+s31+$0x0] =	vst.idx.msk vm6, v40  }
0x167: {  	v11 =	vmul.f32 $5.000000000e-01, v44;
	v14 =	vld.idx.msk [tilespmem:v26+s28+$0x0], $0xffff  }
0x168: {  	[tilespmem:v36+s31+$0x0] =	vst.idx.msk vm5, v12;
	v12 =	vld.idx.msk [tilespmem:v25+s28+$0x0], $0xffff  }
0x169: {  	[tilespmem:v39+s31+$0x0] =	vst.idx.msk vm7, v11;
	v27 =	vld.idx.msk [tilespmem:v27+s28+$0x0], $0xffff  }
0x16a: {  	v19 =	vand.u32 $0x1FFF8, v45;
	v11 =	vld.idx.msk [tilespmem:v29+s28+$0x0], $0xffff  }
0x16b: {  	v20 =	vmul.f32 $5.000000000e-01, v41;
	v56 =	vadd.f32 v35, v33;
	v59 =	vadd.s32 s18, v55;
	v13 =	vld.idx.msk [tilespmem:v24+s28+$0x0], $0xffff  }
0x16c: {  	v57 =	vand.u32 $0x1FFF8, v42;
	v58 =	vand.u32 $0x1FFD8, v30;
	v28 =	vld.idx.msk [tilespmem:v28+s28+$0x0], $0xffff;
	v29 =	vand.u32 $0x1FFF8, v59  }
0x16d: {  	vm14 =	vmmov vm6;
	v60 =	vadd.f32 v34, v31;
	v29 =	vor.u32 v3, v29  }
0x16e: {  	v19 =	vor.u32 v3, v19;
	v24 =	vmul.f32 $5.000000000e-01, v56;
	v61 =	vadd.f32 v37, v32  }
0x16f: {  	v26 =	vor.u32 v3, v58;
	[tilespmem:v23+s31+$0x0] =	vst.idx.msk vm2, v20;
	v20 =	vmul.f32 $5.000000000e-01, v60;
	v12 =	vadd.f32 v12, v14  }
0x170: {  	[tilespmem:v21+s31+$0x0] =	vst.idx.msk vm0, v24;
	v62 =	vmul.f32 $5.000000000e-01, v61;
	v11 =	vadd.f32 v13, v11;
	v13 =	vor.u32 v3, v57  }
0x171: {  	[tilespmem:v22+s31+$0x0] =	vst.idx.msk vm1, v20;
	v14 =	vadd.f32 v28, v27;
	v12 =	vmul.f32 $5.000000000e-01, v12  }
0x172: {  	[tilespmem:v29+s31+$0x0] =	vst.idx.msk vm3, v62;
	v11 =	vmul.f32 $5.000000000e-01, v11  }
0x173: {  	v63 =	vmul.f32 $5.000000000e-01, v14;
	[tilespmem:v19+s31+$0x0] =	vst.idx.msk vm14, v12  }
0x174: {  	[tilespmem:v26+s31+$0x0] =	vst.idx.msk vm7, v11  }
0x175: {  	[tilespmem:v13+s31+$0x0] =	vst.idx.msk vm5, v63  }
0x176: {  	v11 =	vld [tilespmem:$0x2800]  }
0x177: {  	v12 =	vld [tilespmem:$0x5010];
	_ =	sdelay $0x3  }
0x178: {  	v13 =	vadd.s32 $0x2808, v11  }
0x179: {  	v14 =	vadd.s32 $0x2808, v12;
	_ =	sdelay $0x3  }
0x17a: {  	v13 =	vld.idx.msk [tilespmem:v13+s28+$0x0], $0xffff  }
0x17b: {  	v14 =	vld.idx.msk [tilespmem:v14+s28+$0x0], $0xffff  }
0x17c: {  	v1 =	vld [tilespmem:$0x1FF80];
	_ =	sdelay $0x3  }
0x17d: {  	v11 =	vadd.s32 $0x320A, v11;
	v13 =	vadd.f32 v14, v13  }
0x17e: {  	v12 =	vadd.s32 $0x320A, v12  }
0x17f: {  	v13 =	vmul.f32 $5.000000000e-01, v13;
	_ =	sdelay $0x1  }
0x180: {  	[tilespmem:v1+s31+$0x0] =	vst.idx.msk $0x3, v13  }
0x181: {  	v11 =	vld.idx.msk [tilespmem:v11+s28+$0x0], $0xffff  }
0x182: {  	v12 =	vld.idx.msk [tilespmem:v12+s28+$0x0], $0xffff  }
0x183: {  	v1 =	vld [tilespmem:$0x1FF90];
	_ =	sdelay $0x3  }
0x184: {  	v11 =	vadd.f32 v12, v11;
	_ =	sdelay $0x1  }
0x185: {  	v11 =	vmul.f32 $5.000000000e-01, v11;
	_ =	sdelay $0x1  }
0x186: {  	s9 =	simm.s32 $0x0;
	s8 =	rddreg [dreg:$0x8];
	[tilespmem:v1+s31+$0x0] =	vst.idx.msk $0x3, v11  }
0x187: {  	[hbm4b:s8+s9] =	stream.linear.scatter [tilespmem:s0], [sflag:$0x4], $0x5004, $0x38;
	[tilespmem:$0x1B850] =	vst v63  }
0x188: {  	s11 =	simm.s32 $0x0;
	s24 =	rddreg [dreg:$0x9]  }
0x189: {  	vm4 =	vmmov vm7;
	vm15 =	vmmov vm5;
	[tilespmem:s28], [sflag:$0x1] =	stream.linear.gather [hbm4b:s24+s9], $0x3C10, $0x38;
	[tilespmem:$0x1B850] =	vst v63  }
.LBB2_6:
0x18a: {  	_ =	swait.ge [sflag:s1], $0x3C10  }
0x18b: {  	[sflag:s1] =	ssyncset.done $0x0  }
0x18c: {  	[sflag:s1] =	ssyncadd.s32 $0xFFFFC3F0  }
0x18d: {  	_ =	swait.ge [sflag:s26], $0xA008  }
0x18e: {  	[sflag:s26] =	ssyncset.done $0x0  }
0x18f: {  	s8 =	simm.s32 $0x20;
	[sflag:s26] =	ssyncadd.s32 $0xFFFF5FF8  }
0x190: {  	s10 =	simm.s32 $0x2830;
	v11 =	vld [tilespmem:s8+$0x10]  }
0x191: {  	v12 =	vld [tilespmem:s10+$0x10];
	_ =	sdelay $0x2  }
0x192: {  	v13 =	vld [tilespmem:s8+$0xFFFFFFF0]  }
0x193: {  	v14 =	vld [tilespmem:s10+$0xFFFFFFF0];
	_ =	sdelay $0x2  }
0x194: {  	v20 =	vld.idx.msk [tilespmem:v11+s29+$0x0], $0xffff  }
0x195: {  	v21 =	vld.idx.msk [tilespmem:v12+s29+$0x0], $0xffff  }
0x196: {  	s17 =	simm.s32 $0x30;
	v19 =	vld [tilespmem:s8+$0x0]  }
0x197: {  	v23 =	vor.u32 s17, v0;
	v29 =	vld [tilespmem:s10+$0x0]  }
0x198: {  	vm0 =	vlt.u32 v23, $0x2802;
	v24 =	vld.idx.msk [tilespmem:v13+s29+$0x0], $0xffff  }
0x199: {  	v23 =	vand.u32 v17, v23;
	v25 =	vld.idx.msk [tilespmem:v14+s29+$0x0], $0xffff  }
0x19a: {  	s19 =	simm.s32 $0x10;
	v26 =	vld [tilespmem:s8+$0xFFFFFFE0];
	v20 =	vadd.f32 v21, v20;
	v21 =	vadd.s32 $0xA02, v11  }
0x19b: {  	v28 =	vor.u32 s19, v0;
	v27 =	vadd.s32 $0xA02, v12  }
0x19c: {  	vm2 =	vlt.u32 v28, $0x2802;
	v20 =	vmul.f32 $5.000000000e-01, v20  }
0x19d: {  	v28 =	vand.u32 v15, v28;
	v22 =	vld [tilespmem:s10+$0xFFFFFFE0]  }
0x19e: {  	v30 =	vld.idx.msk [tilespmem:v19+s29+$0x0], $0xffff;
	[tilespmem:v23+s31+$0x0] =	vst.idx.msk vm0, v20;
	v20 =	vadd.s32 $0xA02, v13;
	v23 =	vadd.f32 v25, v24  }
0x19f: {  	v21 =	vld.idx.msk [tilespmem:v21+s29+$0x0], $0xffff  }
0x1a0: {  	v24 =	vadd.s32 $0xA02, v14;
	v25 =	vld.idx.msk [tilespmem:v27+s29+$0x0], $0xffff;
	v23 =	vmul.f32 $5.000000000e-01, v23  }
0x1a1: {  	v31 =	vld.idx.msk [tilespmem:v29+s29+$0x0], $0xffff  }
0x1a2: {  	v35 =	vadd.s32 s17, v2;
	v34 =	vld.idx.msk [tilespmem:v26+s29+$0x0], $0xffff;
	[tilespmem:v28+s31+$0x0] =	vst.idx.msk vm2, v23  }
0x1a3: {  	s20 =	simm.s32 $0x20;
	v33 =	vor.u32 s9, v0;
	v23 =	vand.u32 $0x7FF8, v35;
	v20 =	vld.idx.msk [tilespmem:v20+s29+$0x0], $0xffff  }
0x1a4: {  	v32 =	vor.u32 s20, v0;
	vm3 =	vlt.u32 v33, $0x2802;
	v23 =	vor.u32 v3, v23;
	v10 =	vld [tilespmem:$0x1FFA0]  }
0x1a5: {  	s21 =	simm.s32 $0x70;
	v36 =	vadd.s32 s19, v2;
	v24 =	vld.idx.msk [tilespmem:v24+s29+$0x0], $0xffff;
	v21 =	vadd.f32 v25, v21;
	v25 =	vadd.s32 $0x1404, v11  }
0x1a6: {  	v53 =	vor.u32 s21, v0;
	vm1 =	vlt.u32 v32, $0x2802;
	v57 =	vadd.s32 $0x1404, v12;
	v27 =	vld.idx.msk [tilespmem:v22+s29+$0x0], $0xffff  }
0x1a7: {  	v55 =	vadd.s32 s17, v6;
	v32 =	vand.u32 v16, v32;
	v21 =	vmul.f32 $5.000000000e-01, v21  }
0x1a8: {  	s18 =	simm.s32 $0x2870;
	v36 =	vand.u32 $0x7FF8, v36;
	v59 =	vadd.s32 $0xA02, v29;
	v30 =	vadd.f32 v31, v30  }
0x1a9: {  	v36 =	vor.u32 v3, v36;
	v46 =	vld [tilespmem:s18+$0xFFFFFFE0];
	v56 =	vadd.s32 $0xA02, v26;
	v28 =	vadd.s32 $0xA02, v19;
	[tilespmem:v23+s31+$0x0] =	vst.idx.msk vm0, v21  }
0x1aa: {  	v30 =	vmul.f32 $5.000000000e-01, v30;
	v31 =	vand.u32 v10, v33;
	v20 =	vadd.f32 v24, v20;
	v23 =	vld.idx.msk [tilespmem:v25+s29+$0x0], $0xffff  }
0x1ab: {  	s12 =	simm.s32 $0x60;
	v58 =	vadd.s32 $0xA02, v22;
	v40 =	vadd.s32 $0x1404, v26;
	v27 =	vadd.f32 v27, v34;
	v24 =	vld.idx.msk [tilespmem:v57+s29+$0x0], $0xffff  }
0x1ac: {  	v48 =	vld [tilespmem:s12+$0xFFFFFFF0];
	v12 =	vadd.s32 $0x1E06, v12;
	[tilespmem:v32+s31+$0x0] =	vst.idx.msk vm1, v30;
	v21 =	vadd.s32 $0x1404, v13;
	v20 =	vmul.f32 $5.000000000e-01, v20  }
0x1ad: {  	v30 =	vadd.s32 $0x1E06, v13;
	v41 =	vld.idx.msk [tilespmem:v59+s29+$0x0], $0xffff;
	v27 =	vmul.f32 $5.000000000e-01, v27;
	v25 =	vadd.s32 s20, v2  }
0x1ae: {  	v37 =	vld.idx.msk [tilespmem:v28+s29+$0x0], $0xffff;
	v28 =	vadd.s32 s17, v4;
	v13 =	vadd.s32 $0x1404, v14;
	v25 =	vand.u32 $0x7FF8, v25;
	[tilespmem:v36+s31+$0x0] =	vst.idx.msk vm2, v20  }
0x1af: {  	v33 =	vld [tilespmem:s18+$0xFFFFFFF0];
	v42 =	vor.u32 v3, v25;
	v20 =	vand.u32 $0xFFF8, v28;
	[tilespmem:v31+s31+$0x0] =	vst.idx.msk vm3, v27;
	v27 =	vadd.s32 s9, v2  }
0x1b0: {  	v25 =	vld [tilespmem:s12+$0x10];
	v20 =	vor.u32 v5, v20;
	v27 =	vand.u32 $0x7FD8, v27;
	v23 =	vadd.f32 v24, v23  }
0x1b1: {  	v11 =	vadd.s32 $0x1E06, v11;
	v44 =	vld.idx.msk [tilespmem:v21+s29+$0x0], $0xffff;
	v39 =	vor.u32 v3, v27;
	v27 =	vadd.s32 s20, v4  }
0x1b2: {  	v60 =	vld.idx.msk [tilespmem:v56+s29+$0x0], $0xffff;
	v24 =	vadd.s32 s9, v4;
	v31 =	vmul.f32 $5.000000000e-01, v23;
	v23 =	vand.u32 $0xFFF8, v27  }
0x1b3: {  	v43 =	vadd.s32 $0x1404, v19;
	v28 =	vand.u32 $0xFFD8, v24;
	v24 =	vld [tilespmem:s18+$0x10];
	v27 =	vor.u32 v5, v23  }
0x1b4: {  	v34 =	vld.idx.msk [tilespmem:v58+s29+$0x0], $0xffff;
	v23 =	vadd.s32 $0x1E06, v26;
	v26 =	vadd.s32 $0x1E06, v19;
	v19 =	vadd.s32 s19, v6  }
0x1b5: {  	vm7 =	vmmov vm3;
	v63 =	vand.u32 $0xFFF8, v55;
	v13 =	vld.idx.msk [tilespmem:v13+s29+$0x0], $0xffff;
	[tilespmem:v20+s31+$0x0] =	vst.idx.msk vm0, v31;
	v19 =	vand.u32 $0xFFF8, v19  }
0x1b6: {  	vm8 =	vmmov vm2;
	vm9 =	vmmov vm0;
	v11 =	vld.idx.msk [tilespmem:v11+s29+$0x0], $0xffff;
	v1 =	vor.u32 v7, v19  }
0x1b7: {  	v38 =	vadd.s32 $0x1404, v22;
	v45 =	vadd.s32 $0x1404, v29;
	v9 =	vadd.s32 $0x1E06, v29;
	v12 =	vld.idx.msk [tilespmem:v12+s29+$0x0], $0xffff;
	[tilespmem:$0x1FE40] =	vst v1  }
0x1b8: {  	v49 =	vadd.s32 $0xA02, v46;
	v52 =	vadd.s32 $0xA02, v48;
	v21 =	vadd.s32 s19, v4;
	v19 =	vld [tilespmem:s12+$0x0]  }
0x1b9: {  	v54 =	vadd.s32 $0x1404, v48;
	v21 =	vand.u32 $0xFFF8, v21;
	v29 =	vadd.f32 v34, v60;
	v61 =	vld.idx.msk [tilespmem:v25+s29+$0x0], $0xffff  }
0x1ba: {  	s22 =	simm.s32 $0x40;
	v47 =	vor.u32 v5, v21;
	v21 =	vadd.s32 s9, v6;
	v1 =	vadd.s32 $0x1404, v46;
	v50 =	vld [tilespmem:s18+$0x0]  }
0x1bb: {  	v35 =	vor.u32 s22, v0;
	v21 =	vand.u32 $0xFFD8, v21;
	v34 =	vmul.f32 $5.000000000e-01, v29;
	v62 =	vld.idx.msk [tilespmem:v24+s29+$0x0], $0xffff;
	[tilespmem:$0x1FE00] =	vst v1  }
0x1bc: {  	v32 =	vand.u32 v17, v53;
	vm2 =	vlt.u32 v53, $0x2802;
	v8 =	vor.u32 v7, v21;
	v51 =	vld [tilespmem:s12+$0xFFFFFFE0]  }
0x1bd: {  	v20 =	vadd.s32 s20, v6;
	v29 =	vadd.s32 $0x1E06, v48;
	v1 =	vadd.s32 $0x1E06, v46;
	v46 =	vld.idx.msk [tilespmem:v46+s29+$0x0], $0xffff;
	[tilespmem:v39+s31+$0x0] =	vst.idx.msk vm3, v34  }
0x1be: {  	v20 =	vand.u32 $0xFFF8, v20;
	v56 =	vld.idx.msk [tilespmem:v48+s29+$0x0], $0xffff;
	v11 =	vadd.f32 v12, v11;
	[tilespmem:$0x1FE10] =	vst v29;
	v29 =	vor.u32 v7, v63  }
0x1bf: {  	vm12 =	vlt.u32 v35, $0x2802;
	v21 =	vor.u32 v7, v20;
	v20 =	vadd.f32 v41, v37;
	v39 =	vld.idx.msk [tilespmem:v33+s29+$0x0], $0xffff;
	[tilespmem:$0x1FE20] =	vst v29  }
0x1c0: {  	s23 =	simm.s32 $0x50;
	v34 =	vadd.s32 $0xA02, v25;
	v11 =	vmul.f32 $5.000000000e-01, v11;
	v57 =	vld.idx.msk [tilespmem:v40+s29+$0x0], $0xffff;
	v41 =	vadd.f32 v62, v61  }
0x1c1: {  	v59 =	vor.u32 s23, v0;
	v14 =	vadd.s32 $0x1E06, v14;
	v12 =	vadd.s32 $0xA02, v24;
	v38 =	vld.idx.msk [tilespmem:v38+s29+$0x0], $0xffff  }
0x1c2: {  	s24 =	simm.s32 $0x60;
	v58 =	vadd.s32 $0xA02, v33;
	v13 =	vadd.f32 v13, v44;
	v53 =	vld.idx.msk [tilespmem:v19+s29+$0x0], $0xffff;
	[tilespmem:$0x1FE30] =	vst v11;
	v41 =	vmul.f32 $5.000000000e-01, v41  }
0x1c3: {  	v28 =	vor.u32 v5, v28;
	v60 =	vor.u32 s24, v0;
	v20 =	vmul.f32 $5.000000000e-01, v20;
	v11 =	vld.idx.msk [tilespmem:v50+s29+$0x0], $0xffff  }
0x1c4: {  	v13 =	vmul.f32 $5.000000000e-01, v13;
	vm10 =	vlt.u32 v60, $0x2802;
	vm3 =	vlt.u32 v59, $0x2802;
	v61 =	vld.idx.msk [tilespmem:v51+s29+$0x0], $0xffff;
	[tilespmem:v32+s31+$0x0] =	vst.idx.msk vm2, v41  }
0x1c5: {  	v59 =	vand.u32 v15, v59;
	v48 =	vand.u32 v16, v60;
	[tilespmem:v42+s31+$0x0] =	vst.idx.msk vm1, v20;
	v44 =	vld.idx.msk [tilespmem:v34+s29+$0x0], $0xffff  }
0x1c6: {  	v20 =	vand.u32 v10, v35;
	v42 =	vadd.s32 $0xA02, v51;
	v39 =	vadd.f32 v39, v56;
	v12 =	vld.idx.msk [tilespmem:v12+s29+$0x0], $0xffff  }
0x1c7: {  	[tilespmem:v47+s31+$0x0] =	vst.idx.msk vm8, v13;
	v13 =	vadd.s32 s22, v2;
	v35 =	vadd.s32 s21, v2;
	v56 =	vadd.s32 $0xA02, v50;
	v43 =	vld.idx.msk [tilespmem:v43+s29+$0x0], $0xffff  }
0x1c8: {  	v47 =	vld.idx.msk [tilespmem:v45+s29+$0x0], $0xffff;
	v45 =	vand.u32 $0x7FF8, v35;
	v39 =	vmul.f32 $5.000000000e-01, v39;
	v11 =	vadd.f32 v11, v53  }
0x1c9: {  	v14 =	vld.idx.msk [tilespmem:v14+s29+$0x0], $0xffff;
	v41 =	vadd.s32 $0xA02, v19;
	v55 =	vor.u32 v3, v45;
	v38 =	vadd.f32 v38, v57  }
0x1ca: {  	v13 =	vand.u32 $0x7FD8, v13;
	[tilespmem:v59+s31+$0x0] =	vst.idx.msk vm3, v39;
	v39 =	vld.idx.msk [tilespmem:v30+s29+$0x0], $0xffff;
	v30 =	vadd.f32 v46, v61;
	v11 =	vmul.f32 $5.000000000e-01, v11  }
0x1cb: {  	v34 =	vadd.s32 s24, v2;
	v38 =	vmul.f32 $5.000000000e-01, v38;
	v52 =	vld.idx.msk [tilespmem:v52+s29+$0x0], $0xffff;
	v12 =	vadd.f32 v12, v44  }
0x1cc: {  	v63 =	vand.u32 $0x7FF8, v34;
	v34 =	vadd.s32 $0x1404, v25;
	v58 =	vld.idx.msk [tilespmem:v58+s29+$0x0], $0xffff;
	v30 =	vmul.f32 $5.000000000e-01, v30;
	[tilespmem:v48+s31+$0x0] =	vst.idx.msk vm10, v11  }
0x1cd: {  	v32 =	vadd.s32 s23, v2;
	[tilespmem:v28+s31+$0x0] =	vst.idx.msk vm7, v38;
	v11 =	vadd.s32 $0x1404, v24;
	v12 =	vmul.f32 $5.000000000e-01, v12;
	v38 =	vld.idx.msk [tilespmem:v56+s29+$0x0], $0xffff  }
0x1ce: {  	v22 =	vadd.s32 $0x1E06, v22;
	v29 =	vor.u32 v3, v13;
	v62 =	vand.u32 $0x7FF8, v32;
	[tilespmem:v20+s31+$0x0] =	vst.idx.msk vm12, v30;
	v20 =	vld.idx.msk [tilespmem:v41+s29+$0x0], $0xffff  }
0x1cf: {  	vm0 =	vmmov vm1;
	v53 =	vor.u32 v3, v62;
	v57 =	vld.idx.msk [tilespmem:v42+s29+$0x0], $0xffff;
	[tilespmem:v55+s31+$0x0] =	vst.idx.msk vm2, v12;
	v55 =	vadd.s32 s22, v4  }
0x1d0: {  	v60 =	vor.u32 v3, v63;
	v61 =	vld.idx.msk [tilespmem:v49+s29+$0x0], $0xffff;
	v12 =	vadd.s32 s24, v4;
	v44 =	vand.u32 $0xFFD8, v55  }
0x1d1: {  	v62 =	vadd.f32 v58, v52;
	v63 =	vld.idx.msk [tilespmem:v34+s29+$0x0], $0xffff;
	v12 =	vand.u32 $0xFFF8, v12;
	v13 =	vor.u32 v5, v44  }
0x1d2: {  	v11 =	vld.idx.msk [tilespmem:v11+s29+$0x0], $0xffff;
	v12 =	vor.u32 v5, v12;
	[tilespmem:$0x1FE50] =	vst v13  }
0x1d3: {  	v43 =	vadd.f32 v47, v43;
	v28 =	vmul.f32 $5.000000000e-01, v62;
	[tilespmem:$0x1FE70] =	vst v12;
	v13 =	vadd.s32 $0x1E06, v51  }
0x1d4: {  	v12 =	vld.idx.msk [tilespmem:v23+s29+$0x0], $0xffff;
	[tilespmem:$0x1FE80] =	vst v13  }
0x1d5: {  	v43 =	vmul.f32 $5.000000000e-01, v43;
	v13 =	vadd.s32 $0x1E06, v19;
	[tilespmem:v53+s31+$0x0] =	vst.idx.msk vm3, v28  }
0x1d6: {  	v28 =	vld.idx.msk [tilespmem:v22+s29+$0x0], $0xffff;
	[tilespmem:$0x1FEA0] =	vst v13  }
0x1d7: {  	[tilespmem:v27+s31+$0x0] =	vst.idx.msk vm0, v43  }
0x1d8: {  	v48 =	vadd.s32 $0x1404, v33;
	v13 =	vld.idx.msk [tilespmem:v26+s29+$0x0], $0xffff;
	_ =	sdelay $0x2  }
0x1d9: {  	v23 =	vadd.s32 s21, v4  }
0x1da: {  	v45 =	vadd.s32 $0x1404, v19;
	v22 =	vand.u32 $0xFFF8, v23;
	v19 =	vld.idx.msk [tilespmem:v54+s29+$0x0], $0xffff  }
0x1db: {  	s17 =	simm.s32 $0xA0;
	v56 =	vadd.s32 s23, v6;
	v62 =	vadd.s32 $0x1E06, v25;
	v58 =	vor.u32 v5, v22;
	v27 =	vld.idx.msk [tilespmem:v48+s29+$0x0], $0xffff;
	[tilespmem:$0x1FE60] =	vst v13  }
0x1dc: {  	s19 =	simm.s32 $0x28B0;
	v11 =	vadd.f32 v11, v63;
	v63 =	vadd.s32 $0x1E06, v24;
	v24 =	vand.u32 $0xFFF8, v56;
	v43 =	vld [tilespmem:s17+$0x10]  }
0x1dd: {  	v13 =	vor.u32 v7, v24;
	v25 =	vld [tilespmem:s19+$0x10]  }
0x1de: {  	v11 =	vmul.f32 $5.000000000e-01, v11;
	[tilespmem:$0x1FE90] =	vst v13  }
0x1df: {  	v53 =	vld [tilespmem:s17+$0xFFFFFFF0]  }
0x1e0: {  	v35 =	vadd.s32 s23, v4;
	[tilespmem:v58+s31+$0x0] =	vst.idx.msk vm2, v11;
	v54 =	vld [tilespmem:s19+$0xFFFFFFF0]  }
0x1e1: {  	vm11 =	vmmov vm3;
	v59 =	vadd.s32 $0x1404, v51;
	v41 =	vand.u32 $0xFFF8, v35;
	v47 =	vld.idx.msk [tilespmem:v62+s29+$0x0], $0xffff  }
0x1e2: {  	s18 =	simm.s32 $0x90;
	v14 =	vadd.f32 v14, v39;
	v55 =	vor.u32 v5, v41;
	v41 =	vadd.f32 v61, v57;
	v35 =	vld.idx.msk [tilespmem:v63+s29+$0x0], $0xffff  }
0x1e3: {  	v46 =	vadd.s32 $0x1404, v50;
	v49 =	vadd.s32 $0x1E06, v33;
	v42 =	vor.u32 s18, v0  }
0x1e4: {  	v44 =	vmul.f32 $5.000000000e-01, v14;
	v20 =	vadd.f32 v38, v20;
	v31 =	vmul.f32 $5.000000000e-01, v41;
	v39 =	vld.idx.msk [tilespmem:v43+s29+$0x0], $0xffff  }
0x1e5: {  	s20 =	simm.s32 $0xB0;
	v23 =	vadd.s32 $0x1E06, v50;
	v19 =	vadd.f32 v27, v19;
	v27 =	vadd.s32 s21, v6;
	v40 =	vld.idx.msk [tilespmem:v25+s29+$0x0], $0xffff  }
0x1e6: {  	v12 =	vadd.f32 v28, v12;
	v41 =	vand.u32 $0xFFF8, v27;
	v11 =	vor.u32 s20, v0;
	[tilespmem:v29+s31+$0x0] =	vst.idx.msk vm12, v31  }
0x1e7: {  	vm3 =	vlt.u32 v11, $0x2802;
	v14 =	vand.u32 v17, v11;
	v11 =	vld [tilespmem:$0x1FE00];
	v33 =	vadd.f32 v35, v47  }
0x1e8: {  	v51 =	vadd.s32 $0xA02, v53;
	v50 =	vadd.s32 $0x1404, v53;
	v27 =	vadd.s32 $0x1E06, v53;
	v53 =	vld.idx.msk [tilespmem:v53+s29+$0x0], $0xffff  }
0x1e9: {  	v20 =	vmul.f32 $5.000000000e-01, v20;
	v26 =	vadd.s32 s22, v6;
	s22 =	simm.s32 $0xA0;
	v47 =	vmul.f32 $5.000000000e-01, v33;
	v33 =	vld.idx.msk [tilespmem:v54+s29+$0x0], $0xffff  }
0x1ea: {  	v48 =	vmul.f32 $5.000000000e-01, v12;
	v12 =	vor.u32 s22, v0;
	v29 =	vadd.f32 v40, v39  }
0x1eb: {  	vm5 =	vlt.u32 v12, $0x2802;
	v32 =	vand.u32 v16, v12;
	v12 =	vadd.s32 $0xA02, v25  }
0x1ec: {  	vm6 =	vlt.u32 v42, $0x2802;
	v29 =	vmul.f32 $5.000000000e-01, v29  }
0x1ed: {  	v58 =	vand.u32 v15, v42;
	[tilespmem:v60+s31+$0x0] =	vst.idx.msk vm10, v20;
	v39 =	vadd.s32 $0xA02, v43  }
0x1ee: {  	v20 =	vadd.s32 s18, v2;
	[tilespmem:v14+s31+$0x0] =	vst.idx.msk vm3, v29;
	v14 =	vadd.f32 v33, v53  }
0x1ef: {  	s21 =	simm.s32 $0x80;
	v30 =	vmul.f32 $5.000000000e-01, v19;
	v61 =	vor.u32 v7, v41;
	v52 =	vld [tilespmem:s19+$0xFFFFFFE0];
	v20 =	vand.u32 $0x7FF8, v20  }
0x1f0: {  	v13 =	vor.u32 s21, v0;
	v41 =	vor.u32 v3, v20;
	v20 =	vld.idx.msk [tilespmem:v12+s29+$0x0], $0xffff;
	v12 =	vmul.f32 $5.000000000e-01, v14  }
0x1f1: {  	vm4 =	vlt.u32 v13, $0x2802;
	v34 =	vand.u32 v10, v13;
	[tilespmem:v55+s31+$0x0] =	vst.idx.msk vm11, v30;
	v13 =	vld.idx.msk [tilespmem:v11+s29+$0x0], $0xffff;
	v11 =	vadd.s32 s21, v2  }
0x1f2: {  	v11 =	vand.u32 $0x7FD8, v11;
	v53 =	vld.idx.msk [tilespmem:v39+s29+$0x0], $0xffff;
	[tilespmem:v58+s31+$0x0] =	vst.idx.msk vm6, v12  }
0x1f3: {  	v39 =	vor.u32 v3, v11;
	v11 =	vld [tilespmem:$0x1FE10]  }
0x1f4: {  	v56 =	vld [tilespmem:s17+$0x0]  }
0x1f5: {  	v62 =	vld [tilespmem:s19+$0x0]  }
0x1f6: {  	v59 =	vld.idx.msk [tilespmem:v59+s29+$0x0], $0xffff;
	_ =	sdelay $0x1  }
0x1f7: {  	v26 =	vand.u32 $0xFFD8, v26;
	v63 =	vld [tilespmem:s17+$0xFFFFFFE0]  }
0x1f8: {  	v24 =	vor.u32 v7, v26  }
0x1f9: {  	v57 =	vadd.s32 $0xA02, v52;
	v28 =	vadd.s32 $0x1404, v52;
	v26 =	vadd.s32 $0x1E06, v52;
	v52 =	vld.idx.msk [tilespmem:v52+s29+$0x0], $0xffff  }
0x1fa: {  	v13 =	vadd.f32 v13, v59;
	v59 =	vld.idx.msk [tilespmem:v11+s29+$0x0], $0xffff  }
0x1fb: {  	v11 =	vld [tilespmem:$0x1FE20]  }
0x1fc: {  	v31 =	vld.idx.msk [tilespmem:v56+s29+$0x0], $0xffff  }
0x1fd: {  	v60 =	vld.idx.msk [tilespmem:v62+s29+$0x0], $0xffff  }
0x1fe: {  	v14 =	vld [tilespmem:$0x1FE30]  }
0x1ff: {  	v19 =	vld.idx.msk [tilespmem:v63+s29+$0x0], $0xffff;
	_ =	sdelay $0x3  }
0x200: {  	vm13 =	vmmov vm2;
	v12 =	vadd.f32 v60, v31;
	[tilespmem:v11+s31+$0x0] =	vst.idx.msk vm9, v14  }
0x201: {  	v19 =	vadd.f32 v52, v19;
	v58 =	vadd.s32 s20, v2;
	v14 =	vmul.f32 $5.000000000e-01, v13;
	v13 =	vld [tilespmem:$0x1FE40]  }
0x202: {  	v60 =	vld.idx.msk [tilespmem:v51+s29+$0x0], $0xffff;
	v51 =	vand.u32 $0x7FF8, v58;
	v12 =	vmul.f32 $5.000000000e-01, v12  }
0x203: {  	v19 =	vmul.f32 $5.000000000e-01, v19;
	v11 =	vor.u32 v3, v51  }
0x204: {  	v20 =	vadd.f32 v20, v53;
	[tilespmem:v32+s31+$0x0] =	vst.idx.msk vm5, v12  }
0x205: {  	[tilespmem:v34+s31+$0x0] =	vst.idx.msk vm4, v19  }
0x206: {  	v20 =	vmul.f32 $5.000000000e-01, v20;
	[tilespmem:v8+s31+$0x0] =	vst.idx.msk vm7, v48  }
0x207: {  	[tilespmem:v61+s31+$0x0] =	vst.idx.msk vm13, v47  }
0x208: {  	[tilespmem:v11+s31+$0x0] =	vst.idx.msk vm3, v20  }
0x209: {  	[tilespmem:v13+s31+$0x0] =	vst.idx.msk vm8, v44  }
0x20a: {  	v8 =	vld [tilespmem:$0x1FE50];
	_ =	sdelay $0x1  }
0x20b: {  	vm2 =	vmmov vm0;
	vm0 =	vmmov vm12;
	_ =	sdelay $0x5  }
0x20c: {  	v37 =	vadd.s32 $0xA02, v54;
	v13 =	vld.idx.msk [tilespmem:v9+s29+$0x0], $0xffff;
	[tilespmem:v8+s31+$0x0] =	vst.idx.msk vm0, v14  }
0x20d: {  	v8 =	vld [tilespmem:$0x1FE60];
	_ =	sdelay $0x1  }
0x20e: {  	v45 =	vld.idx.msk [tilespmem:v45+s29+$0x0], $0xffff  }
0x20f: {  	v46 =	vld.idx.msk [tilespmem:v46+s29+$0x0], $0xffff  }
0x210: {  	v58 =	vld.idx.msk [tilespmem:v37+s29+$0x0], $0xffff  }
0x211: {  	v13 =	vadd.f32 v13, v8;
	v8 =	vld [tilespmem:$0x1FE70];
	_ =	sdelay $0x1  }
0x212: {  	vm1 =	vmmov vm10  }
0x213: {  	v31 =	vadd.s32 s22, v4  }
0x214: {  	v46 =	vadd.f32 v46, v45;
	v19 =	vand.u32 $0xFFF8, v31  }
0x215: {  	v32 =	vor.u32 v5, v19;
	v19 =	vadd.f32 v58, v60  }
0x216: {  	v11 =	vmul.f32 $5.000000000e-01, v46  }
0x217: {  	v53 =	vld.idx.msk [tilespmem:v49+s29+$0x0], $0xffff;
	v19 =	vmul.f32 $5.000000000e-01, v19  }
0x218: {  	v48 =	vld.idx.msk [tilespmem:v1+s29+$0x0], $0xffff;
	[tilespmem:v8+s31+$0x0] =	vst.idx.msk vm1, v11  }
0x219: {  	v8 =	vld [tilespmem:$0x1FE80];
	[tilespmem:v41+s31+$0x0] =	vst.idx.msk vm6, v19  }
0x21a: {  	v35 =	vadd.s32 $0xA02, v63;
	v1 =	vld [tilespmem:$0x1FE90];
	_ =	sdelay $0x1  }
0x21b: {  	v52 =	vadd.s32 s21, v4  }
0x21c: {  	v55 =	vadd.s32 s18, v4;
	v33 =	vadd.s32 $0x1404, v63;
	v31 =	vand.u32 $0xFFD8, v52  }
0x21d: {  	v34 =	vor.u32 v5, v31;
	v31 =	vadd.s32 $0x1E06, v63;
	v63 =	vadd.f32 v53, v59  }
0x21e: {  	v36 =	vadd.s32 $0xA02, v56;
	v12 =	vand.u32 $0xFFF8, v55;
	v35 =	vld.idx.msk [tilespmem:v35+s29+$0x0], $0xffff  }
0x21f: {  	v55 =	vadd.s32 $0x1404, v25;
	v45 =	vor.u32 v5, v12;
	v12 =	vld.idx.msk [tilespmem:v57+s29+$0x0], $0xffff;
	v60 =	vmul.f32 $5.000000000e-01, v63  }
0x220: {  	v22 =	vadd.s32 s24, v6;
	v44 =	vadd.s32 $0x1404, v43  }
0x221: {  	v22 =	vand.u32 $0xFFF8, v22;
	v42 =	vadd.s32 s22, v2;
	v40 =	vadd.s32 $0xA02, v62;
	[tilespmem:v1+s31+$0x0] =	vst.idx.msk vm11, v60  }
0x222: {  	v22 =	vor.u32 v7, v22;
	v38 =	vand.u32 $0x7FF8, v42;
	v1 =	vld [tilespmem:$0x1FEA0]  }
0x223: {  	v38 =	vor.u32 v3, v38;
	v42 =	vadd.s32 $0x1404, v54;
	v30 =	vadd.s32 $0x1404, v62;
	v51 =	vld.idx.msk [tilespmem:v36+s29+$0x0], $0xffff  }
0x224: {  	s23 =	sshll.u32 s11, $0x1;
	v29 =	vadd.s32 $0x1404, v56;
	v37 =	vadd.s32 $0x1E06, v54;
	v47 =	vld.idx.msk [tilespmem:v55+s29+$0x0], $0xffff;
	v12 =	vadd.f32 v12, v35  }
0x225: {  	s17 =	sadd.s32 s13, s23;
	v49 =	vadd.s32 $0x1E06, v56;
	v36 =	vadd.s32 $0x1E06, v62;
	v62 =	vadd.s32 s22, v6;
	v20 =	vld.idx.msk [tilespmem:v44+s29+$0x0], $0xffff  }
0x226: {  	s12 =	smul.u32 $0xF010, s17;
	v61 =	vadd.s32 s18, v6;
	v55 =	vld.idx.msk [tilespmem:v40+s29+$0x0], $0xffff;
	v40 =	vand.u32 $0xFFF8, v62;
	v59 =	vmul.f32 $5.000000000e-01, v12  }
0x227: {  	v43 =	vadd.s32 $0x1E06, v43;
	v11 =	vand.u32 $0xFFF8, v61;
	v19 =	vadd.s32 s20, v4;
	v54 =	vld.idx.msk [tilespmem:v50+s29+$0x0], $0xffff  }
0x228: {  	s18 =	sadd.s32 s5, s12;
	v14 =	vadd.s32 s21, v6;
	v52 =	vor.u32 v7, v11;
	v11 =	vand.u32 $0xFFF8, v19;
	v46 =	vld.idx.msk [tilespmem:v8+s29+$0x0], $0xffff  }
0x229: {  	s24 =	sshrl.u32 s18, $0x3;
	v14 =	vand.u32 $0xFFD8, v14;
	v53 =	vmul.f32 $5.000000000e-01, v13;
	v56 =	vld.idx.msk [tilespmem:v42+s29+$0x0], $0xffff;
	v57 =	vor.u32 v5, v11  }
0x22a: {  	s23 =	simm.s32 $0x8;
	s22 =	sadd.s32 s7, s24;
	s24 =	simm.s32 $0xE0;
	v58 =	vadd.f32 v47, v20;
	v44 =	vor.u32 v7, v14;
	v50 =	vor.u32 v7, v40;
	v35 =	vld.idx.msk [tilespmem:v1+s29+$0x0], $0xffff  }
.LBB2_7:
0x22b: {  	v40 =	vld [tilespmem:s24+$0x10];
	v11 =	vadd.f32 v55, v51;
	v12 =	vadd.s32 $0x1E06, v25;
	s19 =	sadd.s32 $0x40, s19;
	[tilespmem:v21+s31+$0x0] =	vst.idx.msk vm2, v53;
	v41 =	vmovc v49;
	v42 =	vmov v52  }
0x22c: {  	v21 =	vmovc v22;
	v22 =	vmovc v50;
	vm7 =	vmmov vm6;
	vm8 =	vmmov vm3;
	v25 =	vld [tilespmem:s19+$0x10];
	[tilespmem:v39+s31+$0x0] =	vst.idx.msk vm4, v59;
	v13 =	vmul.f32 $5.000000000e-01, v58  }
0x22d: {  	vm2 =	vmmov vm1;
	v19 =	vadd.f32 v48, v46;
	v14 =	vld [tilespmem:s19+$0xFFFFFFE0];
	v11 =	vmul.f32 $5.000000000e-01, v11  }
0x22e: {  	vm1 =	vmmov vm5;
	v20 =	vld [tilespmem:s24+$0xFFFFFFF0];
	[tilespmem:v57+s31+$0x0] =	vst.idx.msk vm3, v13  }
0x22f: {  	s23 =	sadd.s32 $0x4, s23;
	v13 =	vadd.f32 v56, v54;
	v19 =	vmul.f32 $5.000000000e-01, v19;
	[tilespmem:v38+s31+$0x0] =	vst.idx.msk vm5, v11;
	v11 =	vld.idx.msk [tilespmem:v43+s29+$0x0], $0xffff  }
0x230: {  	p0 =	slt.u32 s23, $0x27C;
	v12 =	vld.idx.msk [tilespmem:v12+s29+$0x0], $0xffff  }
0x231: {  	v13 =	vmul.f32 $5.000000000e-01, v13;
	v46 =	vld [tilespmem:s19+$0xFFFFFFF0];
	[tilespmem:v24+s31+$0x0] =	vst.idx.msk vm0, v19;
	v24 =	vmov v44;
	vm0 =	vmmov vm4  }
0x232: {  	v48 =	vadd.s32 $0xA02, v14;
	v19 =	vadd.s32 $0x1404, v14;
	v43 =	vadd.s32 $0x1E06, v14;
	v47 =	vld [tilespmem:s24+$0x0]  }
0x233: {  	v49 =	vadd.s32 $0xA02, v20;
	v44 =	vadd.s32 $0x1404, v20;
	v38 =	vld.idx.msk [tilespmem:v40+s29+$0x0], $0xffff;
	[tilespmem:v45+s31+$0x0] =	vst.idx.msk vm6, v13;
	v13 =	vadd.s32 s20, v6  }
0x234: {  	v45 =	vadd.s32 $0x1E06, v20;
	v39 =	vld.idx.msk [tilespmem:v25+s29+$0x0], $0xffff;
	v13 =	vand.u32 $0xFFF8, v13  }
0x235: {  	s21 =	sadd.s32 $0x40, s21;
	v50 =	vld [tilespmem:s19+$0x0];
	v13 =	vor.u32 v7, v13  }
0x236: {  	v51 =	vor.u32 s21, v0;
	s8 =	sadd.s32 $0x10, s21;
	s10 =	sadd.s32 $0x20, s21;
	s20 =	sadd.s32 $0x30, s21;
	v11 =	vadd.f32 v12, v11;
	v52 =	vld [tilespmem:s24+$0xFFFFFFE0];
	v53 =	vadd.s32 $0xA02, v46  }
0x237: {  	v54 =	vor.u32 s10, v0;
	v55 =	vor.u32 s20, v0;
	v12 =	vld.idx.msk [tilespmem:v14+s29+$0x0], $0xffff;
	v14 =	vor.u32 s8, v0  }
0x238: {  	vm3 =	vlt.u32 v55, $0x2802;
	v11 =	vmul.f32 $5.000000000e-01, v11;
	vm6 =	vlt.u32 v14, $0x2802;
	v20 =	vld.idx.msk [tilespmem:v20+s29+$0x0], $0xffff  }
0x239: {  	vm5 =	vlt.u32 v54, $0x2802;
	vm4 =	vlt.u32 v51, $0x2802;
	v55 =	vand.u32 v17, v55;
	v56 =	vld.idx.msk [tilespmem:v46+s29+$0x0], $0xffff  }
0x23a: {  	v58 =	vadd.s32 $0xA02, v47;
	v38 =	vadd.f32 v39, v38;
	v39 =	vadd.s32 $0xA02, v40;
	v57 =	vld.idx.msk [tilespmem:v47+s29+$0x0], $0xffff;
	[tilespmem:v13+s31+$0x0] =	vst.idx.msk vm8, v11  }
0x23b: {  	v11 =	vand.u32 v15, v14;
	v13 =	vand.u32 v16, v54;
	v14 =	vadd.s32 $0xA02, v25;
	v54 =	vld.idx.msk [tilespmem:v33+s29+$0x0], $0xffff  }
0x23c: {  	v51 =	vand.u32 v10, v51;
	v59 =	vadd.s32 $0xA02, v52;
	v33 =	vmul.f32 $5.000000000e-01, v38;
	v60 =	vld.idx.msk [tilespmem:v28+s29+$0x0], $0xffff;
	v28 =	vmovc v19  }
0x23d: {  	v62 =	vadd.s32 $0xA02, v50;
	v38 =	vadd.s32 s10, v2;
	v19 =	vadd.s32 s8, v2;
	v61 =	vld.idx.msk [tilespmem:v50+s29+$0x0], $0xffff  }
0x23e: {  	v1 =	vadd.s32 s21, v2;
	v38 =	vand.u32 $0x7FF8, v38;
	v19 =	vand.u32 $0x7FF8, v19;
	v63 =	vld.idx.msk [tilespmem:v52+s29+$0x0], $0xffff;
	[tilespmem:v55+s31+$0x0] =	vst.idx.msk vm3, v33  }
0x23f: {  	v1 =	vand.u32 $0x7FD8, v1;
	v20 =	vadd.f32 v56, v20;
	v19 =	vor.u32 v3, v19;
	v55 =	vld.idx.msk [tilespmem:v39+s29+$0x0], $0xffff  }
0x240: {  	v38 =	vor.u32 v3, v38;
	v33 =	vadd.s32 $0x1404, v52;
	v39 =	vor.u32 v3, v1;
	v1 =	vld.idx.msk [tilespmem:v14+s29+$0x0], $0xffff  }
0x241: {  	v14 =	vmul.f32 $5.000000000e-01, v20;
	v20 =	vadd.s32 $0x1404, v46;
	v56 =	vld.idx.msk [tilespmem:v29+s29+$0x0], $0xffff;
	v29 =	vadd.s32 $0x1404, v47  }
0x242: {  	v8 =	vadd.s32 s8, v4;
	v54 =	vadd.f32 v60, v54;
	v60 =	vld.idx.msk [tilespmem:v30+s29+$0x0], $0xffff;
	v30 =	vadd.s32 $0x1404, v50  }
0x243: {  	[tilespmem:v11+s31+$0x0] =	vst.idx.msk vm6, v14;
	v11 =	vadd.f32 v61, v57;
	v14 =	vadd.s32 s10, v4;
	v57 =	vadd.s32 s20, v2;
	v61 =	vld.idx.msk [tilespmem:v27+s29+$0x0], $0xffff  }
0x244: {  	v12 =	vadd.f32 v12, v63;
	v63 =	vadd.s32 s21, v4;
	v27 =	vmovc v45;
	v49 =	vld.idx.msk [tilespmem:v49+s29+$0x0], $0xffff;
	v57 =	vand.u32 $0x7FF8, v57  }
0x245: {  	v54 =	vmul.f32 $5.000000000e-01, v54;
	v53 =	vld.idx.msk [tilespmem:v53+s29+$0x0], $0xffff;
	v11 =	vmul.f32 $5.000000000e-01, v11;
	v57 =	vor.u32 v3, v57  }
0x246: {  	v12 =	vmul.f32 $5.000000000e-01, v12;
	v1 =	vadd.f32 v1, v55;
	v55 =	vadd.s32 $0x1404, v40;
	v9 =	vld.idx.msk [tilespmem:v37+s29+$0x0], $0xffff  }
0x247: {  	v8 =	vand.u32 $0xFFF8, v8;
	[tilespmem:v13+s31+$0x0] =	vst.idx.msk vm5, v11;
	v11 =	vand.u32 $0xFFF8, v14;
	v13 =	vadd.s32 $0x1404, v25;
	v14 =	vld.idx.msk [tilespmem:v23+s29+$0x0], $0xffff;
	v23 =	vmovc v36  }
0x248: {  	v1 =	vmul.f32 $5.000000000e-01, v1;
	v36 =	vadd.f32 v60, v56;
	[tilespmem:v51+s31+$0x0] =	vst.idx.msk vm4, v12;
	v12 =	vand.u32 $0xFFD8, v63;
	v51 =	vld.idx.msk [tilespmem:v58+s29+$0x0], $0xffff  }
0x249: {  	v45 =	vor.u32 v5, v8;
	v8 =	vor.u32 v5, v11;
	v56 =	vld.idx.msk [tilespmem:v59+s29+$0x0], $0xffff;
	v12 =	vor.u32 v5, v12  }
0x24a: {  	v37 =	vadd.s32 $0x1E06, v46;
	v11 =	vld.idx.msk [tilespmem:v48+s29+$0x0], $0xffff;
	v48 =	vadd.s32 $0x1E06, v52;
	[tilespmem:v57+s31+$0x0] =	vst.idx.msk vm3, v1;
	v1 =	vmul.f32 $5.000000000e-01, v36  }
0x24b: {  	v46 =	vadd.f32 v53, v49;
	v49 =	vadd.s32 $0x1E06, v47;
	v36 =	vadd.s32 $0x1E06, v50;
	v47 =	vld.idx.msk [tilespmem:v55+s29+$0x0], $0xffff;
	[tilespmem:v34+s31+$0x0] =	vst.idx.msk vm0, v54  }
0x24c: {  	v50 =	vadd.s32 s8, v6;
	v52 =	vadd.s32 s10, v6;
	v9 =	vadd.f32 v9, v61;
	v13 =	vld.idx.msk [tilespmem:v13+s29+$0x0], $0xffff;
	[tilespmem:v32+s31+$0x0] =	vst.idx.msk vm1, v1  }
0x24d: {  	v34 =	vmovc v12;
	v1 =	vadd.s32 s21, v6;
	v53 =	vmul.f32 $5.000000000e-01, v46;
	v14 =	vadd.f32 v14, v35;
	v32 =	vmovc v8;
	v55 =	vld.idx.msk [tilespmem:v62+s29+$0x0], $0xffff  }
.Ltmp2:
0x24e: {  	v12 =	vand.u32 $0xFFF8, v52;
	v8 =	vand.u32 $0xFFF8, v50;
	v9 =	vmul.f32 $5.000000000e-01, v9;
	v46 =	vld.idx.msk [tilespmem:v31+s29+$0x0], $0xffff;
	v31 =	vmovc v48;
	(pc) =	sbr.rel @p0 .LBB2_7-.Ltmp2, $4  }
0x24f: {  	v1 =	vand.u32 $0xFFD8, v1;
	[tilespmem:v19+s31+$0x0] =	vst.idx.msk vm6, v53;
	v19 =	vadd.s32 s20, v4;
	v48 =	vld.idx.msk [tilespmem:v26+s29+$0x0], $0xffff;
	v53 =	vmul.f32 $5.000000000e-01, v14;
	v26 =	vmovc v43  }
0x250: {  	v52 =	vor.u32 v7, v8;
	v11 =	vadd.f32 v11, v56;
	v54 =	vld.idx.msk [tilespmem:v44+s29+$0x0], $0xffff;
	v8 =	vand.u32 $0xFFF8, v19  }
0x251: {  	v50 =	vor.u32 v7, v12;
	v44 =	vor.u32 v7, v1;
	v56 =	vld.idx.msk [tilespmem:v20+s29+$0x0], $0xffff;
	v57 =	vor.u32 v5, v8  }
0x252: {  	s24 =	sadd.s32 $0x40, s24;
	v43 =	vadd.s32 $0x1E06, v40;
	v59 =	vmul.f32 $5.000000000e-01, v11;
	v58 =	vadd.f32 v13, v47;
	[tilespmem:v42+s31+$0x0] =	vst.idx.msk vm7, v9;
	v35 =	vld.idx.msk [tilespmem:v41+s29+$0x0], $0xffff  }
0x253: {  	_ =	sdelay $0x2  }
0x254: {  	v1 =	vadd.f32 v55, v51;
	_ =	sdelay $0x1  }
0x255: {  	[tilespmem:v39+s31+$0x0] =	vst.idx.msk vm4, v59;
	v1 =	vmul.f32 $5.000000000e-01, v1  }
0x256: {  	vm6 =	vmmov vm6;
	v8 =	vld.idx.msk [tilespmem:v33+s29+$0x0], $0xffff  }
0x257: {  	[tilespmem:v38+s31+$0x0] =	vst.idx.msk vm5, v1;
	v1 =	vld.idx.msk [tilespmem:v28+s29+$0x0], $0xffff  }
0x258: {  	v12 =	vmul.f32 $5.000000000e-01, v58;
	v13 =	vadd.f32 v56, v54;
	v11 =	vld.idx.msk [tilespmem:v29+s29+$0x0], $0xffff  }
0x259: {  	v9 =	vadd.s32 $0x1E06, v25;
	v14 =	vld.idx.msk [tilespmem:v30+s29+$0x0], $0xffff  }
0x25a: {  	vm4 =	vmmov vm4;
	[tilespmem:v57+s31+$0x0] =	vst.idx.msk vm3, v12;
	v12 =	vmul.f32 $5.000000000e-01, v13;
	_ =	sdelay $0x1  }
0x25b: {  	vm5 =	vmmov vm5;
	v13 =	vld.idx.msk [tilespmem:v43+s29+$0x0], $0xffff;
	[tilespmem:v45+s31+$0x0] =	vst.idx.msk vm6, v12;
	v1 =	vadd.f32 v1, v8  }
0x25c: {  	v12 =	vld.idx.msk [tilespmem:v37+s29+$0x0], $0xffff  }
0x25d: {  	v8 =	vld.idx.msk [tilespmem:v9+s29+$0x0], $0xffff;
	v11 =	vadd.f32 v14, v11;
	v1 =	vmul.f32 $5.000000000e-01, v1  }
0x25e: {  	v9 =	vld.idx.msk [tilespmem:v27+s29+$0x0], $0xffff  }
0x25f: {  	v14 =	vld.idx.msk [tilespmem:v23+s29+$0x0], $0xffff;
	v11 =	vmul.f32 $5.000000000e-01, v11;
	[tilespmem:v34+s31+$0x0] =	vst.idx.msk vm4, v1  }
0x260: {  	v1 =	vld.idx.msk [tilespmem:v31+s29+$0x0], $0xffff  }
0x261: {  	v19 =	vadd.s32 s20, v6;
	[tilespmem:v32+s31+$0x0] =	vst.idx.msk vm5, v11;
	v11 =	vld.idx.msk [tilespmem:v26+s29+$0x0], $0xffff  }
0x262: {  	v19 =	vand.u32 $0xFFF8, v19;
	vm3 =	vmmov vm3;
	v20 =	vld.idx.msk [tilespmem:v49+s29+$0x0], $0xffff  }
0x263: {  	v19 =	vor.u32 v7, v19;
	v23 =	vadd.f32 v48, v46;
	v25 =	vld.idx.msk [tilespmem:v36+s29+$0x0], $0xffff  }
0x264: {  	vm1 =	vmmov vm1;
	v8 =	vadd.f32 v8, v13  }
0x265: {  	v13 =	vmul.f32 $5.000000000e-01, v23;
	v9 =	vadd.f32 v12, v9  }
0x266: {  	[tilespmem:v21+s31+$0x0] =	vst.idx.msk vm2, v53;
	v12 =	vadd.f32 v14, v35;
	v8 =	vmul.f32 $5.000000000e-01, v8  }
0x267: {  	[tilespmem:v24+s31+$0x0] =	vst.idx.msk vm0, v13;
	v9 =	vmul.f32 $5.000000000e-01, v9;
	v1 =	vadd.f32 v11, v1  }
0x268: {  	[tilespmem:v19+s31+$0x0] =	vst.idx.msk vm3, v8;
	v8 =	vmul.f32 $5.000000000e-01, v12;
	v11 =	vadd.f32 v25, v20  }
0x269: {  	[tilespmem:v52+s31+$0x0] =	vst.idx.msk vm6, v9;
	v1 =	vmul.f32 $5.000000000e-01, v1  }
0x26a: {  	[tilespmem:v22+s31+$0x0] =	vst.idx.msk vm1, v8;
	v8 =	vmul.f32 $5.000000000e-01, v11  }
0x26b: {  	[tilespmem:v44+s31+$0x0] =	vst.idx.msk vm4, v1  }
0x26c: {  	[tilespmem:v50+s31+$0x0] =	vst.idx.msk vm5, v8  }
0x26d: {  	v1 =	vld [tilespmem:$0x2800]  }
0x26e: {  	v8 =	vld [tilespmem:$0x5010];
	_ =	sdelay $0x6  }
0x26f: {  	v9 =	vld.idx.msk [tilespmem:v1+s29+$0x0], $0xffff  }
0x270: {  	v11 =	vld.idx.msk [tilespmem:v8+s29+$0x0], $0xffff;
	_ =	sdelay $0x4  }
0x271: {  	v9 =	vadd.f32 v11, v9;
	v11 =	vadd.s32 $0xA02, v1  }
0x272: {  	v12 =	vadd.s32 $0xA02, v8  }
0x273: {  	v9 =	vmul.f32 $5.000000000e-01, v9;
	_ =	sdelay $0x1  }
0x274: {  	[tilespmem:v18+s31+$0x0] =	vst.idx.msk $0x3, v9  }
0x275: {  	v9 =	vld.idx.msk [tilespmem:v11+s29+$0x0], $0xffff  }
0x276: {  	v11 =	vld.idx.msk [tilespmem:v12+s29+$0x0], $0xffff  }
0x277: {  	v13 =	vld [tilespmem:$0x1FF50];
	_ =	sdelay $0x3  }
0x278: {  	v9 =	vadd.f32 v11, v9;
	v11 =	vadd.s32 $0x1404, v1  }
0x279: {  	v12 =	vadd.s32 $0x1404, v8  }
0x27a: {  	v9 =	vmul.f32 $5.000000000e-01, v9;
	_ =	sdelay $0x1  }
0x27b: {  	[tilespmem:v13+s31+$0x0] =	vst.idx.msk $0x3, v9  }
0x27c: {  	v9 =	vld.idx.msk [tilespmem:v11+s29+$0x0], $0xffff  }
0x27d: {  	v11 =	vld.idx.msk [tilespmem:v12+s29+$0x0], $0xffff;
	_ =	sdelay $0x4  }
0x27e: {  	v9 =	vadd.f32 v11, v9;
	v11 =	vld [tilespmem:$0x1FF60];
	_ =	sdelay $0x3  }
0x27f: {  	v1 =	vadd.s32 $0x1E06, v1  }
0x280: {  	v8 =	vadd.s32 $0x1E06, v8  }
0x281: {  	v9 =	vmul.f32 $5.000000000e-01, v9;
	_ =	sdelay $0x1  }
0x282: {  	[tilespmem:v11+s31+$0x0] =	vst.idx.msk $0x3, v9  }
0x283: {  	v1 =	vld.idx.msk [tilespmem:v1+s29+$0x0], $0xffff  }
0x284: {  	v8 =	vld.idx.msk [tilespmem:v8+s29+$0x0], $0xffff;
	_ =	sdelay $0x4  }
0x285: {  	v1 =	vadd.f32 v8, v1;
	v8 =	vld [tilespmem:$0x1FF70];
	_ =	sdelay $0x5  }
0x286: {  	v1 =	vmul.f32 $5.000000000e-01, v1;
	_ =	sdelay $0x1  }
0x287: {  	s8 =	simm.s32 $0x0;
	[tilespmem:v8+s31+$0x0] =	vst.idx.msk $0x3, v1  }
0x288: {  	[hbm4b:s22+s8] =	stream.linear.scatter [tilespmem:s31], [sflag:$0x3], $0xA008, $0x38;
	[tilespmem:$0x1B850] =	vst v63  }
0x289: {  	_ =	swait.ge [sflag:s4], $0x5004  }
0x28a: {  	v52 =	vld [tilespmem:$0x1FFD0]  }
0x28b: {  	v18 =	vld [tilespmem:$0x1FFC0]  }
0x28c: {  	[sflag:s4] =	ssyncset.done $0x0;
	v53 =	vld [tilespmem:$0x1FFE0]  }
0x28d: {  	s10 =	simm.s32 $0x20;
	v54 =	vld [tilespmem:$0x1FFF0];
	[sflag:s4] =	ssyncadd.s32 $0xFFFFAFFC  }
0x28e: {  	s19 =	simm.s32 $0x2830;
	v1 =	vld [tilespmem:s10+$0x10]  }
0x28f: {  	v8 =	vld [tilespmem:s19+$0x10]  }
0x290: {  	v9 =	vld [tilespmem:s19+$0xFFFFFFE0]  }
0x291: {  	v11 =	vld [tilespmem:s10+$0xFFFFFFF0]  }
0x292: {  	v13 =	vld [tilespmem:s19+$0xFFFFFFF0]  }
0x293: {  	v19 =	vld [tilespmem:s10+$0x0]  }
0x294: {  	v20 =	vld [tilespmem:s19+$0x0];
	v12 =	vadd.s32 $0x2808, v1  }
0x295: {  	s21 =	simm.s32 $0x60;
	v21 =	vld [tilespmem:s10+$0xFFFFFFE0];
	v14 =	vadd.s32 $0x2808, v8  }
0x296: {  	v32 =	vld [tilespmem:s21+$0x10]  }
0x297: {  	s23 =	simm.s32 $0x10;
	vm2 =	vmmov vm5;
	s22 =	simm.s32 $0x30;
	s19 =	simm.s32 $0x2870;
	v55 =	vld [tilespmem:s21+$0x0];
	v22 =	vadd.s32 $0x2808, v9  }
0x298: {  	v50 =	vmov s23;
	v27 =	vmov s22;
	v33 =	vld [tilespmem:s19+$0x10];
	v23 =	vadd.s32 $0x2808, v11  }
0x299: {  	v28 =	vadd.s32 s22, v52;
	vm4 =	vlt.u32 v27, v18;
	v24 =	vadd.s32 $0x2808, v13;
	v12 =	vld.idx.msk [tilespmem:v12+s29+$0x0], $0xffff  }
0x29a: {  	s24 =	simm.s32 $0x20;
	s20 =	simm.s32 $0x40;
	v30 =	vadd.s32 s8, v54;
	v31 =	vadd.s32 s23, v52;
	v29 =	vadd.s32 $0x2808, v21;
	v14 =	vld.idx.msk [tilespmem:v14+s29+$0x0], $0xffff  }
0x29b: {  	v51 =	vld [tilespmem:s19+$0xFFFFFFF0];
	v49 =	vadd.s32 s24, v52;
	vm5 =	vlt.u32 v50, v18;
	v63 =	vadd.s32 s20, v52  }
0x29c: {  	v27 =	vand.u32 $0xFFF8, v28;
	v28 =	vadd.s32 s8, v52;
	v31 =	vand.u32 $0xFFF8, v31;
	v22 =	vld.idx.msk [tilespmem:v22+s29+$0x0], $0xffff  }
0x29d: {  	vm0 =	vmmov vm5;
	v25 =	vadd.s32 $0x2808, v19;
	v26 =	vadd.s32 $0x2808, v20;
	v23 =	vld.idx.msk [tilespmem:v23+s29+$0x0], $0xffff  }
0x29e: {  	v9 =	vadd.s32 $0x320A, v9;
	v11 =	vadd.s32 $0x320A, v11;
	v27 =	vor.u32 v53, v27;
	v24 =	vld.idx.msk [tilespmem:v24+s29+$0x0], $0xffff  }
0x29f: {  	v13 =	vadd.s32 $0x320A, v13;
	v1 =	vadd.s32 $0x320A, v1;
	v29 =	vld.idx.msk [tilespmem:v29+s29+$0x0], $0xffff;
	v12 =	vadd.f32 v14, v12  }
0x2a0: {  	v8 =	vadd.s32 $0x320A, v8;
	v31 =	vor.u32 v53, v31;
	v56 =	vadd.s32 $0x2808, v32  }
0x2a1: {  	v59 =	vadd.s32 $0x2808, v55;
	v57 =	vadd.s32 $0x2808, v33;
	v12 =	vmul.f32 $5.000000000e-01, v12  }
0x2a2: {  	v40 =	vadd.s32 $0x2808, v51;
	v26 =	vld.idx.msk [tilespmem:v26+s29+$0x0], $0xffff;
	v14 =	vadd.s32 $0x320A, v19;
	v19 =	vadd.s32 $0x320A, v20  }
0x2a3: {  	v20 =	vld.idx.msk [tilespmem:v25+s29+$0x0], $0xffff;
	v25 =	vadd.s32 $0x320A, v21;
	v21 =	vmov s8;
	v23 =	vadd.f32 v24, v23;
	[tilespmem:v27+s31+$0x0] =	vst.idx.msk vm4, v12  }
0x2a4: {  	vm1 =	vlt.u32 v21, v18;
	v21 =	vadd.f32 v22, v29;
	v22 =	vadd.s32 s23, v54;
	v1 =	vld.idx.msk [tilespmem:v1+s29+$0x0], $0xffff  }
0x2a5: {  	s23 =	simm.s32 $0x70;
	v34 =	vmul.f32 $5.000000000e-01, v23;
	v23 =	vadd.s32 s24, v54;
	v22 =	vand.u32 $0x1FFF8, v22;
	v8 =	vld.idx.msk [tilespmem:v8+s29+$0x0], $0xffff  }
0x2a6: {  	v37 =	vld.idx.msk [tilespmem:v56+s29+$0x0], $0xffff;
	vm2 =	vmmov vm1;
	v47 =	vmov s23;
	v29 =	vand.u32 $0x1FFF8, v23  }
0x2a7: {  	v61 =	vld.idx.msk [tilespmem:v57+s29+$0x0], $0xffff;
	v12 =	vmov s24;
	v27 =	vand.u32 $0xFFD8, v28;
	v28 =	vand.u32 $0xFFF8, v49  }
0x2a8: {  	vm6 =	vlt.u32 v12, v18;
	v12 =	vor.u32 v53, v28;
	v24 =	vor.u32 v53, v27;
	v28 =	vld [tilespmem:s21+$0xFFFFFFF0]  }
0x2a9: {  	v27 =	vmul.f32 $5.000000000e-01, v21;
	v21 =	vor.u32 v3, v22;
	v22 =	vor.u32 v3, v29;
	v29 =	vld [tilespmem:s19+$0x0]  }
0x2aa: {  	v56 =	vadd.s32 s23, v52;
	v23 =	vand.u32 $0x1FFD8, v30;
	v1 =	vadd.f32 v8, v1;
	v8 =	vld [tilespmem:s21+$0xFFFFFFE0]  }
0x2ab: {  	v30 =	vadd.s32 s22, v54;
	s22 =	simm.s32 $0x50;
	vm3 =	vlt.u32 v47, v18;
	v20 =	vadd.f32 v26, v20;
	v26 =	vld [tilespmem:s19+$0xFFFFFFE0]  }
0x2ac: {  	v43 =	vld.idx.msk [tilespmem:v59+s29+$0x0], $0xffff;
	v30 =	vand.u32 $0x1FFF8, v30;
	v23 =	vor.u32 v3, v23;
	v59 =	vmov s22  }
0x2ad: {  	s24 =	simm.s32 $0x60;
	[tilespmem:v31+s31+$0x0] =	vst.idx.msk vm5, v34;
	v31 =	vadd.f32 v61, v37;
	v45 =	vadd.s32 s22, v54;
	v58 =	vadd.s32 $0x2808, v28  }
0x2ae: {  	v40 =	vld.idx.msk [tilespmem:v40+s29+$0x0], $0xffff;
	v42 =	vor.u32 v3, v30;
	v61 =	vmov s24;
	v60 =	vadd.s32 $0x2808, v29  }
0x2af: {  	v57 =	vadd.s32 s24, v52;
	v35 =	vld.idx.msk [tilespmem:v13+s29+$0x0], $0xffff;
	vm5 =	vlt.u32 v61, v18;
	[tilespmem:v24+s31+$0x0] =	vst.idx.msk vm1, v27;
	v62 =	vadd.s32 $0x2808, v8  }
0x2b0: {  	v20 =	vmul.f32 $5.000000000e-01, v20;
	v30 =	vadd.s32 $0x2808, v26;
	v24 =	vadd.s32 $0x320A, v26;
	v41 =	vld.idx.msk [tilespmem:v25+s29+$0x0], $0xffff  }
0x2b1: {  	v26 =	vadd.s32 $0x320A, v28;
	vm1 =	vmmov vm6;
	v27 =	vadd.s32 $0x320A, v55;
	v9 =	vld.idx.msk [tilespmem:v9+s29+$0x0], $0xffff  }
0x2b2: {  	v28 =	vadd.s32 $0x320A, v29;
	v55 =	vadd.s32 s22, v52;
	v39 =	vld.idx.msk [tilespmem:v58+s29+$0x0], $0xffff;
	v58 =	vand.u32 $0xFFF8, v56  }
0x2b3: {  	v25 =	vadd.s32 $0x320A, v51;
	v46 =	vand.u32 $0xFFF8, v55;
	v60 =	vld.idx.msk [tilespmem:v60+s29+$0x0], $0xffff;
	v47 =	vor.u32 v53, v58  }
0x2b4: {  	[tilespmem:v12+s31+$0x0] =	vst.idx.msk vm6, v20;
	v12 =	vand.u32 $0xFFD8, v63;
	v20 =	vand.u32 $0xFFF8, v57;
	v38 =	vld.idx.msk [tilespmem:v62+s29+$0x0], $0xffff;
	v62 =	vadd.s32 $0x320A, v32  }
0x2b5: {  	v63 =	vadd.s32 $0x320A, v33;
	vm6 =	vlt.u32 v59, v18;
	v1 =	vmul.f32 $5.000000000e-01, v1;
	v44 =	vld.idx.msk [tilespmem:v30+s29+$0x0], $0xffff  }
0x2b6: {  	v37 =	vor.u32 v53, v46;
	v36 =	vor.u32 v53, v20;
	v32 =	vld.idx.msk [tilespmem:v11+s29+$0x0], $0xffff;
	v11 =	vmul.f32 $5.000000000e-01, v31  }
0x2b7: {  	v34 =	vld.idx.msk [tilespmem:v19+s29+$0x0], $0xffff;
	[tilespmem:v42+s31+$0x0] =	vst.idx.msk vm4, v1;
	v42 =	vadd.s32 s24, v54;
	v29 =	vadd.s32 $0x320A, v8;
	v8 =	vmov s20  }
0x2b8: {  	s18 =	sadd.s32 $0xA008, s18;
	vm7 =	vlt.u32 v8, v18;
	v13 =	vadd.f32 v40, v39;
	v31 =	vld.idx.msk [tilespmem:v14+s29+$0x0], $0xffff;
	[tilespmem:v47+s31+$0x0] =	vst.idx.msk vm3, v11  }
0x2b9: {  	s18 =	sshrl.u32 s18, $0x3;
	v41 =	vadd.f32 v9, v41;
	v39 =	vor.u32 v53, v12;
	v43 =	vadd.f32 v60, v43;
	v33 =	vld.idx.msk [tilespmem:v62+s29+$0x0], $0xffff  }
0x2ba: {  	s18 =	sadd.s32 s7, s18;
	s21 =	simm.s32 $0x4;
	s22 =	simm.s32 $0xA0;
	v30 =	vadd.s32 s20, v54;
	v40 =	vmul.f32 $5.000000000e-01, v13;
	v44 =	vadd.f32 v44, v38;
	v38 =	vld.idx.msk [tilespmem:v63+s29+$0x0], $0xffff  }
.LBB2_9:
0x2bb: {  	v1 =	vld [tilespmem:s22+$0x10];
	v8 =	vand.u32 $0x1FFF8, v45;
	v9 =	vmul.f32 $5.000000000e-01, v43;
	s19 =	sadd.s32 $0x40, s19;
	v11 =	vmul.f32 $5.000000000e-01, v41  }
0x2bc: {  	v14 =	vand.u32 $0x1FFF8, v42;
	v19 =	vadd.f32 v35, v32;
	v12 =	vld [tilespmem:s19+$0x10];
	v13 =	vmul.f32 $5.000000000e-01, v44;
	[tilespmem:v37+s31+$0x0] =	vst.idx.msk vm6, v40  }
0x2bd: {  	s21 =	sadd.s32 $0x4, s21;
	v30 =	vand.u32 $0x1FFD8, v30;
	v8 =	vor.u32 v3, v8;
	v20 =	vld [tilespmem:s19+$0xFFFFFFE0];
	[tilespmem:v36+s31+$0x0] =	vst.idx.msk vm5, v9;
	v9 =	vadd.s32 s23, v54  }
0x2be: {  	p0 =	slt.u32 s21, $0x27C;
	v32 =	vld [tilespmem:s22+$0xFFFFFFF0];
	[tilespmem:v39+s31+$0x0] =	vst.idx.msk vm7, v13;
	v9 =	vand.u32 $0x1FFF8, v9;
	v13 =	vmul.f32 $5.000000000e-01, v19;
	v19 =	vadd.f32 v34, v31  }
0x2bf: {  	v30 =	vor.u32 v3, v30;
	v14 =	vor.u32 v3, v14;
	v31 =	vld [tilespmem:s19+$0xFFFFFFF0];
	v9 =	vor.u32 v3, v9  }
0x2c0: {  	v33 =	vadd.f32 v38, v33;
	v34 =	vld [tilespmem:s22+$0x0];
	v35 =	vadd.s32 $0x2808, v1;
	[tilespmem:v23+s31+$0x0] =	vst.idx.msk vm2, v11;
	v11 =	vmul.f32 $5.000000000e-01, v19;
	v23 =	vmovc v30  }
0x2c1: {  	vm2 =	vmmov vm7;
	v19 =	vld [tilespmem:s19+$0x0];
	v30 =	vadd.s32 $0x2808, v12;
	[tilespmem:v21+s31+$0x0] =	vst.idx.msk vm0, v13;
	v21 =	vmovc v8;
	vm0 =	vmmov vm6  }
0x2c2: {  	v33 =	vmul.f32 $5.000000000e-01, v33;
	v8 =	vld [tilespmem:s22+$0xFFFFFFE0];
	v13 =	vadd.s32 $0x2808, v20;
	v20 =	vadd.s32 $0x320A, v20;
	[tilespmem:v22+s31+$0x0] =	vst.idx.msk vm1, v11;
	v22 =	vmovc v14  }
0x2c3: {  	vm1 =	vmmov vm5;
	v11 =	vadd.s32 $0x2808, v32;
	v14 =	vadd.s32 $0x320A, v32;
	v38 =	vld.idx.msk [tilespmem:v29+s29+$0x0], $0xffff  }
0x2c4: {  	v32 =	vadd.s32 $0x2808, v31;
	v31 =	vadd.s32 $0x320A, v31;
	v41 =	vld.idx.msk [tilespmem:v24+s29+$0x0], $0xffff;
	[tilespmem:v9+s31+$0x0] =	vst.idx.msk vm3, v33;
	v24 =	vmov v20  }
0x2c5: {  	v9 =	vadd.s32 $0x2808, v34;
	v20 =	vadd.s32 $0x320A, v34;
	v33 =	vld.idx.msk [tilespmem:v35+s29+$0x0], $0xffff  }
0x2c6: {  	v34 =	vadd.s32 $0x2808, v19;
	v19 =	vadd.s32 $0x320A, v19;
	v35 =	vld.idx.msk [tilespmem:v30+s29+$0x0], $0xffff  }
0x2c7: {  	s20 =	sadd.s32 $0x40, s20;
	v36 =	vadd.s32 $0x2808, v8;
	v13 =	vld.idx.msk [tilespmem:v13+s29+$0x0], $0xffff;
	v29 =	vadd.s32 $0x320A, v8  }
0x2c8: {  	v37 =	vadd.s32 s20, v52;
	s8 =	sadd.s32 $0x10, s20;
	s10 =	sadd.s32 $0x20, s20;
	s23 =	sadd.s32 $0x30, s20;
	v30 =	vadd.s32 s20, v54;
	v8 =	vmov s20;
	v11 =	vld.idx.msk [tilespmem:v11+s29+$0x0], $0xffff  }
0x2c9: {  	v40 =	vmov s23;
	v42 =	vadd.s32 s23, v52;
	v39 =	vld.idx.msk [tilespmem:v32+s29+$0x0], $0xffff;
	v32 =	vadd.s32 s8, v52  }
0x2ca: {  	v43 =	vadd.s32 s10, v52;
	vm3 =	vlt.u32 v40, v18;
	v40 =	vand.u32 $0xFFF8, v42;
	v9 =	vld.idx.msk [tilespmem:v9+s29+$0x0], $0xffff  }
0x2cb: {  	v42 =	vmov s8;
	v44 =	vand.u32 $0xFFF8, v32;
	v45 =	vld.idx.msk [tilespmem:v34+s29+$0x0], $0xffff;
	v34 =	vor.u32 v53, v40  }
0x2cc: {  	v1 =	vadd.s32 $0x320A, v1;
	v33 =	vadd.f32 v35, v33;
	v46 =	vld.idx.msk [tilespmem:v36+s29+$0x0], $0xffff;
	v36 =	vmov s10  }
0x2cd: {  	v43 =	vand.u32 $0xFFF8, v43;
	v12 =	vadd.s32 $0x320A, v12;
	v40 =	vand.u32 $0xFFD8, v37;
	v32 =	vld.idx.msk [tilespmem:v26+s29+$0x0], $0xffff;
	v26 =	vmovc v14  }
.Ltmp3:
0x2ce: {  	vm6 =	vlt.u32 v42, v18;
	v37 =	vor.u32 v53, v44;
	v14 =	vmul.f32 $5.000000000e-01, v33;
	v35 =	vld.idx.msk [tilespmem:v25+s29+$0x0], $0xffff;
	v25 =	vmovc v31;
	(pc) =	sbr.rel @p0 .LBB2_9-.Ltmp3, $4  }
0x2cf: {  	vm5 =	vlt.u32 v36, v18;
	v36 =	vor.u32 v53, v43;
	v11 =	vadd.f32 v39, v11;
	v31 =	vld.idx.msk [tilespmem:v27+s29+$0x0], $0xffff  }
0x2d0: {  	vm7 =	vlt.u32 v8, v18;
	v39 =	vor.u32 v53, v40;
	[tilespmem:v34+s31+$0x0] =	vst.idx.msk vm3, v14;
	v34 =	vld.idx.msk [tilespmem:v28+s29+$0x0], $0xffff  }
0x2d1: {  	v41 =	vadd.f32 v41, v38;
	v27 =	vmovc v20;
	v40 =	vmul.f32 $5.000000000e-01, v11;
	v43 =	vadd.f32 v45, v9;
	v33 =	vld.idx.msk [tilespmem:v1+s29+$0x0], $0xffff  }
0x2d2: {  	s22 =	sadd.s32 $0x40, s22;
	v42 =	vadd.s32 s10, v54;
	v45 =	vadd.s32 s8, v54;
	v28 =	vmovc v19;
	v44 =	vadd.f32 v13, v46;
	v38 =	vld.idx.msk [tilespmem:v12+s29+$0x0], $0xffff  }
0x2d3: {  	_ =	sdelay $0x3  }
0x2d4: {  	v8 =	vmul.f32 $5.000000000e-01, v43  }
0x2d5: {  	[tilespmem:v37+s31+$0x0] =	vst.idx.msk vm6, v40;
	v1 =	vmul.f32 $5.000000000e-01, v44  }
0x2d6: {  	v11 =	vld.idx.msk [tilespmem:v26+s29+$0x0], $0xffff;
	[tilespmem:v36+s31+$0x0] =	vst.idx.msk vm5, v8  }
0x2d7: {  	v8 =	vld.idx.msk [tilespmem:v25+s29+$0x0], $0xffff;
	[tilespmem:v39+s31+$0x0] =	vst.idx.msk vm7, v1  }
0x2d8: {  	v1 =	vld.idx.msk [tilespmem:v29+s29+$0x0], $0xffff  }
0x2d9: {  	v12 =	vand.u32 $0x1FFF8, v45;
	v9 =	vld.idx.msk [tilespmem:v24+s29+$0x0], $0xffff  }
0x2da: {  	v13 =	vmul.f32 $5.000000000e-01, v41;
	v14 =	vadd.f32 v35, v32;
	v25 =	vld.idx.msk [tilespmem:v27+s29+$0x0], $0xffff;
	v24 =	vadd.s32 s23, v54  }
0x2db: {  	v19 =	vand.u32 $0x1FFF8, v42;
	v20 =	vand.u32 $0x1FFD8, v30;
	v26 =	vld.idx.msk [tilespmem:v28+s29+$0x0], $0xffff;
	v24 =	vand.u32 $0x1FFF8, v24  }
0x2dc: {  	vm6 =	vmmov vm6;
	v27 =	vadd.f32 v34, v31;
	v24 =	vor.u32 v3, v24  }
0x2dd: {  	v20 =	vor.u32 v3, v20;
	v14 =	vmul.f32 $5.000000000e-01, v14;
	v28 =	vadd.f32 v38, v33  }
0x2de: {  	v12 =	vor.u32 v3, v12;
	[tilespmem:v23+s31+$0x0] =	vst.idx.msk vm2, v13;
	v13 =	vmul.f32 $5.000000000e-01, v27;
	v1 =	vadd.f32 v9, v1  }
0x2df: {  	v45 =	vor.u32 v3, v19;
	[tilespmem:v21+s31+$0x0] =	vst.idx.msk vm0, v14;
	v14 =	vmul.f32 $5.000000000e-01, v28;
	v8 =	vadd.f32 v8, v11  }
0x2e0: {  	[tilespmem:v22+s31+$0x0] =	vst.idx.msk vm1, v13;
	v46 =	vadd.f32 v26, v25;
	v1 =	vmul.f32 $5.000000000e-01, v1  }
0x2e1: {  	v8 =	vmul.f32 $5.000000000e-01, v8;
	[tilespmem:v24+s31+$0x0] =	vst.idx.msk vm3, v14  }
0x2e2: {  	[tilespmem:v20+s31+$0x0] =	vst.idx.msk vm7, v1;
	v1 =	vmul.f32 $5.000000000e-01, v46  }
0x2e3: {  	[tilespmem:v12+s31+$0x0] =	vst.idx.msk vm6, v8  }
0x2e4: {  	[tilespmem:v45+s31+$0x0] =	vst.idx.msk vm5, v1  }
0x2e5: {  	v1 =	vld [tilespmem:$0x2800]  }
0x2e6: {  	v8 =	vld [tilespmem:$0x5010];
	_ =	sdelay $0x3  }
0x2e7: {  	v47 =	vadd.s32 $0x2808, v1  }
0x2e8: {  	v48 =	vadd.s32 $0x2808, v8;
	_ =	sdelay $0x3  }
0x2e9: {  	v9 =	vld.idx.msk [tilespmem:v47+s29+$0x0], $0xffff  }
0x2ea: {  	v11 =	vld.idx.msk [tilespmem:v48+s29+$0x0], $0xffff  }
0x2eb: {  	v49 =	vld [tilespmem:$0x1FF80];
	_ =	sdelay $0x3  }
0x2ec: {  	v1 =	vadd.s32 $0x320A, v1;
	v9 =	vadd.f32 v11, v9  }
0x2ed: {  	v8 =	vadd.s32 $0x320A, v8  }
0x2ee: {  	v9 =	vmul.f32 $5.000000000e-01, v9;
	_ =	sdelay $0x1  }
0x2ef: {  	[tilespmem:v49+s31+$0x0] =	vst.idx.msk $0x3, v9  }
0x2f0: {  	v1 =	vld.idx.msk [tilespmem:v1+s29+$0x0], $0xffff  }
0x2f1: {  	v8 =	vld.idx.msk [tilespmem:v8+s29+$0x0], $0xffff;
	_ =	sdelay $0x4  }
0x2f2: {  	v1 =	vadd.f32 v8, v1;
	v8 =	vld [tilespmem:$0x1FF90];
	_ =	sdelay $0x4  }
0x2f3: {  	s17 =	smul.u32 $0x3C10, s17  }
0x2f4: {  	v1 =	vmul.f32 $5.000000000e-01, v1  }
0x2f5: {  	s8 =	sadd.s32 s17, s14  }
0x2f6: {  	s19 =	simm.s32 $0x0;
	s8 =	sshrl.u32 s8, $0x3;
	[tilespmem:v8+s31+$0x0] =	vst.idx.msk $0x3, v1  }
0x2f7: {  	[hbm4b:s18+s19] =	stream.linear.scatter [tilespmem:s0], [sflag:$0x4], $0x5004, $0x38;
	[tilespmem:$0x1B850] =	vst v63  }
0x2f8: {  	s8 =	sadd.s32 s2, s8  }
0x2f9: {  	[tilespmem:s29], [sflag:$0x2] =	stream.linear.gather [hbm4b:s8+s19], $0x3C10, $0x38;
	[tilespmem:$0x1B850] =	vst v63  }
0x2fa: {  	_ =	swait.ge [sflag:s30], $0x3C10  }
0x2fb: {  	[sflag:s30] =	ssyncset.done $0x0  }
0x2fc: {  	[sflag:s30] =	ssyncadd.s32 $0xFFFFC3F0  }
0x2fd: {  	_ =	swait.ge [sflag:s26], $0xA008  }
0x2fe: {  	[sflag:s26] =	ssyncset.done $0x0  }
0x2ff: {  	s21 =	simm.s32 $0x20;
	[sflag:s26] =	ssyncadd.s32 $0xFFFF5FF8  }
0x300: {  	s10 =	simm.s32 $0x2830;
	v1 =	vld [tilespmem:s21+$0x10]  }
0x301: {  	v8 =	vld [tilespmem:s10+$0x10];
	_ =	sdelay $0x3  }
0x302: {  	v50 =	vld [tilespmem:s21+$0xFFFFFFF0]  }
0x303: {  	v51 =	vld [tilespmem:s10+$0xFFFFFFF0]  }
0x304: {  	v12 =	vld [tilespmem:s21+$0x0]  }
0x305: {  	v13 =	vld.idx.msk [tilespmem:v1+s28+$0x0], $0xffff  }
0x306: {  	v14 =	vld.idx.msk [tilespmem:v8+s28+$0x0], $0xffff  }
0x307: {  	s22 =	simm.s32 $0x30;
	v19 =	vld [tilespmem:s10+$0x0]  }
0x308: {  	v21 =	vor.u32 s22, v0;
	v20 =	vld [tilespmem:s10+$0xFFFFFFE0]  }
0x309: {  	vm0 =	vlt.u32 v21, $0x2802;
	v25 =	vld [tilespmem:s21+$0xFFFFFFE0]  }
0x30a: {  	v21 =	vand.u32 v17, v21;
	v22 =	vld.idx.msk [tilespmem:v50+s28+$0x0], $0xffff  }
0x30b: {  	v23 =	vld.idx.msk [tilespmem:v51+s28+$0x0], $0xffff;
	v13 =	vadd.f32 v14, v13;
	v14 =	vadd.s32 $0xA02, v1  }
0x30c: {  	s23 =	simm.s32 $0x10;
	v24 =	vadd.s32 $0xA02, v8  }
0x30d: {  	vm2 =	vmmov vm5;
	v26 =	vor.u32 s23, v0;
	v13 =	vmul.f32 $5.000000000e-01, v13  }
0x30e: {  	vm2 =	vlt.u32 v26, $0x2802;
	v27 =	vld.idx.msk [tilespmem:v12+s28+$0x0], $0xffff  }
0x30f: {  	v26 =	vand.u32 v15, v26;
	v28 =	vld.idx.msk [tilespmem:v19+s28+$0x0], $0xffff;
	[tilespmem:v21+s31+$0x0] =	vst.idx.msk vm0, v13  }
0x310: {  	v13 =	vadd.s32 $0xA02, v50;
	v21 =	vadd.f32 v23, v22;
	v14 =	vld.idx.msk [tilespmem:v14+s28+$0x0], $0xffff  }
0x311: {  	s24 =	simm.s32 $0x20;
	v22 =	vadd.s32 $0xA02, v51;
	v23 =	vld.idx.msk [tilespmem:v24+s28+$0x0], $0xffff  }
0x312: {  	v29 =	vor.u32 s24, v0;
	v31 =	vld.idx.msk [tilespmem:v25+s28+$0x0], $0xffff;
	v21 =	vmul.f32 $5.000000000e-01, v21  }
0x313: {  	v52 =	vadd.s32 s22, v2;
	vm1 =	vlt.u32 v29, $0x2802;
	v24 =	vld.idx.msk [tilespmem:v20+s28+$0x0], $0xffff  }
0x314: {  	v29 =	vand.u32 v16, v29;
	[tilespmem:v26+s31+$0x0] =	vst.idx.msk vm2, v21;
	v21 =	vand.u32 $0x7FF8, v52  }
0x315: {  	v30 =	vor.u32 s19, v0;
	v27 =	vadd.f32 v28, v27;
	v13 =	vld.idx.msk [tilespmem:v13+s28+$0x0], $0xffff;
	v21 =	vor.u32 v3, v21  }
0x316: {  	vm3 =	vlt.u32 v30, $0x2802;
	v22 =	vld.idx.msk [tilespmem:v22+s28+$0x0], $0xffff;
	v14 =	vadd.f32 v23, v14;
	v23 =	vadd.s32 $0x1404, v1  }
0x317: {  	v53 =	vadd.s32 $0x1404, v8;
	v28 =	vand.u32 v10, v30;
	v27 =	vmul.f32 $5.000000000e-01, v27  }
0x318: {  	v54 =	vadd.s32 s23, v2;
	v24 =	vadd.f32 v24, v31;
	v14 =	vmul.f32 $5.000000000e-01, v14  }
0x319: {  	v33 =	vand.u32 $0x7FF8, v54;
	[tilespmem:v29+s31+$0x0] =	vst.idx.msk vm1, v27  }
0x31a: {  	v27 =	vadd.s32 $0xA02, v19;
	v29 =	vor.u32 v3, v33;
	v24 =	vmul.f32 $5.000000000e-01, v24;
	[tilespmem:v21+s31+$0x0] =	vst.idx.msk vm0, v14  }
0x31b: {  	v26 =	vadd.s32 $0xA02, v12;
	v13 =	vadd.f32 v22, v13;
	v21 =	vld.idx.msk [tilespmem:v23+s28+$0x0], $0xffff  }
0x31c: {  	s20 =	simm.s32 $0x60;
	v30 =	vadd.s32 $0xA02, v25;
	[tilespmem:v28+s31+$0x0] =	vst.idx.msk vm3, v24;
	v24 =	vld.idx.msk [tilespmem:v53+s28+$0x0], $0xffff  }
0x31d: {  	s21 =	simm.s32 $0x2870;
	v43 =	vld [tilespmem:s20+$0xFFFFFFF0];
	v23 =	vadd.s32 $0x1404, v51;
	v13 =	vmul.f32 $5.000000000e-01, v13  }
0x31e: {  	v60 =	vld [tilespmem:s21+$0xFFFFFFE0];
	v22 =	vadd.s32 s22, v4  }
0x31f: {  	v56 =	vld.idx.msk [tilespmem:v27+s28+$0x0], $0xffff;
	[tilespmem:v29+s31+$0x0] =	vst.idx.msk vm2, v13;
	v13 =	vand.u32 $0xFFF8, v22  }
0x320: {  	v31 =	vadd.s32 $0xA02, v20;
	v55 =	vld.idx.msk [tilespmem:v26+s28+$0x0], $0xffff;
	v13 =	vor.u32 v5, v13  }
0x321: {  	v14 =	vadd.s32 $0x1404, v50;
	v28 =	vld.idx.msk [tilespmem:v30+s28+$0x0], $0xffff;
	v21 =	vadd.f32 v24, v21  }
0x322: {  	v57 =	vadd.s32 $0x1404, v20;
	v1 =	vadd.s32 $0x1E06, v1;
	v22 =	vadd.s32 $0x1E06, v20;
	v20 =	vld.idx.msk [tilespmem:v23+s28+$0x0], $0xffff  }
0x323: {  	v8 =	vadd.s32 $0x1E06, v8;
	v24 =	vadd.s32 s24, v2;
	v23 =	vld [tilespmem:s20+$0x10];
	v21 =	vmul.f32 $5.000000000e-01, v21  }
0x324: {  	v42 =	vadd.s32 $0x1404, v12;
	v27 =	vand.u32 $0x7FF8, v24;
	v24 =	vld [tilespmem:s21+$0x10]  }
0x325: {  	v32 =	vadd.s32 $0x1E06, v12;
	v26 =	vadd.s32 s19, v2;
	v31 =	vld.idx.msk [tilespmem:v31+s28+$0x0], $0xffff;
	[tilespmem:v13+s31+$0x0] =	vst.idx.msk vm0, v21;
	v21 =	vadd.s32 s24, v4  }
0x326: {  	v12 =	vadd.s32 $0x1E06, v19;
	v26 =	vand.u32 $0x7FD8, v26;
	v14 =	vld.idx.msk [tilespmem:v14+s28+$0x0], $0xffff;
	v21 =	vand.u32 $0xFFF8, v21  }
0x327: {  	v58 =	vor.u32 v3, v26;
	v26 =	vadd.s32 s23, v4;
	v1 =	vld.idx.msk [tilespmem:v1+s28+$0x0], $0xffff;
	v18 =	vor.u32 v5, v21  }
0x328: {  	v26 =	vand.u32 $0xFFF8, v26;
	v39 =	vor.u32 v3, v27;
	v27 =	vadd.s32 s19, v4;
	v8 =	vld.idx.msk [tilespmem:v8+s28+$0x0], $0xffff;
	[tilespmem:$0x1FDC0] =	vst v18  }
0x329: {  	v45 =	vor.u32 v5, v26;
	v27 =	vand.u32 $0xFFD8, v27;
	v26 =	vld [tilespmem:s21+$0xFFFFFFF0];
	[tilespmem:$0x1FDD0] =	vst v12;
	v12 =	vadd.s32 s23, v6  }
0x32a: {  	v44 =	vor.u32 v5, v27;
	v27 =	vld [tilespmem:s20+$0x0];
	v12 =	vand.u32 $0xFFF8, v12  }
0x32b: {  	v46 =	vld.idx.msk [tilespmem:v23+s28+$0x0], $0xffff;
	v12 =	vor.u32 v7, v12  }
0x32c: {  	v59 =	vadd.s32 $0x1404, v25;
	v61 =	vadd.f32 v31, v28;
	v47 =	vld.idx.msk [tilespmem:v24+s28+$0x0], $0xffff;
	[tilespmem:$0x1FDE0] =	vst v12  }
0x32d: {  	vm4 =	vmmov vm7;
	v13 =	vadd.s32 $0x1404, v19;
	v21 =	vadd.s32 s19, v6;
	v28 =	vld [tilespmem:s21+$0x0]  }
0x32e: {  	v19 =	vadd.s32 s24, v6;
	v21 =	vand.u32 $0xFFD8, v21;
	v12 =	vmul.f32 $5.000000000e-01, v61;
	v40 =	vld [tilespmem:s20+$0xFFFFFFE0]  }
0x32f: {  	v19 =	vand.u32 $0xFFF8, v19;
	v14 =	vadd.f32 v20, v14;
	v18 =	vor.u32 v7, v21;
	v20 =	vld.idx.msk [tilespmem:v60+s28+$0x0], $0xffff  }
0x330: {  	v21 =	vor.u32 v7, v19;
	v19 =	vadd.f32 v56, v55;
	s20 =	simm.s32 $0x70;
	v48 =	vld.idx.msk [tilespmem:v43+s28+$0x0], $0xffff;
	[tilespmem:v58+s31+$0x0] =	vst.idx.msk vm3, v12  }
0x331: {  	vm9 =	vmmov vm0;
	v29 =	vadd.s32 $0x1E06, v60;
	v62 =	vor.u32 s20, v0;
	v52 =	vld.idx.msk [tilespmem:v59+s28+$0x0], $0xffff  }
0x332: {  	v19 =	vmul.f32 $5.000000000e-01, v19;
	vm0 =	vlt.u32 v62, $0x2802;
	v46 =	vadd.f32 v47, v46;
	v49 =	vld.idx.msk [tilespmem:v26+s28+$0x0], $0xffff  }
0x333: {  	vm7 =	vmmov vm2;
	v9 =	vadd.s32 $0x1E06, v50;
	v33 =	vand.u32 v17, v62;
	v12 =	vld.idx.msk [tilespmem:v27+s28+$0x0], $0xffff;
	[tilespmem:$0x1FDF0] =	vst v29  }
0x334: {  	v11 =	vadd.s32 $0x1E06, v51;
	s21 =	simm.s32 $0x50;
	v47 =	vadd.s32 $0xA02, v23;
	v35 =	vmul.f32 $5.000000000e-01, v46;
	v46 =	vld.idx.msk [tilespmem:v57+s28+$0x0], $0xffff;
	[tilespmem:v39+s31+$0x0] =	vst.idx.msk vm1, v19  }
0x335: {  	v37 =	vadd.s32 $0xA02, v43;
	v51 =	vadd.s32 $0xA02, v24;
	v63 =	vor.u32 s21, v0;
	v42 =	vld.idx.msk [tilespmem:v42+s28+$0x0], $0xffff  }
0x336: {  	v34 =	vadd.s32 $0x1404, v60;
	v50 =	vadd.s32 $0xA02, v60;
	vm2 =	vlt.u32 v63, $0x2802;
	v60 =	vld.idx.msk [tilespmem:v28+s28+$0x0], $0xffff  }
0x337: {  	v53 =	vadd.s32 s22, v6;
	s23 =	simm.s32 $0x60;
	v1 =	vadd.f32 v8, v1;
	v38 =	vand.u32 v15, v63;
	v56 =	vld.idx.msk [tilespmem:v40+s28+$0x0], $0xffff  }
0x338: {  	s22 =	simm.s32 $0x40;
	v14 =	vmul.f32 $5.000000000e-01, v14;
	v62 =	vor.u32 s23, v0;
	v13 =	vld.idx.msk [tilespmem:v13+s28+$0x0], $0xffff;
	[tilespmem:v33+s31+$0x0] =	vst.idx.msk vm0, v35;
	v48 =	vadd.f32 v49, v48  }
0x339: {  	v61 =	vor.u32 s22, v0;
	vm4 =	vlt.u32 v62, $0x2802;
	v19 =	vadd.s32 $0xA02, v26;
	v47 =	vld.idx.msk [tilespmem:v47+s28+$0x0], $0xffff  }
0x33a: {  	vm5 =	vlt.u32 v61, $0x2802;
	v41 =	vand.u32 v16, v62;
	[tilespmem:v45+s31+$0x0] =	vst.idx.msk vm7, v14;
	v63 =	vld.idx.msk [tilespmem:v51+s28+$0x0], $0xffff;
	v36 =	vmul.f32 $5.000000000e-01, v48  }
0x33b: {  	v14 =	vadd.s32 $0xA02, v27;
	v9 =	vld.idx.msk [tilespmem:v9+s28+$0x0], $0xffff;
	v48 =	vand.u32 v10, v61;
	v12 =	vadd.f32 v60, v12  }
0x33c: {  	v58 =	vadd.s32 $0xA02, v40;
	v57 =	vadd.s32 s20, v2;
	v8 =	vld.idx.msk [tilespmem:v11+s28+$0x0], $0xffff;
	[tilespmem:v38+s31+$0x0] =	vst.idx.msk vm2, v36;
	v20 =	vadd.f32 v20, v56  }
0x33d: {  	v59 =	vand.u32 $0x7FF8, v57;
	v45 =	vld.idx.msk [tilespmem:v37+s28+$0x0], $0xffff;
	v12 =	vmul.f32 $5.000000000e-01, v12  }
0x33e: {  	vm8 =	vmmov vm3;
	s18 =	simm.s32 $0x28B0;
	v60 =	vor.u32 v3, v59;
	v19 =	vld.idx.msk [tilespmem:v19+s28+$0x0], $0xffff;
	v20 =	vmul.f32 $5.000000000e-01, v20  }
0x33f: {  	v25 =	vadd.s32 $0x1E06, v25;
	v62 =	vadd.s32 $0x1404, v23;
	v61 =	vadd.f32 v63, v47;
	v47 =	vld [tilespmem:s18+$0xFFFFFFF0];
	[tilespmem:v41+s31+$0x0] =	vst.idx.msk vm4, v12  }
0x340: {  	v53 =	vand.u32 $0xFFF8, v53;
	v54 =	vadd.s32 s22, v2;
	v63 =	vadd.s32 $0x1404, v24;
	[tilespmem:v48+s31+$0x0] =	vst.idx.msk vm5, v20;
	v14 =	vld.idx.msk [tilespmem:v14+s28+$0x0], $0xffff  }
0x341: {  	v55 =	vadd.s32 $0x1404, v43;
	v38 =	vadd.s32 $0x1E06, v43;
	v20 =	vmul.f32 $5.000000000e-01, v61;
	v43 =	vld.idx.msk [tilespmem:v58+s28+$0x0], $0xffff  }
0x342: {  	s24 =	simm.s32 $0xA0;
	v35 =	vadd.s32 $0xA02, v28;
	v37 =	vmul.f32 $5.000000000e-01, v1;
	v12 =	vadd.s32 s21, v2;
	v48 =	vld.idx.msk [tilespmem:v50+s28+$0x0], $0xffff  }
0x343: {  	v1 =	vand.u32 $0x7FF8, v12;
	v12 =	vadd.f32 v46, v52;
	[tilespmem:v60+s31+$0x0] =	vst.idx.msk vm0, v20;
	v20 =	vand.u32 $0x7FD8, v54;
	v54 =	vld [tilespmem:s24+$0xFFFFFFE0]  }
0x344: {  	v33 =	vor.u32 v7, v53;
	v53 =	vadd.s32 s23, v2;
	v1 =	vor.u32 v3, v1;
	v39 =	vld.idx.msk [tilespmem:v62+s28+$0x0], $0xffff  }
0x345: {  	v56 =	vand.u32 $0x7FF8, v53;
	v19 =	vadd.f32 v19, v45;
	v12 =	vmul.f32 $5.000000000e-01, v12;
	v11 =	vld.idx.msk [tilespmem:v63+s28+$0x0], $0xffff  }
0x346: {  	v53 =	vadd.s32 $0x1404, v28;
	v63 =	vadd.s32 $0x1E06, v24;
	v24 =	vadd.s32 $0x1E06, v28;
	v28 =	vld [tilespmem:s24+$0xFFFFFFF0]  }
0x347: {  	[tilespmem:v44+s31+$0x0] =	vst.idx.msk vm8, v12;
	v12 =	vmul.f32 $5.000000000e-01, v19;
	v19 =	vld.idx.msk [tilespmem:v35+s28+$0x0], $0xffff  }
0x348: {  	v57 =	vadd.s32 $0x1404, v26;
	v52 =	vld.idx.msk [tilespmem:v25+s28+$0x0], $0xffff;
	v25 =	vadd.s32 s20, v4  }
0x349: {  	v58 =	vadd.s32 s21, v4;
	[tilespmem:v1+s31+$0x0] =	vst.idx.msk vm2, v12;
	v1 =	vld.idx.msk [tilespmem:v22+s28+$0x0], $0xffff;
	v12 =	vand.u32 $0xFFF8, v25  }
0x34a: {  	v25 =	vand.u32 $0xFFF8, v58;
	v12 =	vor.u32 v5, v12;
	v11 =	vadd.f32 v11, v39;
	v39 =	vld [tilespmem:s24+$0x10]  }
0x34b: {  	v23 =	vadd.s32 $0x1E06, v23;
	v50 =	vor.u32 v3, v56;
	v56 =	vor.u32 v5, v25;
	v25 =	vld [tilespmem:s18+$0x10]  }
0x34c: {  	vm11 =	vmmov vm2;
	v49 =	vadd.s32 $0x1404, v40;
	v13 =	vadd.f32 v13, v42;
	v60 =	vld.idx.msk [tilespmem:v55+s28+$0x0], $0xffff  }
0x34d: {  	s19 =	simm.s32 $0xB0;
	v8 =	vadd.f32 v8, v9;
	v59 =	vadd.s32 s23, v4;
	v62 =	vld.idx.msk [tilespmem:v57+s28+$0x0], $0xffff;
	v11 =	vmul.f32 $5.000000000e-01, v11  }
0x34e: {  	v61 =	vand.u32 $0xFFF8, v59;
	v59 =	vor.u32 s19, v0;
	v57 =	vadd.s32 $0x1E06, v26;
	v26 =	vld [tilespmem:s18+$0xFFFFFFE0]  }
0x34f: {  	v51 =	vadd.s32 $0x1404, v27;
	v41 =	vor.u32 v5, v61;
	vm3 =	vlt.u32 v59, $0x2802;
	v61 =	vld.idx.msk [tilespmem:v28+s28+$0x0], $0xffff;
	[tilespmem:v12+s31+$0x0] =	vst.idx.msk vm0, v11  }
0x350: {  	v59 =	vand.u32 v17, v59;
	v20 =	vor.u32 v3, v20;
	v44 =	vadd.s32 $0x1E06, v40;
	v9 =	vld.idx.msk [tilespmem:v23+s28+$0x0], $0xffff  }
0x351: {  	v40 =	vadd.s32 $0x1E06, v27;
	v35 =	vadd.s32 s21, v6;
	v22 =	vadd.s32 s22, v4;
	v42 =	vld.idx.msk [tilespmem:v63+s28+$0x0], $0xffff  }
0x352: {  	v27 =	vadd.f32 v48, v43;
	v22 =	vand.u32 $0xFFD8, v22;
	v14 =	vadd.f32 v19, v14;
	v19 =	vld.idx.msk [tilespmem:v39+s28+$0x0], $0xffff  }
0x353: {  	v46 =	vor.u32 v5, v22;
	v22 =	vadd.s32 s22, v6;
	v11 =	vand.u32 $0xFFF8, v35;
	v36 =	vld.idx.msk [tilespmem:v25+s28+$0x0], $0xffff  }
0x354: {  	v22 =	vand.u32 $0xFFD8, v22;
	v12 =	vadd.s32 s23, v6;
	v45 =	vor.u32 v7, v11;
	v11 =	vld.idx.msk [tilespmem:v47+s28+$0x0], $0xffff  }
0x355: {  	s22 =	simm.s32 $0x90;
	v14 =	vmul.f32 $5.000000000e-01, v14;
	v12 =	vand.u32 $0xFFF8, v12;
	v23 =	vor.u32 v7, v22  }
0x356: {  	v22 =	vor.u32 v7, v12;
	v9 =	vadd.f32 v42, v9;
	v42 =	vor.u32 s22, v0  }
0x357: {  	v12 =	vmul.f32 $5.000000000e-01, v27;
	v27 =	vadd.f32 v62, v60;
	vm6 =	vlt.u32 v42, $0x2802  }
0x358: {  	v42 =	vand.u32 v15, v42;
	v19 =	vadd.f32 v36, v19  }
0x359: {  	v1 =	vadd.f32 v1, v52;
	[tilespmem:v50+s31+$0x0] =	vst.idx.msk vm4, v14;
	v52 =	vmul.f32 $5.000000000e-01, v27;
	v11 =	vadd.f32 v11, v61  }
0x35a: {  	v30 =	vmul.f32 $5.000000000e-01, v13;
	v13 =	vld [tilespmem:s24+$0x0];
	[tilespmem:v20+s31+$0x0] =	vst.idx.msk vm5, v12;
	v19 =	vmul.f32 $5.000000000e-01, v19  }
0x35b: {  	v58 =	vld.idx.msk [tilespmem:v26+s28+$0x0], $0xffff;
	[tilespmem:v56+s31+$0x0] =	vst.idx.msk vm11, v52;
	v11 =	vmul.f32 $5.000000000e-01, v11  }
0x35c: {  	[tilespmem:v59+s31+$0x0] =	vst.idx.msk vm3, v19;
	v19 =	vld.idx.msk [tilespmem:v54+s28+$0x0], $0xffff  }
0x35d: {  	vm10 =	vmmov vm1;
	v31 =	vmul.f32 $5.000000000e-01, v8;
	s23 =	simm.s32 $0xA0;
	v63 =	vadd.s32 s20, v6;
	s20 =	simm.s32 $0x80;
	[tilespmem:v42+s31+$0x0] =	vst.idx.msk vm6, v11  }
0x35e: {  	v35 =	vmul.f32 $5.000000000e-01, v1;
	v1 =	vor.u32 s23, v0;
	v8 =	vor.u32 s20, v0;
	v0 =	vld [tilespmem:$0x1FDC0]  }
0x35f: {  	vm1 =	vmmov vm4;
	v43 =	vadd.s32 $0xA02, v39;
	vm4 =	vlt.u32 v8, $0x2802  }
0x360: {  	v8 =	vand.u32 v10, v8;
	v12 =	vand.u32 $0xFFF8, v63;
	v63 =	vadd.s32 $0xA02, v25  }
0x361: {  	v48 =	vld [tilespmem:s18+$0x0];
	v19 =	vadd.f32 v58, v19;
	_ =	sdelay $0x1  }
0x362: {  	v29 =	vld.idx.msk [tilespmem:v13+s28+$0x0], $0xffff;
	v19 =	vmul.f32 $5.000000000e-01, v19  }
0x363: {  	v14 =	vld.idx.msk [tilespmem:v43+s28+$0x0], $0xffff  }
0x364: {  	v61 =	vadd.s32 s22, v2;
	v56 =	vadd.s32 s23, v2;
	v43 =	vld.idx.msk [tilespmem:v63+s28+$0x0], $0xffff;
	[tilespmem:v8+s31+$0x0] =	vst.idx.msk vm4, v19  }
0x365: {  	v60 =	vadd.s32 $0xA02, v28;
	v56 =	vand.u32 $0x7FF8, v56;
	v11 =	vand.u32 $0x7FF8, v61;
	v61 =	vld.idx.msk [tilespmem:v38+s28+$0x0], $0xffff;
	[tilespmem:v0+s31+$0x0] =	vst.idx.msk vm10, v30  }
0x366: {  	v36 =	vor.u32 v7, v12;
	v63 =	vadd.s32 s20, v2;
	v38 =	vadd.s32 s19, v2;
	v0 =	vld [tilespmem:$0x1FDD0]  }
0x367: {  	v51 =	vld.idx.msk [tilespmem:v51+s28+$0x0], $0xffff;
	v12 =	vadd.s32 $0xA02, v47;
	v42 =	vand.u32 $0x7FD8, v63;
	v63 =	vand.u32 $0x7FF8, v38  }
0x368: {  	v20 =	vld.idx.msk [tilespmem:v48+s28+$0x0], $0xffff;
	v38 =	vor.u32 v3, v56;
	v56 =	vor.u32 v3, v63  }
0x369: {  	v49 =	vld.idx.msk [tilespmem:v49+s28+$0x0], $0xffff;
	v14 =	vadd.f32 v43, v14  }
0x36a: {  	v34 =	vld.idx.msk [tilespmem:v34+s28+$0x0], $0xffff  }
0x36b: {  	v60 =	vld.idx.msk [tilespmem:v60+s28+$0x0], $0xffff;
	v14 =	vmul.f32 $5.000000000e-01, v14  }
0x36c: {  	vm12 =	vmmov vm0;
	vm0 =	vmmov vm5;
	vm5 =	vlt.u32 v1, $0x2802;
	v12 =	vld.idx.msk [tilespmem:v12+s28+$0x0], $0xffff  }
0x36d: {  	v53 =	vld.idx.msk [tilespmem:v53+s28+$0x0], $0xffff;
	v1 =	vand.u32 v16, v1;
	v59 =	vadd.s32 $0xA02, v54;
	[tilespmem:v56+s31+$0x0] =	vst.idx.msk vm3, v14  }
0x36e: {  	v20 =	vadd.f32 v20, v29;
	[tilespmem:v33+s31+$0x0] =	vst.idx.msk vm9, v37;
	v8 =	vld.idx.msk [tilespmem:v0+s28+$0x0], $0xffff  }
0x36f: {  	vm2 =	vmmov vm10;
	v0 =	vld [tilespmem:$0x1FDE0]  }
0x370: {  	v55 =	vadd.s32 $0xA02, v26;
	v49 =	vadd.f32 v34, v49;
	v20 =	vmul.f32 $5.000000000e-01, v20  }
0x371: {  	v50 =	vadd.s32 $0xA02, v13;
	v57 =	vld.idx.msk [tilespmem:v57+s28+$0x0], $0xffff;
	v11 =	vor.u32 v3, v11;
	v12 =	vadd.f32 v12, v60  }
0x372: {  	v62 =	vadd.s32 $0x1404, v28;
	v19 =	vadd.f32 v53, v51;
	v53 =	vld.idx.msk [tilespmem:v59+s28+$0x0], $0xffff;
	v59 =	vmul.f32 $5.000000000e-01, v49;
	[tilespmem:v1+s31+$0x0] =	vst.idx.msk vm5, v20  }
0x373: {  	v28 =	vadd.s32 $0x1E06, v28;
	v27 =	vadd.s32 $0x1404, v26;
	v9 =	vmul.f32 $5.000000000e-01, v9;
	[tilespmem:v18+s31+$0x0] =	vst.idx.msk vm8, v35  }
0x374: {  	v26 =	vadd.s32 $0x1E06, v26;
	v43 =	vadd.s32 $0x1404, v39;
	v12 =	vmul.f32 $5.000000000e-01, v12;
	[tilespmem:v46+s31+$0x0] =	vst.idx.msk vm0, v59  }
0x375: {  	v52 =	vadd.s32 $0xA02, v48;
	v29 =	vadd.s32 $0x1404, v13;
	v58 =	vld.idx.msk [tilespmem:v32+s28+$0x0], $0xffff;
	v32 =	vadd.s32 $0x1404, v25;
	[tilespmem:v36+s31+$0x0] =	vst.idx.msk vm12, v9  }
0x376: {  	v34 =	vadd.s32 $0x1404, v54;
	v42 =	vor.u32 v3, v42;
	v63 =	vadd.s32 $0x1404, v47;
	[tilespmem:v11+s31+$0x0] =	vst.idx.msk vm6, v12  }
0x377: {  	v57 =	vadd.f32 v57, v61;
	v60 =	vadd.s32 s20, v4;
	v51 =	vadd.s32 s22, v4;
	v55 =	vld.idx.msk [tilespmem:v55+s28+$0x0], $0xffff;
	[tilespmem:v0+s31+$0x0] =	vst.idx.msk vm7, v31  }
0x378: {  	v61 =	vand.u32 $0xFFD8, v60;
	v30 =	vadd.s32 $0x1404, v48;
	v60 =	vand.u32 $0xFFF8, v51;
	v0 =	vld [tilespmem:$0x1FDF0]  }
0x379: {  	v14 =	vadd.s32 s23, v4;
	v33 =	vor.u32 v5, v61;
	v37 =	vadd.s32 $0x1E06, v47;
	v56 =	vld.idx.msk [tilespmem:v43+s28+$0x0], $0xffff  }
0x37a: {  	v47 =	vadd.s32 $0x1E06, v13;
	v13 =	vadd.s32 s22, v6;
	v14 =	vand.u32 $0xFFF8, v14;
	v61 =	vld.idx.msk [tilespmem:v32+s28+$0x0], $0xffff  }
0x37b: {  	v43 =	vor.u32 v5, v60;
	v60 =	vadd.s32 s20, v6;
	v13 =	vand.u32 $0xFFF8, v13;
	v49 =	vld.idx.msk [tilespmem:v50+s28+$0x0], $0xffff  }
0x37c: {  	v51 =	vor.u32 v7, v13;
	v32 =	vor.u32 v5, v14;
	v14 =	vadd.f32 v55, v53;
	v46 =	vld.idx.msk [tilespmem:v44+s28+$0x0], $0xffff  }
0x37d: {  	v1 =	vmul.f32 $5.000000000e-01, v19;
	v35 =	vadd.s32 $0x1E06, v48;
	v19 =	vadd.s32 s23, v6;
	v53 =	vld.idx.msk [tilespmem:v62+s28+$0x0], $0xffff  }
0x37e: {  	v12 =	vmul.f32 $5.000000000e-01, v57;
	v9 =	vand.u32 $0xFFD8, v60;
	v31 =	vadd.s32 $0x1E06, v54;
	v54 =	vld.idx.msk [tilespmem:v52+s28+$0x0], $0xffff  }
0x37f: {  	v44 =	vor.u32 v7, v9;
	v8 =	vadd.f32 v8, v58;
	[tilespmem:v41+s31+$0x0] =	vst.idx.msk vm1, v1;
	v1 =	vadd.s32 s19, v4  }
0x380: {  	s12 =	sadd.s32 s12, s15;
	v18 =	vmovc v17;
	v17 =	vmovc v16;
	v56 =	vadd.f32 v61, v56;
	v61 =	vand.u32 $0xFFF8, v19;
	v1 =	vand.u32 $0xFFF8, v1;
	v48 =	vld.idx.msk [tilespmem:v0+s28+$0x0], $0xffff  }
0x381: {  	s24 =	sshrl.u32 s12, $0x3;
	v16 =	vmovc v15;
	v55 =	vld.idx.msk [tilespmem:v63+s28+$0x0], $0xffff;
	v50 =	vor.u32 v7, v61;
	v52 =	vmul.f32 $5.000000000e-01, v8;
	v57 =	vor.u32 v5, v1  }
0x382: {  	s21 =	sadd.s32 s7, s24;
	s22 =	simm.s32 $0x8;
	s23 =	simm.s32 $0xE0;
	v15 =	vmovc v6;
	v6 =	vlaneseq.u32;
	v58 =	vmul.f32 $5.000000000e-01, v14;
	[tilespmem:v45+s31+$0x0] =	vst.idx.msk vm11, v12;
	v45 =	vadd.s32 $0x1E06, v39;
	v36 =	vld.idx.msk [tilespmem:v40+s28+$0x0], $0xffff;
	v0 =	vmovc v10  }
.LBB2_11:
0x383: {  	v39 =	vld [tilespmem:s23+$0x10];
	v1 =	vadd.f32 v54, v49;
	v8 =	vadd.s32 $0x1E06, v25;
	s18 =	sadd.s32 $0x40, s18;
	[tilespmem:v21+s31+$0x0] =	vst.idx.msk vm2, v52;
	v40 =	vmovc v47;
	v41 =	vmov v51  }
0x384: {  	v21 =	vmovc v22;
	v22 =	vmovc v50;
	vm7 =	vmmov vm6;
	vm8 =	vmmov vm3;
	v25 =	vld [tilespmem:s18+$0x10];
	[tilespmem:v42+s31+$0x0] =	vst.idx.msk vm4, v58;
	v9 =	vmul.f32 $5.000000000e-01, v56  }
0x385: {  	vm2 =	vmmov vm1;
	v12 =	vadd.f32 v48, v46;
	v11 =	vld [tilespmem:s18+$0xFFFFFFE0];
	v1 =	vmul.f32 $5.000000000e-01, v1  }
0x386: {  	vm1 =	vmmov vm5;
	v13 =	vld [tilespmem:s23+$0xFFFFFFF0];
	[tilespmem:v57+s31+$0x0] =	vst.idx.msk vm3, v9  }
0x387: {  	s22 =	sadd.s32 $0x4, s22;
	v9 =	vadd.f32 v55, v53;
	v12 =	vmul.f32 $5.000000000e-01, v12;
	[tilespmem:v38+s31+$0x0] =	vst.idx.msk vm5, v1;
	v1 =	vld.idx.msk [tilespmem:v45+s28+$0x0], $0xffff  }
0x388: {  	p0 =	slt.u32 s22, $0x27C;
	v8 =	vld.idx.msk [tilespmem:v8+s28+$0x0], $0xffff  }
0x389: {  	v9 =	vmul.f32 $5.000000000e-01, v9;
	v46 =	vld [tilespmem:s18+$0xFFFFFFF0];
	[tilespmem:v23+s31+$0x0] =	vst.idx.msk vm0, v12;
	v23 =	vmov v44;
	vm0 =	vmmov vm4  }
0x38a: {  	v48 =	vadd.s32 $0xA02, v11;
	v12 =	vadd.s32 $0x1404, v11;
	v44 =	vadd.s32 $0x1E06, v11;
	v47 =	vld [tilespmem:s23+$0x0]  }
0x38b: {  	v14 =	vadd.s32 $0xA02, v13;
	v45 =	vadd.s32 $0x1404, v13;
	v19 =	vld.idx.msk [tilespmem:v39+s28+$0x0], $0xffff;
	[tilespmem:v43+s31+$0x0] =	vst.idx.msk vm6, v9;
	v9 =	vadd.s32 s19, v15  }
0x38c: {  	v20 =	vadd.s32 $0x1E06, v13;
	v38 =	vld.idx.msk [tilespmem:v25+s28+$0x0], $0xffff;
	v9 =	vand.u32 $0xFFF8, v9  }
0x38d: {  	s20 =	sadd.s32 $0x40, s20;
	v50 =	vld [tilespmem:s18+$0x0];
	v9 =	vor.u32 v7, v9  }
0x38e: {  	v42 =	vor.u32 s20, v6;
	s8 =	sadd.s32 $0x10, s20;
	s10 =	sadd.s32 $0x20, s20;
	s19 =	sadd.s32 $0x30, s20;
	v1 =	vadd.f32 v8, v1;
	v51 =	vld [tilespmem:s23+$0xFFFFFFE0];
	v43 =	vadd.s32 $0xA02, v46  }
0x38f: {  	v49 =	vor.u32 s10, v6;
	v52 =	vor.u32 s19, v6;
	v8 =	vld.idx.msk [tilespmem:v11+s28+$0x0], $0xffff;
	v11 =	vor.u32 s8, v6  }
0x390: {  	vm3 =	vlt.u32 v52, $0x2802;
	v1 =	vmul.f32 $5.000000000e-01, v1;
	vm6 =	vlt.u32 v11, $0x2802;
	v13 =	vld.idx.msk [tilespmem:v13+s28+$0x0], $0xffff  }
0x391: {  	vm5 =	vlt.u32 v49, $0x2802;
	vm4 =	vlt.u32 v42, $0x2802;
	v52 =	vand.u32 v18, v52;
	v53 =	vld.idx.msk [tilespmem:v46+s28+$0x0], $0xffff  }
0x392: {  	v55 =	vadd.s32 $0xA02, v47;
	v19 =	vadd.f32 v38, v19;
	v38 =	vadd.s32 $0xA02, v39;
	v54 =	vld.idx.msk [tilespmem:v47+s28+$0x0], $0xffff;
	[tilespmem:v9+s31+$0x0] =	vst.idx.msk vm8, v1  }
0x393: {  	v1 =	vand.u32 v16, v11;
	v9 =	vand.u32 v17, v49;
	v11 =	vadd.s32 $0xA02, v25;
	v49 =	vld.idx.msk [tilespmem:v34+s28+$0x0], $0xffff  }
0x394: {  	v56 =	vand.u32 v0, v42;
	v57 =	vadd.s32 $0xA02, v51;
	v19 =	vmul.f32 $5.000000000e-01, v19;
	v58 =	vld.idx.msk [tilespmem:v27+s28+$0x0], $0xffff;
	v27 =	vmovc v12  }
0x395: {  	v60 =	vadd.s32 $0xA02, v50;
	v34 =	vadd.s32 s10, v2;
	v12 =	vadd.s32 s8, v2;
	v59 =	vld.idx.msk [tilespmem:v50+s28+$0x0], $0xffff  }
0x396: {  	v42 =	vadd.s32 s20, v2;
	v62 =	vand.u32 $0x7FF8, v34;
	v12 =	vand.u32 $0x7FF8, v12;
	v61 =	vld.idx.msk [tilespmem:v51+s28+$0x0], $0xffff;
	[tilespmem:v52+s31+$0x0] =	vst.idx.msk vm3, v19  }
0x397: {  	v19 =	vand.u32 $0x7FD8, v42;
	v13 =	vadd.f32 v53, v13;
	v12 =	vor.u32 v3, v12;
	v52 =	vld.idx.msk [tilespmem:v38+s28+$0x0], $0xffff  }
0x398: {  	v34 =	vadd.s32 $0x1404, v51;
	v42 =	vor.u32 v3, v19;
	v38 =	vor.u32 v3, v62;
	v11 =	vld.idx.msk [tilespmem:v11+s28+$0x0], $0xffff  }
0x399: {  	v19 =	vadd.s32 $0x1404, v46;
	v13 =	vmul.f32 $5.000000000e-01, v13;
	v53 =	vld.idx.msk [tilespmem:v29+s28+$0x0], $0xffff;
	v29 =	vadd.s32 $0x1404, v47  }
0x39a: {  	v62 =	vadd.s32 s8, v4;
	v49 =	vadd.f32 v58, v49;
	v58 =	vld.idx.msk [tilespmem:v30+s28+$0x0], $0xffff;
	v30 =	vadd.s32 $0x1404, v50  }
0x39b: {  	[tilespmem:v1+s31+$0x0] =	vst.idx.msk vm6, v13;
	v1 =	vadd.f32 v59, v54;
	v13 =	vadd.s32 s10, v4;
	v54 =	vadd.s32 s19, v2;
	v59 =	vld.idx.msk [tilespmem:v28+s28+$0x0], $0xffff  }
0x39c: {  	v8 =	vadd.f32 v8, v61;
	v61 =	vadd.s32 s20, v4;
	v28 =	vmovc v20;
	v14 =	vld.idx.msk [tilespmem:v14+s28+$0x0], $0xffff;
	v54 =	vand.u32 $0x7FF8, v54  }
0x39d: {  	v63 =	vmul.f32 $5.000000000e-01, v49;
	v20 =	vld.idx.msk [tilespmem:v43+s28+$0x0], $0xffff;
	v1 =	vmul.f32 $5.000000000e-01, v1;
	v54 =	vor.u32 v3, v54  }
0x39e: {  	v8 =	vmul.f32 $5.000000000e-01, v8;
	v11 =	vadd.f32 v11, v52;
	v52 =	vadd.s32 $0x1404, v39;
	v10 =	vld.idx.msk [tilespmem:v37+s28+$0x0], $0xffff  }
0x39f: {  	v37 =	vand.u32 $0xFFF8, v62;
	[tilespmem:v9+s31+$0x0] =	vst.idx.msk vm5, v1;
	v1 =	vand.u32 $0xFFF8, v13;
	v9 =	vadd.s32 $0x1404, v25;
	v13 =	vld.idx.msk [tilespmem:v24+s28+$0x0], $0xffff;
	v24 =	vmovc v35  }
0x3a0: {  	v11 =	vmul.f32 $5.000000000e-01, v11;
	v35 =	vadd.f32 v58, v53;
	[tilespmem:v56+s31+$0x0] =	vst.idx.msk vm4, v8;
	v8 =	vand.u32 $0xFFD8, v61;
	v49 =	vld.idx.msk [tilespmem:v55+s28+$0x0], $0xffff  }
0x3a1: {  	v43 =	vor.u32 v5, v37;
	v1 =	vor.u32 v5, v1;
	v53 =	vld.idx.msk [tilespmem:v57+s28+$0x0], $0xffff;
	v8 =	vor.u32 v5, v8  }
0x3a2: {  	v37 =	vadd.s32 $0x1E06, v46;
	v55 =	vld.idx.msk [tilespmem:v48+s28+$0x0], $0xffff;
	v48 =	vadd.s32 $0x1E06, v51;
	[tilespmem:v54+s31+$0x0] =	vst.idx.msk vm3, v11;
	v11 =	vmul.f32 $5.000000000e-01, v35  }
0x3a3: {  	v47 =	vadd.s32 $0x1E06, v47;
	v14 =	vadd.f32 v20, v14;
	v35 =	vadd.s32 $0x1E06, v50;
	v20 =	vld.idx.msk [tilespmem:v52+s28+$0x0], $0xffff;
	[tilespmem:v33+s31+$0x0] =	vst.idx.msk vm0, v63  }
0x3a4: {  	v46 =	vadd.s32 s8, v15;
	v50 =	vadd.s32 s10, v15;
	v10 =	vadd.f32 v10, v59;
	v9 =	vld.idx.msk [tilespmem:v9+s28+$0x0], $0xffff;
	[tilespmem:v32+s31+$0x0] =	vst.idx.msk vm1, v11  }
0x3a5: {  	v33 =	vmovc v8;
	v11 =	vadd.s32 s20, v15;
	v14 =	vmul.f32 $5.000000000e-01, v14;
	v13 =	vadd.f32 v13, v36;
	v32 =	vmovc v1;
	v54 =	vld.idx.msk [tilespmem:v60+s28+$0x0], $0xffff  }
.Ltmp4:
0x3a6: {  	v8 =	vand.u32 $0xFFF8, v50;
	v1 =	vand.u32 $0xFFF8, v46;
	v10 =	vmul.f32 $5.000000000e-01, v10;
	v46 =	vld.idx.msk [tilespmem:v31+s28+$0x0], $0xffff;
	v31 =	vmovc v48;
	(pc) =	sbr.rel @p0 .LBB2_11-.Ltmp4, $4  }
0x3a7: {  	v11 =	vand.u32 $0xFFD8, v11;
	v52 =	vmul.f32 $5.000000000e-01, v13;
	[tilespmem:v12+s31+$0x0] =	vst.idx.msk vm6, v14;
	v12 =	vadd.s32 s19, v4;
	v48 =	vld.idx.msk [tilespmem:v26+s28+$0x0], $0xffff;
	v26 =	vmovc v44  }
0x3a8: {  	v51 =	vor.u32 v7, v1;
	v13 =	vadd.f32 v55, v53;
	v53 =	vld.idx.msk [tilespmem:v45+s28+$0x0], $0xffff;
	v1 =	vand.u32 $0xFFF8, v12  }
0x3a9: {  	v50 =	vor.u32 v7, v8;
	v44 =	vor.u32 v7, v11;
	v55 =	vld.idx.msk [tilespmem:v19+s28+$0x0], $0xffff;
	v57 =	vor.u32 v5, v1  }
0x3aa: {  	s23 =	sadd.s32 $0x40, s23;
	v45 =	vadd.s32 $0x1E06, v39;
	v58 =	vmul.f32 $5.000000000e-01, v13;
	v56 =	vadd.f32 v9, v20;
	[tilespmem:v41+s31+$0x0] =	vst.idx.msk vm7, v10;
	v36 =	vld.idx.msk [tilespmem:v40+s28+$0x0], $0xffff  }
0x3ab: {  	_ =	sdelay $0x2  }
0x3ac: {  	v1 =	vadd.f32 v54, v49;
	_ =	sdelay $0x1  }
0x3ad: {  	[tilespmem:v42+s31+$0x0] =	vst.idx.msk vm4, v58;
	v1 =	vmul.f32 $5.000000000e-01, v1  }
0x3ae: {  	v8 =	vld.idx.msk [tilespmem:v34+s28+$0x0], $0xffff  }
0x3af: {  	vm6 =	vmmov vm6;
	[tilespmem:v38+s31+$0x0] =	vst.idx.msk vm5, v1;
	v1 =	vld.idx.msk [tilespmem:v27+s28+$0x0], $0xffff  }
0x3b0: {  	v10 =	vld.idx.msk [tilespmem:v29+s28+$0x0], $0xffff  }
0x3b1: {  	v12 =	vadd.f32 v55, v53;
	v13 =	vld.idx.msk [tilespmem:v30+s28+$0x0], $0xffff  }
0x3b2: {  	v11 =	vmul.f32 $5.000000000e-01, v56;
	vm4 =	vmmov vm4  }
0x3b3: {  	v9 =	vadd.s32 $0x1E06, v25;
	v56 =	vmul.f32 $5.000000000e-01, v12  }
0x3b4: {  	v62 =	vld.idx.msk [tilespmem:v24+s28+$0x0], $0xffff;
	[tilespmem:v57+s31+$0x0] =	vst.idx.msk vm3, v11;
	vm5 =	vmmov vm5;
	v1 =	vadd.f32 v1, v8  }
0x3b5: {  	v57 =	vld.idx.msk [tilespmem:v45+s28+$0x0], $0xffff;
	[tilespmem:v43+s31+$0x0] =	vst.idx.msk vm6, v56  }
0x3b6: {  	v58 =	vld.idx.msk [tilespmem:v28+s28+$0x0], $0xffff;
	v10 =	vadd.f32 v13, v10;
	v1 =	vmul.f32 $5.000000000e-01, v1  }
0x3b7: {  	v11 =	vld.idx.msk [tilespmem:v37+s28+$0x0], $0xffff  }
0x3b8: {  	v8 =	vld.idx.msk [tilespmem:v9+s28+$0x0], $0xffff;
	v10 =	vmul.f32 $5.000000000e-01, v10;
	[tilespmem:v33+s31+$0x0] =	vst.idx.msk vm4, v1  }
0x3b9: {  	v1 =	vld.idx.msk [tilespmem:v31+s28+$0x0], $0xffff  }
0x3ba: {  	v14 =	vadd.s32 s19, v15;
	[tilespmem:v32+s31+$0x0] =	vst.idx.msk vm5, v10;
	v63 =	vld.idx.msk [tilespmem:v26+s28+$0x0], $0xffff  }
0x3bb: {  	v14 =	vand.u32 $0xFFF8, v14;
	vm3 =	vmmov vm3;
	v19 =	vld.idx.msk [tilespmem:v47+s28+$0x0], $0xffff  }
0x3bc: {  	v20 =	vadd.f32 v48, v46;
	v14 =	vor.u32 v7, v14;
	v24 =	vld.idx.msk [tilespmem:v35+s28+$0x0], $0xffff  }
0x3bd: {  	vm1 =	vmmov vm1;
	v8 =	vadd.f32 v8, v57  }
0x3be: {  	v9 =	vadd.f32 v11, v58;
	v32 =	vmul.f32 $5.000000000e-01, v20  }
0x3bf: {  	[tilespmem:v21+s31+$0x0] =	vst.idx.msk vm2, v52;
	v33 =	vadd.f32 v62, v36;
	v8 =	vmul.f32 $5.000000000e-01, v8  }
0x3c0: {  	v9 =	vmul.f32 $5.000000000e-01, v9;
	[tilespmem:v23+s31+$0x0] =	vst.idx.msk vm0, v32;
	v1 =	vadd.f32 v63, v1  }
0x3c1: {  	[tilespmem:v14+s31+$0x0] =	vst.idx.msk vm3, v8;
	v8 =	vmul.f32 $5.000000000e-01, v33;
	v34 =	vadd.f32 v24, v19  }
0x3c2: {  	[tilespmem:v51+s31+$0x0] =	vst.idx.msk vm6, v9;
	v1 =	vmul.f32 $5.000000000e-01, v1  }
0x3c3: {  	[tilespmem:v22+s31+$0x0] =	vst.idx.msk vm1, v8;
	v8 =	vmul.f32 $5.000000000e-01, v34  }
0x3c4: {  	[tilespmem:v44+s31+$0x0] =	vst.idx.msk vm4, v1  }
0x3c5: {  	[tilespmem:v50+s31+$0x0] =	vst.idx.msk vm5, v8  }
0x3c6: {  	v1 =	vld [tilespmem:$0x2800]  }
0x3c7: {  	v8 =	vld [tilespmem:$0x5010];
	_ =	sdelay $0x6  }
0x3c8: {  	v9 =	vld.idx.msk [tilespmem:v1+s28+$0x0], $0xffff  }
0x3c9: {  	v35 =	vld.idx.msk [tilespmem:v8+s28+$0x0], $0xffff  }
0x3ca: {  	v61 =	vmov v18;
	v18 =	vld [tilespmem:$0x1FFB0];
	_ =	sdelay $0x3  }
0x3cb: {  	v36 =	vadd.s32 $0xA02, v1;
	v9 =	vadd.f32 v35, v9  }
0x3cc: {  	v37 =	vadd.s32 $0xA02, v8  }
0x3cd: {  	v9 =	vmul.f32 $5.000000000e-01, v9;
	_ =	sdelay $0x1  }
0x3ce: {  	[tilespmem:v18+s31+$0x0] =	vst.idx.msk $0x3, v9  }
0x3cf: {  	v9 =	vld.idx.msk [tilespmem:v36+s28+$0x0], $0xffff  }
0x3d0: {  	v38 =	vld.idx.msk [tilespmem:v37+s28+$0x0], $0xffff  }
0x3d1: {  	v0 =	vld [tilespmem:$0x1FF50];
	_ =	sdelay $0x3  }
0x3d2: {  	v39 =	vadd.s32 $0x1404, v1;
	v9 =	vadd.f32 v38, v9  }
0x3d3: {  	v40 =	vadd.s32 $0x1404, v8  }
0x3d4: {  	v9 =	vmul.f32 $5.000000000e-01, v9;
	_ =	sdelay $0x1  }
0x3d5: {  	[tilespmem:v0+s31+$0x0] =	vst.idx.msk $0x3, v9  }
0x3d6: {  	v9 =	vld.idx.msk [tilespmem:v39+s28+$0x0], $0xffff  }
0x3d7: {  	v41 =	vld.idx.msk [tilespmem:v40+s28+$0x0], $0xffff  }
0x3d8: {  	v0 =	vld [tilespmem:$0x1FF60];
	_ =	sdelay $0x3  }
0x3d9: {  	v1 =	vadd.s32 $0x1E06, v1;
	v9 =	vadd.f32 v41, v9  }
0x3da: {  	v8 =	vadd.s32 $0x1E06, v8  }
0x3db: {  	v9 =	vmul.f32 $5.000000000e-01, v9;
	_ =	sdelay $0x1  }
0x3dc: {  	[tilespmem:v0+s31+$0x0] =	vst.idx.msk $0x3, v9  }
0x3dd: {  	v1 =	vld.idx.msk [tilespmem:v1+s28+$0x0], $0xffff  }
0x3de: {  	v8 =	vld.idx.msk [tilespmem:v8+s28+$0x0], $0xffff  }
0x3df: {  	v0 =	vld [tilespmem:$0x1FF70];
	_ =	sdelay $0x3  }
0x3e0: {  	v1 =	vadd.f32 v8, v1;
	_ =	sdelay $0x1  }
0x3e1: {  	v1 =	vmul.f32 $5.000000000e-01, v1;
	_ =	sdelay $0x1  }
0x3e2: {  	s8 =	simm.s32 $0x0;
	[tilespmem:v0+s31+$0x0] =	vst.idx.msk $0x3, v1  }
0x3e3: {  	[hbm4b:s21+s8] =	stream.linear.scatter [tilespmem:s31], [sflag:$0x3], $0xA008, $0x38;
	[tilespmem:$0x1B850] =	vst v63  }
0x3e4: {  	_ =	swait.ge [sflag:s4], $0x5004  }
0x3e5: {  	v53 =	vmov v7;
	v7 =	vld [tilespmem:$0x1FFD0]  }
0x3e6: {  	v0 =	vld [tilespmem:$0x1FFC0]  }
0x3e7: {  	v59 =	vmov v16;
	[sflag:s4] =	ssyncset.done $0x0;
	v16 =	vld [tilespmem:$0x1FFE0]  }
0x3e8: {  	v60 =	vmov v17;
	s10 =	simm.s32 $0x20;
	v17 =	vld [tilespmem:$0x1FFF0];
	[sflag:s4] =	ssyncadd.s32 $0xFFFFAFFC  }
0x3e9: {  	s18 =	simm.s32 $0x2830;
	v1 =	vld [tilespmem:s10+$0x10]  }
0x3ea: {  	v8 =	vld [tilespmem:s18+$0x10]  }
0x3eb: {  	v42 =	vld [tilespmem:s18+$0xFFFFFFE0]  }
0x3ec: {  	v43 =	vld [tilespmem:s10+$0xFFFFFFF0]  }
0x3ed: {  	v45 =	vld [tilespmem:s18+$0xFFFFFFF0]  }
0x3ee: {  	v47 =	vld [tilespmem:s10+$0x0]  }
0x3ef: {  	v19 =	vld [tilespmem:s18+$0x0];
	v44 =	vadd.s32 $0x2808, v1  }
0x3f0: {  	s20 =	simm.s32 $0x60;
	v20 =	vld [tilespmem:s10+$0xFFFFFFE0];
	v46 =	vadd.s32 $0x2808, v8  }
0x3f1: {  	v32 =	vld [tilespmem:s20+$0x10];
	v21 =	vadd.s32 $0x2808, v42  }
0x3f2: {  	s18 =	simm.s32 $0x2870;
	v50 =	vld [tilespmem:s20+$0x0];
	v22 =	vadd.s32 $0x2808, v43  }
0x3f3: {  	v33 =	vld [tilespmem:s18+$0x10];
	v23 =	vadd.s32 $0x2808, v45  }
0x3f4: {  	s22 =	simm.s32 $0x20;
	v24 =	vadd.s32 $0x2808, v47;
	v11 =	vld.idx.msk [tilespmem:v44+s28+$0x0], $0xffff  }
0x3f5: {  	s24 =	simm.s32 $0x30;
	v49 =	vmov s22;
	vm2 =	vmmov vm5;
	s21 =	simm.s32 $0x10;
	v25 =	vadd.s32 $0x2808, v19;
	v13 =	vld.idx.msk [tilespmem:v46+s28+$0x0], $0xffff  }
0x3f6: {  	v26 =	vmov s24;
	v48 =	vmov s21;
	v28 =	vadd.s32 $0x2808, v20;
	v21 =	vld.idx.msk [tilespmem:v21+s28+$0x0], $0xffff  }
0x3f7: {  	v27 =	vadd.s32 s24, v7;
	vm4 =	vlt.u32 v26, v0;
	v29 =	vadd.s32 s8, v17;
	v22 =	vld.idx.msk [tilespmem:v22+s28+$0x0], $0xffff  }
0x3f8: {  	v30 =	vadd.s32 s21, v7;
	v31 =	vadd.s32 s22, v7;
	vm5 =	vlt.u32 v48, v0;
	v23 =	vld.idx.msk [tilespmem:v23+s28+$0x0], $0xffff  }
0x3f9: {  	s23 =	simm.s32 $0x50;
	vm6 =	vlt.u32 v49, v0;
	v14 =	vadd.s32 $0x320A, v19;
	v51 =	vadd.s32 $0x2808, v32;
	v19 =	vld.idx.msk [tilespmem:v24+s28+$0x0], $0xffff  }
0x3fa: {  	v56 =	vadd.s32 s23, v7;
	v26 =	vand.u32 $0xFFF8, v27;
	v27 =	vadd.s32 s8, v7;
	v25 =	vld.idx.msk [tilespmem:v25+s28+$0x0], $0xffff  }
0x3fb: {  	v30 =	vand.u32 $0xFFF8, v30;
	vm0 =	vmmov vm5;
	v26 =	vor.u32 v16, v26;
	v28 =	vld.idx.msk [tilespmem:v28+s28+$0x0], $0xffff  }
0x3fc: {  	v9 =	vadd.s32 $0x320A, v42;
	v1 =	vadd.s32 $0x320A, v1;
	v11 =	vadd.f32 v13, v11  }
0x3fd: {  	v10 =	vadd.s32 $0x320A, v43;
	v12 =	vadd.s32 $0x320A, v45;
	v8 =	vadd.s32 $0x320A, v8  }
0x3fe: {  	v20 =	vadd.s32 $0x320A, v20;
	v41 =	vadd.s32 $0x2808, v50;
	v36 =	vld.idx.msk [tilespmem:v51+s28+$0x0], $0xffff;
	v11 =	vmul.f32 $5.000000000e-01, v11  }
0x3ff: {  	v52 =	vadd.s32 $0x2808, v33;
	v24 =	vmov s8;
	v19 =	vadd.f32 v25, v19;
	v25 =	vld [tilespmem:s18+$0xFFFFFFE0]  }
0x400: {  	v22 =	vadd.f32 v23, v22;
	v21 =	vadd.f32 v21, v28;
	v23 =	vadd.s32 s22, v17;
	[tilespmem:v26+s31+$0x0] =	vst.idx.msk vm4, v11  }
0x401: {  	v28 =	vand.u32 $0x1FFF8, v23;
	v23 =	vand.u32 $0x1FFD8, v29;
	v29 =	vadd.s32 s24, v17;
	v1 =	vld.idx.msk [tilespmem:v1+s28+$0x0], $0xffff  }
0x402: {  	vm1 =	vlt.u32 v24, v0;
	v34 =	vmul.f32 $5.000000000e-01, v22;
	v29 =	vand.u32 $0x1FFF8, v29;
	v8 =	vld.idx.msk [tilespmem:v8+s28+$0x0], $0xffff  }
0x403: {  	v41 =	vld.idx.msk [tilespmem:v41+s28+$0x0], $0xffff;
	v22 =	vadd.s32 s21, v17;
	v38 =	vor.u32 v3, v29;
	v26 =	vand.u32 $0xFFD8, v27  }
0x404: {  	v27 =	vand.u32 $0xFFF8, v31;
	v31 =	vor.u32 v16, v30;
	v30 =	vld [tilespmem:s18+$0xFFFFFFF0];
	v29 =	vadd.s32 $0x2808, v25  }
0x405: {  	v22 =	vand.u32 $0x1FFF8, v22;
	v11 =	vor.u32 v16, v27;
	v24 =	vor.u32 v16, v26;
	v27 =	vld [tilespmem:s20+$0xFFFFFFF0]  }
0x406: {  	s19 =	simm.s32 $0x40;
	v26 =	vmul.f32 $5.000000000e-01, v21;
	v21 =	vor.u32 v3, v22;
	v22 =	vor.u32 v3, v28;
	v28 =	vld [tilespmem:s18+$0x0]  }
0x407: {  	v43 =	vadd.s32 s19, v7;
	v45 =	vand.u32 $0xFFF8, v56;
	v1 =	vadd.f32 v8, v1;
	v8 =	vld [tilespmem:s20+$0xFFFFFFE0]  }
0x408: {  	v56 =	vadd.s32 $0x320A, v32;
	v37 =	vld.idx.msk [tilespmem:v52+s28+$0x0], $0xffff;
	v52 =	vmov s23;
	vm2 =	vmmov vm1;
	s22 =	simm.s32 $0x70  }
0x409: {  	v13 =	vadd.s32 $0x320A, v47;
	v57 =	vmov s22;
	v40 =	vadd.s32 $0x2808, v30;
	[tilespmem:v31+s31+$0x0] =	vst.idx.msk vm5, v34;
	v44 =	vld.idx.msk [tilespmem:v29+s28+$0x0], $0xffff  }
0x40a: {  	s24 =	simm.s32 $0x60;
	v58 =	vadd.s32 s22, v7;
	v19 =	vmul.f32 $5.000000000e-01, v19;
	v39 =	vadd.s32 $0x2808, v27;
	v32 =	vld.idx.msk [tilespmem:v10+s28+$0x0], $0xffff  }
0x40b: {  	v23 =	vor.u32 v3, v23;
	v62 =	vadd.s32 s24, v7;
	[tilespmem:v24+s31+$0x0] =	vst.idx.msk vm1, v26;
	v54 =	vadd.s32 $0x2808, v28;
	v35 =	vld.idx.msk [tilespmem:v12+s28+$0x0], $0xffff  }
0x40c: {  	vm3 =	vlt.u32 v57, v0;
	v63 =	vand.u32 $0xFFF8, v58;
	v20 =	vld.idx.msk [tilespmem:v20+s28+$0x0], $0xffff;
	v55 =	vadd.s32 $0x2808, v8  }
0x40d: {  	v57 =	vand.u32 $0xFFD8, v43;
	v58 =	vadd.s32 $0x320A, v33;
	v46 =	vor.u32 v16, v63;
	v9 =	vld.idx.msk [tilespmem:v9+s28+$0x0], $0xffff  }
0x40e: {  	v31 =	vadd.f32 v37, v36;
	v37 =	vor.u32 v16, v45;
	v45 =	vadd.s32 s23, v17;
	v40 =	vld.idx.msk [tilespmem:v40+s28+$0x0], $0xffff  }
0x40f: {  	v24 =	vadd.s32 $0x320A, v25;
	v26 =	vadd.s32 $0x320A, v27;
	vm1 =	vmmov vm6;
	v39 =	vld.idx.msk [tilespmem:v39+s28+$0x0], $0xffff  }
0x410: {  	v25 =	vadd.s32 $0x320A, v30;
	v27 =	vadd.s32 $0x320A, v50;
	v28 =	vadd.s32 $0x320A, v28;
	v54 =	vld.idx.msk [tilespmem:v54+s28+$0x0], $0xffff  }
0x411: {  	v30 =	vadd.s32 s19, v17;
	[tilespmem:v11+s31+$0x0] =	vst.idx.msk vm6, v19;
	v19 =	vand.u32 $0xFFF8, v62;
	vm6 =	vlt.u32 v52, v0;
	v42 =	vld.idx.msk [tilespmem:v55+s28+$0x0], $0xffff  }
0x412: {  	v62 =	vmul.f32 $5.000000000e-01, v31;
	v36 =	vor.u32 v16, v19;
	v31 =	vld.idx.msk [tilespmem:v13+s28+$0x0], $0xffff;
	v55 =	vmov s24  }
0x413: {  	v6 =	vmovc v15;
	v34 =	vld.idx.msk [tilespmem:v14+s28+$0x0], $0xffff;
	v29 =	vadd.s32 $0x320A, v8;
	v8 =	vmov s19;
	vm5 =	vlt.u32 v55, v0  }
0x414: {  	s12 =	sadd.s32 $0xA008, s12;
	v1 =	vmul.f32 $5.000000000e-01, v1;
	[tilespmem:v46+s31+$0x0] =	vst.idx.msk vm3, v62;
	vm7 =	vlt.u32 v8, v0;
	v63 =	vadd.f32 v40, v39  }
0x415: {  	s12 =	sshrl.u32 s12, $0x3;
	v33 =	vld.idx.msk [tilespmem:v56+s28+$0x0], $0xffff;
	v39 =	vor.u32 v16, v57;
	v43 =	vadd.f32 v54, v41;
	v41 =	vadd.f32 v9, v20  }
0x416: {  	s12 =	sadd.s32 s7, s12;
	s21 =	simm.s32 $0xA0;
	s20 =	simm.s32 $0x4;
	[tilespmem:v38+s31+$0x0] =	vst.idx.msk vm4, v1;
	v38 =	vld.idx.msk [tilespmem:v58+s28+$0x0], $0xffff;
	v40 =	vmul.f32 $5.000000000e-01, v63;
	v44 =	vadd.f32 v44, v42;
	v42 =	vadd.s32 s24, v17  }
.LBB2_13:
0x417: {  	v1 =	vld [tilespmem:s21+$0x10];
	v8 =	vand.u32 $0x1FFF8, v45;
	v9 =	vmul.f32 $5.000000000e-01, v43;
	s18 =	sadd.s32 $0x40, s18;
	v10 =	vmul.f32 $5.000000000e-01, v41  }
0x418: {  	v13 =	vand.u32 $0x1FFF8, v42;
	v14 =	vadd.f32 v35, v32;
	v11 =	vld [tilespmem:s18+$0x10];
	v12 =	vmul.f32 $5.000000000e-01, v44;
	[tilespmem:v37+s31+$0x0] =	vst.idx.msk vm6, v40  }
0x419: {  	s20 =	sadd.s32 $0x4, s20;
	v20 =	vand.u32 $0x1FFD8, v30;
	v8 =	vor.u32 v3, v8;
	v19 =	vld [tilespmem:s18+$0xFFFFFFE0];
	[tilespmem:v36+s31+$0x0] =	vst.idx.msk vm5, v9;
	v9 =	vadd.s32 s22, v17  }
0x41a: {  	p0 =	slt.u32 s20, $0x27C;
	v30 =	vld [tilespmem:s21+$0xFFFFFFF0];
	[tilespmem:v39+s31+$0x0] =	vst.idx.msk vm7, v12;
	v9 =	vand.u32 $0x1FFF8, v9;
	v12 =	vmul.f32 $5.000000000e-01, v14;
	v14 =	vadd.f32 v34, v31  }
0x41b: {  	v20 =	vor.u32 v3, v20;
	v13 =	vor.u32 v3, v13;
	v31 =	vld [tilespmem:s18+$0xFFFFFFF0];
	v9 =	vor.u32 v3, v9  }
0x41c: {  	v33 =	vadd.f32 v38, v33;
	v32 =	vld [tilespmem:s21+$0x0];
	v34 =	vadd.s32 $0x2808, v1;
	[tilespmem:v23+s31+$0x0] =	vst.idx.msk vm2, v10;
	v10 =	vmul.f32 $5.000000000e-01, v14;
	v23 =	vmovc v20  }
0x41d: {  	vm2 =	vmmov vm7;
	v14 =	vld [tilespmem:s18+$0x0];
	v20 =	vadd.s32 $0x2808, v11;
	[tilespmem:v21+s31+$0x0] =	vst.idx.msk vm0, v12;
	v21 =	vmovc v8;
	vm0 =	vmmov vm6  }
0x41e: {  	v33 =	vmul.f32 $5.000000000e-01, v33;
	v8 =	vld [tilespmem:s21+$0xFFFFFFE0];
	v12 =	vadd.s32 $0x2808, v19;
	v19 =	vadd.s32 $0x320A, v19;
	[tilespmem:v22+s31+$0x0] =	vst.idx.msk vm1, v10;
	v22 =	vmovc v13  }
0x41f: {  	vm1 =	vmmov vm5;
	v10 =	vadd.s32 $0x2808, v30;
	v13 =	vadd.s32 $0x320A, v30;
	v38 =	vld.idx.msk [tilespmem:v29+s28+$0x0], $0xffff  }
0x420: {  	v35 =	vadd.s32 $0x2808, v31;
	v31 =	vadd.s32 $0x320A, v31;
	v41 =	vld.idx.msk [tilespmem:v24+s28+$0x0], $0xffff;
	[tilespmem:v9+s31+$0x0] =	vst.idx.msk vm3, v33;
	v24 =	vmov v19  }
0x421: {  	v9 =	vadd.s32 $0x2808, v32;
	v19 =	vadd.s32 $0x320A, v32;
	v32 =	vld.idx.msk [tilespmem:v34+s28+$0x0], $0xffff  }
0x422: {  	v33 =	vadd.s32 $0x2808, v14;
	v14 =	vadd.s32 $0x320A, v14;
	v20 =	vld.idx.msk [tilespmem:v20+s28+$0x0], $0xffff  }
0x423: {  	s19 =	sadd.s32 $0x40, s19;
	v34 =	vadd.s32 $0x2808, v8;
	v12 =	vld.idx.msk [tilespmem:v12+s28+$0x0], $0xffff;
	v29 =	vadd.s32 $0x320A, v8  }
0x424: {  	s8 =	sadd.s32 $0x10, s19;
	s10 =	sadd.s32 $0x20, s19;
	v36 =	vadd.s32 s19, v7;
	s22 =	sadd.s32 $0x30, s19;
	v30 =	vadd.s32 s19, v17;
	v8 =	vmov s19;
	v10 =	vld.idx.msk [tilespmem:v10+s28+$0x0], $0xffff  }
0x425: {  	v37 =	vmov s22;
	v40 =	vadd.s32 s22, v7;
	v39 =	vld.idx.msk [tilespmem:v35+s28+$0x0], $0xffff;
	v35 =	vadd.s32 s8, v7  }
0x426: {  	v42 =	vadd.s32 s10, v7;
	vm3 =	vlt.u32 v37, v0;
	v37 =	vand.u32 $0xFFF8, v40;
	v9 =	vld.idx.msk [tilespmem:v9+s28+$0x0], $0xffff  }
0x427: {  	v40 =	vmov s8;
	v43 =	vor.u32 v16, v37;
	v35 =	vand.u32 $0xFFF8, v35;
	v33 =	vld.idx.msk [tilespmem:v33+s28+$0x0], $0xffff  }
0x428: {  	v1 =	vadd.s32 $0x320A, v1;
	v20 =	vadd.f32 v20, v32;
	v44 =	vld.idx.msk [tilespmem:v34+s28+$0x0], $0xffff;
	v34 =	vmov s10  }
0x429: {  	v45 =	vand.u32 $0xFFD8, v36;
	v36 =	vand.u32 $0xFFF8, v42;
	v11 =	vadd.s32 $0x320A, v11;
	v32 =	vld.idx.msk [tilespmem:v26+s28+$0x0], $0xffff;
	v26 =	vmovc v13  }
.Ltmp5:
0x42a: {  	vm6 =	vlt.u32 v40, v0;
	v37 =	vor.u32 v16, v35;
	v13 =	vmul.f32 $5.000000000e-01, v20;
	v35 =	vld.idx.msk [tilespmem:v25+s28+$0x0], $0xffff;
	v25 =	vmovc v31;
	(pc) =	sbr.rel @p0 .LBB2_13-.Ltmp5, $4  }
0x42b: {  	v36 =	vor.u32 v16, v36;
	vm5 =	vlt.u32 v34, v0;
	v10 =	vadd.f32 v39, v10;
	v31 =	vld.idx.msk [tilespmem:v27+s28+$0x0], $0xffff  }
0x42c: {  	vm7 =	vlt.u32 v8, v0;
	v39 =	vor.u32 v16, v45;
	[tilespmem:v43+s31+$0x0] =	vst.idx.msk vm3, v13;
	v34 =	vld.idx.msk [tilespmem:v28+s28+$0x0], $0xffff  }
0x42d: {  	v41 =	vadd.f32 v41, v38;
	v27 =	vmovc v19;
	v40 =	vmul.f32 $5.000000000e-01, v10;
	v43 =	vadd.f32 v33, v9;
	v33 =	vld.idx.msk [tilespmem:v1+s28+$0x0], $0xffff  }
0x42e: {  	v42 =	vadd.s32 s10, v17;
	s21 =	sadd.s32 $0x40, s21;
	v45 =	vadd.s32 s8, v17;
	v28 =	vmovc v14;
	v44 =	vadd.f32 v12, v44;
	v38 =	vld.idx.msk [tilespmem:v11+s28+$0x0], $0xffff  }
0x42f: {  	_ =	sdelay $0x3  }
0x430: {  	v8 =	vmul.f32 $5.000000000e-01, v43  }
0x431: {  	[tilespmem:v37+s31+$0x0] =	vst.idx.msk vm6, v40;
	v1 =	vmul.f32 $5.000000000e-01, v44  }
0x432: {  	v10 =	vld.idx.msk [tilespmem:v26+s28+$0x0], $0xffff;
	[tilespmem:v36+s31+$0x0] =	vst.idx.msk vm5, v8  }
0x433: {  	v8 =	vld.idx.msk [tilespmem:v25+s28+$0x0], $0xffff;
	[tilespmem:v39+s31+$0x0] =	vst.idx.msk vm7, v1  }
0x434: {  	v1 =	vld.idx.msk [tilespmem:v29+s28+$0x0], $0xffff  }
0x435: {  	v11 =	vand.u32 $0x1FFF8, v45;
	v9 =	vld.idx.msk [tilespmem:v24+s28+$0x0], $0xffff  }
0x436: {  	v12 =	vmul.f32 $5.000000000e-01, v41;
	v13 =	vadd.f32 v35, v32;
	v20 =	vadd.s32 s22, v17;
	v52 =	vld.idx.msk [tilespmem:v27+s28+$0x0], $0xffff  }
0x437: {  	v14 =	vand.u32 $0x1FFF8, v42;
	v19 =	vand.u32 $0x1FFD8, v30;
	v20 =	vand.u32 $0x1FFF8, v20;
	v54 =	vld.idx.msk [tilespmem:v28+s28+$0x0], $0xffff  }
0x438: {  	vm14 =	vmmov vm6;
	v55 =	vadd.f32 v34, v31;
	v20 =	vor.u32 v3, v20  }
0x439: {  	v19 =	vor.u32 v3, v19;
	v13 =	vmul.f32 $5.000000000e-01, v13;
	v56 =	vadd.f32 v38, v33  }
0x43a: {  	v11 =	vor.u32 v3, v11;
	[tilespmem:v23+s31+$0x0] =	vst.idx.msk vm2, v12;
	v12 =	vmul.f32 $5.000000000e-01, v55;
	v1 =	vadd.f32 v9, v1  }
0x43b: {  	v57 =	vor.u32 v3, v14;
	[tilespmem:v21+s31+$0x0] =	vst.idx.msk vm0, v13;
	v13 =	vmul.f32 $5.000000000e-01, v56;
	v8 =	vadd.f32 v8, v10  }
0x43c: {  	[tilespmem:v22+s31+$0x0] =	vst.idx.msk vm1, v12;
	v58 =	vadd.f32 v54, v52;
	v1 =	vmul.f32 $5.000000000e-01, v1  }
0x43d: {  	[tilespmem:v20+s31+$0x0] =	vst.idx.msk vm3, v13;
	v8 =	vmul.f32 $5.000000000e-01, v8  }
0x43e: {  	[tilespmem:v19+s31+$0x0] =	vst.idx.msk vm7, v1;
	v1 =	vmul.f32 $5.000000000e-01, v58  }
0x43f: {  	[tilespmem:v11+s31+$0x0] =	vst.idx.msk vm14, v8  }
0x440: {  	[tilespmem:v57+s31+$0x0] =	vst.idx.msk vm5, v1  }
0x441: {  	v1 =	vld [tilespmem:$0x2800]  }
0x442: {  	v8 =	vld [tilespmem:$0x5010];
	_ =	sdelay $0x3  }
0x443: {  	v62 =	vadd.s32 $0x2808, v1  }
0x444: {  	v63 =	vadd.s32 $0x2808, v8;
	_ =	sdelay $0x3  }
0x445: {  	v9 =	vld.idx.msk [tilespmem:v62+s28+$0x0], $0xffff  }
0x446: {  	v10 =	vld.idx.msk [tilespmem:v63+s28+$0x0], $0xffff  }
0x447: {  	v0 =	vld [tilespmem:$0x1FF80];
	_ =	sdelay $0x3  }
0x448: {  	v1 =	vadd.s32 $0x320A, v1;
	v9 =	vadd.f32 v10, v9  }
0x449: {  	v8 =	vadd.s32 $0x320A, v8  }
0x44a: {  	v9 =	vmul.f32 $5.000000000e-01, v9;
	_ =	sdelay $0x1  }
0x44b: {  	[tilespmem:v0+s31+$0x0] =	vst.idx.msk $0x3, v9  }
0x44c: {  	v1 =	vld.idx.msk [tilespmem:v1+s28+$0x0], $0xffff  }
0x44d: {  	v8 =	vld.idx.msk [tilespmem:v8+s28+$0x0], $0xffff  }
0x44e: {  	v0 =	vld [tilespmem:$0x1FF90];
	_ =	sdelay $0x3  }
0x44f: {  	v1 =	vadd.f32 v8, v1  }
0x450: {  	s11 =	sadd.s32 $0x1, s11  }
0x451: {  	p0 =	sne.s32 s11, $0xE;
	v1 =	vmul.f32 $5.000000000e-01, v1  }
.Ltmp6:
0x452: {  	s8 =	sadd.s32 s17, s16;
	(pc) =	sbr.rel @p0 .LBB2_6-.Ltmp6, $4  }
0x453: {  	s8 =	sshrl.u32 s8, $0x3;
	[tilespmem:v0+s31+$0x0] =	vst.idx.msk $0x3, v1  }
0x454: {  	[hbm4b:s12+s3] =	stream.linear.scatter [tilespmem:s0], [sflag:$0x4], $0x5004, $0x38;
	[tilespmem:$0x1B850] =	vst v63  }
0x455: {  	vm4 =	vmmov vm7;
	vm15 =	vmmov vm5;
	s8 =	sadd.s32 s2, s8  }
0x456: {  	v7 =	vmovc v53;
	v15 =	vmovc v59;
	v16 =	vmov v60;
	v17 =	vmov v61;
	v0 =	vlaneseq.u32;
	[tilespmem:s28], [sflag:$0x1] =	stream.linear.gather [hbm4b:s8+s3], $0x3C10, $0x38;
	[tilespmem:$0x1B850] =	vst v63  }
0x457: {  	_ =	swait.ge [sflag:s1], $0x3C10  }
0x458: {  	[sflag:s1] =	ssyncset.done $0x0  }
0x459: {  	[sflag:s1] =	ssyncadd.s32 $0xFFFFC3F0  }
0x45a: {  	_ =	swait.ge [sflag:s26], $0xA008  }
0x45b: {  	[sflag:s26] =	ssyncset.done $0x0  }
0x45c: {  	s8 =	simm.s32 $0x20;
	[sflag:s26] =	ssyncadd.s32 $0xFFFF5FF8  }
0x45d: {  	s10 =	simm.s32 $0x2830;
	v1 =	vld [tilespmem:s8+$0x10]  }
0x45e: {  	v8 =	vld [tilespmem:s10+$0x10];
	_ =	sdelay $0x2  }
0x45f: {  	v9 =	vld [tilespmem:s8+$0xFFFFFFF0]  }
0x460: {  	v10 =	vld [tilespmem:s10+$0xFFFFFFF0];
	_ =	sdelay $0x1  }
0x461: {  	v11 =	vld [tilespmem:s8+$0x0]  }
0x462: {  	v12 =	vld.idx.msk [tilespmem:v1+s29+$0x0], $0xffff  }
0x463: {  	v13 =	vld.idx.msk [tilespmem:v8+s29+$0x0], $0xffff  }
0x464: {  	s9 =	simm.s32 $0x30;
	v14 =	vld [tilespmem:s10+$0x0]  }
0x465: {  	v20 =	vor.u32 s9, v0;
	v21 =	vld [tilespmem:s8+$0xFFFFFFE0]  }
0x466: {  	vm0 =	vlt.u32 v20, $0x2802;
	v22 =	vld.idx.msk [tilespmem:v9+s29+$0x0], $0xffff  }
0x467: {  	v20 =	vand.u32 v17, v20;
	v23 =	vld.idx.msk [tilespmem:v10+s29+$0x0], $0xffff  }
0x468: {  	s23 =	simm.s32 $0x10;
	v19 =	vld [tilespmem:s10+$0xFFFFFFE0];
	v12 =	vadd.f32 v13, v12;
	v13 =	vadd.s32 $0xA02, v1  }
0x469: {  	v25 =	vor.u32 s23, v0;
	v24 =	vadd.s32 $0xA02, v8  }
0x46a: {  	vm2 =	vlt.u32 v25, $0x2802;
	v12 =	vmul.f32 $5.000000000e-01, v12  }
0x46b: {  	v25 =	vand.u32 v15, v25;
	v26 =	vld.idx.msk [tilespmem:v11+s29+$0x0], $0xffff  }
0x46c: {  	v27 =	vld.idx.msk [tilespmem:v14+s29+$0x0], $0xffff;
	[tilespmem:v20+s31+$0x0] =	vst.idx.msk vm0, v12;
	v20 =	vadd.f32 v23, v22  }
0x46d: {  	v12 =	vadd.s32 $0xA02, v9;
	v13 =	vld.idx.msk [tilespmem:v13+s29+$0x0], $0xffff  }
0x46e: {  	s24 =	simm.s32 $0x20;
	v22 =	vadd.s32 $0xA02, v10;
	v23 =	vld.idx.msk [tilespmem:v24+s29+$0x0], $0xffff;
	v20 =	vmul.f32 $5.000000000e-01, v20  }
0x46f: {  	v28 =	vor.u32 s24, v0;
	v30 =	vld.idx.msk [tilespmem:v21+s29+$0x0], $0xffff  }
0x470: {  	v31 =	vadd.s32 s9, v2;
	vm1 =	vlt.u32 v28, $0x2802;
	v24 =	vld.idx.msk [tilespmem:v19+s29+$0x0], $0xffff;
	[tilespmem:v25+s31+$0x0] =	vst.idx.msk vm2, v20  }
0x471: {  	v28 =	vand.u32 v16, v28;
	v20 =	vand.u32 $0x7FF8, v31;
	v63 =	vld [tilespmem:$0x1FFA0]  }
0x472: {  	v26 =	vadd.f32 v27, v26;
	v12 =	vld.idx.msk [tilespmem:v12+s29+$0x0], $0xffff;
	v20 =	vor.u32 v3, v20  }
0x473: {  	s11 =	simm.s32 $0x0;
	v22 =	vld.idx.msk [tilespmem:v22+s29+$0x0], $0xffff;
	v13 =	vadd.f32 v23, v13;
	v23 =	vadd.s32 $0x1404, v1  }
0x474: {  	v29 =	vor.u32 s11, v0;
	v26 =	vmul.f32 $5.000000000e-01, v26;
	v31 =	vadd.s32 $0x1404, v8  }
0x475: {  	v32 =	vadd.s32 s23, v2;
	vm3 =	vlt.u32 v29, $0x2802;
	v13 =	vmul.f32 $5.000000000e-01, v13  }
0x476: {  	[tilespmem:v28+s31+$0x0] =	vst.idx.msk vm1, v26;
	v24 =	vadd.f32 v24, v30;
	v30 =	vand.u32 $0x7FF8, v32;
	v27 =	vand.u32 v63, v29  }
0x477: {  	v25 =	vadd.s32 $0xA02, v11;
	v28 =	vor.u32 v3, v30;
	[tilespmem:v20+s31+$0x0] =	vst.idx.msk vm0, v13  }
0x478: {  	v33 =	vadd.s32 $0xA02, v19;
	v26 =	vadd.s32 $0xA02, v14;
	v12 =	vadd.f32 v22, v12;
	v23 =	vld.idx.msk [tilespmem:v23+s29+$0x0], $0xffff  }
0x479: {  	s17 =	simm.s32 $0x2870;
	v24 =	vmul.f32 $5.000000000e-01, v24;
	v13 =	vadd.s32 $0x1404, v19;
	v22 =	vadd.s32 $0x1E06, v19;
	v19 =	vld.idx.msk [tilespmem:v31+s29+$0x0], $0xffff  }
0x47a: {  	s12 =	simm.s32 $0x60;
	v39 =	vld [tilespmem:s17+$0xFFFFFFE0];
	v20 =	vadd.s32 $0x1404, v9;
	v12 =	vmul.f32 $5.000000000e-01, v12  }
0x47b: {  	v44 =	vld [tilespmem:s12+$0xFFFFFFF0];
	v56 =	vadd.s32 $0x1404, v10;
	[tilespmem:v27+s31+$0x0] =	vst.idx.msk vm3, v24;
	v27 =	vadd.s32 s9, v4  }
0x47c: {  	v34 =	vld.idx.msk [tilespmem:v25+s29+$0x0], $0xffff;
	v25 =	vadd.s32 s11, v2;
	v29 =	vadd.s32 $0xA02, v21;
	[tilespmem:v28+s31+$0x0] =	vst.idx.msk vm2, v12;
	v12 =	vand.u32 $0xFFF8, v27  }
0x47d: {  	v25 =	vand.u32 $0x7FD8, v25;
	v35 =	vld.idx.msk [tilespmem:v26+s29+$0x0], $0xffff;
	v12 =	vor.u32 v5, v12  }
0x47e: {  	v37 =	vor.u32 v3, v25;
	v25 =	vld [tilespmem:s12+$0x10];
	v19 =	vadd.f32 v19, v23  }
0x47f: {  	v8 =	vadd.s32 $0x1E06, v8;
	v1 =	vadd.s32 $0x1E06, v1;
	v20 =	vld.idx.msk [tilespmem:v20+s29+$0x0], $0xffff  }
0x480: {  	v30 =	vadd.s32 $0x1E06, v9;
	v24 =	vadd.s32 s24, v2;
	v9 =	vld.idx.msk [tilespmem:v56+s29+$0x0], $0xffff;
	v19 =	vmul.f32 $5.000000000e-01, v19  }
0x481: {  	v59 =	vadd.s32 s23, v6;
	v41 =	vadd.s32 $0x1404, v11;
	v29 =	vld.idx.msk [tilespmem:v29+s29+$0x0], $0xffff;
	v24 =	vand.u32 $0x7FF8, v24  }
0x482: {  	v58 =	vadd.s32 $0x1E06, v14;
	v26 =	vadd.s32 s23, v4;
	v40 =	vor.u32 v3, v24;
	v24 =	vld [tilespmem:s17+$0x10];
	[tilespmem:v12+s31+$0x0] =	vst.idx.msk vm0, v19  }
0x483: {  	v42 =	vadd.s32 $0x1404, v14;
	v14 =	vadd.s32 s11, v6;
	v26 =	vand.u32 $0xFFF8, v26;
	v57 =	vld.idx.msk [tilespmem:v33+s29+$0x0], $0xffff;
	[tilespmem:$0x1FD70] =	vst v58  }
0x484: {  	v43 =	vor.u32 v5, v26;
	v26 =	vadd.s32 $0x1E06, v11;
	v11 =	vand.u32 $0xFFF8, v59;
	v1 =	vld.idx.msk [tilespmem:v1+s29+$0x0], $0xffff  }
0x485: {  	v14 =	vand.u32 $0xFFD8, v14;
	v11 =	vor.u32 v7, v11;
	v8 =	vld.idx.msk [tilespmem:v8+s29+$0x0], $0xffff  }
0x486: {  	v60 =	vor.u32 v7, v14;
	v33 =	vld [tilespmem:s17+$0xFFFFFFF0];
	[tilespmem:$0x1FD60] =	vst v11  }
0x487: {  	[tilespmem:$0x1FD80] =	vst v60  }
0x488: {  	v11 =	vld [tilespmem:s12+$0x0]  }
0x489: {  	s18 =	simm.s32 $0x70;
	v19 =	vadd.f32 v57, v29;
	v14 =	vld.idx.msk [tilespmem:v25+s29+$0x0], $0xffff  }
0x48a: {  	s19 =	simm.s32 $0x40;
	v61 =	vor.u32 s18, v0;
	v62 =	vadd.s32 s9, v6;
	v9 =	vadd.f32 v9, v20;
	v20 =	vld.idx.msk [tilespmem:v24+s29+$0x0], $0xffff  }
0x48b: {  	s20 =	simm.s32 $0x50;
	v53 =	vor.u32 s19, v0;
	v29 =	vadd.s32 $0x1E06, v39;
	v19 =	vmul.f32 $5.000000000e-01, v19;
	v47 =	vld [tilespmem:s17+$0x0]  }
0x48c: {  	v55 =	vor.u32 s20, v0;
	v36 =	vadd.s32 s20, v2;
	v52 =	vand.u32 v17, v61;
	v48 =	vld [tilespmem:s12+$0xFFFFFFE0];
	[tilespmem:$0x1FDA0] =	vst v29  }
0x48d: {  	vm8 =	vmmov vm2;
	v38 =	vadd.s32 $0x1404, v21;
	v49 =	vld.idx.msk [tilespmem:v39+s29+$0x0], $0xffff;
	[tilespmem:v37+s31+$0x0] =	vst.idx.msk vm3, v19;
	v19 =	vadd.s32 $0x1E06, v44  }
0x48e: {  	vm2 =	vlt.u32 v61, $0x2802;
	v23 =	vadd.s32 s11, v4;
	v51 =	vld.idx.msk [tilespmem:v44+s29+$0x0], $0xffff;
	[tilespmem:$0x1FD30] =	vst v19;
	v19 =	vand.u32 $0xFFF8, v62  }
0x48f: {  	v23 =	vand.u32 $0xFFD8, v23;
	v19 =	vor.u32 v7, v19;
	v1 =	vadd.f32 v8, v1  }
0x490: {  	vm12 =	vlt.u32 v53, $0x2802;
	v28 =	vor.u32 v5, v23;
	v12 =	vadd.s32 s24, v6;
	v32 =	vld.idx.msk [tilespmem:v33+s29+$0x0], $0xffff;
	[tilespmem:$0x1FD40] =	vst v19  }
0x491: {  	v14 =	vadd.f32 v20, v14;
	v20 =	vadd.s32 $0xA02, v25;
	v1 =	vmul.f32 $5.000000000e-01, v1;
	v19 =	vld.idx.msk [tilespmem:v11+s29+$0x0], $0xffff  }
0x492: {  	v23 =	vadd.s32 $0x1E06, v21;
	v12 =	vand.u32 $0xFFF8, v12;
	v8 =	vadd.s32 $0xA02, v24;
	v38 =	vld.idx.msk [tilespmem:v38+s29+$0x0], $0xffff  }
0x493: {  	v21 =	vor.u32 v7, v12;
	v12 =	vadd.f32 v35, v34;
	v14 =	vmul.f32 $5.000000000e-01, v14;
	v13 =	vld.idx.msk [tilespmem:v13+s29+$0x0], $0xffff;
	[tilespmem:$0x1FD50] =	vst v1  }
0x494: {  	vm7 =	vmmov vm3;
	v46 =	vadd.s32 $0xA02, v44;
	vm3 =	vlt.u32 v55, $0x2802;
	v1 =	vld.idx.msk [tilespmem:v47+s29+$0x0], $0xffff  }
0x495: {  	s21 =	simm.s32 $0x60;
	v50 =	vadd.s32 $0x1404, v44;
	v12 =	vmul.f32 $5.000000000e-01, v12;
	v55 =	vand.u32 v15, v55;
	v57 =	vld.idx.msk [tilespmem:v48+s29+$0x0], $0xffff;
	[tilespmem:v52+s31+$0x0] =	vst.idx.msk vm2, v14  }
0x496: {  	v10 =	vadd.s32 $0x1E06, v10;
	v56 =	vor.u32 s21, v0;
	v20 =	vld.idx.msk [tilespmem:v20+s29+$0x0], $0xffff;
	v44 =	vadd.f32 v32, v51  }
0x497: {  	vm10 =	vlt.u32 v56, $0x2802;
	v9 =	vmul.f32 $5.000000000e-01, v9;
	v54 =	vadd.s32 $0xA02, v33;
	[tilespmem:v40+s31+$0x0] =	vst.idx.msk vm1, v12;
	v8 =	vld.idx.msk [tilespmem:v8+s29+$0x0], $0xffff  }
0x498: {  	v34 =	vand.u32 v16, v56;
	v12 =	vand.u32 v63, v53;
	v41 =	vld.idx.msk [tilespmem:v41+s29+$0x0], $0xffff;
	v44 =	vmul.f32 $5.000000000e-01, v44  }
0x499: {  	v14 =	vadd.s32 $0xA02, v11;
	[tilespmem:v43+s31+$0x0] =	vst.idx.msk vm8, v9;
	v42 =	vld.idx.msk [tilespmem:v42+s29+$0x0], $0xffff;
	v1 =	vadd.f32 v1, v19;
	v19 =	vadd.s32 s18, v2  }
0x49a: {  	v40 =	vadd.s32 $0xA02, v48;
	v19 =	vand.u32 $0x7FF8, v19;
	[tilespmem:v55+s31+$0x0] =	vst.idx.msk vm3, v44;
	v44 =	vld.idx.msk [tilespmem:v30+s29+$0x0], $0xffff;
	v30 =	vadd.f32 v49, v57  }
0x49b: {  	v45 =	vadd.s32 $0xA02, v39;
	v1 =	vmul.f32 $5.000000000e-01, v1;
	v19 =	vor.u32 v3, v19;
	v60 =	vld.idx.msk [tilespmem:v46+s29+$0x0], $0xffff  }
0x49c: {  	v8 =	vadd.f32 v8, v20;
	v20 =	vadd.s32 $0x1404, v25;
	v54 =	vld.idx.msk [tilespmem:v54+s29+$0x0], $0xffff;
	v30 =	vmul.f32 $5.000000000e-01, v30  }
0x49d: {  	vm9 =	vmmov vm0;
	v27 =	vadd.s32 s24, v4;
	v10 =	vld.idx.msk [tilespmem:v10+s29+$0x0], $0xffff;
	[tilespmem:v34+s31+$0x0] =	vst.idx.msk vm10, v1;
	v1 =	vadd.s32 $0x1404, v24  }
0x49e: {  	v27 =	vand.u32 $0xFFF8, v27;
	v53 =	vadd.s32 $0xA02, v47;
	v8 =	vmul.f32 $5.000000000e-01, v8;
	[tilespmem:v12+s31+$0x0] =	vst.idx.msk vm12, v30;
	v12 =	vld.idx.msk [tilespmem:v14+s29+$0x0], $0xffff  }
0x49f: {  	v27 =	vor.u32 v5, v27;
	v58 =	vand.u32 $0x7FF8, v36;
	v13 =	vadd.f32 v13, v38;
	v38 =	vld.idx.msk [tilespmem:v40+s29+$0x0], $0xffff  }
0x4a0: {  	vm0 =	vmmov vm1;
	v61 =	vor.u32 v3, v58;
	v62 =	vadd.s32 $0x1404, v33;
	v36 =	vld.idx.msk [tilespmem:v45+s29+$0x0], $0xffff;
	[tilespmem:v19+s31+$0x0] =	vst.idx.msk vm2, v8  }
0x4a1: {  	v58 =	vadd.s32 $0x1E06, v48;
	v13 =	vmul.f32 $5.000000000e-01, v13;
	v19 =	vadd.f32 v54, v60;
	v20 =	vld.idx.msk [tilespmem:v20+s29+$0x0], $0xffff  }
0x4a2: {  	v42 =	vadd.f32 v42, v41;
	v8 =	vadd.s32 s21, v4;
	v54 =	vadd.s32 s19, v4;
	v1 =	vld.idx.msk [tilespmem:v1+s29+$0x0], $0xffff  }
0x4a3: {  	[tilespmem:v28+s31+$0x0] =	vst.idx.msk vm7, v13;
	v8 =	vand.u32 $0xFFF8, v8;
	v43 =	vand.u32 $0xFFD8, v54;
	v13 =	vmul.f32 $5.000000000e-01, v19;
	v19 =	vld.idx.msk [tilespmem:v53+s29+$0x0], $0xffff  }
0x4a4: {  	v37 =	vadd.s32 s21, v2;
	v45 =	vor.u32 v5, v43;
	v43 =	vor.u32 v5, v8;
	v8 =	vld.idx.msk [tilespmem:v23+s29+$0x0], $0xffff;
	[tilespmem:$0x1FD90] =	vst v58  }
0x4a5: {  	v59 =	vand.u32 $0x7FF8, v37;
	v60 =	vadd.s32 $0x1E06, v11;
	[tilespmem:v61+s31+$0x0] =	vst.idx.msk vm3, v13  }
0x4a6: {  	v32 =	vor.u32 v3, v59;
	v28 =	vmul.f32 $5.000000000e-01, v42;
	v59 =	vld.idx.msk [tilespmem:v22+s29+$0x0], $0xffff;
	v13 =	vadd.s32 s18, v4;
	[tilespmem:$0x1FDB0] =	vst v60  }
0x4a7: {  	v13 =	vand.u32 $0xFFF8, v13;
	v61 =	vld.idx.msk [tilespmem:v50+s29+$0x0], $0xffff  }
0x4a8: {  	s22 =	simm.s32 $0xA0;
	[tilespmem:v27+s31+$0x0] =	vst.idx.msk vm0, v28;
	v27 =	vld.idx.msk [tilespmem:v62+s29+$0x0], $0xffff;
	v13 =	vor.u32 v5, v13  }
0x4a9: {  	s9 =	simm.s32 $0x28B0;
	v10 =	vadd.f32 v10, v44;
	v1 =	vadd.f32 v1, v20;
	v20 =	vadd.s32 $0x1E06, v25;
	v44 =	vld [tilespmem:s22+$0x10]  }
0x4aa: {  	v25 =	vld [tilespmem:s9+$0x10]  }
0x4ab: {  	v35 =	vadd.s32 $0x1404, v39;
	v39 =	vadd.s32 s19, v2;
	v50 =	vld [tilespmem:s22+$0xFFFFFFF0];
	v1 =	vmul.f32 $5.000000000e-01, v1  }
0x4ac: {  	v52 =	vadd.s32 $0x1404, v48;
	v62 =	vadd.s32 $0x1E06, v24;
	v48 =	vld.idx.msk [tilespmem:v26+s29+$0x0], $0xffff;
	v26 =	vadd.s32 s19, v6  }
0x4ad: {  	v9 =	vand.u32 $0x7FD8, v39;
	v24 =	vand.u32 $0xFFD8, v26;
	v26 =	vadd.f32 v36, v38;
	v38 =	vld [tilespmem:s9+$0xFFFFFFE0];
	[tilespmem:v13+s31+$0x0] =	vst.idx.msk vm2, v1  }
0x4ae: {  	v37 =	vadd.s32 $0x1404, v11;
	v29 =	vor.u32 v3, v9;
	v13 =	vld.idx.msk [tilespmem:v20+s29+$0x0], $0xffff  }
0x4af: {  	v49 =	vadd.s32 $0x1E06, v33;
	v46 =	vadd.s32 $0x1404, v47;
	v34 =	vadd.s32 s20, v4;
	v20 =	vld [tilespmem:s9+$0xFFFFFFF0]  }
0x4b0: {  	v40 =	vand.u32 $0xFFF8, v34;
	v23 =	vadd.s32 $0x1E06, v47;
	v22 =	vadd.s32 s20, v6  }
0x4b1: {  	s12 =	simm.s32 $0x80;
	v22 =	vand.u32 $0xFFF8, v22;
	v28 =	vadd.s32 s21, v6;
	v12 =	vadd.f32 v19, v12;
	v19 =	vld.idx.msk [tilespmem:v62+s29+$0x0], $0xffff  }
0x4b2: {  	v47 =	vor.u32 v7, v22;
	v60 =	vor.u32 s12, v0;
	v28 =	vand.u32 $0xFFF8, v28  }
0x4b3: {  	v22 =	vor.u32 v7, v28;
	v1 =	vmul.f32 $5.000000000e-01, v26;
	v11 =	vadd.f32 v27, v61;
	v33 =	vld.idx.msk [tilespmem:v44+s29+$0x0], $0xffff  }
0x4b4: {  	s24 =	simm.s32 $0xA0;
	v27 =	vadd.s32 s18, v6;
	v55 =	vadd.s32 $0xA02, v50;
	v57 =	vadd.s32 $0x1404, v50;
	v42 =	vld.idx.msk [tilespmem:v25+s29+$0x0], $0xffff  }
0x4b5: {  	v34 =	vand.u32 $0xFFF8, v27;
	v27 =	vadd.s32 $0x1E06, v50;
	v62 =	vor.u32 s24, v0;
	v50 =	vld.idx.msk [tilespmem:v50+s29+$0x0], $0xffff  }
0x4b6: {  	s23 =	simm.s32 $0x90;
	v54 =	vadd.s32 $0xA02, v38;
	v28 =	vadd.s32 $0x1404, v38;
	v13 =	vadd.f32 v19, v13;
	v19 =	vld.idx.msk [tilespmem:v38+s29+$0x0], $0xffff  }
0x4b7: {  	s11 =	simm.s32 $0xB0;
	v26 =	vadd.s32 $0x1E06, v38;
	v38 =	vor.u32 s23, v0;
	v0 =	vlaneseq.u32;
	v9 =	vld.idx.msk [tilespmem:v20+s29+$0x0], $0xffff  }
0x4b8: {  	vm11 =	vmmov vm3;
	v0 =	vor.u32 s11, v0  }
0x4b9: {  	v51 =	vor.u32 v5, v40;
	vm3 =	vlt.u32 v0, $0x2802  }
0x4ba: {  	v12 =	vmul.f32 $5.000000000e-01, v12;
	vm6 =	vlt.u32 v38, $0x2802;
	v0 =	vand.u32 v17, v0  }
0x4bb: {  	v30 =	vmul.f32 $5.000000000e-01, v11;
	[tilespmem:v29+s31+$0x0] =	vst.idx.msk vm12, v1;
	v11 =	vand.u32 v15, v38;
	v29 =	vadd.f32 v42, v33  }
0x4bc: {  	v9 =	vadd.f32 v9, v50  }
0x4bd: {  	[tilespmem:v32+s31+$0x0] =	vst.idx.msk vm10, v12;
	v29 =	vmul.f32 $5.000000000e-01, v29  }
0x4be: {  	v8 =	vadd.f32 v59, v8;
	[tilespmem:v51+s31+$0x0] =	vst.idx.msk vm11, v30;
	v9 =	vmul.f32 $5.000000000e-01, v9  }
0x4bf: {  	v12 =	vadd.s32 s23, v2;
	[tilespmem:v0+s31+$0x0] =	vst.idx.msk vm3, v29  }
0x4c0: {  	v41 =	vmul.f32 $5.000000000e-01, v8;
	v12 =	vand.u32 $0x7FF8, v12;
	v8 =	vld.idx.msk [tilespmem:v35+s29+$0x0], $0xffff;
	v35 =	vadd.s32 s12, v2;
	[tilespmem:v11+s31+$0x0] =	vst.idx.msk vm6, v9  }
0x4c1: {  	v29 =	vand.u32 $0x7FD8, v35;
	v35 =	vor.u32 v3, v12;
	v12 =	vld [tilespmem:$0x1FD30];
	_ =	sdelay $0x2  }
0x4c2: {  	v52 =	vld.idx.msk [tilespmem:v52+s29+$0x0], $0xffff;
	_ =	sdelay $0x1  }
0x4c3: {  	v53 =	vld [tilespmem:s22+$0x0]  }
0x4c4: {  	v58 =	vld [tilespmem:s9+$0x0]  }
0x4c5: {  	v59 =	vld [tilespmem:s22+$0xFFFFFFE0]  }
0x4c6: {  	v8 =	vadd.f32 v8, v52;
	v52 =	vld.idx.msk [tilespmem:v12+s29+$0x0], $0xffff  }
0x4c7: {  	v12 =	vld [tilespmem:$0x1FD40];
	_ =	sdelay $0x2  }
0x4c8: {  	v33 =	vadd.s32 $0xA02, v44;
	v14 =	vld [tilespmem:$0x1FD50];
	_ =	sdelay $0x1  }
0x4c9: {  	v1 =	vadd.s32 $0xA02, v25;
	v32 =	vld.idx.msk [tilespmem:v58+s29+$0x0], $0xffff  }
0x4ca: {  	v36 =	vmul.f32 $5.000000000e-01, v10;
	v10 =	vld.idx.msk [tilespmem:v59+s29+$0x0], $0xffff  }
0x4cb: {  	v40 =	vmul.f32 $5.000000000e-01, v13;
	v13 =	vld.idx.msk [tilespmem:v53+s29+$0x0], $0xffff  }
0x4cc: {  	v50 =	vld.idx.msk [tilespmem:v33+s29+$0x0], $0xffff;
	[tilespmem:v12+s31+$0x0] =	vst.idx.msk vm9, v14  }
0x4cd: {  	v14 =	vmul.f32 $5.000000000e-01, v8;
	v8 =	vld [tilespmem:$0x1FD60]  }
0x4ce: {  	vm5 =	vlt.u32 v62, $0x2802;
	v1 =	vld.idx.msk [tilespmem:v1+s29+$0x0], $0xffff  }
0x4cf: {  	vm4 =	vlt.u32 v60, $0x2802;
	v56 =	vor.u32 v7, v34;
	v62 =	vand.u32 v16, v62  }
0x4d0: {  	v37 =	vld.idx.msk [tilespmem:v37+s29+$0x0], $0xffff;
	v34 =	vadd.s32 $0xA02, v53;
	v32 =	vadd.f32 v32, v13;
	v13 =	vadd.s32 s11, v2  }
0x4d1: {  	v60 =	vand.u32 v63, v60;
	v46 =	vld.idx.msk [tilespmem:v46+s29+$0x0], $0xffff;
	v13 =	vand.u32 $0x7FF8, v13  }
0x4d2: {  	v10 =	vadd.f32 v19, v10;
	v13 =	vor.u32 v3, v13;
	v9 =	vmul.f32 $5.000000000e-01, v32  }
0x4d3: {  	v1 =	vadd.f32 v1, v50  }
0x4d4: {  	vm13 =	vmmov vm2;
	v51 =	vadd.s32 s23, v4;
	v10 =	vmul.f32 $5.000000000e-01, v10;
	[tilespmem:v62+s31+$0x0] =	vst.idx.msk vm5, v9  }
0x4d5: {  	v61 =	vadd.s32 $0xA02, v20;
	v19 =	vadd.s32 s12, v4;
	v1 =	vmul.f32 $5.000000000e-01, v1;
	v50 =	vld.idx.msk [tilespmem:v34+s29+$0x0], $0xffff;
	[tilespmem:v8+s31+$0x0] =	vst.idx.msk vm8, v36  }
0x4d6: {  	v9 =	vand.u32 $0xFFF8, v51;
	v36 =	vadd.f32 v46, v37;
	v46 =	vand.u32 $0xFFD8, v19;
	v62 =	vld [tilespmem:$0x1FD70];
	[tilespmem:v60+s31+$0x0] =	vst.idx.msk vm4, v10  }
0x4d7: {  	v34 =	vor.u32 v5, v46;
	v46 =	vor.u32 v5, v9;
	[tilespmem:v13+s31+$0x0] =	vst.idx.msk vm3, v1;
	v9 =	vld.idx.msk [tilespmem:v54+s29+$0x0], $0xffff  }
0x4d8: {  	vm2 =	vmmov vm0;
	vm0 =	vmmov vm12;
	v54 =	vld [tilespmem:$0x1FD80]  }
0x4d9: {  	vm1 =	vmmov vm10;
	_ =	sdelay $0x1  }
0x4da: {  	v55 =	vld.idx.msk [tilespmem:v55+s29+$0x0], $0xffff  }
0x4db: {  	v61 =	vld.idx.msk [tilespmem:v61+s29+$0x0], $0xffff  }
0x4dc: {  	v1 =	vmul.f32 $5.000000000e-01, v36;
	[tilespmem:v56+s31+$0x0] =	vst.idx.msk vm13, v40  }
0x4dd: {  	[tilespmem:v45+s31+$0x0] =	vst.idx.msk vm0, v14  }
0x4de: {  	[tilespmem:v43+s31+$0x0] =	vst.idx.msk vm1, v1  }
0x4df: {  	v12 =	vld.idx.msk [tilespmem:v49+s29+$0x0], $0xffff;
	v13 =	vadd.s32 s24, v6;
	[tilespmem:v54+s31+$0x0] =	vst.idx.msk vm7, v41  }
0x4e0: {  	v55 =	vadd.f32 v61, v55;
	v61 =	vand.u32 $0xFFF8, v13;
	v13 =	vld [tilespmem:$0x1FD90];
	_ =	sdelay $0x1  }
0x4e1: {  	v31 =	vadd.s32 $0xA02, v59;
	_ =	sdelay $0x1  }
0x4e2: {  	v62 =	vld.idx.msk [tilespmem:v62+s29+$0x0], $0xffff  }
0x4e3: {  	v12 =	vadd.f32 v12, v52  }
0x4e4: {  	v33 =	vadd.s32 $0x1404, v59;
	v51 =	vadd.s32 $0x1404, v25;
	v10 =	vmul.f32 $5.000000000e-01, v55  }
0x4e5: {  	v12 =	vmul.f32 $5.000000000e-01, v12;
	v19 =	vld.idx.msk [tilespmem:v31+s29+$0x0], $0xffff;
	v31 =	vadd.s32 $0x1E06, v59;
	v59 =	vadd.s32 s23, v6  }
0x4e6: {  	v8 =	vadd.s32 $0x1404, v44;
	v14 =	vadd.s32 s12, v6;
	v1 =	vand.u32 $0xFFF8, v59;
	[tilespmem:v35+s31+$0x0] =	vst.idx.msk vm6, v10;
	v45 =	vld.idx.msk [tilespmem:v13+s29+$0x0], $0xffff  }
0x4e7: {  	v60 =	vadd.f32 v62, v48;
	v62 =	vadd.s32 s11, v4;
	v13 =	vand.u32 $0xFFD8, v14;
	v14 =	vld [tilespmem:$0x1FDA0]  }
0x4e8: {  	v39 =	vadd.s32 $0xA02, v58;
	v52 =	vor.u32 v7, v1;
	v54 =	vld.idx.msk [tilespmem:v57+s29+$0x0], $0xffff;
	v1 =	vand.u32 $0xFFF8, v62;
	[tilespmem:v47+s31+$0x0] =	vst.idx.msk vm11, v12  }
0x4e9: {  	v11 =	vadd.s32 s24, v4;
	v57 =	vor.u32 v5, v1;
	v1 =	vld [tilespmem:$0x1FDB0]  }
0x4ea: {  	v38 =	vadd.s32 s24, v2;
	v37 =	vand.u32 $0xFFF8, v11  }
0x4eb: {  	v0 =	vadd.s32 $0x1404, v20;
	v32 =	vor.u32 v5, v37;
	v37 =	vadd.s32 $0x1E06, v20;
	v20 =	vld.idx.msk [tilespmem:v51+s29+$0x0], $0xffff  }
0x4ec: {  	v38 =	vand.u32 $0x7FF8, v38;
	v8 =	vld.idx.msk [tilespmem:v8+s29+$0x0], $0xffff  }
0x4ed: {  	v24 =	vor.u32 v7, v24;
	v30 =	vadd.s32 $0x1404, v58;
	v38 =	vor.u32 v3, v38;
	v55 =	vld.idx.msk [tilespmem:v39+s29+$0x0], $0xffff  }
0x4ee: {  	v42 =	vor.u32 v3, v29;
	v29 =	vadd.s32 $0x1404, v53;
	v9 =	vadd.f32 v9, v19  }
0x4ef: {  	v49 =	vadd.s32 $0x1E06, v53;
	v44 =	vadd.s32 $0x1E06, v44;
	v36 =	vadd.s32 $0x1E06, v58;
	v48 =	vld.idx.msk [tilespmem:v14+s29+$0x0], $0xffff  }
0x4f0: {  	v51 =	vor.u32 v7, v61;
	v59 =	vmul.f32 $5.000000000e-01, v9;
	v56 =	vld.idx.msk [tilespmem:v0+s29+$0x0], $0xffff;
	v53 =	vmul.f32 $5.000000000e-01, v60  }
0x4f1: {  	s17 =	simm.s32 $0x8;
	s18 =	simm.s32 $0xE0;
	v58 =	vadd.f32 v20, v8;
	v0 =	vlaneseq.u32;
	v43 =	vor.u32 v7, v13;
	v35 =	vld.idx.msk [tilespmem:v1+s29+$0x0], $0xffff  }
.LBB2_16:
0x4f2: {  	v39 =	vld [tilespmem:s18+$0x10];
	v1 =	vadd.f32 v55, v50;
	v8 =	vadd.s32 $0x1E06, v25;
	s9 =	sadd.s32 $0x40, s9;
	[tilespmem:v21+s31+$0x0] =	vst.idx.msk vm2, v53;
	v40 =	vmovc v49;
	v41 =	vmov v52  }
0x4f3: {  	v21 =	vmovc v22;
	v22 =	vmovc v51;
	vm7 =	vmmov vm6;
	vm8 =	vmmov vm3;
	v25 =	vld [tilespmem:s9+$0x10];
	[tilespmem:v42+s31+$0x0] =	vst.idx.msk vm4, v59;
	v9 =	vmul.f32 $5.000000000e-01, v58  }
0x4f4: {  	vm2 =	vmmov vm1;
	v11 =	vadd.f32 v48, v45;
	v10 =	vld [tilespmem:s9+$0xFFFFFFE0];
	v1 =	vmul.f32 $5.000000000e-01, v1  }
0x4f5: {  	vm1 =	vmmov vm5;
	v12 =	vld [tilespmem:s18+$0xFFFFFFF0];
	[tilespmem:v57+s31+$0x0] =	vst.idx.msk vm3, v9  }
0x4f6: {  	s17 =	sadd.s32 $0x4, s17;
	v9 =	vadd.f32 v56, v54;
	v11 =	vmul.f32 $5.000000000e-01, v11;
	[tilespmem:v38+s31+$0x0] =	vst.idx.msk vm5, v1;
	v1 =	vld.idx.msk [tilespmem:v44+s29+$0x0], $0xffff  }
0x4f7: {  	p0 =	slt.u32 s17, $0x27C;
	v8 =	vld.idx.msk [tilespmem:v8+s29+$0x0], $0xffff  }
0x4f8: {  	v9 =	vmul.f32 $5.000000000e-01, v9;
	v45 =	vld [tilespmem:s9+$0xFFFFFFF0];
	[tilespmem:v24+s31+$0x0] =	vst.idx.msk vm0, v11;
	v24 =	vmov v43;
	vm0 =	vmmov vm4  }
0x4f9: {  	v48 =	vadd.s32 $0xA02, v10;
	v11 =	vadd.s32 $0x1404, v10;
	v43 =	vadd.s32 $0x1E06, v10;
	v47 =	vld [tilespmem:s18+$0x0]  }
0x4fa: {  	v13 =	vadd.s32 $0xA02, v12;
	v44 =	vadd.s32 $0x1404, v12;
	v14 =	vld.idx.msk [tilespmem:v39+s29+$0x0], $0xffff;
	[tilespmem:v46+s31+$0x0] =	vst.idx.msk vm6, v9;
	v9 =	vadd.s32 s11, v6  }
0x4fb: {  	v19 =	vadd.s32 $0x1E06, v12;
	v20 =	vld.idx.msk [tilespmem:v25+s29+$0x0], $0xffff;
	v9 =	vand.u32 $0xFFF8, v9  }
0x4fc: {  	s12 =	sadd.s32 $0x40, s12;
	v51 =	vld [tilespmem:s9+$0x0];
	v9 =	vor.u32 v7, v9  }
0x4fd: {  	s8 =	sadd.s32 $0x10, s12;
	s10 =	sadd.s32 $0x20, s12;
	v38 =	vor.u32 s12, v0;
	s11 =	sadd.s32 $0x30, s12;
	v1 =	vadd.f32 v8, v1;
	v49 =	vld [tilespmem:s18+$0xFFFFFFE0];
	v46 =	vadd.s32 $0xA02, v45  }
0x4fe: {  	v42 =	vor.u32 s10, v0;
	v50 =	vor.u32 s11, v0;
	v8 =	vld.idx.msk [tilespmem:v10+s29+$0x0], $0xffff;
	v10 =	vor.u32 s8, v0  }
0x4ff: {  	vm3 =	vlt.u32 v50, $0x2802;
	v1 =	vmul.f32 $5.000000000e-01, v1;
	vm6 =	vlt.u32 v10, $0x2802;
	v12 =	vld.idx.msk [tilespmem:v12+s29+$0x0], $0xffff  }
0x500: {  	vm5 =	vlt.u32 v42, $0x2802;
	vm4 =	vlt.u32 v38, $0x2802;
	v50 =	vand.u32 v17, v50;
	v52 =	vld.idx.msk [tilespmem:v45+s29+$0x0], $0xffff  }
0x501: {  	v54 =	vadd.s32 $0xA02, v47;
	v14 =	vadd.f32 v20, v14;
	v20 =	vadd.s32 $0xA02, v39;
	v53 =	vld.idx.msk [tilespmem:v47+s29+$0x0], $0xffff;
	[tilespmem:v9+s31+$0x0] =	vst.idx.msk vm8, v1  }
0x502: {  	v1 =	vand.u32 v15, v10;
	v9 =	vand.u32 v16, v42;
	v10 =	vadd.s32 $0xA02, v25;
	v55 =	vld.idx.msk [tilespmem:v33+s29+$0x0], $0xffff  }
0x503: {  	v56 =	vand.u32 v63, v38;
	v57 =	vadd.s32 $0xA02, v49;
	v14 =	vmul.f32 $5.000000000e-01, v14;
	v58 =	vld.idx.msk [tilespmem:v28+s29+$0x0], $0xffff;
	v28 =	vmovc v11  }
0x504: {  	v60 =	vadd.s32 $0xA02, v51;
	v33 =	vadd.s32 s10, v2;
	v11 =	vadd.s32 s8, v2;
	v59 =	vld.idx.msk [tilespmem:v51+s29+$0x0], $0xffff  }
0x505: {  	v38 =	vadd.s32 s12, v2;
	v62 =	vand.u32 $0x7FF8, v33;
	v11 =	vand.u32 $0x7FF8, v11;
	v61 =	vld.idx.msk [tilespmem:v49+s29+$0x0], $0xffff;
	[tilespmem:v50+s31+$0x0] =	vst.idx.msk vm3, v14  }
0x506: {  	v14 =	vand.u32 $0x7FD8, v38;
	v12 =	vadd.f32 v52, v12;
	v11 =	vor.u32 v3, v11;
	v20 =	vld.idx.msk [tilespmem:v20+s29+$0x0], $0xffff  }
0x507: {  	v33 =	vadd.s32 $0x1404, v49;
	v38 =	vor.u32 v3, v62;
	v42 =	vor.u32 v3, v14;
	v10 =	vld.idx.msk [tilespmem:v10+s29+$0x0], $0xffff  }
0x508: {  	v14 =	vadd.s32 $0x1404, v45;
	v12 =	vmul.f32 $5.000000000e-01, v12;
	v52 =	vld.idx.msk [tilespmem:v29+s29+$0x0], $0xffff;
	v29 =	vadd.s32 $0x1404, v47  }
0x509: {  	v50 =	vadd.s32 s8, v4;
	v55 =	vadd.f32 v58, v55;
	v58 =	vld.idx.msk [tilespmem:v30+s29+$0x0], $0xffff;
	v30 =	vadd.s32 $0x1404, v51  }
0x50a: {  	[tilespmem:v1+s31+$0x0] =	vst.idx.msk vm6, v12;
	v1 =	vadd.f32 v59, v53;
	v12 =	vadd.s32 s10, v4;
	v53 =	vadd.s32 s11, v2;
	v59 =	vld.idx.msk [tilespmem:v27+s29+$0x0], $0xffff  }
0x50b: {  	v8 =	vadd.f32 v8, v61;
	v61 =	vadd.s32 s12, v4;
	v27 =	vmovc v19;
	v13 =	vld.idx.msk [tilespmem:v13+s29+$0x0], $0xffff;
	v53 =	vand.u32 $0x7FF8, v53  }
0x50c: {  	v55 =	vmul.f32 $5.000000000e-01, v55;
	v19 =	vld.idx.msk [tilespmem:v46+s29+$0x0], $0xffff;
	v1 =	vmul.f32 $5.000000000e-01, v1;
	v53 =	vor.u32 v3, v53  }
0x50d: {  	v8 =	vmul.f32 $5.000000000e-01, v8;
	v10 =	vadd.f32 v10, v20;
	v20 =	vadd.s32 $0x1404, v39;
	v62 =	vld.idx.msk [tilespmem:v37+s29+$0x0], $0xffff  }
0x50e: {  	v37 =	vand.u32 $0xFFF8, v50;
	[tilespmem:v9+s31+$0x0] =	vst.idx.msk vm5, v1;
	v1 =	vand.u32 $0xFFF8, v12;
	v9 =	vadd.s32 $0x1404, v25;
	v12 =	vld.idx.msk [tilespmem:v23+s29+$0x0], $0xffff;
	v23 =	vmovc v36  }
0x50f: {  	v10 =	vmul.f32 $5.000000000e-01, v10;
	v36 =	vadd.f32 v58, v52;
	[tilespmem:v56+s31+$0x0] =	vst.idx.msk vm4, v8;
	v8 =	vand.u32 $0xFFD8, v61;
	v50 =	vld.idx.msk [tilespmem:v54+s29+$0x0], $0xffff  }
0x510: {  	v46 =	vor.u32 v5, v37;
	v1 =	vor.u32 v5, v1;
	v52 =	vld.idx.msk [tilespmem:v57+s29+$0x0], $0xffff;
	v8 =	vor.u32 v5, v8  }
0x511: {  	v37 =	vadd.s32 $0x1E06, v45;
	v54 =	vld.idx.msk [tilespmem:v48+s29+$0x0], $0xffff;
	v48 =	vadd.s32 $0x1E06, v49;
	[tilespmem:v53+s31+$0x0] =	vst.idx.msk vm3, v10;
	v10 =	vmul.f32 $5.000000000e-01, v36  }
0x512: {  	v13 =	vadd.f32 v19, v13;
	v49 =	vadd.s32 $0x1E06, v47;
	v36 =	vadd.s32 $0x1E06, v51;
	v19 =	vld.idx.msk [tilespmem:v20+s29+$0x0], $0xffff;
	[tilespmem:v34+s31+$0x0] =	vst.idx.msk vm0, v55  }
0x513: {  	v45 =	vadd.s32 s10, v6;
	v20 =	vadd.s32 s8, v6;
	v47 =	vadd.f32 v62, v59;
	v9 =	vld.idx.msk [tilespmem:v9+s29+$0x0], $0xffff;
	[tilespmem:v32+s31+$0x0] =	vst.idx.msk vm1, v10  }
0x514: {  	v34 =	vmovc v8;
	v10 =	vadd.s32 s12, v6;
	v13 =	vmul.f32 $5.000000000e-01, v13;
	v12 =	vadd.f32 v12, v35;
	v32 =	vmovc v1;
	v55 =	vld.idx.msk [tilespmem:v60+s29+$0x0], $0xffff  }
.Ltmp7:
0x515: {  	v8 =	vand.u32 $0xFFF8, v45;
	v1 =	vand.u32 $0xFFF8, v20;
	v20 =	vmul.f32 $5.000000000e-01, v47;
	v45 =	vld.idx.msk [tilespmem:v31+s29+$0x0], $0xffff;
	v31 =	vmovc v48;
	(pc) =	sbr.rel @p0 .LBB2_16-.Ltmp7, $4  }
0x516: {  	v10 =	vand.u32 $0xFFD8, v10;
	v53 =	vmul.f32 $5.000000000e-01, v12;
	[tilespmem:v11+s31+$0x0] =	vst.idx.msk vm6, v13;
	v11 =	vadd.s32 s11, v4;
	v48 =	vld.idx.msk [tilespmem:v26+s29+$0x0], $0xffff;
	v26 =	vmovc v43  }
0x517: {  	v12 =	vadd.f32 v54, v52;
	v52 =	vor.u32 v7, v1;
	v54 =	vld.idx.msk [tilespmem:v44+s29+$0x0], $0xffff;
	v1 =	vand.u32 $0xFFF8, v11  }
0x518: {  	v51 =	vor.u32 v7, v8;
	v43 =	vor.u32 v7, v10;
	v56 =	vld.idx.msk [tilespmem:v14+s29+$0x0], $0xffff;
	v57 =	vor.u32 v5, v1  }
0x519: {  	s18 =	sadd.s32 $0x40, s18;
	v44 =	vadd.s32 $0x1E06, v39;
	v59 =	vmul.f32 $5.000000000e-01, v12;
	v58 =	vadd.f32 v9, v19;
	[tilespmem:v41+s31+$0x0] =	vst.idx.msk vm7, v20;
	v35 =	vld.idx.msk [tilespmem:v40+s29+$0x0], $0xffff  }
0x51a: {  	_ =	sdelay $0x2  }
0x51b: {  	v1 =	vadd.f32 v55, v50;
	_ =	sdelay $0x1  }
0x51c: {  	[tilespmem:v42+s31+$0x0] =	vst.idx.msk vm4, v59;
	v1 =	vmul.f32 $5.000000000e-01, v1  }
0x51d: {  	vm6 =	vmmov vm6;
	v8 =	vld.idx.msk [tilespmem:v33+s29+$0x0], $0xffff  }
0x51e: {  	[tilespmem:v38+s31+$0x0] =	vst.idx.msk vm5, v1;
	v1 =	vld.idx.msk [tilespmem:v28+s29+$0x0], $0xffff  }
0x51f: {  	v12 =	vadd.f32 v56, v54;
	v10 =	vld.idx.msk [tilespmem:v29+s29+$0x0], $0xffff  }
0x520: {  	v11 =	vmul.f32 $5.000000000e-01, v58;
	v13 =	vld.idx.msk [tilespmem:v30+s29+$0x0], $0xffff  }
0x521: {  	v9 =	vadd.s32 $0x1E06, v25;
	vm4 =	vmmov vm4;
	v63 =	vmul.f32 $5.000000000e-01, v12  }
0x522: {  	[tilespmem:v57+s31+$0x0] =	vst.idx.msk vm3, v11  }
0x523: {  	vm5 =	vmmov vm5;
	v12 =	vld.idx.msk [tilespmem:v44+s29+$0x0], $0xffff;
	[tilespmem:v46+s31+$0x0] =	vst.idx.msk vm6, v63;
	v1 =	vadd.f32 v1, v8  }
0x524: {  	v33 =	vld.idx.msk [tilespmem:v27+s29+$0x0], $0xffff  }
0x525: {  	v11 =	vld.idx.msk [tilespmem:v37+s29+$0x0], $0xffff;
	v10 =	vadd.f32 v13, v10;
	v1 =	vmul.f32 $5.000000000e-01, v1  }
0x526: {  	v8 =	vld.idx.msk [tilespmem:v9+s29+$0x0], $0xffff  }
0x527: {  	v13 =	vld.idx.msk [tilespmem:v23+s29+$0x0], $0xffff;
	v10 =	vmul.f32 $5.000000000e-01, v10;
	[tilespmem:v34+s31+$0x0] =	vst.idx.msk vm4, v1  }
0x528: {  	v1 =	vld.idx.msk [tilespmem:v31+s29+$0x0], $0xffff  }
0x529: {  	v14 =	vadd.s32 s11, v6;
	[tilespmem:v32+s31+$0x0] =	vst.idx.msk vm5, v10;
	v34 =	vld.idx.msk [tilespmem:v26+s29+$0x0], $0xffff  }
0x52a: {  	v14 =	vand.u32 $0xFFF8, v14;
	vm3 =	vmmov vm3;
	v19 =	vld.idx.msk [tilespmem:v49+s29+$0x0], $0xffff  }
0x52b: {  	v20 =	vadd.f32 v48, v45;
	v14 =	vor.u32 v7, v14;
	v23 =	vld.idx.msk [tilespmem:v36+s29+$0x0], $0xffff  }
0x52c: {  	vm1 =	vmmov vm1;
	v8 =	vadd.f32 v8, v12  }
0x52d: {  	v9 =	vadd.f32 v11, v33;
	v12 =	vmul.f32 $5.000000000e-01, v20  }
0x52e: {  	[tilespmem:v21+s31+$0x0] =	vst.idx.msk vm2, v53;
	v36 =	vadd.f32 v13, v35;
	v8 =	vmul.f32 $5.000000000e-01, v8  }
0x52f: {  	v9 =	vmul.f32 $5.000000000e-01, v9;
	[tilespmem:v24+s31+$0x0] =	vst.idx.msk vm0, v12;
	v1 =	vadd.f32 v34, v1  }
0x530: {  	[tilespmem:v14+s31+$0x0] =	vst.idx.msk vm3, v8;
	v8 =	vmul.f32 $5.000000000e-01, v36;
	v37 =	vadd.f32 v23, v19  }
0x531: {  	[tilespmem:v52+s31+$0x0] =	vst.idx.msk vm6, v9;
	v1 =	vmul.f32 $5.000000000e-01, v1  }
0x532: {  	[tilespmem:v22+s31+$0x0] =	vst.idx.msk vm1, v8;
	v8 =	vmul.f32 $5.000000000e-01, v37  }
0x533: {  	[tilespmem:v43+s31+$0x0] =	vst.idx.msk vm4, v1  }
0x534: {  	[tilespmem:v51+s31+$0x0] =	vst.idx.msk vm5, v8  }
0x535: {  	v1 =	vld [tilespmem:$0x2800]  }
0x536: {  	v8 =	vld [tilespmem:$0x5010];
	_ =	sdelay $0x6  }
0x537: {  	v9 =	vld.idx.msk [tilespmem:v1+s29+$0x0], $0xffff  }
0x538: {  	v38 =	vld.idx.msk [tilespmem:v8+s29+$0x0], $0xffff;
	_ =	sdelay $0x4  }
0x539: {  	v39 =	vadd.s32 $0xA02, v1;
	v9 =	vadd.f32 v38, v9  }
0x53a: {  	v40 =	vadd.s32 $0xA02, v8  }
0x53b: {  	v9 =	vmul.f32 $5.000000000e-01, v9;
	_ =	sdelay $0x1  }
0x53c: {  	[tilespmem:v18+s31+$0x0] =	vst.idx.msk $0x3, v9  }
0x53d: {  	v9 =	vld.idx.msk [tilespmem:v39+s29+$0x0], $0xffff  }
0x53e: {  	v41 =	vld.idx.msk [tilespmem:v40+s29+$0x0], $0xffff  }
0x53f: {  	v12 =	vld [tilespmem:$0x1FF50];
	_ =	sdelay $0x3  }
0x540: {  	v42 =	vadd.s32 $0x1404, v1;
	v9 =	vadd.f32 v41, v9  }
0x541: {  	v43 =	vadd.s32 $0x1404, v8  }
0x542: {  	v9 =	vmul.f32 $5.000000000e-01, v9;
	_ =	sdelay $0x1  }
0x543: {  	[tilespmem:v12+s31+$0x0] =	vst.idx.msk $0x3, v9  }
0x544: {  	v9 =	vld.idx.msk [tilespmem:v42+s29+$0x0], $0xffff  }
0x545: {  	v44 =	vld.idx.msk [tilespmem:v43+s29+$0x0], $0xffff  }
0x546: {  	v45 =	vld [tilespmem:$0x1FF60];
	_ =	sdelay $0x3  }
0x547: {  	v1 =	vadd.s32 $0x1E06, v1;
	v9 =	vadd.f32 v44, v9  }
0x548: {  	v8 =	vadd.s32 $0x1E06, v8  }
0x549: {  	v9 =	vmul.f32 $5.000000000e-01, v9;
	_ =	sdelay $0x1  }
0x54a: {  	[tilespmem:v45+s31+$0x0] =	vst.idx.msk $0x3, v9  }
0x54b: {  	v1 =	vld.idx.msk [tilespmem:v1+s29+$0x0], $0xffff  }
0x54c: {  	v8 =	vld.idx.msk [tilespmem:v8+s29+$0x0], $0xffff;
	_ =	sdelay $0x4  }
0x54d: {  	v1 =	vadd.f32 v8, v1;
	v8 =	vld [tilespmem:$0x1FF70];
	_ =	sdelay $0x5  }
0x54e: {  	v1 =	vmul.f32 $5.000000000e-01, v1;
	_ =	sdelay $0x1  }
0x54f: {  	s8 =	simm.s32 $0x0;
	s9 =	rddreg [dreg:$0xa];
	[tilespmem:v8+s31+$0x0] =	vst.idx.msk $0x3, v1  }
0x550: {  	[hbm4b:s9+s8] =	stream.linear.scatter [tilespmem:s31], [sflag:$0x3], $0xA008, $0x38;
	[tilespmem:$0x1B850] =	vst v63  }
0x551: {  	_ =	swait.ge [sflag:s4], $0x5004  }
0x552: {  	v52 =	vld [tilespmem:$0x1FFD0]  }
0x553: {  	v51 =	vld [tilespmem:$0x1FFC0]  }
0x554: {  	[sflag:s4] =	ssyncset.done $0x0;
	v53 =	vld [tilespmem:$0x1FFE0]  }
0x555: {  	s19 =	simm.s32 $0x20;
	v54 =	vld [tilespmem:$0x1FFF0];
	[sflag:s4] =	ssyncadd.s32 $0xFFFFAFFC  }
0x556: {  	s10 =	simm.s32 $0x2830;
	v1 =	vld [tilespmem:s19+$0x10]  }
0x557: {  	v8 =	vld [tilespmem:s10+$0x10]  }
0x558: {  	v46 =	vld [tilespmem:s10+$0xFFFFFFE0]  }
0x559: {  	v47 =	vld [tilespmem:s19+$0xFFFFFFF0]  }
0x55a: {  	v12 =	vld [tilespmem:s10+$0xFFFFFFF0]  }
0x55b: {  	v14 =	vld [tilespmem:s19+$0x0];
	v49 =	vadd.s32 $0x2808, v1  }
0x55c: {  	s21 =	simm.s32 $0x10;
	v19 =	vld [tilespmem:s10+$0x0];
	v13 =	vadd.s32 $0x2808, v8  }
0x55d: {  	s22 =	simm.s32 $0x20;
	s12 =	simm.s32 $0x60;
	v50 =	vmov s21;
	v20 =	vld [tilespmem:s19+$0xFFFFFFE0]  }
0x55e: {  	s20 =	simm.s32 $0x30;
	s18 =	simm.s32 $0x70;
	v55 =	vmov s22;
	vm2 =	vmmov vm5;
	s9 =	simm.s32 $0x2870;
	v32 =	vld [tilespmem:s12+$0x10];
	v21 =	vadd.s32 $0x2808, v46  }
0x55f: {  	v63 =	vmov s18;
	v26 =	vmov s20;
	v33 =	vld [tilespmem:s9+$0x10];
	v22 =	vadd.s32 $0x2808, v47  }
0x560: {  	v27 =	vadd.s32 s20, v52;
	vm4 =	vlt.u32 v26, v51;
	v23 =	vadd.s32 $0x2808, v12;
	v11 =	vld.idx.msk [tilespmem:v49+s29+$0x0], $0xffff  }
0x561: {  	v29 =	vadd.s32 s8, v54;
	v30 =	vadd.s32 s21, v52;
	v25 =	vadd.s32 $0x2808, v19;
	v13 =	vld.idx.msk [tilespmem:v13+s29+$0x0], $0xffff  }
0x562: {  	s11 =	simm.s32 $0x40;
	v56 =	vld [tilespmem:s12+$0x0];
	v31 =	vadd.s32 s22, v52;
	vm5 =	vlt.u32 v50, v51;
	v28 =	vadd.s32 $0x2808, v20  }
0x563: {  	s23 =	simm.s32 $0x50;
	vm6 =	vlt.u32 v55, v51;
	v61 =	vadd.s32 s11, v52;
	v57 =	vadd.s32 $0x2808, v32;
	v21 =	vld.idx.msk [tilespmem:v21+s29+$0x0], $0xffff  }
0x564: {  	s24 =	simm.s32 $0x60;
	v62 =	vadd.s32 s23, v52;
	v26 =	vand.u32 $0xFFF8, v27;
	v24 =	vadd.s32 $0x2808, v14;
	v22 =	vld.idx.msk [tilespmem:v22+s29+$0x0], $0xffff  }
0x565: {  	v55 =	vadd.s32 s24, v52;
	v26 =	vor.u32 v53, v26;
	v58 =	vadd.s32 $0x2808, v33;
	v23 =	vld.idx.msk [tilespmem:v23+s29+$0x0], $0xffff  }
0x566: {  	vm3 =	vlt.u32 v63, v51;
	v1 =	vadd.s32 $0x320A, v1;
	v25 =	vld.idx.msk [tilespmem:v25+s29+$0x0], $0xffff;
	v11 =	vadd.f32 v13, v11  }
0x567: {  	v27 =	vadd.s32 s8, v52;
	v30 =	vand.u32 $0xFFF8, v30;
	v8 =	vadd.s32 $0x320A, v8;
	v28 =	vld.idx.msk [tilespmem:v28+s29+$0x0], $0xffff  }
0x568: {  	vm0 =	vmmov vm5;
	v9 =	vadd.s32 $0x320A, v46;
	v36 =	vld.idx.msk [tilespmem:v57+s29+$0x0], $0xffff;
	v11 =	vmul.f32 $5.000000000e-01, v11  }
0x569: {  	v10 =	vadd.s32 $0x320A, v47;
	v13 =	vadd.s32 $0x320A, v14;
	v14 =	vadd.s32 $0x320A, v19;
	v19 =	vld.idx.msk [tilespmem:v24+s29+$0x0], $0xffff  }
0x56a: {  	v12 =	vadd.s32 $0x320A, v12;
	v20 =	vadd.s32 $0x320A, v20;
	v40 =	vadd.s32 $0x2808, v56;
	v37 =	vld.idx.msk [tilespmem:v58+s29+$0x0], $0xffff;
	[tilespmem:v26+s31+$0x0] =	vst.idx.msk vm4, v11  }
0x56b: {  	v24 =	vmov s8;
	v22 =	vadd.f32 v23, v22;
	v23 =	vadd.s32 s22, v54;
	v1 =	vld.idx.msk [tilespmem:v1+s29+$0x0], $0xffff  }
0x56c: {  	v21 =	vadd.f32 v21, v28;
	vm1 =	vlt.u32 v24, v51;
	v28 =	vand.u32 $0x1FFF8, v23;
	v8 =	vld.idx.msk [tilespmem:v8+s29+$0x0], $0xffff  }
0x56d: {  	v26 =	vand.u32 $0xFFD8, v27;
	v27 =	vand.u32 $0xFFF8, v31;
	v31 =	vor.u32 v53, v30;
	v30 =	vld [tilespmem:s9+$0xFFFFFFF0]  }
0x56e: {  	v34 =	vmul.f32 $5.000000000e-01, v22;
	v22 =	vadd.s32 s21, v54;
	v19 =	vadd.f32 v25, v19;
	v25 =	vld [tilespmem:s9+$0xFFFFFFE0]  }
0x56f: {  	v22 =	vand.u32 $0x1FFF8, v22;
	v11 =	vor.u32 v53, v27;
	v24 =	vor.u32 v53, v26;
	v27 =	vld [tilespmem:s12+$0xFFFFFFF0]  }
0x570: {  	v26 =	vmul.f32 $5.000000000e-01, v21;
	v21 =	vor.u32 v3, v22;
	v22 =	vor.u32 v3, v28;
	v28 =	vld [tilespmem:s9+$0x0]  }
0x571: {  	v23 =	vand.u32 $0x1FFD8, v29;
	v29 =	vadd.s32 s20, v54;
	v1 =	vadd.f32 v8, v1;
	v8 =	vld [tilespmem:s12+$0xFFFFFFE0]  }
0x572: {  	v38 =	vand.u32 $0xFFF8, v62;
	v48 =	vld.idx.msk [tilespmem:v40+s29+$0x0], $0xffff;
	v29 =	vand.u32 $0x1FFF8, v29;
	v39 =	vadd.s32 $0x2808, v30;
	[tilespmem:v31+s31+$0x0] =	vst.idx.msk vm5, v34  }
0x573: {  	v62 =	vadd.s32 $0x320A, v33;
	v42 =	vor.u32 v3, v29;
	v29 =	vadd.s32 $0x2808, v25;
	v33 =	vld.idx.msk [tilespmem:v10+s29+$0x0], $0xffff  }
0x574: {  	v61 =	vand.u32 $0xFFD8, v61;
	v47 =	vadd.s32 s18, v52;
	[tilespmem:v24+s31+$0x0] =	vst.idx.msk vm1, v26;
	v59 =	vadd.s32 $0x2808, v27;
	v35 =	vld.idx.msk [tilespmem:v12+s29+$0x0], $0xffff  }
0x575: {  	v32 =	vadd.s32 $0x320A, v32;
	v38 =	vor.u32 v53, v38;
	v60 =	vadd.s32 $0x2808, v28;
	v20 =	vld.idx.msk [tilespmem:v20+s29+$0x0], $0xffff  }
0x576: {  	v57 =	vmov s23;
	v23 =	vor.u32 v3, v23;
	v9 =	vld.idx.msk [tilespmem:v9+s29+$0x0], $0xffff;
	v41 =	vadd.s32 $0x2808, v8  }
0x577: {  	vm2 =	vmmov vm1;
	v19 =	vmul.f32 $5.000000000e-01, v19;
	v31 =	vadd.f32 v37, v36;
	v39 =	vld.idx.msk [tilespmem:v39+s29+$0x0], $0xffff  }
0x578: {  	v26 =	vadd.s32 $0x320A, v27;
	v27 =	vadd.s32 $0x320A, v56;
	v56 =	vand.u32 $0xFFF8, v47;
	v44 =	vld.idx.msk [tilespmem:v29+s29+$0x0], $0xffff  }
0x579: {  	v24 =	vadd.s32 $0x320A, v25;
	vm1 =	vmmov vm6;
	v46 =	vor.u32 v53, v56;
	v45 =	vld.idx.msk [tilespmem:v59+s29+$0x0], $0xffff  }
0x57a: {  	v25 =	vadd.s32 $0x320A, v30;
	v28 =	vadd.s32 $0x320A, v28;
	v30 =	vadd.s32 s11, v54;
	v58 =	vld.idx.msk [tilespmem:v60+s29+$0x0], $0xffff  }
0x57b: {  	[tilespmem:v11+s31+$0x0] =	vst.idx.msk vm6, v19;
	v19 =	vand.u32 $0xFFF8, v55;
	vm6 =	vlt.u32 v57, v51;
	v1 =	vmul.f32 $5.000000000e-01, v1;
	v59 =	vld.idx.msk [tilespmem:v41+s29+$0x0], $0xffff  }
0x57c: {  	v63 =	vmul.f32 $5.000000000e-01, v31;
	v36 =	vor.u32 v53, v19;
	v31 =	vld.idx.msk [tilespmem:v13+s29+$0x0], $0xffff;
	v60 =	vmov s24  }
0x57d: {  	v34 =	vld.idx.msk [tilespmem:v14+s29+$0x0], $0xffff;
	[tilespmem:v42+s31+$0x0] =	vst.idx.msk vm4, v1;
	v29 =	vadd.s32 $0x320A, v8;
	v8 =	vmov s11;
	vm5 =	vlt.u32 v60, v51  }
0x57e: {  	v42 =	vadd.s32 s24, v54;
	vm7 =	vlt.u32 v8, v51;
	[tilespmem:v46+s31+$0x0] =	vst.idx.msk vm3, v63;
	v12 =	vadd.f32 v39, v45  }
0x57f: {  	v32 =	vld.idx.msk [tilespmem:v32+s29+$0x0], $0xffff;
	v39 =	vor.u32 v53, v61;
	v43 =	vadd.f32 v58, v48;
	v41 =	vadd.f32 v9, v20  }
0x580: {  	s17 =	simm.s32 $0xA0;
	s12 =	simm.s32 $0x4;
	v37 =	vld.idx.msk [tilespmem:v62+s29+$0x0], $0xffff;
	v45 =	vadd.s32 s23, v54;
	v40 =	vmul.f32 $5.000000000e-01, v12;
	v44 =	vadd.f32 v44, v59  }
.LBB2_18:
0x581: {  	v1 =	vld [tilespmem:s17+$0x10];
	v8 =	vand.u32 $0x1FFF8, v45;
	v9 =	vmul.f32 $5.000000000e-01, v43;
	s9 =	sadd.s32 $0x40, s9;
	v10 =	vmul.f32 $5.000000000e-01, v41  }
0x582: {  	v13 =	vand.u32 $0x1FFF8, v42;
	v14 =	vadd.f32 v35, v33;
	v11 =	vld [tilespmem:s9+$0x10];
	v12 =	vmul.f32 $5.000000000e-01, v44;
	[tilespmem:v38+s31+$0x0] =	vst.idx.msk vm6, v40  }
0x583: {  	s12 =	sadd.s32 $0x4, s12;
	v20 =	vand.u32 $0x1FFD8, v30;
	v8 =	vor.u32 v3, v8;
	v19 =	vld [tilespmem:s9+$0xFFFFFFE0];
	[tilespmem:v36+s31+$0x0] =	vst.idx.msk vm5, v9;
	v9 =	vadd.s32 s18, v54  }
0x584: {  	p0 =	slt.u32 s12, $0x27C;
	v30 =	vld [tilespmem:s17+$0xFFFFFFF0];
	[tilespmem:v39+s31+$0x0] =	vst.idx.msk vm7, v12;
	v9 =	vand.u32 $0x1FFF8, v9;
	v12 =	vmul.f32 $5.000000000e-01, v14;
	v14 =	vadd.f32 v34, v31  }
0x585: {  	v20 =	vor.u32 v3, v20;
	v13 =	vor.u32 v3, v13;
	v31 =	vld [tilespmem:s9+$0xFFFFFFF0];
	v9 =	vor.u32 v3, v9  }
0x586: {  	v32 =	vadd.f32 v37, v32;
	v33 =	vld [tilespmem:s17+$0x0];
	v34 =	vadd.s32 $0x2808, v1;
	[tilespmem:v23+s31+$0x0] =	vst.idx.msk vm2, v10;
	v10 =	vmul.f32 $5.000000000e-01, v14;
	v23 =	vmovc v20  }
0x587: {  	vm2 =	vmmov vm7;
	v14 =	vld [tilespmem:s9+$0x0];
	v20 =	vadd.s32 $0x2808, v11;
	[tilespmem:v21+s31+$0x0] =	vst.idx.msk vm0, v12;
	v21 =	vmovc v8;
	vm0 =	vmmov vm6  }
0x588: {  	v32 =	vmul.f32 $5.000000000e-01, v32;
	v8 =	vld [tilespmem:s17+$0xFFFFFFE0];
	v12 =	vadd.s32 $0x2808, v19;
	v19 =	vadd.s32 $0x320A, v19;
	[tilespmem:v22+s31+$0x0] =	vst.idx.msk vm1, v10;
	v22 =	vmovc v13  }
0x589: {  	vm1 =	vmmov vm5;
	v10 =	vadd.s32 $0x2808, v30;
	v13 =	vadd.s32 $0x320A, v30;
	v37 =	vld.idx.msk [tilespmem:v29+s29+$0x0], $0xffff  }
0x58a: {  	v35 =	vadd.s32 $0x2808, v31;
	v31 =	vadd.s32 $0x320A, v31;
	v41 =	vld.idx.msk [tilespmem:v24+s29+$0x0], $0xffff;
	[tilespmem:v9+s31+$0x0] =	vst.idx.msk vm3, v32;
	v24 =	vmov v19  }
0x58b: {  	v9 =	vadd.s32 $0x2808, v33;
	v19 =	vadd.s32 $0x320A, v33;
	v32 =	vld.idx.msk [tilespmem:v34+s29+$0x0], $0xffff  }
0x58c: {  	v33 =	vadd.s32 $0x2808, v14;
	v14 =	vadd.s32 $0x320A, v14;
	v20 =	vld.idx.msk [tilespmem:v20+s29+$0x0], $0xffff  }
0x58d: {  	s11 =	sadd.s32 $0x40, s11;
	v34 =	vadd.s32 $0x2808, v8;
	v12 =	vld.idx.msk [tilespmem:v12+s29+$0x0], $0xffff;
	v29 =	vadd.s32 $0x320A, v8  }
0x58e: {  	s8 =	sadd.s32 $0x10, s11;
	s10 =	sadd.s32 $0x20, s11;
	v36 =	vadd.s32 s11, v52;
	s18 =	sadd.s32 $0x30, s11;
	v30 =	vadd.s32 s11, v54;
	v8 =	vmov s11;
	v10 =	vld.idx.msk [tilespmem:v10+s29+$0x0], $0xffff  }
0x58f: {  	v38 =	vmov s18;
	v40 =	vadd.s32 s18, v52;
	v39 =	vld.idx.msk [tilespmem:v35+s29+$0x0], $0xffff;
	v35 =	vadd.s32 s8, v52  }
0x590: {  	v42 =	vadd.s32 s10, v52;
	vm3 =	vlt.u32 v38, v51;
	v38 =	vand.u32 $0xFFF8, v40;
	v9 =	vld.idx.msk [tilespmem:v9+s29+$0x0], $0xffff  }
0x591: {  	v40 =	vmov s8;
	v44 =	vor.u32 v53, v38;
	v35 =	vand.u32 $0xFFF8, v35;
	v43 =	vld.idx.msk [tilespmem:v33+s29+$0x0], $0xffff  }
0x592: {  	v1 =	vadd.s32 $0x320A, v1;
	v20 =	vadd.f32 v20, v32;
	v45 =	vld.idx.msk [tilespmem:v34+s29+$0x0], $0xffff;
	v34 =	vmov s10  }
0x593: {  	v11 =	vadd.s32 $0x320A, v11;
	v32 =	vand.u32 $0xFFD8, v36;
	v36 =	vand.u32 $0xFFF8, v42;
	v33 =	vld.idx.msk [tilespmem:v26+s29+$0x0], $0xffff;
	v26 =	vmovc v13  }
.Ltmp8:
0x594: {  	vm6 =	vlt.u32 v40, v51;
	v38 =	vor.u32 v53, v35;
	v13 =	vmul.f32 $5.000000000e-01, v20;
	v35 =	vld.idx.msk [tilespmem:v25+s29+$0x0], $0xffff;
	v25 =	vmovc v31;
	(pc) =	sbr.rel @p0 .LBB2_18-.Ltmp8, $4  }
0x595: {  	v36 =	vor.u32 v53, v36;
	vm5 =	vlt.u32 v34, v51;
	v10 =	vadd.f32 v39, v10;
	v31 =	vld.idx.msk [tilespmem:v27+s29+$0x0], $0xffff  }
0x596: {  	vm7 =	vlt.u32 v8, v51;
	v39 =	vor.u32 v53, v32;
	[tilespmem:v44+s31+$0x0] =	vst.idx.msk vm3, v13;
	v34 =	vld.idx.msk [tilespmem:v28+s29+$0x0], $0xffff  }
0x597: {  	v41 =	vadd.f32 v41, v37;
	v27 =	vmovc v19;
	v40 =	vmul.f32 $5.000000000e-01, v10;
	v43 =	vadd.f32 v43, v9;
	v32 =	vld.idx.msk [tilespmem:v1+s29+$0x0], $0xffff  }
0x598: {  	s17 =	sadd.s32 $0x40, s17;
	v42 =	vadd.s32 s10, v54;
	v28 =	vmovc v14;
	v44 =	vadd.f32 v12, v45;
	v45 =	vadd.s32 s8, v54;
	v37 =	vld.idx.msk [tilespmem:v11+s29+$0x0], $0xffff  }
0x599: {  	_ =	sdelay $0x3  }
0x59a: {  	v8 =	vmul.f32 $5.000000000e-01, v43  }
0x59b: {  	[tilespmem:v38+s31+$0x0] =	vst.idx.msk vm6, v40;
	v1 =	vmul.f32 $5.000000000e-01, v44  }
0x59c: {  	v10 =	vld.idx.msk [tilespmem:v26+s29+$0x0], $0xffff;
	[tilespmem:v36+s31+$0x0] =	vst.idx.msk vm5, v8  }
0x59d: {  	v8 =	vld.idx.msk [tilespmem:v25+s29+$0x0], $0xffff;
	[tilespmem:v39+s31+$0x0] =	vst.idx.msk vm7, v1  }
0x59e: {  	v1 =	vld.idx.msk [tilespmem:v29+s29+$0x0], $0xffff  }
0x59f: {  	v11 =	vand.u32 $0x1FFF8, v45;
	v9 =	vld.idx.msk [tilespmem:v24+s29+$0x0], $0xffff  }
0x5a0: {  	v12 =	vmul.f32 $5.000000000e-01, v41;
	v13 =	vadd.f32 v35, v33;
	v20 =	vadd.s32 s18, v54;
	v25 =	vld.idx.msk [tilespmem:v28+s29+$0x0], $0xffff  }
0x5a1: {  	v14 =	vand.u32 $0x1FFF8, v42;
	v19 =	vand.u32 $0x1FFD8, v30;
	v20 =	vand.u32 $0x1FFF8, v20;
	v24 =	vld.idx.msk [tilespmem:v27+s29+$0x0], $0xffff  }
0x5a2: {  	vm6 =	vmmov vm6;
	v26 =	vadd.f32 v34, v31;
	v20 =	vor.u32 v3, v20  }
0x5a3: {  	v19 =	vor.u32 v3, v19;
	v13 =	vmul.f32 $5.000000000e-01, v13;
	v27 =	vadd.f32 v37, v32  }
0x5a4: {  	v11 =	vor.u32 v3, v11;
	[tilespmem:v23+s31+$0x0] =	vst.idx.msk vm2, v12;
	v12 =	vmul.f32 $5.000000000e-01, v26;
	v1 =	vadd.f32 v9, v1  }
0x5a5: {  	v42 =	vor.u32 v3, v14;
	[tilespmem:v21+s31+$0x0] =	vst.idx.msk vm0, v13;
	v13 =	vmul.f32 $5.000000000e-01, v27;
	v8 =	vadd.f32 v8, v10  }
0x5a6: {  	[tilespmem:v22+s31+$0x0] =	vst.idx.msk vm1, v12;
	v43 =	vadd.f32 v25, v24;
	v1 =	vmul.f32 $5.000000000e-01, v1  }
0x5a7: {  	[tilespmem:v20+s31+$0x0] =	vst.idx.msk vm3, v13;
	v8 =	vmul.f32 $5.000000000e-01, v8  }
0x5a8: {  	[tilespmem:v19+s31+$0x0] =	vst.idx.msk vm7, v1;
	v1 =	vmul.f32 $5.000000000e-01, v43  }
0x5a9: {  	[tilespmem:v11+s31+$0x0] =	vst.idx.msk vm6, v8  }
0x5aa: {  	[tilespmem:v42+s31+$0x0] =	vst.idx.msk vm5, v1  }
0x5ab: {  	v1 =	vld [tilespmem:$0x2800]  }
0x5ac: {  	v8 =	vld [tilespmem:$0x5010];
	_ =	sdelay $0x3  }
0x5ad: {  	v44 =	vadd.s32 $0x2808, v1  }
0x5ae: {  	v45 =	vadd.s32 $0x2808, v8;
	_ =	sdelay $0x3  }
0x5af: {  	v9 =	vld.idx.msk [tilespmem:v44+s29+$0x0], $0xffff  }
0x5b0: {  	v10 =	vld.idx.msk [tilespmem:v45+s29+$0x0], $0xffff  }
0x5b1: {  	v46 =	vld [tilespmem:$0x1FF80];
	_ =	sdelay $0x3  }
0x5b2: {  	v1 =	vadd.s32 $0x320A, v1;
	v9 =	vadd.f32 v10, v9  }
0x5b3: {  	v8 =	vadd.s32 $0x320A, v8  }
0x5b4: {  	v9 =	vmul.f32 $5.000000000e-01, v9;
	_ =	sdelay $0x1  }
0x5b5: {  	[tilespmem:v46+s31+$0x0] =	vst.idx.msk $0x3, v9  }
0x5b6: {  	v1 =	vld.idx.msk [tilespmem:v1+s29+$0x0], $0xffff  }
0x5b7: {  	v8 =	vld.idx.msk [tilespmem:v8+s29+$0x0], $0xffff;
	_ =	sdelay $0x4  }
0x5b8: {  	v1 =	vadd.f32 v8, v1;
	v8 =	vld [tilespmem:$0x1FF90];
	_ =	sdelay $0x5  }
0x5b9: {  	v1 =	vmul.f32 $5.000000000e-01, v1;
	_ =	sdelay $0x1  }
0x5ba: {  	s11 =	simm.s32 $0x0;
	s8 =	rddreg [dreg:$0xb];
	[tilespmem:v8+s31+$0x0] =	vst.idx.msk $0x3, v1  }
0x5bb: {  	[hbm4b:s8+s11] =	stream.linear.scatter [tilespmem:s0], [sflag:$0x4], $0x5004, $0x38;
	[tilespmem:$0x1B850] =	vst v63  }
0x5bc: {  	s21 =	rddreg [dreg:$0xc]  }
0x5bd: {  	[tilespmem:s29], [sflag:$0x2] =	stream.linear.gather [hbm4b:s21+s11], $0x3C10, $0x38;
	[tilespmem:$0x1B850] =	vst v63  }
0x5be: {  	_ =	swait.ge [sflag:s30], $0x3C10  }
0x5bf: {  	[sflag:s30] =	ssyncset.done $0x0  }
0x5c0: {  	[sflag:s30] =	ssyncadd.s32 $0xFFFFC3F0  }
0x5c1: {  	_ =	swait.ge [sflag:s26], $0xA008  }
0x5c2: {  	[sflag:s26] =	ssyncset.done $0x0  }
0x5c3: {  	s22 =	simm.s32 $0x20;
	[sflag:s26] =	ssyncadd.s32 $0xFFFF5FF8  }
0x5c4: {  	s10 =	simm.s32 $0x2830;
	v1 =	vld [tilespmem:s22+$0x10]  }
0x5c5: {  	v8 =	vld [tilespmem:s10+$0x10];
	_ =	sdelay $0x2  }
0x5c6: {  	v47 =	vld [tilespmem:s22+$0xFFFFFFF0]  }
0x5c7: {  	v48 =	vld [tilespmem:s10+$0xFFFFFFF0]  }
0x5c8: {  	v49 =	vld [tilespmem:s22+$0x0]  }
0x5c9: {  	v14 =	vld [tilespmem:s10+$0x0]  }
0x5ca: {  	v12 =	vld.idx.msk [tilespmem:v1+s28+$0x0], $0xffff  }
0x5cb: {  	v13 =	vld.idx.msk [tilespmem:v8+s28+$0x0], $0xffff  }
0x5cc: {  	s9 =	simm.s32 $0x30  }
0x5cd: {  	v20 =	vor.u32 s9, v0;
	v21 =	vld [tilespmem:s22+$0xFFFFFFE0]  }
0x5ce: {  	vm0 =	vlt.u32 v20, $0x2802;
	v22 =	vld.idx.msk [tilespmem:v47+s28+$0x0], $0xffff  }
0x5cf: {  	v20 =	vand.u32 v17, v20;
	v23 =	vld.idx.msk [tilespmem:v48+s28+$0x0], $0xffff  }
0x5d0: {  	s23 =	simm.s32 $0x10;
	v12 =	vadd.f32 v13, v12  }
0x5d1: {  	vm2 =	vmmov vm5;
	v25 =	vor.u32 s23, v0;
	v19 =	vld [tilespmem:s10+$0xFFFFFFE0]  }
0x5d2: {  	vm2 =	vlt.u32 v25, $0x2802;
	v26 =	vld.idx.msk [tilespmem:v49+s28+$0x0], $0xffff;
	v13 =	vadd.s32 $0xA02, v1;
	v12 =	vmul.f32 $5.000000000e-01, v12  }
0x5d3: {  	v25 =	vand.u32 v15, v25;
	v24 =	vadd.s32 $0xA02, v8;
	v27 =	vld.idx.msk [tilespmem:v14+s28+$0x0], $0xffff  }
0x5d4: {  	s24 =	simm.s32 $0x20;
	[tilespmem:v20+s31+$0x0] =	vst.idx.msk vm0, v12;
	v20 =	vadd.f32 v23, v22  }
0x5d5: {  	v28 =	vor.u32 s24, v0  }
0x5d6: {  	vm1 =	vlt.u32 v28, $0x2802;
	v30 =	vld.idx.msk [tilespmem:v21+s28+$0x0], $0xffff;
	v20 =	vmul.f32 $5.000000000e-01, v20  }
0x5d7: {  	v28 =	vand.u32 v16, v28;
	v12 =	vadd.s32 $0xA02, v47;
	v13 =	vld.idx.msk [tilespmem:v13+s28+$0x0], $0xffff  }
0x5d8: {  	v26 =	vadd.f32 v27, v26;
	v22 =	vadd.s32 $0xA02, v48;
	v23 =	vld.idx.msk [tilespmem:v24+s28+$0x0], $0xffff;
	[tilespmem:v25+s31+$0x0] =	vst.idx.msk vm2, v20  }
0x5d9: {  	v63 =	vld [tilespmem:$0x1FFA0]  }
0x5da: {  	v31 =	vadd.s32 s9, v2;
	v26 =	vmul.f32 $5.000000000e-01, v26;
	v24 =	vld.idx.msk [tilespmem:v19+s28+$0x0], $0xffff  }
0x5db: {  	v20 =	vand.u32 $0x7FF8, v31  }
0x5dc: {  	v29 =	vor.u32 s11, v0;
	v12 =	vld.idx.msk [tilespmem:v12+s28+$0x0], $0xffff;
	v20 =	vor.u32 v3, v20;
	[tilespmem:v28+s31+$0x0] =	vst.idx.msk vm1, v26;
	v26 =	vadd.s32 $0xA02, v14  }
0x5dd: {  	vm3 =	vlt.u32 v29, $0x2802;
	v22 =	vld.idx.msk [tilespmem:v22+s28+$0x0], $0xffff;
	v13 =	vadd.f32 v23, v13;
	v23 =	vadd.s32 $0x1404, v1  }
0x5de: {  	v31 =	vadd.s32 $0x1404, v8;
	v27 =	vand.u32 v63, v29  }
0x5df: {  	s17 =	simm.s32 $0x2870;
	v50 =	vadd.s32 s23, v2;
	v24 =	vadd.f32 v24, v30;
	v13 =	vmul.f32 $5.000000000e-01, v13  }
0x5e0: {  	v32 =	vand.u32 $0x7FF8, v50;
	v55 =	vld [tilespmem:s17+$0xFFFFFFE0];
	v25 =	vadd.s32 $0xA02, v49  }
0x5e1: {  	v28 =	vor.u32 v3, v32;
	v24 =	vmul.f32 $5.000000000e-01, v24;
	[tilespmem:v20+s31+$0x0] =	vst.idx.msk vm0, v13;
	v52 =	vld.idx.msk [tilespmem:v26+s28+$0x0], $0xffff  }
0x5e2: {  	v12 =	vadd.f32 v22, v12;
	v26 =	vadd.s32 s11, v2;
	v20 =	vld.idx.msk [tilespmem:v23+s28+$0x0], $0xffff;
	v23 =	vadd.s32 $0x1404, v48  }
0x5e3: {  	s12 =	simm.s32 $0x60;
	v37 =	vadd.s32 $0x1404, v19;
	v26 =	vand.u32 $0x7FD8, v26;
	[tilespmem:v27+s31+$0x0] =	vst.idx.msk vm3, v24;
	v24 =	vld.idx.msk [tilespmem:v31+s28+$0x0], $0xffff  }
0x5e4: {  	v43 =	vld [tilespmem:s12+$0xFFFFFFF0];
	v12 =	vmul.f32 $5.000000000e-01, v12;
	v53 =	vor.u32 v3, v26;
	v26 =	vadd.s32 s23, v4  }
0x5e5: {  	v25 =	vld.idx.msk [tilespmem:v25+s28+$0x0], $0xffff;
	v13 =	vadd.s32 $0x1404, v47;
	v22 =	vadd.s32 s9, v4;
	v26 =	vand.u32 $0xFFF8, v26  }
0x5e6: {  	v29 =	vadd.s32 $0xA02, v21;
	[tilespmem:v28+s31+$0x0] =	vst.idx.msk vm2, v12;
	v12 =	vand.u32 $0xFFF8, v22;
	v45 =	vor.u32 v5, v26;
	v26 =	vld [tilespmem:s17+$0xFFFFFFF0]  }
0x5e7: {  	v30 =	vadd.s32 $0xA02, v19;
	v22 =	vadd.s32 $0x1E06, v19;
	v12 =	vor.u32 v5, v12;
	v19 =	vld.idx.msk [tilespmem:v23+s28+$0x0], $0xffff  }
0x5e8: {  	v1 =	vadd.s32 $0x1E06, v1;
	v23 =	vld [tilespmem:s12+$0x10];
	v20 =	vadd.f32 v24, v20;
	v24 =	vadd.s32 s24, v2  }
0x5e9: {  	v8 =	vadd.s32 $0x1E06, v8;
	v27 =	vand.u32 $0x7FF8, v24;
	v24 =	vld [tilespmem:s17+$0x10]  }
0x5ea: {  	v13 =	vld.idx.msk [tilespmem:v13+s28+$0x0], $0xffff;
	v20 =	vmul.f32 $5.000000000e-01, v20  }
0x5eb: {  	v57 =	vadd.s32 s23, v6;
	v31 =	vld.idx.msk [tilespmem:v29+s28+$0x0], $0xffff  }
0x5ec: {  	v11 =	vand.u32 $0xFFF8, v57;
	v51 =	vld.idx.msk [tilespmem:v30+s28+$0x0], $0xffff;
	v39 =	vor.u32 v3, v27;
	v27 =	vadd.s32 s11, v4;
	[tilespmem:v12+s31+$0x0] =	vst.idx.msk vm0, v20  }
0x5ed: {  	v56 =	vadd.s32 $0x1E06, v14;
	v27 =	vand.u32 $0xFFD8, v27;
	v20 =	vadd.s32 s24, v4;
	v1 =	vld.idx.msk [tilespmem:v1+s28+$0x0], $0xffff  }
0x5ee: {  	v54 =	vadd.s32 $0x1404, v21;
	v44 =	vor.u32 v5, v27;
	v20 =	vand.u32 $0xFFF8, v20;
	v8 =	vld.idx.msk [tilespmem:v8+s28+$0x0], $0xffff;
	[tilespmem:$0x1FCF0] =	vst v56  }
0x5ef: {  	v30 =	vor.u32 v5, v20;
	v20 =	vadd.s32 $0x1E06, v21;
	v27 =	vld [tilespmem:s12+$0x0];
	v21 =	vadd.s32 s11, v6  }
0x5f0: {  	v11 =	vor.u32 v7, v11;
	v46 =	vld.idx.msk [tilespmem:v23+s28+$0x0], $0xffff;
	v21 =	vand.u32 $0xFFD8, v21  }
0x5f1: {  	v9 =	vadd.s32 $0x1E06, v47;
	v58 =	vor.u32 v7, v21;
	v47 =	vld.idx.msk [tilespmem:v24+s28+$0x0], $0xffff;
	[tilespmem:$0x1FD00] =	vst v11  }
0x5f2: {  	v33 =	vadd.f32 v51, v31;
	[tilespmem:$0x1FD10] =	vst v58  }
0x5f3: {  	v12 =	vadd.s32 $0x1404, v14;
	v14 =	vadd.s32 s24, v6;
	v28 =	vld [tilespmem:s17+$0x0]  }
0x5f4: {  	s18 =	simm.s32 $0x70;
	v13 =	vadd.f32 v19, v13;
	v59 =	vmul.f32 $5.000000000e-01, v33;
	v14 =	vand.u32 $0xFFF8, v14;
	v40 =	vld [tilespmem:s12+$0xFFFFFFE0]  }
0x5f5: {  	v21 =	vor.u32 v7, v14;
	v14 =	vadd.f32 v52, v25;
	v25 =	vor.u32 s18, v0;
	v19 =	vld.idx.msk [tilespmem:v55+s28+$0x0], $0xffff  }
0x5f6: {  	vm4 =	vmmov vm7;
	s19 =	simm.s32 $0x50;
	vm9 =	vmmov vm0;
	vm0 =	vlt.u32 v25, $0x2802;
	v60 =	vld.idx.msk [tilespmem:v43+s28+$0x0], $0xffff  }
0x5f7: {  	v34 =	vor.u32 s19, v0;
	v10 =	vadd.s32 $0x1E06, v48;
	v25 =	vand.u32 v17, v25;
	v48 =	vld.idx.msk [tilespmem:v26+s28+$0x0], $0xffff;
	[tilespmem:v53+s31+$0x0] =	vst.idx.msk vm3, v59  }
0x5f8: {  	v29 =	vadd.s32 $0x1E06, v55;
	v62 =	vadd.s32 $0xA02, v23;
	v51 =	vld.idx.msk [tilespmem:v54+s28+$0x0], $0xffff;
	v46 =	vadd.f32 v47, v46  }
0x5f9: {  	v38 =	vand.u32 v15, v34;
	vm7 =	vmmov vm2;
	v50 =	vadd.s32 $0xA02, v24;
	v61 =	vld.idx.msk [tilespmem:v27+s28+$0x0], $0xffff;
	[tilespmem:$0x1FD20] =	vst v29  }
0x5fa: {  	v42 =	vadd.s32 $0x1404, v49;
	v35 =	vadd.s32 $0x1404, v55;
	v57 =	vmul.f32 $5.000000000e-01, v46;
	v46 =	vld.idx.msk [tilespmem:v37+s28+$0x0], $0xffff  }
0x5fb: {  	s21 =	simm.s32 $0x60;
	v32 =	vadd.s32 $0x1E06, v49;
	v49 =	vadd.s32 $0xA02, v55;
	vm2 =	vlt.u32 v34, $0x2802;
	v53 =	vld.idx.msk [tilespmem:v28+s28+$0x0], $0xffff  }
0x5fc: {  	v13 =	vmul.f32 $5.000000000e-01, v13;
	v14 =	vmul.f32 $5.000000000e-01, v14;
	v59 =	vor.u32 s21, v0;
	v55 =	vld.idx.msk [tilespmem:v40+s28+$0x0], $0xffff;
	[tilespmem:v25+s31+$0x0] =	vst.idx.msk vm0, v57  }
0x5fd: {  	v58 =	vadd.s32 $0xA02, v43;
	v1 =	vadd.f32 v8, v1;
	vm4 =	vlt.u32 v59, $0x2802;
	v47 =	vld.idx.msk [tilespmem:v62+s28+$0x0], $0xffff  }
0x5fe: {  	v41 =	vand.u32 v16, v59;
	v33 =	vadd.f32 v48, v60;
	[tilespmem:v39+s31+$0x0] =	vst.idx.msk vm1, v14;
	v60 =	vld.idx.msk [tilespmem:v50+s28+$0x0], $0xffff  }
0x5ff: {  	s20 =	simm.s32 $0x40;
	v59 =	vadd.s32 s19, v2;
	v14 =	vadd.s32 $0xA02, v26;
	[tilespmem:v45+s31+$0x0] =	vst.idx.msk vm7, v13;
	v13 =	vadd.s32 $0xA02, v27;
	v42 =	vld.idx.msk [tilespmem:v42+s28+$0x0], $0xffff  }
0x600: {  	v12 =	vld.idx.msk [tilespmem:v12+s28+$0x0], $0xffff;
	v33 =	vmul.f32 $5.000000000e-01, v33;
	v25 =	vor.u32 s20, v0;
	v57 =	vadd.s32 $0x1404, v23  }
0x601: {  	v9 =	vld.idx.msk [tilespmem:v9+s28+$0x0], $0xffff;
	vm5 =	vlt.u32 v25, $0x2802;
	v25 =	vand.u32 v63, v25;
	v62 =	vadd.s32 $0xA02, v40  }
0x602: {  	[tilespmem:v38+s31+$0x0] =	vst.idx.msk vm2, v33;
	v11 =	vadd.f32 v53, v61;
	v61 =	vadd.s32 s18, v2;
	v19 =	vadd.f32 v19, v55  }
0x603: {  	v53 =	vld.idx.msk [tilespmem:v58+s28+$0x0], $0xffff;
	v58 =	vadd.s32 $0x1404, v24;
	v50 =	vand.u32 $0x7FF8, v61;
	v56 =	vadd.f32 v60, v47  }
0x604: {  	v14 =	vld.idx.msk [tilespmem:v14+s28+$0x0], $0xffff;
	v61 =	vadd.f32 v46, v51;
	v11 =	vmul.f32 $5.000000000e-01, v11;
	v55 =	vor.u32 v3, v50  }
0x605: {  	s22 =	simm.s32 $0xA0;
	v8 =	vld.idx.msk [tilespmem:v10+s28+$0x0], $0xffff;
	v60 =	vadd.s32 $0xA02, v28;
	v51 =	vadd.s32 $0x1404, v28;
	v19 =	vmul.f32 $5.000000000e-01, v19  }
0x606: {  	[tilespmem:v41+s31+$0x0] =	vst.idx.msk vm4, v11;
	v11 =	vmul.f32 $5.000000000e-01, v61;
	v61 =	vadd.s32 $0x1E06, v24;
	v24 =	vadd.s32 $0x1E06, v28;
	v28 =	vld [tilespmem:s22+$0xFFFFFFF0]  }
0x607: {  	v37 =	vmul.f32 $5.000000000e-01, v1;
	v1 =	vand.u32 $0x7FF8, v59;
	[tilespmem:v25+s31+$0x0] =	vst.idx.msk vm5, v19;
	v19 =	vmul.f32 $5.000000000e-01, v56;
	v13 =	vld.idx.msk [tilespmem:v13+s28+$0x0], $0xffff  }
0x608: {  	v54 =	vadd.s32 $0x1404, v43;
	v1 =	vor.u32 v3, v1;
	v38 =	vadd.s32 $0x1E06, v43;
	v43 =	vld.idx.msk [tilespmem:v62+s28+$0x0], $0xffff  }
0x609: {  	v47 =	vld.idx.msk [tilespmem:v49+s28+$0x0], $0xffff;
	v14 =	vadd.f32 v14, v53;
	[tilespmem:v55+s31+$0x0] =	vst.idx.msk vm0, v19  }
0x60a: {  	vm8 =	vmmov vm3;
	v39 =	vld.idx.msk [tilespmem:v57+s28+$0x0], $0xffff  }
0x60b: {  	v25 =	vadd.s32 s21, v2;
	v36 =	vmul.f32 $5.000000000e-01, v14;
	v10 =	vld.idx.msk [tilespmem:v58+s28+$0x0], $0xffff  }
0x60c: {  	v25 =	vand.u32 $0x7FF8, v25;
	v53 =	vld [tilespmem:s22+$0xFFFFFFE0]  }
0x60d: {  	v34 =	vadd.s32 $0x1404, v26;
	v49 =	vor.u32 v3, v25;
	v25 =	vadd.s32 s19, v4;
	v14 =	vld.idx.msk [tilespmem:v60+s28+$0x0], $0xffff;
	[tilespmem:v1+s31+$0x0] =	vst.idx.msk vm2, v36  }
0x60e: {  	v52 =	vadd.s32 s9, v6;
	s9 =	simm.s32 $0x28B0;
	v55 =	vadd.s32 s18, v4;
	v25 =	vand.u32 $0xFFF8, v25;
	v58 =	vld.idx.msk [tilespmem:v54+s28+$0x0], $0xffff  }
0x60f: {  	v57 =	vand.u32 $0xFFF8, v55;
	v54 =	vor.u32 v5, v25;
	v25 =	vld [tilespmem:s9+$0x10]  }
0x610: {  	[tilespmem:v44+s31+$0x0] =	vst.idx.msk vm8, v11;
	v11 =	vor.u32 v5, v57;
	v10 =	vadd.f32 v10, v39;
	v39 =	vld [tilespmem:s22+$0x10]  }
0x611: {  	v23 =	vadd.s32 $0x1E06, v23;
	v20 =	vld.idx.msk [tilespmem:v20+s28+$0x0], $0xffff  }
0x612: {  	v1 =	vld.idx.msk [tilespmem:v22+s28+$0x0], $0xffff  }
0x613: {  	v48 =	vadd.s32 $0x1404, v40;
	v50 =	vadd.s32 $0x1404, v27;
	v60 =	vld.idx.msk [tilespmem:v34+s28+$0x0], $0xffff;
	v10 =	vmul.f32 $5.000000000e-01, v10  }
0x614: {  	v44 =	vadd.s32 $0x1E06, v40;
	v40 =	vadd.s32 $0x1E06, v27;
	v27 =	vadd.f32 v47, v43;
	v47 =	vld [tilespmem:s9+$0xFFFFFFF0]  }
0x615: {  	vm11 =	vmmov vm2;
	v52 =	vand.u32 $0xFFF8, v52;
	v55 =	vadd.s32 $0x1E06, v26;
	v26 =	vld [tilespmem:s9+$0xFFFFFFE0];
	[tilespmem:v11+s31+$0x0] =	vst.idx.msk vm0, v10  }
0x616: {  	v33 =	vor.u32 v7, v52;
	v8 =	vadd.f32 v8, v9;
	v62 =	vadd.s32 s20, v2;
	v9 =	vld.idx.msk [tilespmem:v23+s28+$0x0], $0xffff  }
0x617: {  	v12 =	vadd.f32 v12, v42;
	v19 =	vand.u32 $0x7FD8, v62;
	v62 =	vadd.s32 s19, v6;
	v43 =	vld.idx.msk [tilespmem:v25+s28+$0x0], $0xffff  }
0x618: {  	s11 =	simm.s32 $0xB0;
	v19 =	vor.u32 v3, v19;
	v34 =	vadd.s32 s21, v6;
	v13 =	vadd.f32 v14, v13;
	v14 =	vld.idx.msk [tilespmem:v39+s28+$0x0], $0xffff  }
0x619: {  	v1 =	vadd.f32 v1, v20;
	v20 =	vadd.f32 v60, v58;
	v58 =	vor.u32 s11, v0;
	v42 =	vld.idx.msk [tilespmem:v61+s28+$0x0], $0xffff  }
0x61a: {  	v36 =	vmul.f32 $5.000000000e-01, v27;
	v13 =	vmul.f32 $5.000000000e-01, v13;
	vm3 =	vlt.u32 v58, $0x2802  }
0x61b: {  	v60 =	vld.idx.msk [tilespmem:v28+s28+$0x0], $0xffff;
	v58 =	vand.u32 v17, v58;
	v10 =	vand.u32 $0xFFF8, v62;
	v11 =	vand.u32 $0xFFF8, v34  }
0x61c: {  	v34 =	vmul.f32 $5.000000000e-01, v1;
	v62 =	vadd.s32 s18, v6;
	v1 =	vlaneseq.u32;
	v0 =	vld.idx.msk [tilespmem:v47+s28+$0x0], $0xffff  }
0x61d: {  	s23 =	simm.s32 $0x90;
	[tilespmem:v19+s31+$0x0] =	vst.idx.msk vm5, v36;
	v36 =	vand.u32 $0xFFF8, v62;
	v14 =	vadd.f32 v43, v14;
	v43 =	vadd.s32 $0xA02, v39  }
0x61e: {  	v52 =	vld [tilespmem:s9+$0x0];
	v62 =	vadd.s32 $0xA02, v25;
	v9 =	vadd.f32 v42, v9;
	v42 =	vor.u32 s23, v1  }
0x61f: {  	v57 =	vld.idx.msk [tilespmem:v26+s28+$0x0], $0xffff;
	vm6 =	vlt.u32 v42, $0x2802;
	v14 =	vmul.f32 $5.000000000e-01, v14  }
0x620: {  	[tilespmem:v49+s31+$0x0] =	vst.idx.msk vm4, v13;
	v46 =	vor.u32 v7, v10;
	v10 =	vld [tilespmem:s22+$0x0];
	v42 =	vand.u32 v15, v42  }
0x621: {  	vm10 =	vmmov vm1;
	v13 =	vadd.f32 v0, v60;
	[tilespmem:v58+s31+$0x0] =	vst.idx.msk vm3, v14;
	v14 =	vld.idx.msk [tilespmem:v53+s28+$0x0], $0xffff  }
0x622: {  	s12 =	simm.s32 $0x80;
	vm1 =	vmmov vm4;
	v29 =	vmul.f32 $5.000000000e-01, v12;
	v20 =	vmul.f32 $5.000000000e-01, v20;
	v43 =	vld.idx.msk [tilespmem:v43+s28+$0x0], $0xffff  }
0x623: {  	v31 =	vmul.f32 $5.000000000e-01, v8;
	v8 =	vor.u32 s12, v1;
	v13 =	vmul.f32 $5.000000000e-01, v13;
	v58 =	vld.idx.msk [tilespmem:v62+s28+$0x0], $0xffff  }
0x624: {  	s24 =	simm.s32 $0xA0;
	vm4 =	vlt.u32 v8, $0x2802;
	v8 =	vand.u32 v63, v8;
	[tilespmem:v54+s31+$0x0] =	vst.idx.msk vm11, v20;
	v62 =	vadd.s32 s23, v2  }
0x625: {  	v54 =	vadd.s32 s24, v2;
	[tilespmem:v42+s31+$0x0] =	vst.idx.msk vm6, v13;
	v13 =	vand.u32 $0x7FF8, v62;
	v62 =	vld.idx.msk [tilespmem:v38+s28+$0x0], $0xffff;
	v38 =	vadd.s32 s11, v2  }
0x626: {  	v54 =	vand.u32 $0x7FF8, v54;
	v14 =	vadd.f32 v57, v14;
	v57 =	vand.u32 $0x7FF8, v38  }
0x627: {  	v38 =	vor.u32 v3, v54;
	v54 =	vor.u32 v3, v57  }
0x628: {  	[tilespmem:v30+s31+$0x0] =	vst.idx.msk vm10, v29;
	v30 =	vadd.f32 v58, v43;
	v14 =	vmul.f32 $5.000000000e-01, v14  }
0x629: {  	v12 =	vld.idx.msk [tilespmem:v52+s28+$0x0], $0xffff  }
0x62a: {  	v56 =	vadd.s32 s21, v4;
	v22 =	vadd.s32 s20, v4;
	v19 =	vld.idx.msk [tilespmem:v10+s28+$0x0], $0xffff;
	[tilespmem:v8+s31+$0x0] =	vst.idx.msk vm4, v14;
	v14 =	vmul.f32 $5.000000000e-01, v30  }
0x62b: {  	vm12 =	vmmov vm0;
	v59 =	vand.u32 $0xFFF8, v56;
	v22 =	vand.u32 $0xFFD8, v22;
	v8 =	vld [tilespmem:$0x1FCF0];
	[tilespmem:v33+s31+$0x0] =	vst.idx.msk vm9, v37  }
0x62c: {  	v41 =	vor.u32 v5, v59;
	v45 =	vor.u32 v5, v22;
	v22 =	vadd.s32 s20, v6;
	[tilespmem:v54+s31+$0x0] =	vst.idx.msk vm3, v14  }
0x62d: {  	v59 =	vadd.s32 $0xA02, v28;
	v22 =	vand.u32 $0xFFD8, v22;
	v1 =	vor.u32 s24, v1;
	v37 =	vld [tilespmem:$0x1FD00]  }
0x62e: {  	vm0 =	vmmov vm5;
	v23 =	vor.u32 v7, v22;
	vm5 =	vlt.u32 v1, $0x2802  }
0x62f: {  	v48 =	vld.idx.msk [tilespmem:v48+s28+$0x0], $0xffff;
	v22 =	vor.u32 v7, v11;
	v11 =	vadd.s32 $0xA02, v47;
	v1 =	vand.u32 v16, v1  }
0x630: {  	v55 =	vld.idx.msk [tilespmem:v55+s28+$0x0], $0xffff;
	v12 =	vadd.f32 v12, v19  }
0x631: {  	v35 =	vld.idx.msk [tilespmem:v35+s28+$0x0], $0xffff  }
0x632: {  	v50 =	vld.idx.msk [tilespmem:v50+s28+$0x0], $0xffff;
	v12 =	vmul.f32 $5.000000000e-01, v12  }
0x633: {  	v59 =	vld.idx.msk [tilespmem:v59+s28+$0x0], $0xffff  }
0x634: {  	v11 =	vld.idx.msk [tilespmem:v11+s28+$0x0], $0xffff;
	[tilespmem:v1+s31+$0x0] =	vst.idx.msk vm5, v12  }
0x635: {  	v51 =	vld.idx.msk [tilespmem:v51+s28+$0x0], $0xffff;
	v60 =	vadd.s32 $0xA02, v53;
	v55 =	vadd.f32 v55, v62;
	v62 =	vadd.s32 s12, v4;
	[tilespmem:v37+s31+$0x0] =	vst.idx.msk vm7, v31  }
0x636: {  	v56 =	vadd.s32 $0xA02, v26;
	v54 =	vand.u32 $0xFFD8, v62;
	v62 =	vld [tilespmem:$0x1FD10]  }
0x637: {  	v36 =	vor.u32 v7, v36;
	v48 =	vadd.f32 v35, v48;
	v43 =	vadd.s32 $0x1404, v39  }
0x638: {  	v19 =	vadd.s32 $0x1404, v25;
	v13 =	vor.u32 v3, v13  }
0x639: {  	vm2 =	vmmov vm10;
	v48 =	vmul.f32 $5.000000000e-01, v48;
	v57 =	vld.idx.msk [tilespmem:v32+s28+$0x0], $0xffff;
	v11 =	vadd.f32 v11, v59  }
0x63a: {  	v27 =	vadd.s32 $0x1404, v26;
	v50 =	vadd.f32 v51, v50;
	v9 =	vmul.f32 $5.000000000e-01, v9;
	v51 =	vld.idx.msk [tilespmem:v60+s28+$0x0], $0xffff  }
0x63b: {  	v26 =	vadd.s32 $0x1E06, v26;
	v61 =	vadd.s32 $0x1404, v28;
	v11 =	vmul.f32 $5.000000000e-01, v11;
	v56 =	vld.idx.msk [tilespmem:v56+s28+$0x0], $0xffff;
	[tilespmem:v45+s31+$0x0] =	vst.idx.msk vm0, v48  }
0x63c: {  	v28 =	vadd.s32 $0x1E06, v28;
	v32 =	vadd.s32 s23, v4;
	v14 =	vadd.s32 s24, v4;
	v60 =	vld.idx.msk [tilespmem:v43+s28+$0x0], $0xffff;
	[tilespmem:v36+s31+$0x0] =	vst.idx.msk vm12, v9  }
0x63d: {  	v49 =	vadd.s32 $0xA02, v10;
	v32 =	vand.u32 $0xFFF8, v32;
	v14 =	vand.u32 $0xFFF8, v14;
	v19 =	vld.idx.msk [tilespmem:v19+s28+$0x0], $0xffff;
	[tilespmem:v13+s31+$0x0] =	vst.idx.msk vm6, v11  }
0x63e: {  	v43 =	vor.u32 v5, v32;
	v32 =	vor.u32 v5, v14;
	v14 =	vadd.s32 s24, v6;
	[tilespmem:v62+s31+$0x0] =	vst.idx.msk vm8, v34  }
0x63f: {  	v20 =	vadd.s32 $0xA02, v52;
	v0 =	vadd.s32 s12, v2;
	v62 =	vand.u32 $0xFFF8, v14;
	v14 =	vld [tilespmem:$0x1FD20]  }
0x640: {  	v35 =	vadd.s32 $0x1404, v53;
	v29 =	vadd.s32 $0x1404, v10;
	v42 =	vand.u32 $0x7FD8, v0  }
0x641: {  	v0 =	vlaneseq.u32;
	v42 =	vor.u32 v3, v42;
	v58 =	vadd.s32 $0x1404, v47;
	v8 =	vld.idx.msk [tilespmem:v8+s28+$0x0], $0xffff  }
0x642: {  	v30 =	vadd.s32 $0x1404, v52;
	v33 =	vor.u32 v5, v54;
	v1 =	vmul.f32 $5.000000000e-01, v50  }
0x643: {  	v50 =	vadd.s32 s23, v6;
	v49 =	vld.idx.msk [tilespmem:v49+s28+$0x0], $0xffff;
	v12 =	vadd.f32 v56, v51;
	v56 =	vadd.f32 v19, v60  }
0x644: {  	v54 =	vld.idx.msk [tilespmem:v20+s28+$0x0], $0xffff;
	v60 =	vadd.s32 s12, v6;
	v31 =	vadd.s32 $0x1E06, v53;
	v37 =	vadd.s32 $0x1E06, v47  }
0x645: {  	v47 =	vadd.s32 $0x1E06, v10;
	v10 =	vand.u32 $0xFFF8, v50;
	v13 =	vmul.f32 $5.000000000e-01, v55;
	v48 =	vld.idx.msk [tilespmem:v44+s28+$0x0], $0xffff  }
0x646: {  	v9 =	vand.u32 $0xFFD8, v60;
	v53 =	vld.idx.msk [tilespmem:v61+s28+$0x0], $0xffff;
	v8 =	vadd.f32 v8, v57;
	[tilespmem:v41+s31+$0x0] =	vst.idx.msk vm1, v1;
	v1 =	vadd.s32 s11, v4  }
0x647: {  	v51 =	vor.u32 v7, v10;
	v44 =	vor.u32 v7, v9;
	v1 =	vand.u32 $0xFFF8, v1;
	v50 =	vld.idx.msk [tilespmem:v14+s28+$0x0], $0xffff  }
0x648: {  	v55 =	vld.idx.msk [tilespmem:v58+s28+$0x0], $0xffff;
	v34 =	vadd.s32 $0x1E06, v52;
	v52 =	vmul.f32 $5.000000000e-01, v8;
	v57 =	vor.u32 v5, v1  }
0x649: {  	s17 =	simm.s32 $0x8;
	s18 =	simm.s32 $0xE0;
	v58 =	vmul.f32 $5.000000000e-01, v12;
	v45 =	vor.u32 v7, v62;
	[tilespmem:v46+s31+$0x0] =	vst.idx.msk vm11, v13;
	v46 =	vadd.s32 $0x1E06, v39;
	v36 =	vld.idx.msk [tilespmem:v40+s28+$0x0], $0xffff  }
.LBB2_20:
0x64a: {  	v39 =	vld [tilespmem:s18+$0x10];
	v1 =	vadd.f32 v54, v49;
	v8 =	vadd.s32 $0x1E06, v25;
	s9 =	sadd.s32 $0x40, s9;
	[tilespmem:v21+s31+$0x0] =	vst.idx.msk vm2, v52;
	v40 =	vmovc v47;
	v41 =	vmov v51  }
0x64b: {  	v21 =	vmovc v22;
	v22 =	vmovc v45;
	vm7 =	vmmov vm6;
	vm8 =	vmmov vm3;
	v25 =	vld [tilespmem:s9+$0x10];
	[tilespmem:v42+s31+$0x0] =	vst.idx.msk vm4, v58;
	v9 =	vmul.f32 $5.000000000e-01, v56  }
0x64c: {  	vm2 =	vmmov vm1;
	v11 =	vadd.f32 v50, v48;
	v10 =	vld [tilespmem:s9+$0xFFFFFFE0];
	v1 =	vmul.f32 $5.000000000e-01, v1  }
0x64d: {  	vm1 =	vmmov vm5;
	v12 =	vld [tilespmem:s18+$0xFFFFFFF0];
	[tilespmem:v57+s31+$0x0] =	vst.idx.msk vm3, v9  }
0x64e: {  	s17 =	sadd.s32 $0x4, s17;
	v9 =	vadd.f32 v55, v53;
	v11 =	vmul.f32 $5.000000000e-01, v11;
	[tilespmem:v38+s31+$0x0] =	vst.idx.msk vm5, v1;
	v1 =	vld.idx.msk [tilespmem:v46+s28+$0x0], $0xffff  }
0x64f: {  	p0 =	slt.u32 s17, $0x27C;
	v8 =	vld.idx.msk [tilespmem:v8+s28+$0x0], $0xffff  }
0x650: {  	v9 =	vmul.f32 $5.000000000e-01, v9;
	v46 =	vld [tilespmem:s9+$0xFFFFFFF0];
	[tilespmem:v23+s31+$0x0] =	vst.idx.msk vm0, v11;
	v23 =	vmov v44;
	vm0 =	vmmov vm4  }
0x651: {  	v48 =	vadd.s32 $0xA02, v10;
	v11 =	vadd.s32 $0x1404, v10;
	v44 =	vadd.s32 $0x1E06, v10;
	v47 =	vld [tilespmem:s18+$0x0]  }
0x652: {  	v13 =	vadd.s32 $0xA02, v12;
	v45 =	vadd.s32 $0x1404, v12;
	v14 =	vld.idx.msk [tilespmem:v39+s28+$0x0], $0xffff;
	[tilespmem:v43+s31+$0x0] =	vst.idx.msk vm6, v9;
	v9 =	vadd.s32 s11, v6  }
0x653: {  	v19 =	vadd.s32 $0x1E06, v12;
	v20 =	vld.idx.msk [tilespmem:v25+s28+$0x0], $0xffff;
	v9 =	vand.u32 $0xFFF8, v9  }
0x654: {  	s12 =	sadd.s32 $0x40, s12;
	v50 =	vld [tilespmem:s9+$0x0];
	v9 =	vor.u32 v7, v9  }
0x655: {  	s8 =	sadd.s32 $0x10, s12;
	s10 =	sadd.s32 $0x20, s12;
	v38 =	vor.u32 s12, v0;
	s11 =	sadd.s32 $0x30, s12;
	v1 =	vadd.f32 v8, v1;
	v51 =	vld [tilespmem:s18+$0xFFFFFFE0];
	v43 =	vadd.s32 $0xA02, v46  }
0x656: {  	v42 =	vor.u32 s10, v0;
	v49 =	vor.u32 s11, v0;
	v8 =	vld.idx.msk [tilespmem:v10+s28+$0x0], $0xffff;
	v10 =	vor.u32 s8, v0  }
0x657: {  	vm3 =	vlt.u32 v49, $0x2802;
	v1 =	vmul.f32 $5.000000000e-01, v1;
	vm6 =	vlt.u32 v10, $0x2802;
	v12 =	vld.idx.msk [tilespmem:v12+s28+$0x0], $0xffff  }
0x658: {  	vm5 =	vlt.u32 v42, $0x2802;
	vm4 =	vlt.u32 v38, $0x2802;
	v49 =	vand.u32 v17, v49;
	v52 =	vld.idx.msk [tilespmem:v46+s28+$0x0], $0xffff  }
0x659: {  	v54 =	vadd.s32 $0xA02, v47;
	v14 =	vadd.f32 v20, v14;
	v20 =	vadd.s32 $0xA02, v39;
	v53 =	vld.idx.msk [tilespmem:v47+s28+$0x0], $0xffff;
	[tilespmem:v9+s31+$0x0] =	vst.idx.msk vm8, v1  }
0x65a: {  	v1 =	vand.u32 v15, v10;
	v9 =	vand.u32 v16, v42;
	v10 =	vadd.s32 $0xA02, v25;
	v55 =	vld.idx.msk [tilespmem:v35+s28+$0x0], $0xffff  }
0x65b: {  	v56 =	vand.u32 v63, v38;
	v57 =	vadd.s32 $0xA02, v51;
	v14 =	vmul.f32 $5.000000000e-01, v14;
	v58 =	vld.idx.msk [tilespmem:v27+s28+$0x0], $0xffff;
	v27 =	vmovc v11  }
0x65c: {  	v60 =	vadd.s32 $0xA02, v50;
	v35 =	vadd.s32 s10, v2;
	v11 =	vadd.s32 s8, v2;
	v59 =	vld.idx.msk [tilespmem:v50+s28+$0x0], $0xffff  }
0x65d: {  	v38 =	vadd.s32 s12, v2;
	v62 =	vand.u32 $0x7FF8, v35;
	v11 =	vand.u32 $0x7FF8, v11;
	v61 =	vld.idx.msk [tilespmem:v51+s28+$0x0], $0xffff;
	[tilespmem:v49+s31+$0x0] =	vst.idx.msk vm3, v14  }
0x65e: {  	v14 =	vand.u32 $0x7FD8, v38;
	v12 =	vadd.f32 v52, v12;
	v11 =	vor.u32 v3, v11;
	v20 =	vld.idx.msk [tilespmem:v20+s28+$0x0], $0xffff  }
0x65f: {  	v35 =	vadd.s32 $0x1404, v51;
	v38 =	vor.u32 v3, v62;
	v42 =	vor.u32 v3, v14;
	v10 =	vld.idx.msk [tilespmem:v10+s28+$0x0], $0xffff  }
0x660: {  	v14 =	vadd.s32 $0x1404, v46;
	v12 =	vmul.f32 $5.000000000e-01, v12;
	v52 =	vld.idx.msk [tilespmem:v29+s28+$0x0], $0xffff;
	v29 =	vadd.s32 $0x1404, v47  }
0x661: {  	v49 =	vadd.s32 s8, v4;
	v55 =	vadd.f32 v58, v55;
	v58 =	vld.idx.msk [tilespmem:v30+s28+$0x0], $0xffff;
	v30 =	vadd.s32 $0x1404, v50  }
0x662: {  	[tilespmem:v1+s31+$0x0] =	vst.idx.msk vm6, v12;
	v1 =	vadd.f32 v59, v53;
	v12 =	vadd.s32 s10, v4;
	v53 =	vadd.s32 s11, v2;
	v59 =	vld.idx.msk [tilespmem:v28+s28+$0x0], $0xffff  }
0x663: {  	v8 =	vadd.f32 v8, v61;
	v61 =	vadd.s32 s12, v4;
	v28 =	vmovc v19;
	v13 =	vld.idx.msk [tilespmem:v13+s28+$0x0], $0xffff;
	v53 =	vand.u32 $0x7FF8, v53  }
0x664: {  	v55 =	vmul.f32 $5.000000000e-01, v55;
	v19 =	vld.idx.msk [tilespmem:v43+s28+$0x0], $0xffff;
	v1 =	vmul.f32 $5.000000000e-01, v1;
	v53 =	vor.u32 v3, v53  }
0x665: {  	v8 =	vmul.f32 $5.000000000e-01, v8;
	v10 =	vadd.f32 v10, v20;
	v20 =	vadd.s32 $0x1404, v39;
	v62 =	vld.idx.msk [tilespmem:v37+s28+$0x0], $0xffff  }
0x666: {  	v37 =	vand.u32 $0xFFF8, v49;
	[tilespmem:v9+s31+$0x0] =	vst.idx.msk vm5, v1;
	v1 =	vand.u32 $0xFFF8, v12;
	v9 =	vadd.s32 $0x1404, v25;
	v12 =	vld.idx.msk [tilespmem:v24+s28+$0x0], $0xffff;
	v24 =	vmovc v34  }
0x667: {  	v10 =	vmul.f32 $5.000000000e-01, v10;
	v34 =	vadd.f32 v58, v52;
	[tilespmem:v56+s31+$0x0] =	vst.idx.msk vm4, v8;
	v8 =	vand.u32 $0xFFD8, v61;
	v49 =	vld.idx.msk [tilespmem:v54+s28+$0x0], $0xffff  }
0x668: {  	v43 =	vor.u32 v5, v37;
	v1 =	vor.u32 v5, v1;
	v56 =	vld.idx.msk [tilespmem:v57+s28+$0x0], $0xffff;
	v8 =	vor.u32 v5, v8  }
0x669: {  	v51 =	vadd.s32 $0x1E06, v51;
	v37 =	vadd.s32 $0x1E06, v46;
	v57 =	vld.idx.msk [tilespmem:v48+s28+$0x0], $0xffff;
	[tilespmem:v53+s31+$0x0] =	vst.idx.msk vm3, v10;
	v10 =	vmul.f32 $5.000000000e-01, v34  }
0x66a: {  	v47 =	vadd.s32 $0x1E06, v47;
	v13 =	vadd.f32 v19, v13;
	v34 =	vadd.s32 $0x1E06, v50;
	v19 =	vld.idx.msk [tilespmem:v20+s28+$0x0], $0xffff;
	[tilespmem:v33+s31+$0x0] =	vst.idx.msk vm0, v55  }
0x66b: {  	v46 =	vadd.s32 s10, v6;
	v20 =	vadd.s32 s8, v6;
	v50 =	vadd.f32 v62, v59;
	v9 =	vld.idx.msk [tilespmem:v9+s28+$0x0], $0xffff;
	[tilespmem:v32+s31+$0x0] =	vst.idx.msk vm1, v10  }
0x66c: {  	v33 =	vmovc v8;
	v10 =	vadd.s32 s12, v6;
	v13 =	vmul.f32 $5.000000000e-01, v13;
	v12 =	vadd.f32 v12, v36;
	v32 =	vmovc v1;
	v54 =	vld.idx.msk [tilespmem:v60+s28+$0x0], $0xffff  }
.Ltmp9:
0x66d: {  	v8 =	vand.u32 $0xFFF8, v46;
	v1 =	vand.u32 $0xFFF8, v20;
	v20 =	vmul.f32 $5.000000000e-01, v50;
	v48 =	vld.idx.msk [tilespmem:v31+s28+$0x0], $0xffff;
	v31 =	vmovc v51;
	(pc) =	sbr.rel @p0 .LBB2_20-.Ltmp9, $4  }
0x66e: {  	v10 =	vand.u32 $0xFFD8, v10;
	v52 =	vmul.f32 $5.000000000e-01, v12;
	[tilespmem:v11+s31+$0x0] =	vst.idx.msk vm6, v13;
	v11 =	vadd.s32 s11, v4;
	v50 =	vld.idx.msk [tilespmem:v26+s28+$0x0], $0xffff;
	v26 =	vmovc v44  }
0x66f: {  	v51 =	vor.u32 v7, v1;
	v12 =	vadd.f32 v57, v56;
	v53 =	vld.idx.msk [tilespmem:v45+s28+$0x0], $0xffff;
	v1 =	vand.u32 $0xFFF8, v11  }
0x670: {  	v44 =	vor.u32 v7, v10;
	v45 =	vor.u32 v7, v8;
	v55 =	vld.idx.msk [tilespmem:v14+s28+$0x0], $0xffff;
	v57 =	vor.u32 v5, v1  }
0x671: {  	s18 =	sadd.s32 $0x40, s18;
	v46 =	vadd.s32 $0x1E06, v39;
	v58 =	vmul.f32 $5.000000000e-01, v12;
	v56 =	vadd.f32 v9, v19;
	[tilespmem:v41+s31+$0x0] =	vst.idx.msk vm7, v20;
	v36 =	vld.idx.msk [tilespmem:v40+s28+$0x0], $0xffff  }
0x672: {  	_ =	sdelay $0x2  }
0x673: {  	v1 =	vadd.f32 v54, v49;
	_ =	sdelay $0x1  }
0x674: {  	[tilespmem:v42+s31+$0x0] =	vst.idx.msk vm4, v58;
	v1 =	vmul.f32 $5.000000000e-01, v1  }
0x675: {  	vm6 =	vmmov vm6;
	v8 =	vld.idx.msk [tilespmem:v35+s28+$0x0], $0xffff  }
0x676: {  	[tilespmem:v38+s31+$0x0] =	vst.idx.msk vm5, v1;
	v1 =	vld.idx.msk [tilespmem:v27+s28+$0x0], $0xffff  }
0x677: {  	v12 =	vadd.f32 v55, v53;
	v10 =	vld.idx.msk [tilespmem:v29+s28+$0x0], $0xffff  }
0x678: {  	v11 =	vmul.f32 $5.000000000e-01, v56;
	v13 =	vld.idx.msk [tilespmem:v30+s28+$0x0], $0xffff  }
0x679: {  	v9 =	vadd.s32 $0x1E06, v25;
	vm4 =	vmmov vm4;
	v62 =	vmul.f32 $5.000000000e-01, v12  }
0x67a: {  	[tilespmem:v57+s31+$0x0] =	vst.idx.msk vm3, v11  }
0x67b: {  	vm5 =	vmmov vm5;
	v12 =	vld.idx.msk [tilespmem:v46+s28+$0x0], $0xffff;
	[tilespmem:v43+s31+$0x0] =	vst.idx.msk vm6, v62;
	v1 =	vadd.f32 v1, v8  }
0x67c: {  	v63 =	vld.idx.msk [tilespmem:v28+s28+$0x0], $0xffff  }
0x67d: {  	v11 =	vld.idx.msk [tilespmem:v37+s28+$0x0], $0xffff;
	v10 =	vadd.f32 v13, v10;
	v1 =	vmul.f32 $5.000000000e-01, v1  }
0x67e: {  	v8 =	vld.idx.msk [tilespmem:v9+s28+$0x0], $0xffff  }
0x67f: {  	v13 =	vld.idx.msk [tilespmem:v24+s28+$0x0], $0xffff;
	v10 =	vmul.f32 $5.000000000e-01, v10;
	[tilespmem:v33+s31+$0x0] =	vst.idx.msk vm4, v1  }
0x680: {  	v1 =	vld.idx.msk [tilespmem:v31+s28+$0x0], $0xffff  }
0x681: {  	v14 =	vadd.s32 s11, v6;
	[tilespmem:v32+s31+$0x0] =	vst.idx.msk vm5, v10;
	v35 =	vld.idx.msk [tilespmem:v26+s28+$0x0], $0xffff  }
0x682: {  	v14 =	vand.u32 $0xFFF8, v14;
	vm3 =	vmmov vm3;
	v19 =	vld.idx.msk [tilespmem:v47+s28+$0x0], $0xffff  }
0x683: {  	v20 =	vadd.f32 v50, v48;
	v14 =	vor.u32 v7, v14;
	v24 =	vld.idx.msk [tilespmem:v34+s28+$0x0], $0xffff  }
0x684: {  	vm1 =	vmmov vm1;
	v8 =	vadd.f32 v8, v12  }
0x685: {  	v9 =	vadd.f32 v11, v63;
	v12 =	vmul.f32 $5.000000000e-01, v20  }
0x686: {  	[tilespmem:v21+s31+$0x0] =	vst.idx.msk vm2, v52;
	v36 =	vadd.f32 v13, v36;
	v8 =	vmul.f32 $5.000000000e-01, v8  }
0x687: {  	v9 =	vmul.f32 $5.000000000e-01, v9;
	[tilespmem:v23+s31+$0x0] =	vst.idx.msk vm0, v12;
	v1 =	vadd.f32 v35, v1  }
0x688: {  	[tilespmem:v14+s31+$0x0] =	vst.idx.msk vm3, v8;
	v8 =	vmul.f32 $5.000000000e-01, v36;
	v37 =	vadd.f32 v24, v19  }
0x689: {  	[tilespmem:v51+s31+$0x0] =	vst.idx.msk vm6, v9;
	v1 =	vmul.f32 $5.000000000e-01, v1  }
0x68a: {  	[tilespmem:v22+s31+$0x0] =	vst.idx.msk vm1, v8;
	v8 =	vmul.f32 $5.000000000e-01, v37  }
0x68b: {  	[tilespmem:v44+s31+$0x0] =	vst.idx.msk vm4, v1  }
0x68c: {  	[tilespmem:v45+s31+$0x0] =	vst.idx.msk vm5, v8  }
0x68d: {  	v1 =	vld [tilespmem:$0x2800]  }
0x68e: {  	v8 =	vld [tilespmem:$0x5010];
	_ =	sdelay $0x6  }
0x68f: {  	v9 =	vld.idx.msk [tilespmem:v1+s28+$0x0], $0xffff  }
0x690: {  	v38 =	vld.idx.msk [tilespmem:v8+s28+$0x0], $0xffff;
	_ =	sdelay $0x4  }
0x691: {  	v39 =	vadd.s32 $0xA02, v1;
	v9 =	vadd.f32 v38, v9  }
0x692: {  	v40 =	vadd.s32 $0xA02, v8  }
0x693: {  	v9 =	vmul.f32 $5.000000000e-01, v9;
	_ =	sdelay $0x1  }
0x694: {  	[tilespmem:v18+s31+$0x0] =	vst.idx.msk $0x3, v9  }
0x695: {  	v9 =	vld.idx.msk [tilespmem:v39+s28+$0x0], $0xffff  }
0x696: {  	v41 =	vld.idx.msk [tilespmem:v40+s28+$0x0], $0xffff  }
0x697: {  	v12 =	vld [tilespmem:$0x1FF50];
	_ =	sdelay $0x3  }
0x698: {  	v42 =	vadd.s32 $0x1404, v1;
	v9 =	vadd.f32 v41, v9  }
0x699: {  	v43 =	vadd.s32 $0x1404, v8  }
0x69a: {  	v9 =	vmul.f32 $5.000000000e-01, v9;
	_ =	sdelay $0x1  }
0x69b: {  	[tilespmem:v12+s31+$0x0] =	vst.idx.msk $0x3, v9  }
0x69c: {  	v9 =	vld.idx.msk [tilespmem:v42+s28+$0x0], $0xffff  }
0x69d: {  	v44 =	vld.idx.msk [tilespmem:v43+s28+$0x0], $0xffff  }
0x69e: {  	v45 =	vld [tilespmem:$0x1FF60];
	_ =	sdelay $0x3  }
0x69f: {  	v1 =	vadd.s32 $0x1E06, v1;
	v9 =	vadd.f32 v44, v9  }
0x6a0: {  	v8 =	vadd.s32 $0x1E06, v8  }
0x6a1: {  	v9 =	vmul.f32 $5.000000000e-01, v9;
	_ =	sdelay $0x1  }
0x6a2: {  	[tilespmem:v45+s31+$0x0] =	vst.idx.msk $0x3, v9  }
0x6a3: {  	v1 =	vld.idx.msk [tilespmem:v1+s28+$0x0], $0xffff  }
0x6a4: {  	v8 =	vld.idx.msk [tilespmem:v8+s28+$0x0], $0xffff;
	_ =	sdelay $0x4  }
0x6a5: {  	v1 =	vadd.f32 v8, v1;
	v8 =	vld [tilespmem:$0x1FF70];
	_ =	sdelay $0x5  }
0x6a6: {  	v1 =	vmul.f32 $5.000000000e-01, v1;
	_ =	sdelay $0x1  }
0x6a7: {  	s8 =	simm.s32 $0x0;
	s9 =	rddreg [dreg:$0xd];
	[tilespmem:v8+s31+$0x0] =	vst.idx.msk $0x3, v1  }
0x6a8: {  	[hbm4b:s9+s8] =	stream.linear.scatter [tilespmem:s31], [sflag:$0x3], $0xA008, $0x38;
	[tilespmem:$0x1B850] =	vst v63  }
0x6a9: {  	_ =	swait.ge [sflag:s4], $0x5004  }
0x6aa: {  	v52 =	vld [tilespmem:$0x1FFD0]  }
0x6ab: {  	v51 =	vld [tilespmem:$0x1FFC0]  }
0x6ac: {  	[sflag:s4] =	ssyncset.done $0x0;
	v53 =	vld [tilespmem:$0x1FFE0]  }
0x6ad: {  	s19 =	simm.s32 $0x20;
	v54 =	vld [tilespmem:$0x1FFF0];
	[sflag:s4] =	ssyncadd.s32 $0xFFFFAFFC  }
0x6ae: {  	s10 =	simm.s32 $0x2830;
	v1 =	vld [tilespmem:s19+$0x10]  }
0x6af: {  	v8 =	vld [tilespmem:s10+$0x10]  }
0x6b0: {  	v46 =	vld [tilespmem:s10+$0xFFFFFFE0]  }
0x6b1: {  	v47 =	vld [tilespmem:s19+$0xFFFFFFF0]  }
0x6b2: {  	v12 =	vld [tilespmem:s10+$0xFFFFFFF0]  }
0x6b3: {  	v14 =	vld [tilespmem:s19+$0x0];
	v49 =	vadd.s32 $0x2808, v1  }
0x6b4: {  	s21 =	simm.s32 $0x10;
	v19 =	vld [tilespmem:s10+$0x0];
	v13 =	vadd.s32 $0x2808, v8  }
0x6b5: {  	s22 =	simm.s32 $0x20;
	s12 =	simm.s32 $0x60;
	v50 =	vmov s21;
	v20 =	vld [tilespmem:s19+$0xFFFFFFE0]  }
0x6b6: {  	s20 =	simm.s32 $0x30;
	s18 =	simm.s32 $0x70;
	v55 =	vmov s22;
	vm2 =	vmmov vm5;
	s9 =	simm.s32 $0x2870;
	v32 =	vld [tilespmem:s12+$0x10];
	v21 =	vadd.s32 $0x2808, v46  }
0x6b7: {  	v62 =	vmov s18;
	v26 =	vmov s20;
	v33 =	vld [tilespmem:s9+$0x10];
	v22 =	vadd.s32 $0x2808, v47  }
0x6b8: {  	v27 =	vadd.s32 s20, v52;
	vm4 =	vlt.u32 v26, v51;
	v23 =	vadd.s32 $0x2808, v12;
	v11 =	vld.idx.msk [tilespmem:v49+s28+$0x0], $0xffff  }
0x6b9: {  	v29 =	vadd.s32 s8, v54;
	v30 =	vadd.s32 s21, v52;
	v25 =	vadd.s32 $0x2808, v19;
	v13 =	vld.idx.msk [tilespmem:v13+s28+$0x0], $0xffff  }
0x6ba: {  	s11 =	simm.s32 $0x40;
	v56 =	vld [tilespmem:s12+$0x0];
	v31 =	vadd.s32 s22, v52;
	vm5 =	vlt.u32 v50, v51;
	v28 =	vadd.s32 $0x2808, v20  }
0x6bb: {  	s23 =	simm.s32 $0x50;
	vm6 =	vlt.u32 v55, v51;
	v43 =	vadd.s32 s11, v52;
	v57 =	vadd.s32 $0x2808, v32;
	v21 =	vld.idx.msk [tilespmem:v21+s28+$0x0], $0xffff  }
0x6bc: {  	v61 =	vadd.s32 s23, v52;
	v26 =	vand.u32 $0xFFF8, v27;
	v24 =	vadd.s32 $0x2808, v14;
	v22 =	vld.idx.msk [tilespmem:v22+s28+$0x0], $0xffff  }
0x6bd: {  	s24 =	simm.s32 $0x60;
	v63 =	vadd.s32 s18, v52;
	v26 =	vor.u32 v53, v26;
	v58 =	vadd.s32 $0x2808, v33;
	v23 =	vld.idx.msk [tilespmem:v23+s28+$0x0], $0xffff  }
0x6be: {  	v55 =	vadd.s32 s24, v52;
	v1 =	vadd.s32 $0x320A, v1;
	v25 =	vld.idx.msk [tilespmem:v25+s28+$0x0], $0xffff;
	v11 =	vadd.f32 v13, v11  }
0x6bf: {  	vm3 =	vlt.u32 v62, v51;
	v27 =	vadd.s32 s8, v52;
	v8 =	vadd.s32 $0x320A, v8;
	v28 =	vld.idx.msk [tilespmem:v28+s28+$0x0], $0xffff  }
0x6c0: {  	v30 =	vand.u32 $0xFFF8, v30;
	v9 =	vadd.s32 $0x320A, v46;
	v36 =	vld.idx.msk [tilespmem:v57+s28+$0x0], $0xffff;
	v11 =	vmul.f32 $5.000000000e-01, v11  }
0x6c1: {  	v10 =	vadd.s32 $0x320A, v47;
	v13 =	vadd.s32 $0x320A, v14;
	v14 =	vadd.s32 $0x320A, v19;
	v19 =	vld.idx.msk [tilespmem:v24+s28+$0x0], $0xffff  }
0x6c2: {  	v12 =	vadd.s32 $0x320A, v12;
	v20 =	vadd.s32 $0x320A, v20;
	v40 =	vadd.s32 $0x2808, v56;
	v37 =	vld.idx.msk [tilespmem:v58+s28+$0x0], $0xffff;
	[tilespmem:v26+s31+$0x0] =	vst.idx.msk vm4, v11  }
0x6c3: {  	v24 =	vmov s8;
	v22 =	vadd.f32 v23, v22;
	v23 =	vadd.s32 s22, v54;
	v1 =	vld.idx.msk [tilespmem:v1+s28+$0x0], $0xffff  }
0x6c4: {  	v21 =	vadd.f32 v21, v28;
	vm1 =	vlt.u32 v24, v51;
	v28 =	vand.u32 $0x1FFF8, v23;
	v8 =	vld.idx.msk [tilespmem:v8+s28+$0x0], $0xffff  }
0x6c5: {  	v26 =	vand.u32 $0xFFD8, v27;
	v27 =	vand.u32 $0xFFF8, v31;
	v31 =	vor.u32 v53, v30;
	v30 =	vld [tilespmem:s9+$0xFFFFFFF0]  }
0x6c6: {  	v34 =	vmul.f32 $5.000000000e-01, v22;
	v22 =	vadd.s32 s21, v54;
	v19 =	vadd.f32 v25, v19;
	v25 =	vld [tilespmem:s9+$0xFFFFFFE0]  }
0x6c7: {  	v22 =	vand.u32 $0x1FFF8, v22;
	v11 =	vor.u32 v53, v27;
	v24 =	vor.u32 v53, v26;
	v27 =	vld [tilespmem:s12+$0xFFFFFFF0]  }
0x6c8: {  	v26 =	vmul.f32 $5.000000000e-01, v21;
	v21 =	vor.u32 v3, v22;
	v22 =	vor.u32 v3, v28;
	v28 =	vld [tilespmem:s9+$0x0]  }
0x6c9: {  	v23 =	vand.u32 $0x1FFD8, v29;
	v29 =	vadd.s32 s20, v54;
	v1 =	vadd.f32 v8, v1;
	v8 =	vld [tilespmem:s12+$0xFFFFFFE0]  }
0x6ca: {  	vm0 =	vmmov vm5;
	v48 =	vld.idx.msk [tilespmem:v40+s28+$0x0], $0xffff;
	v29 =	vand.u32 $0x1FFF8, v29;
	v39 =	vadd.s32 $0x2808, v30;
	[tilespmem:v31+s31+$0x0] =	vst.idx.msk vm5, v34  }
0x6cb: {  	v62 =	vadd.s32 $0x320A, v33;
	v42 =	vor.u32 v3, v29;
	v29 =	vadd.s32 $0x2808, v25;
	v33 =	vld.idx.msk [tilespmem:v10+s28+$0x0], $0xffff  }
0x6cc: {  	v38 =	vand.u32 $0xFFF8, v61;
	v61 =	vand.u32 $0xFFD8, v43;
	[tilespmem:v24+s31+$0x0] =	vst.idx.msk vm1, v26;
	v59 =	vadd.s32 $0x2808, v27;
	v35 =	vld.idx.msk [tilespmem:v12+s28+$0x0], $0xffff  }
0x6cd: {  	v32 =	vadd.s32 $0x320A, v32;
	v38 =	vor.u32 v53, v38;
	v60 =	vadd.s32 $0x2808, v28;
	v20 =	vld.idx.msk [tilespmem:v20+s28+$0x0], $0xffff  }
0x6ce: {  	v57 =	vmov s23;
	v23 =	vor.u32 v3, v23;
	v9 =	vld.idx.msk [tilespmem:v9+s28+$0x0], $0xffff;
	v41 =	vadd.s32 $0x2808, v8  }
0x6cf: {  	vm2 =	vmmov vm1;
	v19 =	vmul.f32 $5.000000000e-01, v19;
	v31 =	vadd.f32 v37, v36;
	v39 =	vld.idx.msk [tilespmem:v39+s28+$0x0], $0xffff  }
0x6d0: {  	v26 =	vadd.s32 $0x320A, v27;
	v27 =	vadd.s32 $0x320A, v56;
	v56 =	vand.u32 $0xFFF8, v63;
	v44 =	vld.idx.msk [tilespmem:v29+s28+$0x0], $0xffff  }
0x6d1: {  	v24 =	vadd.s32 $0x320A, v25;
	vm1 =	vmmov vm6;
	v46 =	vor.u32 v53, v56;
	v45 =	vld.idx.msk [tilespmem:v59+s28+$0x0], $0xffff  }
0x6d2: {  	v25 =	vadd.s32 $0x320A, v30;
	v28 =	vadd.s32 $0x320A, v28;
	v30 =	vadd.s32 s11, v54;
	v58 =	vld.idx.msk [tilespmem:v60+s28+$0x0], $0xffff  }
0x6d3: {  	[tilespmem:v11+s31+$0x0] =	vst.idx.msk vm6, v19;
	v19 =	vand.u32 $0xFFF8, v55;
	vm6 =	vlt.u32 v57, v51;
	v1 =	vmul.f32 $5.000000000e-01, v1;
	v59 =	vld.idx.msk [tilespmem:v41+s28+$0x0], $0xffff  }
0x6d4: {  	v63 =	vmul.f32 $5.000000000e-01, v31;
	v36 =	vor.u32 v53, v19;
	v31 =	vld.idx.msk [tilespmem:v13+s28+$0x0], $0xffff;
	v60 =	vmov s24  }
0x6d5: {  	v34 =	vld.idx.msk [tilespmem:v14+s28+$0x0], $0xffff;
	[tilespmem:v42+s31+$0x0] =	vst.idx.msk vm4, v1;
	v29 =	vadd.s32 $0x320A, v8;
	v8 =	vmov s11;
	vm5 =	vlt.u32 v60, v51  }
0x6d6: {  	v42 =	vadd.s32 s24, v54;
	vm7 =	vlt.u32 v8, v51;
	[tilespmem:v46+s31+$0x0] =	vst.idx.msk vm3, v63;
	v12 =	vadd.f32 v39, v45  }
0x6d7: {  	v32 =	vld.idx.msk [tilespmem:v32+s28+$0x0], $0xffff;
	v39 =	vor.u32 v53, v61;
	v43 =	vadd.f32 v58, v48;
	v41 =	vadd.f32 v9, v20  }
0x6d8: {  	s17 =	simm.s32 $0xA0;
	s12 =	simm.s32 $0x4;
	v37 =	vld.idx.msk [tilespmem:v62+s28+$0x0], $0xffff;
	v45 =	vadd.s32 s23, v54;
	v40 =	vmul.f32 $5.000000000e-01, v12;
	v44 =	vadd.f32 v44, v59  }
.LBB2_22:
0x6d9: {  	v1 =	vld [tilespmem:s17+$0x10];
	v8 =	vand.u32 $0x1FFF8, v45;
	v9 =	vmul.f32 $5.000000000e-01, v43;
	s9 =	sadd.s32 $0x40, s9;
	v10 =	vmul.f32 $5.000000000e-01, v41  }
0x6da: {  	v13 =	vand.u32 $0x1FFF8, v42;
	v14 =	vadd.f32 v35, v33;
	v11 =	vld [tilespmem:s9+$0x10];
	v12 =	vmul.f32 $5.000000000e-01, v44;
	[tilespmem:v38+s31+$0x0] =	vst.idx.msk vm6, v40  }
0x6db: {  	s12 =	sadd.s32 $0x4, s12;
	v20 =	vand.u32 $0x1FFD8, v30;
	v8 =	vor.u32 v3, v8;
	v19 =	vld [tilespmem:s9+$0xFFFFFFE0];
	[tilespmem:v36+s31+$0x0] =	vst.idx.msk vm5, v9;
	v9 =	vadd.s32 s18, v54  }
0x6dc: {  	p0 =	slt.u32 s12, $0x27C;
	v30 =	vld [tilespmem:s17+$0xFFFFFFF0];
	[tilespmem:v39+s31+$0x0] =	vst.idx.msk vm7, v12;
	v9 =	vand.u32 $0x1FFF8, v9;
	v12 =	vmul.f32 $5.000000000e-01, v14;
	v14 =	vadd.f32 v34, v31  }
0x6dd: {  	v20 =	vor.u32 v3, v20;
	v13 =	vor.u32 v3, v13;
	v31 =	vld [tilespmem:s9+$0xFFFFFFF0];
	v9 =	vor.u32 v3, v9  }
0x6de: {  	v32 =	vadd.f32 v37, v32;
	v33 =	vld [tilespmem:s17+$0x0];
	v34 =	vadd.s32 $0x2808, v1;
	[tilespmem:v23+s31+$0x0] =	vst.idx.msk vm2, v10;
	v10 =	vmul.f32 $5.000000000e-01, v14;
	v23 =	vmovc v20  }
0x6df: {  	vm2 =	vmmov vm7;
	v14 =	vld [tilespmem:s9+$0x0];
	v20 =	vadd.s32 $0x2808, v11;
	[tilespmem:v21+s31+$0x0] =	vst.idx.msk vm0, v12;
	v21 =	vmovc v8;
	vm0 =	vmmov vm6  }
0x6e0: {  	v32 =	vmul.f32 $5.000000000e-01, v32;
	v8 =	vld [tilespmem:s17+$0xFFFFFFE0];
	v12 =	vadd.s32 $0x2808, v19;
	v19 =	vadd.s32 $0x320A, v19;
	[tilespmem:v22+s31+$0x0] =	vst.idx.msk vm1, v10;
	v22 =	vmovc v13  }
0x6e1: {  	vm1 =	vmmov vm5;
	v10 =	vadd.s32 $0x2808, v30;
	v13 =	vadd.s32 $0x320A, v30;
	v37 =	vld.idx.msk [tilespmem:v29+s28+$0x0], $0xffff  }
0x6e2: {  	v35 =	vadd.s32 $0x2808, v31;
	v31 =	vadd.s32 $0x320A, v31;
	v41 =	vld.idx.msk [tilespmem:v24+s28+$0x0], $0xffff;
	[tilespmem:v9+s31+$0x0] =	vst.idx.msk vm3, v32;
	v24 =	vmov v19  }
0x6e3: {  	v9 =	vadd.s32 $0x2808, v33;
	v19 =	vadd.s32 $0x320A, v33;
	v32 =	vld.idx.msk [tilespmem:v34+s28+$0x0], $0xffff  }
0x6e4: {  	v33 =	vadd.s32 $0x2808, v14;
	v14 =	vadd.s32 $0x320A, v14;
	v20 =	vld.idx.msk [tilespmem:v20+s28+$0x0], $0xffff  }
0x6e5: {  	s11 =	sadd.s32 $0x40, s11;
	v34 =	vadd.s32 $0x2808, v8;
	v12 =	vld.idx.msk [tilespmem:v12+s28+$0x0], $0xffff;
	v29 =	vadd.s32 $0x320A, v8  }
0x6e6: {  	s8 =	sadd.s32 $0x10, s11;
	s10 =	sadd.s32 $0x20, s11;
	v36 =	vadd.s32 s11, v52;
	s18 =	sadd.s32 $0x30, s11;
	v30 =	vadd.s32 s11, v54;
	v8 =	vmov s11;
	v10 =	vld.idx.msk [tilespmem:v10+s28+$0x0], $0xffff  }
0x6e7: {  	v38 =	vmov s18;
	v40 =	vadd.s32 s18, v52;
	v39 =	vld.idx.msk [tilespmem:v35+s28+$0x0], $0xffff;
	v35 =	vadd.s32 s8, v52  }
0x6e8: {  	v42 =	vadd.s32 s10, v52;
	vm3 =	vlt.u32 v38, v51;
	v38 =	vand.u32 $0xFFF8, v40;
	v9 =	vld.idx.msk [tilespmem:v9+s28+$0x0], $0xffff  }
0x6e9: {  	v40 =	vmov s8;
	v44 =	vor.u32 v53, v38;
	v35 =	vand.u32 $0xFFF8, v35;
	v43 =	vld.idx.msk [tilespmem:v33+s28+$0x0], $0xffff  }
0x6ea: {  	v1 =	vadd.s32 $0x320A, v1;
	v20 =	vadd.f32 v20, v32;
	v45 =	vld.idx.msk [tilespmem:v34+s28+$0x0], $0xffff;
	v34 =	vmov s10  }
0x6eb: {  	v11 =	vadd.s32 $0x320A, v11;
	v32 =	vand.u32 $0xFFD8, v36;
	v36 =	vand.u32 $0xFFF8, v42;
	v33 =	vld.idx.msk [tilespmem:v26+s28+$0x0], $0xffff;
	v26 =	vmovc v13  }
.Ltmp10:
0x6ec: {  	vm6 =	vlt.u32 v40, v51;
	v38 =	vor.u32 v53, v35;
	v13 =	vmul.f32 $5.000000000e-01, v20;
	v35 =	vld.idx.msk [tilespmem:v25+s28+$0x0], $0xffff;
	v25 =	vmovc v31;
	(pc) =	sbr.rel @p0 .LBB2_22-.Ltmp10, $4  }
0x6ed: {  	v36 =	vor.u32 v53, v36;
	vm5 =	vlt.u32 v34, v51;
	v10 =	vadd.f32 v39, v10;
	v31 =	vld.idx.msk [tilespmem:v27+s28+$0x0], $0xffff  }
0x6ee: {  	vm7 =	vlt.u32 v8, v51;
	v39 =	vor.u32 v53, v32;
	[tilespmem:v44+s31+$0x0] =	vst.idx.msk vm3, v13;
	v34 =	vld.idx.msk [tilespmem:v28+s28+$0x0], $0xffff  }
0x6ef: {  	v41 =	vadd.f32 v41, v37;
	v27 =	vmovc v19;
	v40 =	vmul.f32 $5.000000000e-01, v10;
	v43 =	vadd.f32 v43, v9;
	v32 =	vld.idx.msk [tilespmem:v1+s28+$0x0], $0xffff  }
0x6f0: {  	s17 =	sadd.s32 $0x40, s17;
	v42 =	vadd.s32 s10, v54;
	v28 =	vmovc v14;
	v44 =	vadd.f32 v12, v45;
	v45 =	vadd.s32 s8, v54;
	v37 =	vld.idx.msk [tilespmem:v11+s28+$0x0], $0xffff  }
0x6f1: {  	_ =	sdelay $0x3  }
0x6f2: {  	v8 =	vmul.f32 $5.000000000e-01, v43  }
0x6f3: {  	[tilespmem:v38+s31+$0x0] =	vst.idx.msk vm6, v40;
	v1 =	vmul.f32 $5.000000000e-01, v44  }
0x6f4: {  	v10 =	vld.idx.msk [tilespmem:v26+s28+$0x0], $0xffff;
	[tilespmem:v36+s31+$0x0] =	vst.idx.msk vm5, v8  }
0x6f5: {  	v8 =	vld.idx.msk [tilespmem:v25+s28+$0x0], $0xffff;
	[tilespmem:v39+s31+$0x0] =	vst.idx.msk vm7, v1  }
0x6f6: {  	v1 =	vld.idx.msk [tilespmem:v29+s28+$0x0], $0xffff  }
0x6f7: {  	v11 =	vand.u32 $0x1FFF8, v45;
	v9 =	vld.idx.msk [tilespmem:v24+s28+$0x0], $0xffff  }
0x6f8: {  	v12 =	vmul.f32 $5.000000000e-01, v41;
	v13 =	vadd.f32 v35, v33;
	v20 =	vadd.s32 s18, v54;
	v25 =	vld.idx.msk [tilespmem:v28+s28+$0x0], $0xffff  }
0x6f9: {  	v14 =	vand.u32 $0x1FFF8, v42;
	v19 =	vand.u32 $0x1FFD8, v30;
	v20 =	vand.u32 $0x1FFF8, v20;
	v24 =	vld.idx.msk [tilespmem:v27+s28+$0x0], $0xffff  }
0x6fa: {  	vm6 =	vmmov vm6;
	v26 =	vadd.f32 v34, v31;
	v20 =	vor.u32 v3, v20  }
0x6fb: {  	v19 =	vor.u32 v3, v19;
	v13 =	vmul.f32 $5.000000000e-01, v13;
	v27 =	vadd.f32 v37, v32  }
0x6fc: {  	v11 =	vor.u32 v3, v11;
	[tilespmem:v23+s31+$0x0] =	vst.idx.msk vm2, v12;
	v12 =	vmul.f32 $5.000000000e-01, v26;
	v1 =	vadd.f32 v9, v1  }
0x6fd: {  	v42 =	vor.u32 v3, v14;
	[tilespmem:v21+s31+$0x0] =	vst.idx.msk vm0, v13;
	v13 =	vmul.f32 $5.000000000e-01, v27;
	v8 =	vadd.f32 v8, v10  }
0x6fe: {  	[tilespmem:v22+s31+$0x0] =	vst.idx.msk vm1, v12;
	v43 =	vadd.f32 v25, v24;
	v1 =	vmul.f32 $5.000000000e-01, v1  }
0x6ff: {  	[tilespmem:v20+s31+$0x0] =	vst.idx.msk vm3, v13;
	v8 =	vmul.f32 $5.000000000e-01, v8  }
0x700: {  	[tilespmem:v19+s31+$0x0] =	vst.idx.msk vm7, v1;
	v1 =	vmul.f32 $5.000000000e-01, v43  }
0x701: {  	[tilespmem:v11+s31+$0x0] =	vst.idx.msk vm6, v8  }
0x702: {  	[tilespmem:v42+s31+$0x0] =	vst.idx.msk vm5, v1  }
0x703: {  	v1 =	vld [tilespmem:$0x2800]  }
0x704: {  	v8 =	vld [tilespmem:$0x5010];
	_ =	sdelay $0x3  }
0x705: {  	v44 =	vadd.s32 $0x2808, v1  }
0x706: {  	v45 =	vadd.s32 $0x2808, v8;
	_ =	sdelay $0x3  }
0x707: {  	v9 =	vld.idx.msk [tilespmem:v44+s28+$0x0], $0xffff  }
0x708: {  	v10 =	vld.idx.msk [tilespmem:v45+s28+$0x0], $0xffff  }
0x709: {  	v46 =	vld [tilespmem:$0x1FF80];
	_ =	sdelay $0x3  }
0x70a: {  	v1 =	vadd.s32 $0x320A, v1;
	v9 =	vadd.f32 v10, v9  }
0x70b: {  	v8 =	vadd.s32 $0x320A, v8  }
0x70c: {  	v9 =	vmul.f32 $5.000000000e-01, v9;
	_ =	sdelay $0x1  }
0x70d: {  	[tilespmem:v46+s31+$0x0] =	vst.idx.msk $0x3, v9  }
0x70e: {  	v1 =	vld.idx.msk [tilespmem:v1+s28+$0x0], $0xffff  }
0x70f: {  	v8 =	vld.idx.msk [tilespmem:v8+s28+$0x0], $0xffff;
	_ =	sdelay $0x4  }
0x710: {  	v1 =	vadd.f32 v8, v1;
	v8 =	vld [tilespmem:$0x1FF90];
	_ =	sdelay $0x5  }
0x711: {  	v1 =	vmul.f32 $5.000000000e-01, v1;
	_ =	sdelay $0x1  }
0x712: {  	s11 =	simm.s32 $0x0;
	s8 =	rddreg [dreg:$0xe];
	[tilespmem:v8+s31+$0x0] =	vst.idx.msk $0x3, v1  }
0x713: {  	[hbm4b:s8+s11] =	stream.linear.scatter [tilespmem:s0], [sflag:$0x4], $0x5004, $0x38;
	[tilespmem:$0x1B850] =	vst v63  }
0x714: {  	_ =	swait.ge [sflag:s1], $0x3C10  }
0x715: {  	[sflag:s1] =	ssyncset.done $0x0  }
0x716: {  	[sflag:s1] =	ssyncadd.s32 $0xFFFFC3F0  }
0x717: {  	_ =	swait.ge [sflag:s26], $0xA008  }
0x718: {  	[sflag:s26] =	ssyncset.done $0x0  }
0x719: {  	s22 =	simm.s32 $0x20;
	[sflag:s26] =	ssyncadd.s32 $0xFFFF5FF8  }
0x71a: {  	s10 =	simm.s32 $0x2830;
	v1 =	vld [tilespmem:s22+$0x10]  }
0x71b: {  	v8 =	vld [tilespmem:s10+$0x10];
	_ =	sdelay $0x2  }
0x71c: {  	v47 =	vld [tilespmem:s22+$0xFFFFFFF0]  }
0x71d: {  	v48 =	vld [tilespmem:s10+$0xFFFFFFF0]  }
0x71e: {  	v49 =	vld [tilespmem:s22+$0x0]  }
0x71f: {  	v14 =	vld [tilespmem:s10+$0x0]  }
0x720: {  	v12 =	vld.idx.msk [tilespmem:v1+s29+$0x0], $0xffff  }
0x721: {  	v13 =	vld.idx.msk [tilespmem:v8+s29+$0x0], $0xffff  }
0x722: {  	s9 =	simm.s32 $0x30  }
0x723: {  	v20 =	vor.u32 s9, v0;
	v21 =	vld [tilespmem:s22+$0xFFFFFFE0]  }
0x724: {  	vm0 =	vlt.u32 v20, $0x2802;
	v22 =	vld.idx.msk [tilespmem:v47+s29+$0x0], $0xffff  }
0x725: {  	v20 =	vand.u32 v17, v20;
	v23 =	vld.idx.msk [tilespmem:v48+s29+$0x0], $0xffff  }
0x726: {  	s23 =	simm.s32 $0x10;
	v12 =	vadd.f32 v13, v12  }
0x727: {  	vm2 =	vmmov vm5;
	v25 =	vor.u32 s23, v0;
	v19 =	vld [tilespmem:s10+$0xFFFFFFE0]  }
0x728: {  	vm2 =	vlt.u32 v25, $0x2802;
	v26 =	vld.idx.msk [tilespmem:v49+s29+$0x0], $0xffff;
	v13 =	vadd.s32 $0xA02, v1;
	v12 =	vmul.f32 $5.000000000e-01, v12  }
0x729: {  	v25 =	vand.u32 v15, v25;
	v24 =	vadd.s32 $0xA02, v8;
	v27 =	vld.idx.msk [tilespmem:v14+s29+$0x0], $0xffff  }
0x72a: {  	s24 =	simm.s32 $0x20;
	[tilespmem:v20+s31+$0x0] =	vst.idx.msk vm0, v12;
	v20 =	vadd.f32 v23, v22  }
0x72b: {  	v28 =	vor.u32 s24, v0  }
0x72c: {  	vm1 =	vlt.u32 v28, $0x2802;
	v30 =	vld.idx.msk [tilespmem:v21+s29+$0x0], $0xffff;
	v20 =	vmul.f32 $5.000000000e-01, v20  }
0x72d: {  	v28 =	vand.u32 v16, v28;
	v12 =	vadd.s32 $0xA02, v47;
	v13 =	vld.idx.msk [tilespmem:v13+s29+$0x0], $0xffff  }
0x72e: {  	v26 =	vadd.f32 v27, v26;
	v22 =	vadd.s32 $0xA02, v48;
	v23 =	vld.idx.msk [tilespmem:v24+s29+$0x0], $0xffff;
	[tilespmem:v25+s31+$0x0] =	vst.idx.msk vm2, v20  }
0x72f: {  	v63 =	vld [tilespmem:$0x1FFA0]  }
0x730: {  	v31 =	vadd.s32 s9, v2;
	v26 =	vmul.f32 $5.000000000e-01, v26;
	v24 =	vld.idx.msk [tilespmem:v19+s29+$0x0], $0xffff  }
0x731: {  	v20 =	vand.u32 $0x7FF8, v31  }
0x732: {  	v29 =	vor.u32 s11, v0;
	v12 =	vld.idx.msk [tilespmem:v12+s29+$0x0], $0xffff;
	v20 =	vor.u32 v3, v20;
	[tilespmem:v28+s31+$0x0] =	vst.idx.msk vm1, v26;
	v26 =	vadd.s32 $0xA02, v14  }
0x733: {  	vm3 =	vlt.u32 v29, $0x2802;
	v22 =	vld.idx.msk [tilespmem:v22+s29+$0x0], $0xffff;
	v13 =	vadd.f32 v23, v13;
	v23 =	vadd.s32 $0x1404, v1  }
0x734: {  	v31 =	vadd.s32 $0x1404, v8;
	v27 =	vand.u32 v63, v29  }
0x735: {  	s17 =	simm.s32 $0x2870;
	v50 =	vadd.s32 s23, v2;
	v24 =	vadd.f32 v24, v30;
	v13 =	vmul.f32 $5.000000000e-01, v13  }
0x736: {  	v32 =	vand.u32 $0x7FF8, v50;
	v55 =	vld [tilespmem:s17+$0xFFFFFFE0];
	v25 =	vadd.s32 $0xA02, v49  }
0x737: {  	v28 =	vor.u32 v3, v32;
	v24 =	vmul.f32 $5.000000000e-01, v24;
	[tilespmem:v20+s31+$0x0] =	vst.idx.msk vm0, v13;
	v52 =	vld.idx.msk [tilespmem:v26+s29+$0x0], $0xffff  }
0x738: {  	v12 =	vadd.f32 v22, v12;
	v26 =	vadd.s32 s11, v2;
	v20 =	vld.idx.msk [tilespmem:v23+s29+$0x0], $0xffff;
	v23 =	vadd.s32 $0x1404, v48  }
0x739: {  	s12 =	simm.s32 $0x60;
	v37 =	vadd.s32 $0x1404, v19;
	v26 =	vand.u32 $0x7FD8, v26;
	[tilespmem:v27+s31+$0x0] =	vst.idx.msk vm3, v24;
	v24 =	vld.idx.msk [tilespmem:v31+s29+$0x0], $0xffff  }
0x73a: {  	v43 =	vld [tilespmem:s12+$0xFFFFFFF0];
	v12 =	vmul.f32 $5.000000000e-01, v12;
	v53 =	vor.u32 v3, v26;
	v26 =	vadd.s32 s23, v4  }
0x73b: {  	v25 =	vld.idx.msk [tilespmem:v25+s29+$0x0], $0xffff;
	v13 =	vadd.s32 $0x1404, v47;
	v22 =	vadd.s32 s9, v4;
	v26 =	vand.u32 $0xFFF8, v26  }
0x73c: {  	v29 =	vadd.s32 $0xA02, v21;
	[tilespmem:v28+s31+$0x0] =	vst.idx.msk vm2, v12;
	v12 =	vand.u32 $0xFFF8, v22;
	v45 =	vor.u32 v5, v26;
	v26 =	vld [tilespmem:s17+$0xFFFFFFF0]  }
0x73d: {  	v30 =	vadd.s32 $0xA02, v19;
	v22 =	vadd.s32 $0x1E06, v19;
	v12 =	vor.u32 v5, v12;
	v19 =	vld.idx.msk [tilespmem:v23+s29+$0x0], $0xffff  }
0x73e: {  	v1 =	vadd.s32 $0x1E06, v1;
	v23 =	vld [tilespmem:s12+$0x10];
	v20 =	vadd.f32 v24, v20;
	v24 =	vadd.s32 s24, v2  }
0x73f: {  	v8 =	vadd.s32 $0x1E06, v8;
	v27 =	vand.u32 $0x7FF8, v24;
	v24 =	vld [tilespmem:s17+$0x10]  }
0x740: {  	v13 =	vld.idx.msk [tilespmem:v13+s29+$0x0], $0xffff;
	v20 =	vmul.f32 $5.000000000e-01, v20  }
0x741: {  	v57 =	vadd.s32 s23, v6;
	v31 =	vld.idx.msk [tilespmem:v29+s29+$0x0], $0xffff  }
0x742: {  	v11 =	vand.u32 $0xFFF8, v57;
	v51 =	vld.idx.msk [tilespmem:v30+s29+$0x0], $0xffff;
	v39 =	vor.u32 v3, v27;
	v27 =	vadd.s32 s11, v4;
	[tilespmem:v12+s31+$0x0] =	vst.idx.msk vm0, v20  }
0x743: {  	v56 =	vadd.s32 $0x1E06, v14;
	v27 =	vand.u32 $0xFFD8, v27;
	v20 =	vadd.s32 s24, v4;
	v1 =	vld.idx.msk [tilespmem:v1+s29+$0x0], $0xffff  }
0x744: {  	v54 =	vadd.s32 $0x1404, v21;
	v44 =	vor.u32 v5, v27;
	v20 =	vand.u32 $0xFFF8, v20;
	v8 =	vld.idx.msk [tilespmem:v8+s29+$0x0], $0xffff;
	[tilespmem:$0x1FCB0] =	vst v56  }
0x745: {  	v30 =	vor.u32 v5, v20;
	v20 =	vadd.s32 $0x1E06, v21;
	v27 =	vld [tilespmem:s12+$0x0];
	v21 =	vadd.s32 s11, v6  }
0x746: {  	v11 =	vor.u32 v7, v11;
	v46 =	vld.idx.msk [tilespmem:v23+s29+$0x0], $0xffff;
	v21 =	vand.u32 $0xFFD8, v21  }
0x747: {  	v9 =	vadd.s32 $0x1E06, v47;
	v58 =	vor.u32 v7, v21;
	v47 =	vld.idx.msk [tilespmem:v24+s29+$0x0], $0xffff;
	[tilespmem:$0x1FCC0] =	vst v11  }
0x748: {  	v33 =	vadd.f32 v51, v31;
	[tilespmem:$0x1FCD0] =	vst v58  }
0x749: {  	v12 =	vadd.s32 $0x1404, v14;
	v14 =	vadd.s32 s24, v6;
	v28 =	vld [tilespmem:s17+$0x0]  }
0x74a: {  	s18 =	simm.s32 $0x70;
	v13 =	vadd.f32 v19, v13;
	v59 =	vmul.f32 $5.000000000e-01, v33;
	v14 =	vand.u32 $0xFFF8, v14;
	v40 =	vld [tilespmem:s12+$0xFFFFFFE0]  }
0x74b: {  	v21 =	vor.u32 v7, v14;
	v14 =	vadd.f32 v52, v25;
	v25 =	vor.u32 s18, v0;
	v19 =	vld.idx.msk [tilespmem:v55+s29+$0x0], $0xffff  }
0x74c: {  	vm4 =	vmmov vm7;
	s19 =	simm.s32 $0x50;
	vm9 =	vmmov vm0;
	vm0 =	vlt.u32 v25, $0x2802;
	v60 =	vld.idx.msk [tilespmem:v43+s29+$0x0], $0xffff  }
0x74d: {  	v34 =	vor.u32 s19, v0;
	v10 =	vadd.s32 $0x1E06, v48;
	v25 =	vand.u32 v17, v25;
	v48 =	vld.idx.msk [tilespmem:v26+s29+$0x0], $0xffff;
	[tilespmem:v53+s31+$0x0] =	vst.idx.msk vm3, v59  }
0x74e: {  	v29 =	vadd.s32 $0x1E06, v55;
	v62 =	vadd.s32 $0xA02, v23;
	v51 =	vld.idx.msk [tilespmem:v54+s29+$0x0], $0xffff;
	v46 =	vadd.f32 v47, v46  }
0x74f: {  	v38 =	vand.u32 v15, v34;
	vm7 =	vmmov vm2;
	v50 =	vadd.s32 $0xA02, v24;
	v61 =	vld.idx.msk [tilespmem:v27+s29+$0x0], $0xffff;
	[tilespmem:$0x1FCE0] =	vst v29  }
0x750: {  	v42 =	vadd.s32 $0x1404, v49;
	v35 =	vadd.s32 $0x1404, v55;
	v57 =	vmul.f32 $5.000000000e-01, v46;
	v46 =	vld.idx.msk [tilespmem:v37+s29+$0x0], $0xffff  }
0x751: {  	s21 =	simm.s32 $0x60;
	v32 =	vadd.s32 $0x1E06, v49;
	v49 =	vadd.s32 $0xA02, v55;
	vm2 =	vlt.u32 v34, $0x2802;
	v53 =	vld.idx.msk [tilespmem:v28+s29+$0x0], $0xffff  }
0x752: {  	v13 =	vmul.f32 $5.000000000e-01, v13;
	v14 =	vmul.f32 $5.000000000e-01, v14;
	v59 =	vor.u32 s21, v0;
	v55 =	vld.idx.msk [tilespmem:v40+s29+$0x0], $0xffff;
	[tilespmem:v25+s31+$0x0] =	vst.idx.msk vm0, v57  }
0x753: {  	v58 =	vadd.s32 $0xA02, v43;
	v1 =	vadd.f32 v8, v1;
	vm4 =	vlt.u32 v59, $0x2802;
	v47 =	vld.idx.msk [tilespmem:v62+s29+$0x0], $0xffff  }
0x754: {  	v41 =	vand.u32 v16, v59;
	v33 =	vadd.f32 v48, v60;
	[tilespmem:v39+s31+$0x0] =	vst.idx.msk vm1, v14;
	v60 =	vld.idx.msk [tilespmem:v50+s29+$0x0], $0xffff  }
0x755: {  	s20 =	simm.s32 $0x40;
	v59 =	vadd.s32 s19, v2;
	v14 =	vadd.s32 $0xA02, v26;
	[tilespmem:v45+s31+$0x0] =	vst.idx.msk vm7, v13;
	v13 =	vadd.s32 $0xA02, v27;
	v42 =	vld.idx.msk [tilespmem:v42+s29+$0x0], $0xffff  }
0x756: {  	v12 =	vld.idx.msk [tilespmem:v12+s29+$0x0], $0xffff;
	v33 =	vmul.f32 $5.000000000e-01, v33;
	v25 =	vor.u32 s20, v0;
	v57 =	vadd.s32 $0x1404, v23  }
0x757: {  	v9 =	vld.idx.msk [tilespmem:v9+s29+$0x0], $0xffff;
	vm5 =	vlt.u32 v25, $0x2802;
	v25 =	vand.u32 v63, v25;
	v62 =	vadd.s32 $0xA02, v40  }
0x758: {  	[tilespmem:v38+s31+$0x0] =	vst.idx.msk vm2, v33;
	v11 =	vadd.f32 v53, v61;
	v61 =	vadd.s32 s18, v2;
	v19 =	vadd.f32 v19, v55  }
0x759: {  	v53 =	vld.idx.msk [tilespmem:v58+s29+$0x0], $0xffff;
	v58 =	vadd.s32 $0x1404, v24;
	v50 =	vand.u32 $0x7FF8, v61;
	v56 =	vadd.f32 v60, v47  }
0x75a: {  	v14 =	vld.idx.msk [tilespmem:v14+s29+$0x0], $0xffff;
	v61 =	vadd.f32 v46, v51;
	v11 =	vmul.f32 $5.000000000e-01, v11;
	v55 =	vor.u32 v3, v50  }
0x75b: {  	s22 =	simm.s32 $0xA0;
	v8 =	vld.idx.msk [tilespmem:v10+s29+$0x0], $0xffff;
	v60 =	vadd.s32 $0xA02, v28;
	v51 =	vadd.s32 $0x1404, v28;
	v19 =	vmul.f32 $5.000000000e-01, v19  }
0x75c: {  	[tilespmem:v41+s31+$0x0] =	vst.idx.msk vm4, v11;
	v11 =	vmul.f32 $5.000000000e-01, v61;
	v61 =	vadd.s32 $0x1E06, v24;
	v24 =	vadd.s32 $0x1E06, v28;
	v28 =	vld [tilespmem:s22+$0xFFFFFFF0]  }
0x75d: {  	v37 =	vmul.f32 $5.000000000e-01, v1;
	v1 =	vand.u32 $0x7FF8, v59;
	[tilespmem:v25+s31+$0x0] =	vst.idx.msk vm5, v19;
	v19 =	vmul.f32 $5.000000000e-01, v56;
	v13 =	vld.idx.msk [tilespmem:v13+s29+$0x0], $0xffff  }
0x75e: {  	v54 =	vadd.s32 $0x1404, v43;
	v1 =	vor.u32 v3, v1;
	v38 =	vadd.s32 $0x1E06, v43;
	v43 =	vld.idx.msk [tilespmem:v62+s29+$0x0], $0xffff  }
0x75f: {  	v47 =	vld.idx.msk [tilespmem:v49+s29+$0x0], $0xffff;
	v14 =	vadd.f32 v14, v53;
	[tilespmem:v55+s31+$0x0] =	vst.idx.msk vm0, v19  }
0x760: {  	vm8 =	vmmov vm3;
	v39 =	vld.idx.msk [tilespmem:v57+s29+$0x0], $0xffff  }
0x761: {  	v25 =	vadd.s32 s21, v2;
	v36 =	vmul.f32 $5.000000000e-01, v14;
	v10 =	vld.idx.msk [tilespmem:v58+s29+$0x0], $0xffff  }
0x762: {  	v25 =	vand.u32 $0x7FF8, v25;
	v53 =	vld [tilespmem:s22+$0xFFFFFFE0]  }
0x763: {  	v34 =	vadd.s32 $0x1404, v26;
	v49 =	vor.u32 v3, v25;
	v25 =	vadd.s32 s19, v4;
	v14 =	vld.idx.msk [tilespmem:v60+s29+$0x0], $0xffff;
	[tilespmem:v1+s31+$0x0] =	vst.idx.msk vm2, v36  }
0x764: {  	v52 =	vadd.s32 s9, v6;
	s9 =	simm.s32 $0x28B0;
	v55 =	vadd.s32 s18, v4;
	v25 =	vand.u32 $0xFFF8, v25;
	v58 =	vld.idx.msk [tilespmem:v54+s29+$0x0], $0xffff  }
0x765: {  	v57 =	vand.u32 $0xFFF8, v55;
	v54 =	vor.u32 v5, v25;
	v25 =	vld [tilespmem:s9+$0x10]  }
0x766: {  	[tilespmem:v44+s31+$0x0] =	vst.idx.msk vm8, v11;
	v11 =	vor.u32 v5, v57;
	v10 =	vadd.f32 v10, v39;
	v39 =	vld [tilespmem:s22+$0x10]  }
0x767: {  	v23 =	vadd.s32 $0x1E06, v23;
	v20 =	vld.idx.msk [tilespmem:v20+s29+$0x0], $0xffff  }
0x768: {  	v1 =	vld.idx.msk [tilespmem:v22+s29+$0x0], $0xffff  }
0x769: {  	v48 =	vadd.s32 $0x1404, v40;
	v50 =	vadd.s32 $0x1404, v27;
	v60 =	vld.idx.msk [tilespmem:v34+s29+$0x0], $0xffff;
	v10 =	vmul.f32 $5.000000000e-01, v10  }
0x76a: {  	v44 =	vadd.s32 $0x1E06, v40;
	v40 =	vadd.s32 $0x1E06, v27;
	v27 =	vadd.f32 v47, v43;
	v47 =	vld [tilespmem:s9+$0xFFFFFFF0]  }
0x76b: {  	vm11 =	vmmov vm2;
	v52 =	vand.u32 $0xFFF8, v52;
	v55 =	vadd.s32 $0x1E06, v26;
	v26 =	vld [tilespmem:s9+$0xFFFFFFE0];
	[tilespmem:v11+s31+$0x0] =	vst.idx.msk vm0, v10  }
0x76c: {  	v33 =	vor.u32 v7, v52;
	v8 =	vadd.f32 v8, v9;
	v62 =	vadd.s32 s20, v2;
	v9 =	vld.idx.msk [tilespmem:v23+s29+$0x0], $0xffff  }
0x76d: {  	v12 =	vadd.f32 v12, v42;
	v19 =	vand.u32 $0x7FD8, v62;
	v62 =	vadd.s32 s19, v6;
	v43 =	vld.idx.msk [tilespmem:v25+s29+$0x0], $0xffff  }
0x76e: {  	s11 =	simm.s32 $0xB0;
	v19 =	vor.u32 v3, v19;
	v34 =	vadd.s32 s21, v6;
	v13 =	vadd.f32 v14, v13;
	v14 =	vld.idx.msk [tilespmem:v39+s29+$0x0], $0xffff  }
0x76f: {  	v1 =	vadd.f32 v1, v20;
	v20 =	vadd.f32 v60, v58;
	v58 =	vor.u32 s11, v0;
	v42 =	vld.idx.msk [tilespmem:v61+s29+$0x0], $0xffff  }
0x770: {  	v36 =	vmul.f32 $5.000000000e-01, v27;
	v13 =	vmul.f32 $5.000000000e-01, v13;
	vm3 =	vlt.u32 v58, $0x2802  }
0x771: {  	v60 =	vld.idx.msk [tilespmem:v28+s29+$0x0], $0xffff;
	v58 =	vand.u32 v17, v58;
	v10 =	vand.u32 $0xFFF8, v62;
	v11 =	vand.u32 $0xFFF8, v34  }
0x772: {  	v34 =	vmul.f32 $5.000000000e-01, v1;
	v62 =	vadd.s32 s18, v6;
	v1 =	vlaneseq.u32;
	v0 =	vld.idx.msk [tilespmem:v47+s29+$0x0], $0xffff  }
0x773: {  	s23 =	simm.s32 $0x90;
	[tilespmem:v19+s31+$0x0] =	vst.idx.msk vm5, v36;
	v36 =	vand.u32 $0xFFF8, v62;
	v14 =	vadd.f32 v43, v14;
	v43 =	vadd.s32 $0xA02, v39  }
0x774: {  	v52 =	vld [tilespmem:s9+$0x0];
	v62 =	vadd.s32 $0xA02, v25;
	v9 =	vadd.f32 v42, v9;
	v42 =	vor.u32 s23, v1  }
0x775: {  	v57 =	vld.idx.msk [tilespmem:v26+s29+$0x0], $0xffff;
	vm6 =	vlt.u32 v42, $0x2802;
	v14 =	vmul.f32 $5.000000000e-01, v14  }
0x776: {  	[tilespmem:v49+s31+$0x0] =	vst.idx.msk vm4, v13;
	v46 =	vor.u32 v7, v10;
	v10 =	vld [tilespmem:s22+$0x0];
	v42 =	vand.u32 v15, v42  }
0x777: {  	vm10 =	vmmov vm1;
	v13 =	vadd.f32 v0, v60;
	[tilespmem:v58+s31+$0x0] =	vst.idx.msk vm3, v14;
	v14 =	vld.idx.msk [tilespmem:v53+s29+$0x0], $0xffff  }
0x778: {  	s12 =	simm.s32 $0x80;
	vm1 =	vmmov vm4;
	v29 =	vmul.f32 $5.000000000e-01, v12;
	v20 =	vmul.f32 $5.000000000e-01, v20;
	v43 =	vld.idx.msk [tilespmem:v43+s29+$0x0], $0xffff  }
0x779: {  	v31 =	vmul.f32 $5.000000000e-01, v8;
	v8 =	vor.u32 s12, v1;
	v13 =	vmul.f32 $5.000000000e-01, v13;
	v58 =	vld.idx.msk [tilespmem:v62+s29+$0x0], $0xffff  }
0x77a: {  	s24 =	simm.s32 $0xA0;
	vm4 =	vlt.u32 v8, $0x2802;
	v8 =	vand.u32 v63, v8;
	[tilespmem:v54+s31+$0x0] =	vst.idx.msk vm11, v20;
	v62 =	vadd.s32 s23, v2  }
0x77b: {  	v54 =	vadd.s32 s24, v2;
	[tilespmem:v42+s31+$0x0] =	vst.idx.msk vm6, v13;
	v13 =	vand.u32 $0x7FF8, v62;
	v62 =	vld.idx.msk [tilespmem:v38+s29+$0x0], $0xffff;
	v38 =	vadd.s32 s11, v2  }
0x77c: {  	v54 =	vand.u32 $0x7FF8, v54;
	v14 =	vadd.f32 v57, v14;
	v57 =	vand.u32 $0x7FF8, v38  }
0x77d: {  	v38 =	vor.u32 v3, v54;
	v54 =	vor.u32 v3, v57  }
0x77e: {  	[tilespmem:v30+s31+$0x0] =	vst.idx.msk vm10, v29;
	v30 =	vadd.f32 v58, v43;
	v14 =	vmul.f32 $5.000000000e-01, v14  }
0x77f: {  	v12 =	vld.idx.msk [tilespmem:v52+s29+$0x0], $0xffff  }
0x780: {  	v56 =	vadd.s32 s21, v4;
	v22 =	vadd.s32 s20, v4;
	v19 =	vld.idx.msk [tilespmem:v10+s29+$0x0], $0xffff;
	[tilespmem:v8+s31+$0x0] =	vst.idx.msk vm4, v14;
	v14 =	vmul.f32 $5.000000000e-01, v30  }
0x781: {  	vm12 =	vmmov vm0;
	v59 =	vand.u32 $0xFFF8, v56;
	v22 =	vand.u32 $0xFFD8, v22;
	v8 =	vld [tilespmem:$0x1FCB0];
	[tilespmem:v33+s31+$0x0] =	vst.idx.msk vm9, v37  }
0x782: {  	v41 =	vor.u32 v5, v59;
	v45 =	vor.u32 v5, v22;
	v22 =	vadd.s32 s20, v6;
	[tilespmem:v54+s31+$0x0] =	vst.idx.msk vm3, v14  }
0x783: {  	v59 =	vadd.s32 $0xA02, v28;
	v22 =	vand.u32 $0xFFD8, v22;
	v1 =	vor.u32 s24, v1;
	v37 =	vld [tilespmem:$0x1FCC0]  }
0x784: {  	vm0 =	vmmov vm5;
	v23 =	vor.u32 v7, v22;
	vm5 =	vlt.u32 v1, $0x2802  }
0x785: {  	v48 =	vld.idx.msk [tilespmem:v48+s29+$0x0], $0xffff;
	v22 =	vor.u32 v7, v11;
	v11 =	vadd.s32 $0xA02, v47;
	v1 =	vand.u32 v16, v1  }
0x786: {  	v55 =	vld.idx.msk [tilespmem:v55+s29+$0x0], $0xffff;
	v12 =	vadd.f32 v12, v19  }
0x787: {  	v35 =	vld.idx.msk [tilespmem:v35+s29+$0x0], $0xffff  }
0x788: {  	v50 =	vld.idx.msk [tilespmem:v50+s29+$0x0], $0xffff;
	v12 =	vmul.f32 $5.000000000e-01, v12  }
0x789: {  	v59 =	vld.idx.msk [tilespmem:v59+s29+$0x0], $0xffff  }
0x78a: {  	v11 =	vld.idx.msk [tilespmem:v11+s29+$0x0], $0xffff;
	[tilespmem:v1+s31+$0x0] =	vst.idx.msk vm5, v12  }
0x78b: {  	v51 =	vld.idx.msk [tilespmem:v51+s29+$0x0], $0xffff;
	v60 =	vadd.s32 $0xA02, v53;
	v55 =	vadd.f32 v55, v62;
	v62 =	vadd.s32 s12, v4;
	[tilespmem:v37+s31+$0x0] =	vst.idx.msk vm7, v31  }
0x78c: {  	v56 =	vadd.s32 $0xA02, v26;
	v54 =	vand.u32 $0xFFD8, v62;
	v62 =	vld [tilespmem:$0x1FCD0]  }
0x78d: {  	v36 =	vor.u32 v7, v36;
	v48 =	vadd.f32 v35, v48;
	v43 =	vadd.s32 $0x1404, v39  }
0x78e: {  	v19 =	vadd.s32 $0x1404, v25;
	v13 =	vor.u32 v3, v13  }
0x78f: {  	vm2 =	vmmov vm10;
	v48 =	vmul.f32 $5.000000000e-01, v48;
	v57 =	vld.idx.msk [tilespmem:v32+s29+$0x0], $0xffff;
	v11 =	vadd.f32 v11, v59  }
0x790: {  	v27 =	vadd.s32 $0x1404, v26;
	v50 =	vadd.f32 v51, v50;
	v9 =	vmul.f32 $5.000000000e-01, v9;
	v51 =	vld.idx.msk [tilespmem:v60+s29+$0x0], $0xffff  }
0x791: {  	v26 =	vadd.s32 $0x1E06, v26;
	v61 =	vadd.s32 $0x1404, v28;
	v11 =	vmul.f32 $5.000000000e-01, v11;
	v56 =	vld.idx.msk [tilespmem:v56+s29+$0x0], $0xffff;
	[tilespmem:v45+s31+$0x0] =	vst.idx.msk vm0, v48  }
0x792: {  	v28 =	vadd.s32 $0x1E06, v28;
	v32 =	vadd.s32 s23, v4;
	v14 =	vadd.s32 s24, v4;
	v60 =	vld.idx.msk [tilespmem:v43+s29+$0x0], $0xffff;
	[tilespmem:v36+s31+$0x0] =	vst.idx.msk vm12, v9  }
0x793: {  	v49 =	vadd.s32 $0xA02, v10;
	v32 =	vand.u32 $0xFFF8, v32;
	v14 =	vand.u32 $0xFFF8, v14;
	v19 =	vld.idx.msk [tilespmem:v19+s29+$0x0], $0xffff;
	[tilespmem:v13+s31+$0x0] =	vst.idx.msk vm6, v11  }
0x794: {  	v43 =	vor.u32 v5, v32;
	v32 =	vor.u32 v5, v14;
	v14 =	vadd.s32 s24, v6;
	[tilespmem:v62+s31+$0x0] =	vst.idx.msk vm8, v34  }
0x795: {  	v20 =	vadd.s32 $0xA02, v52;
	v0 =	vadd.s32 s12, v2;
	v62 =	vand.u32 $0xFFF8, v14;
	v14 =	vld [tilespmem:$0x1FCE0]  }
0x796: {  	v35 =	vadd.s32 $0x1404, v53;
	v29 =	vadd.s32 $0x1404, v10;
	v42 =	vand.u32 $0x7FD8, v0  }
0x797: {  	v0 =	vlaneseq.u32;
	v42 =	vor.u32 v3, v42;
	v58 =	vadd.s32 $0x1404, v47;
	v8 =	vld.idx.msk [tilespmem:v8+s29+$0x0], $0xffff  }
0x798: {  	v30 =	vadd.s32 $0x1404, v52;
	v33 =	vor.u32 v5, v54;
	v1 =	vmul.f32 $5.000000000e-01, v50  }
0x799: {  	v50 =	vadd.s32 s23, v6;
	v49 =	vld.idx.msk [tilespmem:v49+s29+$0x0], $0xffff;
	v12 =	vadd.f32 v56, v51;
	v56 =	vadd.f32 v19, v60  }
0x79a: {  	v54 =	vld.idx.msk [tilespmem:v20+s29+$0x0], $0xffff;
	v60 =	vadd.s32 s12, v6;
	v31 =	vadd.s32 $0x1E06, v53;
	v37 =	vadd.s32 $0x1E06, v47  }
0x79b: {  	v47 =	vadd.s32 $0x1E06, v10;
	v10 =	vand.u32 $0xFFF8, v50;
	v13 =	vmul.f32 $5.000000000e-01, v55;
	v48 =	vld.idx.msk [tilespmem:v44+s29+$0x0], $0xffff  }
0x79c: {  	v9 =	vand.u32 $0xFFD8, v60;
	v53 =	vld.idx.msk [tilespmem:v61+s29+$0x0], $0xffff;
	v8 =	vadd.f32 v8, v57;
	[tilespmem:v41+s31+$0x0] =	vst.idx.msk vm1, v1;
	v1 =	vadd.s32 s11, v4  }
0x79d: {  	v51 =	vor.u32 v7, v10;
	v44 =	vor.u32 v7, v9;
	v1 =	vand.u32 $0xFFF8, v1;
	v50 =	vld.idx.msk [tilespmem:v14+s29+$0x0], $0xffff  }
0x79e: {  	v55 =	vld.idx.msk [tilespmem:v58+s29+$0x0], $0xffff;
	v34 =	vadd.s32 $0x1E06, v52;
	v52 =	vmul.f32 $5.000000000e-01, v8;
	v57 =	vor.u32 v5, v1  }
0x79f: {  	s17 =	simm.s32 $0x8;
	s18 =	simm.s32 $0xE0;
	v58 =	vmul.f32 $5.000000000e-01, v12;
	v45 =	vor.u32 v7, v62;
	[tilespmem:v46+s31+$0x0] =	vst.idx.msk vm11, v13;
	v46 =	vadd.s32 $0x1E06, v39;
	v36 =	vld.idx.msk [tilespmem:v40+s29+$0x0], $0xffff  }
.LBB2_24:
0x7a0: {  	v39 =	vld [tilespmem:s18+$0x10];
	v1 =	vadd.f32 v54, v49;
	v8 =	vadd.s32 $0x1E06, v25;
	s9 =	sadd.s32 $0x40, s9;
	[tilespmem:v21+s31+$0x0] =	vst.idx.msk vm2, v52;
	v40 =	vmovc v47;
	v41 =	vmov v51  }
0x7a1: {  	v21 =	vmovc v22;
	v22 =	vmovc v45;
	vm7 =	vmmov vm6;
	vm8 =	vmmov vm3;
	v25 =	vld [tilespmem:s9+$0x10];
	[tilespmem:v42+s31+$0x0] =	vst.idx.msk vm4, v58;
	v9 =	vmul.f32 $5.000000000e-01, v56  }
0x7a2: {  	vm2 =	vmmov vm1;
	v11 =	vadd.f32 v50, v48;
	v10 =	vld [tilespmem:s9+$0xFFFFFFE0];
	v1 =	vmul.f32 $5.000000000e-01, v1  }
0x7a3: {  	vm1 =	vmmov vm5;
	v12 =	vld [tilespmem:s18+$0xFFFFFFF0];
	[tilespmem:v57+s31+$0x0] =	vst.idx.msk vm3, v9  }
0x7a4: {  	s17 =	sadd.s32 $0x4, s17;
	v9 =	vadd.f32 v55, v53;
	v11 =	vmul.f32 $5.000000000e-01, v11;
	[tilespmem:v38+s31+$0x0] =	vst.idx.msk vm5, v1;
	v1 =	vld.idx.msk [tilespmem:v46+s29+$0x0], $0xffff  }
0x7a5: {  	p0 =	slt.u32 s17, $0x27C;
	v8 =	vld.idx.msk [tilespmem:v8+s29+$0x0], $0xffff  }
0x7a6: {  	v9 =	vmul.f32 $5.000000000e-01, v9;
	v46 =	vld [tilespmem:s9+$0xFFFFFFF0];
	[tilespmem:v23+s31+$0x0] =	vst.idx.msk vm0, v11;
	v23 =	vmov v44;
	vm0 =	vmmov vm4  }
0x7a7: {  	v48 =	vadd.s32 $0xA02, v10;
	v11 =	vadd.s32 $0x1404, v10;
	v44 =	vadd.s32 $0x1E06, v10;
	v47 =	vld [tilespmem:s18+$0x0]  }
0x7a8: {  	v13 =	vadd.s32 $0xA02, v12;
	v45 =	vadd.s32 $0x1404, v12;
	v14 =	vld.idx.msk [tilespmem:v39+s29+$0x0], $0xffff;
	[tilespmem:v43+s31+$0x0] =	vst.idx.msk vm6, v9;
	v9 =	vadd.s32 s11, v6  }
0x7a9: {  	v19 =	vadd.s32 $0x1E06, v12;
	v20 =	vld.idx.msk [tilespmem:v25+s29+$0x0], $0xffff;
	v9 =	vand.u32 $0xFFF8, v9  }
0x7aa: {  	s12 =	sadd.s32 $0x40, s12;
	v50 =	vld [tilespmem:s9+$0x0];
	v9 =	vor.u32 v7, v9  }
0x7ab: {  	s8 =	sadd.s32 $0x10, s12;
	s10 =	sadd.s32 $0x20, s12;
	v38 =	vor.u32 s12, v0;
	s11 =	sadd.s32 $0x30, s12;
	v1 =	vadd.f32 v8, v1;
	v51 =	vld [tilespmem:s18+$0xFFFFFFE0];
	v43 =	vadd.s32 $0xA02, v46  }
0x7ac: {  	v42 =	vor.u32 s10, v0;
	v49 =	vor.u32 s11, v0;
	v8 =	vld.idx.msk [tilespmem:v10+s29+$0x0], $0xffff;
	v10 =	vor.u32 s8, v0  }
0x7ad: {  	vm3 =	vlt.u32 v49, $0x2802;
	v1 =	vmul.f32 $5.000000000e-01, v1;
	vm6 =	vlt.u32 v10, $0x2802;
	v12 =	vld.idx.msk [tilespmem:v12+s29+$0x0], $0xffff  }
0x7ae: {  	vm5 =	vlt.u32 v42, $0x2802;
	vm4 =	vlt.u32 v38, $0x2802;
	v49 =	vand.u32 v17, v49;
	v52 =	vld.idx.msk [tilespmem:v46+s29+$0x0], $0xffff  }
0x7af: {  	v54 =	vadd.s32 $0xA02, v47;
	v14 =	vadd.f32 v20, v14;
	v20 =	vadd.s32 $0xA02, v39;
	v53 =	vld.idx.msk [tilespmem:v47+s29+$0x0], $0xffff;
	[tilespmem:v9+s31+$0x0] =	vst.idx.msk vm8, v1  }
0x7b0: {  	v1 =	vand.u32 v15, v10;
	v9 =	vand.u32 v16, v42;
	v10 =	vadd.s32 $0xA02, v25;
	v55 =	vld.idx.msk [tilespmem:v35+s29+$0x0], $0xffff  }
0x7b1: {  	v56 =	vand.u32 v63, v38;
	v57 =	vadd.s32 $0xA02, v51;
	v14 =	vmul.f32 $5.000000000e-01, v14;
	v58 =	vld.idx.msk [tilespmem:v27+s29+$0x0], $0xffff;
	v27 =	vmovc v11  }
0x7b2: {  	v60 =	vadd.s32 $0xA02, v50;
	v35 =	vadd.s32 s10, v2;
	v11 =	vadd.s32 s8, v2;
	v59 =	vld.idx.msk [tilespmem:v50+s29+$0x0], $0xffff  }
0x7b3: {  	v38 =	vadd.s32 s12, v2;
	v62 =	vand.u32 $0x7FF8, v35;
	v11 =	vand.u32 $0x7FF8, v11;
	v61 =	vld.idx.msk [tilespmem:v51+s29+$0x0], $0xffff;
	[tilespmem:v49+s31+$0x0] =	vst.idx.msk vm3, v14  }
0x7b4: {  	v14 =	vand.u32 $0x7FD8, v38;
	v12 =	vadd.f32 v52, v12;
	v11 =	vor.u32 v3, v11;
	v20 =	vld.idx.msk [tilespmem:v20+s29+$0x0], $0xffff  }
0x7b5: {  	v35 =	vadd.s32 $0x1404, v51;
	v38 =	vor.u32 v3, v62;
	v42 =	vor.u32 v3, v14;
	v10 =	vld.idx.msk [tilespmem:v10+s29+$0x0], $0xffff  }
0x7b6: {  	v14 =	vadd.s32 $0x1404, v46;
	v12 =	vmul.f32 $5.000000000e-01, v12;
	v52 =	vld.idx.msk [tilespmem:v29+s29+$0x0], $0xffff;
	v29 =	vadd.s32 $0x1404, v47  }
0x7b7: {  	v49 =	vadd.s32 s8, v4;
	v55 =	vadd.f32 v58, v55;
	v58 =	vld.idx.msk [tilespmem:v30+s29+$0x0], $0xffff;
	v30 =	vadd.s32 $0x1404, v50  }
0x7b8: {  	[tilespmem:v1+s31+$0x0] =	vst.idx.msk vm6, v12;
	v1 =	vadd.f32 v59, v53;
	v12 =	vadd.s32 s10, v4;
	v53 =	vadd.s32 s11, v2;
	v59 =	vld.idx.msk [tilespmem:v28+s29+$0x0], $0xffff  }
0x7b9: {  	v8 =	vadd.f32 v8, v61;
	v61 =	vadd.s32 s12, v4;
	v28 =	vmovc v19;
	v13 =	vld.idx.msk [tilespmem:v13+s29+$0x0], $0xffff;
	v53 =	vand.u32 $0x7FF8, v53  }
0x7ba: {  	v55 =	vmul.f32 $5.000000000e-01, v55;
	v19 =	vld.idx.msk [tilespmem:v43+s29+$0x0], $0xffff;
	v1 =	vmul.f32 $5.000000000e-01, v1;
	v53 =	vor.u32 v3, v53  }
0x7bb: {  	v8 =	vmul.f32 $5.000000000e-01, v8;
	v10 =	vadd.f32 v10, v20;
	v20 =	vadd.s32 $0x1404, v39;
	v62 =	vld.idx.msk [tilespmem:v37+s29+$0x0], $0xffff  }
0x7bc: {  	v37 =	vand.u32 $0xFFF8, v49;
	[tilespmem:v9+s31+$0x0] =	vst.idx.msk vm5, v1;
	v1 =	vand.u32 $0xFFF8, v12;
	v9 =	vadd.s32 $0x1404, v25;
	v12 =	vld.idx.msk [tilespmem:v24+s29+$0x0], $0xffff;
	v24 =	vmovc v34  }
0x7bd: {  	v10 =	vmul.f32 $5.000000000e-01, v10;
	v34 =	vadd.f32 v58, v52;
	[tilespmem:v56+s31+$0x0] =	vst.idx.msk vm4, v8;
	v8 =	vand.u32 $0xFFD8, v61;
	v49 =	vld.idx.msk [tilespmem:v54+s29+$0x0], $0xffff  }
0x7be: {  	v43 =	vor.u32 v5, v37;
	v1 =	vor.u32 v5, v1;
	v56 =	vld.idx.msk [tilespmem:v57+s29+$0x0], $0xffff;
	v8 =	vor.u32 v5, v8  }
0x7bf: {  	v51 =	vadd.s32 $0x1E06, v51;
	v37 =	vadd.s32 $0x1E06, v46;
	v57 =	vld.idx.msk [tilespmem:v48+s29+$0x0], $0xffff;
	[tilespmem:v53+s31+$0x0] =	vst.idx.msk vm3, v10;
	v10 =	vmul.f32 $5.000000000e-01, v34  }
0x7c0: {  	v47 =	vadd.s32 $0x1E06, v47;
	v13 =	vadd.f32 v19, v13;
	v34 =	vadd.s32 $0x1E06, v50;
	v19 =	vld.idx.msk [tilespmem:v20+s29+$0x0], $0xffff;
	[tilespmem:v33+s31+$0x0] =	vst.idx.msk vm0, v55  }
0x7c1: {  	v46 =	vadd.s32 s10, v6;
	v20 =	vadd.s32 s8, v6;
	v50 =	vadd.f32 v62, v59;
	v9 =	vld.idx.msk [tilespmem:v9+s29+$0x0], $0xffff;
	[tilespmem:v32+s31+$0x0] =	vst.idx.msk vm1, v10  }
0x7c2: {  	v33 =	vmovc v8;
	v10 =	vadd.s32 s12, v6;
	v13 =	vmul.f32 $5.000000000e-01, v13;
	v12 =	vadd.f32 v12, v36;
	v32 =	vmovc v1;
	v54 =	vld.idx.msk [tilespmem:v60+s29+$0x0], $0xffff  }
.Ltmp11:
0x7c3: {  	v8 =	vand.u32 $0xFFF8, v46;
	v1 =	vand.u32 $0xFFF8, v20;
	v20 =	vmul.f32 $5.000000000e-01, v50;
	v48 =	vld.idx.msk [tilespmem:v31+s29+$0x0], $0xffff;
	v31 =	vmovc v51;
	(pc) =	sbr.rel @p0 .LBB2_24-.Ltmp11, $4  }
0x7c4: {  	v10 =	vand.u32 $0xFFD8, v10;
	v52 =	vmul.f32 $5.000000000e-01, v12;
	[tilespmem:v11+s31+$0x0] =	vst.idx.msk vm6, v13;
	v11 =	vadd.s32 s11, v4;
	v50 =	vld.idx.msk [tilespmem:v26+s29+$0x0], $0xffff;
	v26 =	vmovc v44  }
0x7c5: {  	v51 =	vor.u32 v7, v1;
	v12 =	vadd.f32 v57, v56;
	v53 =	vld.idx.msk [tilespmem:v45+s29+$0x0], $0xffff;
	v1 =	vand.u32 $0xFFF8, v11  }
0x7c6: {  	v44 =	vor.u32 v7, v10;
	v45 =	vor.u32 v7, v8;
	v55 =	vld.idx.msk [tilespmem:v14+s29+$0x0], $0xffff;
	v57 =	vor.u32 v5, v1  }
0x7c7: {  	s18 =	sadd.s32 $0x40, s18;
	v46 =	vadd.s32 $0x1E06, v39;
	v58 =	vmul.f32 $5.000000000e-01, v12;
	v56 =	vadd.f32 v9, v19;
	[tilespmem:v41+s31+$0x0] =	vst.idx.msk vm7, v20;
	v36 =	vld.idx.msk [tilespmem:v40+s29+$0x0], $0xffff  }
0x7c8: {  	_ =	sdelay $0x2  }
0x7c9: {  	v1 =	vadd.f32 v54, v49;
	_ =	sdelay $0x1  }
0x7ca: {  	[tilespmem:v42+s31+$0x0] =	vst.idx.msk vm4, v58;
	v1 =	vmul.f32 $5.000000000e-01, v1  }
0x7cb: {  	vm6 =	vmmov vm6;
	v8 =	vld.idx.msk [tilespmem:v35+s29+$0x0], $0xffff  }
0x7cc: {  	[tilespmem:v38+s31+$0x0] =	vst.idx.msk vm5, v1;
	v1 =	vld.idx.msk [tilespmem:v27+s29+$0x0], $0xffff  }
0x7cd: {  	v12 =	vadd.f32 v55, v53;
	v10 =	vld.idx.msk [tilespmem:v29+s29+$0x0], $0xffff  }
0x7ce: {  	v11 =	vmul.f32 $5.000000000e-01, v56;
	v13 =	vld.idx.msk [tilespmem:v30+s29+$0x0], $0xffff  }
0x7cf: {  	v9 =	vadd.s32 $0x1E06, v25;
	vm4 =	vmmov vm4;
	v62 =	vmul.f32 $5.000000000e-01, v12  }
0x7d0: {  	[tilespmem:v57+s31+$0x0] =	vst.idx.msk vm3, v11  }
0x7d1: {  	vm5 =	vmmov vm5;
	v12 =	vld.idx.msk [tilespmem:v46+s29+$0x0], $0xffff;
	[tilespmem:v43+s31+$0x0] =	vst.idx.msk vm6, v62;
	v1 =	vadd.f32 v1, v8  }
0x7d2: {  	v63 =	vld.idx.msk [tilespmem:v28+s29+$0x0], $0xffff  }
0x7d3: {  	v11 =	vld.idx.msk [tilespmem:v37+s29+$0x0], $0xffff;
	v10 =	vadd.f32 v13, v10;
	v1 =	vmul.f32 $5.000000000e-01, v1  }
0x7d4: {  	v8 =	vld.idx.msk [tilespmem:v9+s29+$0x0], $0xffff  }
0x7d5: {  	v13 =	vld.idx.msk [tilespmem:v24+s29+$0x0], $0xffff;
	v10 =	vmul.f32 $5.000000000e-01, v10;
	[tilespmem:v33+s31+$0x0] =	vst.idx.msk vm4, v1  }
0x7d6: {  	v1 =	vld.idx.msk [tilespmem:v31+s29+$0x0], $0xffff  }
0x7d7: {  	v14 =	vadd.s32 s11, v6;
	[tilespmem:v32+s31+$0x0] =	vst.idx.msk vm5, v10;
	v35 =	vld.idx.msk [tilespmem:v26+s29+$0x0], $0xffff  }
0x7d8: {  	v14 =	vand.u32 $0xFFF8, v14;
	vm3 =	vmmov vm3;
	v19 =	vld.idx.msk [tilespmem:v47+s29+$0x0], $0xffff  }
0x7d9: {  	v20 =	vadd.f32 v50, v48;
	v14 =	vor.u32 v7, v14;
	v24 =	vld.idx.msk [tilespmem:v34+s29+$0x0], $0xffff  }
0x7da: {  	vm1 =	vmmov vm1;
	v8 =	vadd.f32 v8, v12  }
0x7db: {  	v9 =	vadd.f32 v11, v63;
	v12 =	vmul.f32 $5.000000000e-01, v20  }
0x7dc: {  	[tilespmem:v21+s31+$0x0] =	vst.idx.msk vm2, v52;
	v36 =	vadd.f32 v13, v36;
	v8 =	vmul.f32 $5.000000000e-01, v8  }
0x7dd: {  	v9 =	vmul.f32 $5.000000000e-01, v9;
	[tilespmem:v23+s31+$0x0] =	vst.idx.msk vm0, v12;
	v1 =	vadd.f32 v35, v1  }
0x7de: {  	[tilespmem:v14+s31+$0x0] =	vst.idx.msk vm3, v8;
	v8 =	vmul.f32 $5.000000000e-01, v36;
	v37 =	vadd.f32 v24, v19  }
0x7df: {  	[tilespmem:v51+s31+$0x0] =	vst.idx.msk vm6, v9;
	v1 =	vmul.f32 $5.000000000e-01, v1  }
0x7e0: {  	[tilespmem:v22+s31+$0x0] =	vst.idx.msk vm1, v8;
	v8 =	vmul.f32 $5.000000000e-01, v37  }
0x7e1: {  	[tilespmem:v44+s31+$0x0] =	vst.idx.msk vm4, v1  }
0x7e2: {  	[tilespmem:v45+s31+$0x0] =	vst.idx.msk vm5, v8  }
0x7e3: {  	v1 =	vld [tilespmem:$0x2800]  }
0x7e4: {  	v8 =	vld [tilespmem:$0x5010];
	_ =	sdelay $0x6  }
0x7e5: {  	v9 =	vld.idx.msk [tilespmem:v1+s29+$0x0], $0xffff  }
0x7e6: {  	v38 =	vld.idx.msk [tilespmem:v8+s29+$0x0], $0xffff;
	_ =	sdelay $0x4  }
0x7e7: {  	v39 =	vadd.s32 $0xA02, v1;
	v9 =	vadd.f32 v38, v9  }
0x7e8: {  	v40 =	vadd.s32 $0xA02, v8  }
0x7e9: {  	v9 =	vmul.f32 $5.000000000e-01, v9;
	_ =	sdelay $0x1  }
0x7ea: {  	[tilespmem:v18+s31+$0x0] =	vst.idx.msk $0x3, v9  }
0x7eb: {  	v9 =	vld.idx.msk [tilespmem:v39+s29+$0x0], $0xffff  }
0x7ec: {  	v41 =	vld.idx.msk [tilespmem:v40+s29+$0x0], $0xffff  }
0x7ed: {  	v12 =	vld [tilespmem:$0x1FF50];
	_ =	sdelay $0x3  }
0x7ee: {  	v42 =	vadd.s32 $0x1404, v1;
	v9 =	vadd.f32 v41, v9  }
0x7ef: {  	v43 =	vadd.s32 $0x1404, v8  }
0x7f0: {  	v9 =	vmul.f32 $5.000000000e-01, v9;
	_ =	sdelay $0x1  }
0x7f1: {  	[tilespmem:v12+s31+$0x0] =	vst.idx.msk $0x3, v9  }
0x7f2: {  	v9 =	vld.idx.msk [tilespmem:v42+s29+$0x0], $0xffff  }
0x7f3: {  	v44 =	vld.idx.msk [tilespmem:v43+s29+$0x0], $0xffff  }
0x7f4: {  	v45 =	vld [tilespmem:$0x1FF60];
	_ =	sdelay $0x3  }
0x7f5: {  	v1 =	vadd.s32 $0x1E06, v1;
	v9 =	vadd.f32 v44, v9  }
0x7f6: {  	v8 =	vadd.s32 $0x1E06, v8  }
0x7f7: {  	v9 =	vmul.f32 $5.000000000e-01, v9;
	_ =	sdelay $0x1  }
0x7f8: {  	[tilespmem:v45+s31+$0x0] =	vst.idx.msk $0x3, v9  }
0x7f9: {  	v1 =	vld.idx.msk [tilespmem:v1+s29+$0x0], $0xffff  }
0x7fa: {  	v8 =	vld.idx.msk [tilespmem:v8+s29+$0x0], $0xffff;
	_ =	sdelay $0x4  }
0x7fb: {  	v1 =	vadd.f32 v8, v1;
	v8 =	vld [tilespmem:$0x1FF70];
	_ =	sdelay $0x5  }
0x7fc: {  	v1 =	vmul.f32 $5.000000000e-01, v1;
	_ =	sdelay $0x1  }
0x7fd: {  	s8 =	simm.s32 $0x0;
	s9 =	rddreg [dreg:$0xf];
	[tilespmem:v8+s31+$0x0] =	vst.idx.msk $0x3, v1  }
0x7fe: {  	[hbm4b:s9+s8] =	stream.linear.scatter [tilespmem:s31], [sflag:$0x3], $0xA008, $0x38;
	[tilespmem:$0x1B850] =	vst v63  }
0x7ff: {  	_ =	swait.ge [sflag:s4], $0x5004  }
0x800: {  	v52 =	vld [tilespmem:$0x1FFD0]  }
0x801: {  	v51 =	vld [tilespmem:$0x1FFC0]  }
0x802: {  	[sflag:s4] =	ssyncset.done $0x0;
	v53 =	vld [tilespmem:$0x1FFE0]  }
0x803: {  	s19 =	simm.s32 $0x20;
	v54 =	vld [tilespmem:$0x1FFF0];
	[sflag:s4] =	ssyncadd.s32 $0xFFFFAFFC  }
0x804: {  	s10 =	simm.s32 $0x2830;
	v1 =	vld [tilespmem:s19+$0x10]  }
0x805: {  	v8 =	vld [tilespmem:s10+$0x10]  }
0x806: {  	v46 =	vld [tilespmem:s10+$0xFFFFFFE0]  }
0x807: {  	v47 =	vld [tilespmem:s19+$0xFFFFFFF0]  }
0x808: {  	v12 =	vld [tilespmem:s10+$0xFFFFFFF0]  }
0x809: {  	v14 =	vld [tilespmem:s19+$0x0];
	v49 =	vadd.s32 $0x2808, v1  }
0x80a: {  	s21 =	simm.s32 $0x10;
	v19 =	vld [tilespmem:s10+$0x0];
	v13 =	vadd.s32 $0x2808, v8  }
0x80b: {  	s22 =	simm.s32 $0x20;
	s12 =	simm.s32 $0x60;
	v50 =	vmov s21;
	v20 =	vld [tilespmem:s19+$0xFFFFFFE0]  }
0x80c: {  	s20 =	simm.s32 $0x30;
	s18 =	simm.s32 $0x70;
	v55 =	vmov s22;
	vm2 =	vmmov vm5;
	s9 =	simm.s32 $0x2870;
	v32 =	vld [tilespmem:s12+$0x10];
	v21 =	vadd.s32 $0x2808, v46  }
0x80d: {  	v62 =	vmov s18;
	v26 =	vmov s20;
	v33 =	vld [tilespmem:s9+$0x10];
	v22 =	vadd.s32 $0x2808, v47  }
0x80e: {  	v27 =	vadd.s32 s20, v52;
	vm4 =	vlt.u32 v26, v51;
	v23 =	vadd.s32 $0x2808, v12;
	v11 =	vld.idx.msk [tilespmem:v49+s29+$0x0], $0xffff  }
0x80f: {  	v29 =	vadd.s32 s8, v54;
	v30 =	vadd.s32 s21, v52;
	v25 =	vadd.s32 $0x2808, v19;
	v13 =	vld.idx.msk [tilespmem:v13+s29+$0x0], $0xffff  }
0x810: {  	s11 =	simm.s32 $0x40;
	v56 =	vld [tilespmem:s12+$0x0];
	v31 =	vadd.s32 s22, v52;
	vm5 =	vlt.u32 v50, v51;
	v28 =	vadd.s32 $0x2808, v20  }
0x811: {  	s23 =	simm.s32 $0x50;
	vm6 =	vlt.u32 v55, v51;
	v43 =	vadd.s32 s11, v52;
	v57 =	vadd.s32 $0x2808, v32;
	v21 =	vld.idx.msk [tilespmem:v21+s29+$0x0], $0xffff  }
0x812: {  	v61 =	vadd.s32 s23, v52;
	v26 =	vand.u32 $0xFFF8, v27;
	v24 =	vadd.s32 $0x2808, v14;
	v22 =	vld.idx.msk [tilespmem:v22+s29+$0x0], $0xffff  }
0x813: {  	s24 =	simm.s32 $0x60;
	v63 =	vadd.s32 s18, v52;
	v26 =	vor.u32 v53, v26;
	v58 =	vadd.s32 $0x2808, v33;
	v23 =	vld.idx.msk [tilespmem:v23+s29+$0x0], $0xffff  }
0x814: {  	v55 =	vadd.s32 s24, v52;
	v1 =	vadd.s32 $0x320A, v1;
	v25 =	vld.idx.msk [tilespmem:v25+s29+$0x0], $0xffff;
	v11 =	vadd.f32 v13, v11  }
0x815: {  	vm3 =	vlt.u32 v62, v51;
	v27 =	vadd.s32 s8, v52;
	v8 =	vadd.s32 $0x320A, v8;
	v28 =	vld.idx.msk [tilespmem:v28+s29+$0x0], $0xffff  }
0x816: {  	v30 =	vand.u32 $0xFFF8, v30;
	v9 =	vadd.s32 $0x320A, v46;
	v36 =	vld.idx.msk [tilespmem:v57+s29+$0x0], $0xffff;
	v11 =	vmul.f32 $5.000000000e-01, v11  }
0x817: {  	v10 =	vadd.s32 $0x320A, v47;
	v13 =	vadd.s32 $0x320A, v14;
	v14 =	vadd.s32 $0x320A, v19;
	v19 =	vld.idx.msk [tilespmem:v24+s29+$0x0], $0xffff  }
0x818: {  	v12 =	vadd.s32 $0x320A, v12;
	v20 =	vadd.s32 $0x320A, v20;
	v40 =	vadd.s32 $0x2808, v56;
	v37 =	vld.idx.msk [tilespmem:v58+s29+$0x0], $0xffff;
	[tilespmem:v26+s31+$0x0] =	vst.idx.msk vm4, v11  }
0x819: {  	v24 =	vmov s8;
	v22 =	vadd.f32 v23, v22;
	v23 =	vadd.s32 s22, v54;
	v1 =	vld.idx.msk [tilespmem:v1+s29+$0x0], $0xffff  }
0x81a: {  	v21 =	vadd.f32 v21, v28;
	vm1 =	vlt.u32 v24, v51;
	v28 =	vand.u32 $0x1FFF8, v23;
	v8 =	vld.idx.msk [tilespmem:v8+s29+$0x0], $0xffff  }
0x81b: {  	v26 =	vand.u32 $0xFFD8, v27;
	v27 =	vand.u32 $0xFFF8, v31;
	v31 =	vor.u32 v53, v30;
	v30 =	vld [tilespmem:s9+$0xFFFFFFF0]  }
0x81c: {  	v34 =	vmul.f32 $5.000000000e-01, v22;
	v22 =	vadd.s32 s21, v54;
	v19 =	vadd.f32 v25, v19;
	v25 =	vld [tilespmem:s9+$0xFFFFFFE0]  }
0x81d: {  	v22 =	vand.u32 $0x1FFF8, v22;
	v11 =	vor.u32 v53, v27;
	v24 =	vor.u32 v53, v26;
	v27 =	vld [tilespmem:s12+$0xFFFFFFF0]  }
0x81e: {  	v26 =	vmul.f32 $5.000000000e-01, v21;
	v21 =	vor.u32 v3, v22;
	v22 =	vor.u32 v3, v28;
	v28 =	vld [tilespmem:s9+$0x0]  }
0x81f: {  	v23 =	vand.u32 $0x1FFD8, v29;
	v29 =	vadd.s32 s20, v54;
	v1 =	vadd.f32 v8, v1;
	v8 =	vld [tilespmem:s12+$0xFFFFFFE0]  }
0x820: {  	vm0 =	vmmov vm5;
	v48 =	vld.idx.msk [tilespmem:v40+s29+$0x0], $0xffff;
	v29 =	vand.u32 $0x1FFF8, v29;
	v39 =	vadd.s32 $0x2808, v30;
	[tilespmem:v31+s31+$0x0] =	vst.idx.msk vm5, v34  }
0x821: {  	v62 =	vadd.s32 $0x320A, v33;
	v42 =	vor.u32 v3, v29;
	v29 =	vadd.s32 $0x2808, v25;
	v33 =	vld.idx.msk [tilespmem:v10+s29+$0x0], $0xffff  }
0x822: {  	v38 =	vand.u32 $0xFFF8, v61;
	v61 =	vand.u32 $0xFFD8, v43;
	[tilespmem:v24+s31+$0x0] =	vst.idx.msk vm1, v26;
	v59 =	vadd.s32 $0x2808, v27;
	v35 =	vld.idx.msk [tilespmem:v12+s29+$0x0], $0xffff  }
0x823: {  	v32 =	vadd.s32 $0x320A, v32;
	v38 =	vor.u32 v53, v38;
	v60 =	vadd.s32 $0x2808, v28;
	v20 =	vld.idx.msk [tilespmem:v20+s29+$0x0], $0xffff  }
0x824: {  	v57 =	vmov s23;
	v23 =	vor.u32 v3, v23;
	v9 =	vld.idx.msk [tilespmem:v9+s29+$0x0], $0xffff;
	v41 =	vadd.s32 $0x2808, v8  }
0x825: {  	vm2 =	vmmov vm1;
	v19 =	vmul.f32 $5.000000000e-01, v19;
	v31 =	vadd.f32 v37, v36;
	v39 =	vld.idx.msk [tilespmem:v39+s29+$0x0], $0xffff  }
0x826: {  	v26 =	vadd.s32 $0x320A, v27;
	v27 =	vadd.s32 $0x320A, v56;
	v56 =	vand.u32 $0xFFF8, v63;
	v44 =	vld.idx.msk [tilespmem:v29+s29+$0x0], $0xffff  }
0x827: {  	v24 =	vadd.s32 $0x320A, v25;
	vm1 =	vmmov vm6;
	v46 =	vor.u32 v53, v56;
	v45 =	vld.idx.msk [tilespmem:v59+s29+$0x0], $0xffff  }
0x828: {  	v25 =	vadd.s32 $0x320A, v30;
	v28 =	vadd.s32 $0x320A, v28;
	v30 =	vadd.s32 s11, v54;
	v58 =	vld.idx.msk [tilespmem:v60+s29+$0x0], $0xffff  }
0x829: {  	[tilespmem:v11+s31+$0x0] =	vst.idx.msk vm6, v19;
	v19 =	vand.u32 $0xFFF8, v55;
	vm6 =	vlt.u32 v57, v51;
	v1 =	vmul.f32 $5.000000000e-01, v1;
	v59 =	vld.idx.msk [tilespmem:v41+s29+$0x0], $0xffff  }
0x82a: {  	v63 =	vmul.f32 $5.000000000e-01, v31;
	v36 =	vor.u32 v53, v19;
	v31 =	vld.idx.msk [tilespmem:v13+s29+$0x0], $0xffff;
	v60 =	vmov s24  }
0x82b: {  	v34 =	vld.idx.msk [tilespmem:v14+s29+$0x0], $0xffff;
	[tilespmem:v42+s31+$0x0] =	vst.idx.msk vm4, v1;
	v29 =	vadd.s32 $0x320A, v8;
	v8 =	vmov s11;
	vm5 =	vlt.u32 v60, v51  }
0x82c: {  	v42 =	vadd.s32 s24, v54;
	vm7 =	vlt.u32 v8, v51;
	[tilespmem:v46+s31+$0x0] =	vst.idx.msk vm3, v63;
	v12 =	vadd.f32 v39, v45  }
0x82d: {  	v32 =	vld.idx.msk [tilespmem:v32+s29+$0x0], $0xffff;
	v39 =	vor.u32 v53, v61;
	v43 =	vadd.f32 v58, v48;
	v41 =	vadd.f32 v9, v20  }
0x82e: {  	s17 =	simm.s32 $0xA0;
	s12 =	simm.s32 $0x4;
	v37 =	vld.idx.msk [tilespmem:v62+s29+$0x0], $0xffff;
	v45 =	vadd.s32 s23, v54;
	v40 =	vmul.f32 $5.000000000e-01, v12;
	v44 =	vadd.f32 v44, v59  }
.LBB2_26:
0x82f: {  	v1 =	vld [tilespmem:s17+$0x10];
	v8 =	vand.u32 $0x1FFF8, v45;
	v9 =	vmul.f32 $5.000000000e-01, v43;
	s9 =	sadd.s32 $0x40, s9;
	v10 =	vmul.f32 $5.000000000e-01, v41  }
0x830: {  	v13 =	vand.u32 $0x1FFF8, v42;
	v14 =	vadd.f32 v35, v33;
	v11 =	vld [tilespmem:s9+$0x10];
	v12 =	vmul.f32 $5.000000000e-01, v44;
	[tilespmem:v38+s31+$0x0] =	vst.idx.msk vm6, v40  }
0x831: {  	s12 =	sadd.s32 $0x4, s12;
	v20 =	vand.u32 $0x1FFD8, v30;
	v8 =	vor.u32 v3, v8;
	v19 =	vld [tilespmem:s9+$0xFFFFFFE0];
	[tilespmem:v36+s31+$0x0] =	vst.idx.msk vm5, v9;
	v9 =	vadd.s32 s18, v54  }
0x832: {  	p0 =	slt.u32 s12, $0x27C;
	v30 =	vld [tilespmem:s17+$0xFFFFFFF0];
	[tilespmem:v39+s31+$0x0] =	vst.idx.msk vm7, v12;
	v9 =	vand.u32 $0x1FFF8, v9;
	v12 =	vmul.f32 $5.000000000e-01, v14;
	v14 =	vadd.f32 v34, v31  }
0x833: {  	v20 =	vor.u32 v3, v20;
	v13 =	vor.u32 v3, v13;
	v31 =	vld [tilespmem:s9+$0xFFFFFFF0];
	v9 =	vor.u32 v3, v9  }
0x834: {  	v32 =	vadd.f32 v37, v32;
	v33 =	vld [tilespmem:s17+$0x0];
	v34 =	vadd.s32 $0x2808, v1;
	[tilespmem:v23+s31+$0x0] =	vst.idx.msk vm2, v10;
	v10 =	vmul.f32 $5.000000000e-01, v14;
	v23 =	vmovc v20  }
0x835: {  	vm2 =	vmmov vm7;
	v14 =	vld [tilespmem:s9+$0x0];
	v20 =	vadd.s32 $0x2808, v11;
	[tilespmem:v21+s31+$0x0] =	vst.idx.msk vm0, v12;
	v21 =	vmovc v8;
	vm0 =	vmmov vm6  }
0x836: {  	v32 =	vmul.f32 $5.000000000e-01, v32;
	v8 =	vld [tilespmem:s17+$0xFFFFFFE0];
	v12 =	vadd.s32 $0x2808, v19;
	v19 =	vadd.s32 $0x320A, v19;
	[tilespmem:v22+s31+$0x0] =	vst.idx.msk vm1, v10;
	v22 =	vmovc v13  }
0x837: {  	vm1 =	vmmov vm5;
	v10 =	vadd.s32 $0x2808, v30;
	v13 =	vadd.s32 $0x320A, v30;
	v37 =	vld.idx.msk [tilespmem:v29+s29+$0x0], $0xffff  }
0x838: {  	v35 =	vadd.s32 $0x2808, v31;
	v31 =	vadd.s32 $0x320A, v31;
	v41 =	vld.idx.msk [tilespmem:v24+s29+$0x0], $0xffff;
	[tilespmem:v9+s31+$0x0] =	vst.idx.msk vm3, v32;
	v24 =	vmov v19  }
0x839: {  	v9 =	vadd.s32 $0x2808, v33;
	v19 =	vadd.s32 $0x320A, v33;
	v32 =	vld.idx.msk [tilespmem:v34+s29+$0x0], $0xffff  }
0x83a: {  	v33 =	vadd.s32 $0x2808, v14;
	v14 =	vadd.s32 $0x320A, v14;
	v20 =	vld.idx.msk [tilespmem:v20+s29+$0x0], $0xffff  }
0x83b: {  	s11 =	sadd.s32 $0x40, s11;
	v34 =	vadd.s32 $0x2808, v8;
	v12 =	vld.idx.msk [tilespmem:v12+s29+$0x0], $0xffff;
	v29 =	vadd.s32 $0x320A, v8  }
0x83c: {  	s8 =	sadd.s32 $0x10, s11;
	s10 =	sadd.s32 $0x20, s11;
	v36 =	vadd.s32 s11, v52;
	s18 =	sadd.s32 $0x30, s11;
	v30 =	vadd.s32 s11, v54;
	v8 =	vmov s11;
	v10 =	vld.idx.msk [tilespmem:v10+s29+$0x0], $0xffff  }
0x83d: {  	v38 =	vmov s18;
	v40 =	vadd.s32 s18, v52;
	v39 =	vld.idx.msk [tilespmem:v35+s29+$0x0], $0xffff;
	v35 =	vadd.s32 s8, v52  }
0x83e: {  	v42 =	vadd.s32 s10, v52;
	vm3 =	vlt.u32 v38, v51;
	v38 =	vand.u32 $0xFFF8, v40;
	v9 =	vld.idx.msk [tilespmem:v9+s29+$0x0], $0xffff  }
0x83f: {  	v40 =	vmov s8;
	v44 =	vor.u32 v53, v38;
	v35 =	vand.u32 $0xFFF8, v35;
	v43 =	vld.idx.msk [tilespmem:v33+s29+$0x0], $0xffff  }
0x840: {  	v1 =	vadd.s32 $0x320A, v1;
	v20 =	vadd.f32 v20, v32;
	v45 =	vld.idx.msk [tilespmem:v34+s29+$0x0], $0xffff;
	v34 =	vmov s10  }
0x841: {  	v11 =	vadd.s32 $0x320A, v11;
	v32 =	vand.u32 $0xFFD8, v36;
	v36 =	vand.u32 $0xFFF8, v42;
	v33 =	vld.idx.msk [tilespmem:v26+s29+$0x0], $0xffff;
	v26 =	vmovc v13  }
.Ltmp12:
0x842: {  	vm6 =	vlt.u32 v40, v51;
	v38 =	vor.u32 v53, v35;
	v13 =	vmul.f32 $5.000000000e-01, v20;
	v35 =	vld.idx.msk [tilespmem:v25+s29+$0x0], $0xffff;
	v25 =	vmovc v31;
	(pc) =	sbr.rel @p0 .LBB2_26-.Ltmp12, $4  }
0x843: {  	v36 =	vor.u32 v53, v36;
	vm5 =	vlt.u32 v34, v51;
	v10 =	vadd.f32 v39, v10;
	v31 =	vld.idx.msk [tilespmem:v27+s29+$0x0], $0xffff  }
0x844: {  	vm7 =	vlt.u32 v8, v51;
	v39 =	vor.u32 v53, v32;
	[tilespmem:v44+s31+$0x0] =	vst.idx.msk vm3, v13;
	v34 =	vld.idx.msk [tilespmem:v28+s29+$0x0], $0xffff  }
0x845: {  	v41 =	vadd.f32 v41, v37;
	v27 =	vmovc v19;
	v40 =	vmul.f32 $5.000000000e-01, v10;
	v43 =	vadd.f32 v43, v9;
	v32 =	vld.idx.msk [tilespmem:v1+s29+$0x0], $0xffff  }
0x846: {  	s17 =	sadd.s32 $0x40, s17;
	v42 =	vadd.s32 s10, v54;
	v28 =	vmovc v14;
	v44 =	vadd.f32 v12, v45;
	v45 =	vadd.s32 s8, v54;
	v37 =	vld.idx.msk [tilespmem:v11+s29+$0x0], $0xffff  }
0x847: {  	_ =	sdelay $0x3  }
0x848: {  	v8 =	vmul.f32 $5.000000000e-01, v43  }
0x849: {  	[tilespmem:v38+s31+$0x0] =	vst.idx.msk vm6, v40;
	v1 =	vmul.f32 $5.000000000e-01, v44  }
0x84a: {  	v10 =	vld.idx.msk [tilespmem:v26+s29+$0x0], $0xffff;
	[tilespmem:v36+s31+$0x0] =	vst.idx.msk vm5, v8  }
0x84b: {  	v8 =	vld.idx.msk [tilespmem:v25+s29+$0x0], $0xffff;
	[tilespmem:v39+s31+$0x0] =	vst.idx.msk vm7, v1  }
0x84c: {  	v1 =	vld.idx.msk [tilespmem:v29+s29+$0x0], $0xffff  }
0x84d: {  	v11 =	vand.u32 $0x1FFF8, v45;
	v9 =	vld.idx.msk [tilespmem:v24+s29+$0x0], $0xffff  }
0x84e: {  	v12 =	vmul.f32 $5.000000000e-01, v41;
	v13 =	vadd.f32 v35, v33;
	v20 =	vadd.s32 s18, v54;
	v55 =	vld.idx.msk [tilespmem:v27+s29+$0x0], $0xffff  }
0x84f: {  	v14 =	vand.u32 $0x1FFF8, v42;
	v19 =	vand.u32 $0x1FFD8, v30;
	v20 =	vand.u32 $0x1FFF8, v20;
	v56 =	vld.idx.msk [tilespmem:v28+s29+$0x0], $0xffff  }
0x850: {  	vm14 =	vmmov vm6;
	v57 =	vadd.f32 v34, v31;
	v20 =	vor.u32 v3, v20  }
0x851: {  	v19 =	vor.u32 v3, v19;
	v13 =	vmul.f32 $5.000000000e-01, v13;
	v58 =	vadd.f32 v37, v32  }
0x852: {  	v11 =	vor.u32 v3, v11;
	[tilespmem:v23+s31+$0x0] =	vst.idx.msk vm2, v12;
	v12 =	vmul.f32 $5.000000000e-01, v57;
	v1 =	vadd.f32 v9, v1  }
0x853: {  	v59 =	vor.u32 v3, v14;
	[tilespmem:v21+s31+$0x0] =	vst.idx.msk vm0, v13;
	v13 =	vmul.f32 $5.000000000e-01, v58;
	v8 =	vadd.f32 v8, v10  }
0x854: {  	[tilespmem:v22+s31+$0x0] =	vst.idx.msk vm1, v12;
	v60 =	vadd.f32 v56, v55;
	v1 =	vmul.f32 $5.000000000e-01, v1  }
0x855: {  	[tilespmem:v20+s31+$0x0] =	vst.idx.msk vm3, v13;
	v8 =	vmul.f32 $5.000000000e-01, v8  }
0x856: {  	[tilespmem:v19+s31+$0x0] =	vst.idx.msk vm7, v1;
	v1 =	vmul.f32 $5.000000000e-01, v60  }
0x857: {  	[tilespmem:v11+s31+$0x0] =	vst.idx.msk vm14, v8  }
0x858: {  	[tilespmem:v59+s31+$0x0] =	vst.idx.msk vm5, v1  }
0x859: {  	v1 =	vld [tilespmem:$0x2800]  }
0x85a: {  	v8 =	vld [tilespmem:$0x5010];
	_ =	sdelay $0x3  }
0x85b: {  	v61 =	vadd.s32 $0x2808, v1  }
0x85c: {  	v62 =	vadd.s32 $0x2808, v8;
	_ =	sdelay $0x3  }
0x85d: {  	v9 =	vld.idx.msk [tilespmem:v61+s29+$0x0], $0xffff  }
0x85e: {  	v10 =	vld.idx.msk [tilespmem:v62+s29+$0x0], $0xffff  }
0x85f: {  	v63 =	vld [tilespmem:$0x1FF80];
	_ =	sdelay $0x3  }
0x860: {  	v1 =	vadd.s32 $0x320A, v1;
	v9 =	vadd.f32 v10, v9  }
0x861: {  	v8 =	vadd.s32 $0x320A, v8  }
0x862: {  	v9 =	vmul.f32 $5.000000000e-01, v9;
	_ =	sdelay $0x1  }
0x863: {  	[tilespmem:v63+s31+$0x0] =	vst.idx.msk $0x3, v9  }
0x864: {  	v1 =	vld.idx.msk [tilespmem:v1+s29+$0x0], $0xffff  }
0x865: {  	v8 =	vld.idx.msk [tilespmem:v8+s29+$0x0], $0xffff;
	_ =	sdelay $0x4  }
0x866: {  	v1 =	vadd.f32 v8, v1;
	v8 =	vld [tilespmem:$0x1FF90];
	_ =	sdelay $0x5  }
0x867: {  	v1 =	vmul.f32 $5.000000000e-01, v1;
	_ =	sdelay $0x1  }
0x868: {  	s8 =	rddreg [dreg:$0x10];
	[tilespmem:v8+s31+$0x0] =	vst.idx.msk $0x3, v1  }
0x869: {  	[hbm4b:s8+s3] =	stream.linear.scatter [tilespmem:s0], [sflag:$0x4], $0x5004, $0x38;
	[tilespmem:$0x1B850] =	vst v63  }
0x86a: {  	_ =	swait.ge [sflag:s26], $0xA008  }
0x86b: {  	[sflag:s26] =	ssyncset.done $0x0  }
0x86c: {  	[sflag:s26] =	ssyncadd.s32 $0xFFFF5FF8  }
0x86d: {  	_ =	swait.ge [sflag:s4], $0x5004  }
0x86e: {  	s6 =	sadd.s32 $0x1, s6;
	s24 =	rddreg [dreg:$0x11]  }
0x86f: {  	p0 =	sne.s32 s6, s24  }
.Ltmp13:
0x870: {  	_ = 	snop;
	(pc) =	sbr.rel @p0 .LBB2_1-.Ltmp13, $3  }
0x871: {  	_ =	sdelay $0x1  }
0x872: {  	[sflag:s4] =	ssyncset.done $0x0  }
0x873: {  	vm4 =	vmmov vm7;
	vm15 =	vmmov vm5;
	v1 =	vld [tilespmem:$0x1FFA0];
	[sflag:s4] =	ssyncadd.s32 $0xFFFFAFFC  }
0x874: {  	_ =	sfence.sel $0x180000  }
0x875: {  	[bflag:$0x0] =	sbarrier.arrive $0xFFFF  }
0x876: {  	_ =	strace $0x90000047  }
0x877: {  	s0 =	stileid.u32;
	[bflag:$0x2] =	sbarrier.arrive $0xFFFF  }
0x878: {  	p0 =	sne.s32 s0, $0x0;
	s0 =	rddreg [dreg:$0x2]  }
0x879: {  	s0 =	sadd.s32 @!p0 $0x100000, s0  }
0x87a: {  	[sflag:s0] =	ssyncadd.tile.s32 @!p0 $0x1;
	_ =	shalt  }
.Lfunc_end2:
_tile_overlayer_lowered:
.L_overlay_start_2:
0x87b: {  	(tag) =	ssettag $0x2  }
0x87c: {  	s0 =	rddreg [dreg:$0x0];
	s2 =	stileid.u32  }
0x87d: {  	s1 =	rddreg [dreg:$0x1];
	p0 =	sne.s32 s2, $0x0  }
0x87e: {  	s3 =	rddreg [dreg:$0x2];
	[bflag:$0x3] =	sbarrier.arrive $0xFFFF;
	s2 =	simm.s32 @!p0 $0x1C05  }
0x87f: {  	[timem:s3], [sflag:s2] =	dma.local @!p0 [hbm:s0], s1  }
0x880: {  	s0 =	simm.s32 @!p0 $0x5  }
0x881: {  	_ =	swait.ge @!p0 [sflag:s0], s1  }
0x882: {  	s1 =	ssub.s32 @!p0 $0x0, s1;
	[sflag:s0] =	ssyncset.done @!p0 $0x0  }
0x883: {  	[sflag:s0] =	ssyncadd.s32 @!p0 s1  }
0x884: {  	[bflag:$0x3] =	sbarrier.arrive $0xFFFF  }
0x885: {  	_ =	shalt  }

// kernel: sparse-core-data-format-call.cloned.1.call-start
scs
called_computation_lowered:
.L_overlay_start_0:
0x0: {  	s2 =	sld [smem:$0x3FD9]  }
0x1: {  	s3 =	sld [smem:$0x3FFE];
	_ =	sdelay $0x1  }
0x2: {  	s1 =	srdreg.scid  }
0x3: {  	s0 =	sand.u32 $0x1, s1  }
0x4: {  	s18 =	sshll.u32 s0, $0xA;
	s2 =	sadd.s32 s3, s2  }
0x5: {  	s2 =	sadd.s32 s2, s18  }
0x6: {  	[smem:$0x3FC6] =	sst s2  }
0x7: {  	_ = 	snop  }
0x8: {  	s2 =	sld [smem:$0x3FD0];
	(tm) =	ssettm $0x1  }
0x9: {  	s19 =	sld [smem:$0x3FFB];
	_ =	sdelay $0x3  }
0xa: {  	_ =	strace s19  }
0xb: {  	s3 =	sld [smem:$0x3FFC];
	_ =	sdelay $0x3  }
0xc: {  	_ =	strace s3  }
0xd: {  	s3 =	sld [smem:$0x3FFD];
	_ =	sdelay $0x3  }
0xe: {  	_ =	strace s3  }
0xf: {  	_ =	strace $0x8FFFFFFF  }
0x10: {  	s20 =	sld [smem:$0x3FDB];
	_ =	sdelay $0x1  }
0x11: {  	s4 =	simm.s32 $_scs_section_size  }
0x12: {  	s5 =	simm.s32 $_size__tile_overlayer_lowered;
	s6 =	simm.s32 $_tile_overlayer_lowered  }
0x13: {  	s23 =	simm.s32 $0x1BFF;
	s22 =	sshll.u32 s6, $0x1;
	s3 =	sadd.s32 s4, s20  }
0x14: {  	s7 =	simm.s32 $0x0;
	s21 =	sshll.u32 s5, $0x1;
	s5 =	sadd.s32 s22, s3  }
0x15: {  	[timem:s7], [sflag:s23] =	dma.local [hbm:s5], s21  }
0x16: {  	_ =	swait.ge [sflag:s23], s21  }
0x17: {  	s4 =	ssub.s32 $0x0, s21;
	[sflag:s23] =	ssyncset.done $0x0  }
0x18: {  	[sflag:s23] =	ssyncadd.s32 s4;
	_ =	sdelay $0x1  }
0x19: {  	s24 =	simm.s32 $0x1B8B  }
0x1a: {  	_ =	swait.ge [sflag:s24], $0x1  }
0x1b: {  	[sflag:s24] =	ssyncset.done $0x0  }
0x1c: {  	s26 =	simm.s32 $0x1B8E;
	s25 =	sld [smem:$0x3FFE];
	[sflag:s24] =	ssyncadd.s32 $0xFFFFFFFF  }
0x1d: {  	s27 =	simm.s32 $execute0_lowered;
	[smem:$0x3FD2] =	sst s26  }
0x1e: {  	s5 =	sshll.u32 s27, $0x1;
	_ =	strace $0x80000049;
	[dreg:$0x1] =	wrdreg $0xFFFFFFFF  }
0x1f: {  	s28 =	simm.s32 $_size_execute0_lowered;
	s3 =	sadd.s32 s3, s5;
	[dreg:$0x0] =	wrdreg $0x0  }
0x20: {  	s5 =	sshll.u32 s28, $0x1;
	[dreg:$0x2] =	wrdreg s3  }
0x21: {  	[dreg:$0x3] =	wrdreg s5  }
0x22: {  	[dreg:$0x4] =	wrdreg $0xC0  }
0x23: {  	_ =	task [dreg:s7], $0x5FFFF  }
0x24: {  	[dreg:$0x1] =	wrdreg $0xFFFFFFFF  }
0x25: {  	[dreg:$0x0] =	wrdreg $0x60  }
0x26: {  	[dreg:$0x2] =	wrdreg s25  }
0x27: {  	[dreg:$0x3] =	wrdreg s2  }
0x28: {  	[dreg:$0x4] =	wrdreg $0x9  }
0x29: {  	_ =	task.clear_ibuf [dreg:s7], $0x5FFFF;
	_ =	strace $0x90000049  }
0x2a: {  	s29 =	simm.s32 $0x9;
	_ =	strace $0x8000004B  }
0x2b: {  	_ =	swait.ge [sflag:s29], $0x1  }
0x2c: {  	[sflag:s29] =	ssyncadd.s32 $0xFFFFFFFF  }
0x2d: {  	_ =	strace $0x9000004B  }
0x2e: {  	_ =	sfence  }
0x2f: {  	s30 =	sld [smem:$0x0];
	_ =	sdelay $0x2  }
0x30: {  	s31 =	sshll.u32 s1, $0xD;
	s1 =	sshrl.u32 s1, $0x2  }
0x31: {  	s3 =	sand.u32 $0x4000, s31;
	s1 =	sadd.s32 s1, s30  }
0x32: {  	s0 =	sor.u32 s3, s0;
	s1 =	sshll.u32 s1, $0x11  }
0x33: {  	s0 =	sor.u32 s1, s0  }
0x34: {  	s0 =	sadd.s32 $0x8F2B, s0  }
0x35: {  	[sflag:s0] =	ssyncadd.remote.s32 $0x1  }
0x36: {  	_ =	sfence.sel $0xFFFF  }
0x37: {  	[dreg:$0x0] =	wrdreg $0xFFFFFFFF;
	(pc) =	sbr.abs _section_cstart, $3  }
0x38: {  	[dreg:$0x1] =	wrdreg $0xFFFFFFFF  }
0x39: {  	_ =	task.clear_ibuf [dreg:s7], $0x2FFFF;
	_ =	strace $0x9FFFFFFF  }
0x3a: {  	(tm) =	ssettm $0x7FFFFFFF  }
0x3b: {  	_ =	shalt  }
tec
execute0_lowered:
.L_overlay_start_1:
0x0: {  	(tag) =	ssettag $0x1  }
0x1: {  	s3 =	rddreg [dreg:$0x0]  }
0x2: {  	s2 =	rddreg [dreg:$0x1];
	s1 =	stileid.u32  }
0x3: {  	s4 =	srdreg.scid;
	s0 =	rddreg [dreg:$0x2]  }
0x4: {  	_ =	strace $0x8000004A;
	s6 =	simm.s32 $0x1;
	s8 =	simm.s32 $0x2  }
0x5: {  	s18 =	simm.s32 $0x0;
	p0 =	por $0x0, $0x0;
	s9 =	simm.s32 $0x400  }
0x6: {  	s17 =	simm.s32 $0x0;
	s19 =	simm.s32 $0x0;
	s10 =	simm.s32 $0x0  }
0x7: {  	s11 =	simm.s32 $0x0;
	s5 =	sshll.u32 s1, $0x4;
	s4 =	sshll.u32 s4, $0x8  }
.Ltmp0:
0x8: {  	s12 =	simm.s32 $0x0;
	s4 =	sor.u32 s5, s4;
	(pc) =	sbr.rel .LBB1_1-.Ltmp0, $4  }
0x9: {  	s14 =	simm.s32 $0x0;
	s16 =	simm.s32 $0x0;
	s4 =	sand.u32 $0x180, s4  }
0xa: {  	s3 =	sadd.s32 $0x781600, s3;
	[sflag:s6] =	ssyncpa.u1 $0x0;
	s7 =	ssub.s32 $0xF000, s4  }
0xb: {  	s5 =	sand.u32 $0x7, s1;
	[sflag:s8] =	ssyncpa.u1 $0x0;
	s7 =	sshrl.u32 s7, $0x9  }
0xc: {  	s15 =	smov.u32 s5;
	s13 =	smov.u32 s4;
	s8 =	sadd.s32 $0x2, s7  }
.LBB1_5:
0xd: {  	p1 =	slt.u32 s16, $0x2;
	s20 =	smov.u32 s19;
	s22 =	smov.u32 s18  }
0xe: {  	p2 =	sgt.s32 @!p1 s18, $0xEF8C;
	p3 =	sgt.s32 @!p1 s19, $0x7;
	s21 =	sshra.s32 @!p1 s19, $0x1F  }
0xf: {  	p3 =	por !p3, p1;
	s19 =	sand.u32 @!p1 s21, s19;
	s21 =	sshra.s32 @!p1 s18, $0x1F  }
0x10: {  	p2 =	por !p2, p1;
	s20 =	simm.s32 @p3 $0x7;
	s18 =	sand.u32 @!p1 s21, s18  }
0x11: {  	s22 =	simm.s32 @p2 $0xEF8C;
	s21 =	ssub.s32 @!p1 $0x0, s17;
	s19 =	ssub.s32 @!p1 s20, s19  }
0x12: {  	s18 =	ssub.s32 @!p1 s22, s18;
	s17 =	smin.u32 @!p1 s17, s21;
	s20 =	sadd.s32 @!p1 $0xFFFFFFF9, s19  }
0x13: {  	s21 =	smov.u32 s14;
	s19 =	ssub.s32 @!p1 $0x8, s19;
	p2 =	sgt.s32 @!p1 s20, $0x0  }
0x14: {  	p3 =	sgt.s32 @!p1 s17, $0x7F;
	s17 =	ssub.s32 @!p1 $0x80, s17;
	p2 =	por !p2, p1  }
0x15: {  	s20 =	sadd.s32 @!p1 $0xFFFF1074, s18;
	s19 =	simm.s32 @!p2 $0x0;
	p2 =	por !p3, p1  }
0x16: {  	s18 =	ssub.s32 @!p1 $0xF00C, s18;
	p3 =	sgt.s32 @!p1 s20, $0x7F;
	s17 =	simm.s32 @!p2 $0x0  }
0x17: {  	s20 =	sadd.s32 $0x200, s13;
	p2 =	por !p3, p1;
	s17 =	smul.u32 @!p1 s19, s17  }
0x18: {  	s18 =	simm.s32 @!p2 $0x0;
	p2 =	sgt.s32 s20, $0xF00B;
	s19 =	sadd.s32 $0x80, s14  }
0x19: {  	s22 =	smov.u32 s15;
	s21 =	smov.u32 @p2 s19  }
0x1a: {  	s17 =	smul.u32 @!p1 s18, s17;
	p3 =	sgt.s32 s21, $0x7F;
	s18 =	sadd.s32 $0x8, s15  }
0x1b: {  	p0 =	por !p0, !p0;
	s23 =	simm.s32 @!p1 $0x2;
	s22 =	smov.u32 @p3 s18  }
0x1c: {  	s20 =	smov.u32 @p2 s4;
	s19 =	smov.u32 s12;
	p2 =	sgt.s32 s22, $0x7  }
0x1d: {  	s12 =	smov.u32 s15;
	s22 =	smov.u32 @p2 s5;
	p2 =	sne.s32 s16, s8  }
.Ltmp1:
0x1e: {  	s21 =	simm.s32 @p3 $0x0;
	s18 =	smov.u32 s10;
	(pc) =	sbr.rel @!p2 .LBB1_6-.Ltmp1, $4  }
0x1f: {  	s10 =	smov.u32 s13;
	s13 =	smov.u32 s20;
	s17 =	sand.u32 @!p1 $0x3FFFFFFF, s17  }
0x20: {  	_ =	swait.ge @!p1 [sflag:s23], s17;
	s24 =	ssub.s32 @!p1 $0x0, s17;
	s17 =	smov.u32 s11  }
0x21: {  	s16 =	sadd.s32 $0x1, s16;
	s11 =	smov.u32 s14;
	[sflag:s23] =	ssyncset.done @!p1 $0x0  }
0x22: {  	s14 =	smov.u32 s21;
	s15 =	smov.u32 s22;
	[sflag:s23] =	ssyncadd.s32 @!p1 s24  }
.LBB1_1:
0x23: {  	p1 =	sgt.u32 s16, s7  }
0x24: {  	s20 =	sshrl.u32 @!p1 s14, $0x3  }
0x25: {  	s21 =	sshll.u32 @!p1 s13, $0x3;
	s20 =	smul.u32 @!p1 $0x78400, s20  }
0x26: {  	s22 =	sshll.u32 @!p1 s14, $0x7;
	s21 =	sand.u32 @!p1 $0xFFFFFC00, s21  }
0x27: {  	s20 =	sadd.s32 @!p1 s20, s21;
	s21 =	sand.u32 @!p1 $0x380, s22  }
0x28: {  	s20 =	sor.u32 @!p1 s21, s20  }
0x29: {  	s21 =	sshrl.u32 @!p1 s20, $0x7  }
0x2a: {  	s21 =	smulhi.u32 @!p1 $0x883FDE, s21;
	_ =	sdelay $0x1  }
0x2b: {  	s23 =	sand.u32 @!p1 $0x7F, s13;
	s22 =	sxor.u32 @!p1 $0xFFFFFFFF, s16;
	s24 =	smul.u32 @!p1 $0xF080, s21  }
0x2c: {  	s20 =	sor.u32 @!p1 s23, s20;
	s23 =	smul.u32 @!p1 $0xF0800, s15;
	s21 =	sand.u32 @!p1 $0x7F, s21  }
0x2d: {  	s22 =	sshll.u32 @!p1 s22, $0xE;
	s21 =	smul.u32 @!p1 $0x1E10, s21;
	s20 =	ssub.s32 @!p1 s20, s24  }
0x2e: {  	s22 =	sand.u32 @!p1 $0x4000, s22;
	s23 =	sadd.s32 @!p1 s3, s23;
	s24 =	sand.u32 @!p1 $0x7, s20  }
0x2f: {  	s20 =	sshrl.u32 @!p1 s20, $0x3;
	s21 =	sadd.s32 @!p1 s21, s23;
	s23 =	sshll.u32 @!p1 s24, $0x12  }
0x30: {  	s20 =	sadd.s32 @!p1 s20, s21;
	s21 =	sor.u32 @!p1 $0x400, s23;
	s23 =	simm.s32 @!p1 $0x78400  }
0x31: {  	[tilespmem:s22], [sflag:$0x1] =	stream.strided.gather @!p1 [hbm4b:s20+s21], $0x4000, s23, s21, $0x38;
	[tilespmem:$0x10100] =	vst v63  }
0x32: {  	p1 =	seq.s32 s16, $0x0  }
0x33: {  	p2 =	sge.u32 @!p1 s16, s8  }
0x34: {  	p1 =	por p1, p2  }
.Ltmp2:
0x35: {  	_ = 	snop;
	(pc) =	sbr.rel @p1 .LBB1_5-.Ltmp2, $1  }
0x36: {  	_ =	sdelay $0x3  }
0x37: {  	s20 =	simm.s32 $0x1  }
0x38: {  	_ =	swait.ge [sflag:s6], $0x4000;
	s20 =	simm.s32 @!p0 $0x0  }
0x39: {  	[sflag:s6] =	ssyncset.done $0x0;
	s21 =	sshll.u32 s20, $0xE  }
0x3a: {  	[sflag:s6] =	ssyncadd.s32 $0xFFFFC000;
	s21 =	sor.u32 $0x40, s21  }
0x3b: {  	s20 =	smul.u32 $0x10200, s20;
	v0 =	vld [tilespmem:s21+$0x30]  }
0x3c: {  	v1 =	vld [tilespmem:s21+$0xFFFFFFD0]  }
0x3d: {  	s20 =	sshrl.u32 s20, $0x2;
	v5 =	vld [tilespmem:s21+$0xFFFFFFE0]  }
0x3e: {  	v6 =	vld [tilespmem:s21+$0xFFFFFFF0];
	s23 =	sor.u32 $0x8000, s20  }
0x3f: {  	s31 =	sand.u32 $0x1, s16;
	v4 =	vld [tilespmem:s21+$0x0];
	s22 =	sadd.s32 $0x0, s23  }
0x40: {  	v3 =	vld [tilespmem:s21+$0x10];
	s20 =	smul.u32 $0x10200, s31;
	[tilespmem:s22+$0x3870 ss:$0x81] =	vst.msk $0xffff, v0  }
0x41: {  	v2 =	vld [tilespmem:s21+$0x20];
	[tilespmem:s22+$0x810 ss:$0x81] =	vst.msk $0xffff, v1  }
0x42: {  	s20 =	sshrl.u32 s20, $0x2;
	v1 =	vld [tilespmem:s21+$0xFFFFFFC0];
	[tilespmem:s22+$0x1020 ss:$0x81] =	vst.msk $0xffff, v5;
	s21 =	sadd.s32 $0x80, s21  }
0x43: {  	s24 =	simm.s32 $0x4;
	s25 =	simm.s32 $0x8;
	s20 =	sor.u32 $0x8000, s20;
	[tilespmem:s22+$0x1830 ss:$0x81] =	vst.msk $0xffff, v6;
	v0 =	vld [tilespmem:s21+$0x30]  }
.LBB1_3:
0x44: {  	p1 =	sne.s32 s25, $0x1FC;
	v5 =	vld [tilespmem:s21+$0xFFFFFFD0];
	[tilespmem:s22+$0x2040 ss:$0x81] =	vst.msk $0xffff, v4  }
0x45: {  	v6 =	vld [tilespmem:s21+$0xFFFFFFE0];
	[tilespmem:s22+$0x2850 ss:$0x81] =	vst.msk $0xffff, v3  }
0x46: {  	s26 =	sshra.s32 s24, $0x2;
	s24 =	smov.u32 s25;
	v7 =	vld [tilespmem:s21+$0xFFFFFFF0];
	[tilespmem:s22+$0x3060 ss:$0x81] =	vst.msk $0xffff, v2  }
.Ltmp3:
0x47: {  	v4 =	vld [tilespmem:s21+$0x0];
	[tilespmem:s22+$0x0 ss:$0x81] =	vst.msk $0xffff, v1;
	s22 =	sadd.s32 s26, s23;
	(pc) =	sbr.rel @p1 .LBB1_3-.Ltmp3, $4  }
0x48: {  	v3 =	vld [tilespmem:s21+$0x10];
	[tilespmem:s22+$0x3870 ss:$0x81] =	vst.msk $0xffff, v0  }
0x49: {  	[tilespmem:s22+$0x810 ss:$0x81] =	vst.msk $0xffff, v5;
	v2 =	vld [tilespmem:s21+$0x20]  }
0x4a: {  	v1 =	vld [tilespmem:s21+$0xFFFFFFC0];
	[tilespmem:s22+$0x1020 ss:$0x81] =	vst.msk $0xffff, v6;
	s21 =	sadd.s32 $0x80, s21  }
0x4b: {  	s25 =	sadd.s32 $0x4, s25;
	v0 =	vld [tilespmem:s21+$0x30];
	[tilespmem:s22+$0x1830 ss:$0x81] =	vst.msk $0xffff, v7  }
0x4c: {  	s24 =	sshra.s32 s24, $0x2  }
0x4d: {  	p1 =	sgt.s32 s12, $0x7;
	s25 =	sshra.s32 s12, $0x1F;
	p2 =	sgt.s32 s10, $0xEF8C  }
0x4e: {  	s26 =	smov.u32 s10;
	s27 =	sshra.s32 s10, $0x1F;
	s28 =	ssub.s32 $0x0, s11  }
0x4f: {  	v5 =	vld [tilespmem:s21+$0xFFFFFFD0];
	s23 =	sadd.s32 s24, s23;
	s24 =	smov.u32 s12;
	s25 =	sand.u32 s25, s12  }
0x50: {  	[tilespmem:s22+$0x2040 ss:$0x81] =	vst.msk $0xffff, v4;
	v58 =	vld [tilespmem:s21+$0xFFFFFFE0];
	s26 =	simm.s32 @!p2 $0xEF8C;
	s31 =	sand.u32 s27, s10;
	s24 =	simm.s32 @!p1 $0x7  }
0x51: {  	v59 =	vld [tilespmem:s21+$0xFFFFFFF0];
	[tilespmem:s22+$0x2850 ss:$0x81] =	vst.msk $0xffff, v3;
	s30 =	ssub.s32 s26, s31;
	s31 =	smin.u32 s11, s28;
	s24 =	ssub.s32 s24, s25  }
0x52: {  	v60 =	vld [tilespmem:s21+$0x0];
	[tilespmem:s22+$0x3060 ss:$0x81] =	vst.msk $0xffff, v2;
	p2 =	sgt.s32 s31, $0x7F;
	s29 =	sadd.s32 $0xFFFFFFF9, s24  }
0x53: {  	v61 =	vld [tilespmem:s21+$0x10];
	[tilespmem:s22+$0x0 ss:$0x81] =	vst.msk $0xffff, v1;
	s25 =	ssub.s32 $0x80, s31;
	s24 =	ssub.s32 $0x8, s24;
	p1 =	sgt.s32 s29, $0x0  }
0x54: {  	v62 =	vld [tilespmem:s21+$0x20];
	s26 =	sadd.s32 $0xFFFF1074, s30;
	[tilespmem:s23+$0x3870 ss:$0x81] =	vst.msk $0xffff, v0;
	s25 =	simm.s32 @p2 $0x0;
	s24 =	simm.s32 @p1 $0x0  }
0x55: {  	v63 =	vld [tilespmem:s21+$0xFFFFFFC0];
	s21 =	ssub.s32 $0xF00C, s30;
	[tilespmem:s23+$0x810 ss:$0x81] =	vst.msk $0xffff, v5;
	p1 =	sgt.s32 s26, $0x7F;
	s24 =	smul.u32 s24, s25  }
0x56: {  	[tilespmem:s23+$0x1020 ss:$0x81] =	vst.msk $0xffff, v58;
	s21 =	simm.s32 @p1 $0x0  }
0x57: {  	[tilespmem:s23+$0x1830 ss:$0x81] =	vst.msk $0xffff, v59;
	s25 =	sshll.u32 s12, $0x4;
	s21 =	smul.u32 s21, s24  }
.Ltmp4:
0x58: {  	s27 =	sshrl.u32 s11, $0x3;
	[tilespmem:s23+$0x2040 ss:$0x81] =	vst.msk $0xffff, v60;
	s24 =	sand.u32 $0x70, s25;
	(pc) =	sbr.rel .LBB1_5-.Ltmp4, $4  }
0x59: {  	s28 =	sand.u32 $0x7, s11;
	[tilespmem:s23+$0x2850 ss:$0x81] =	vst.msk $0xffff, v61;
	s26 =	sshll.u32 s10, $0x7;
	s24 =	sadd.s32 s2, s24  }
0x5a: {  	s30 =	sshll.u32 s28, $0x12;
	[tilespmem:s23+$0x3060 ss:$0x81] =	vst.msk $0xffff, v62;
	s29 =	sand.u32 $0xF, s27;
	s22 =	sadd.s32 s26, s24  }
0x5b: {  	s31 =	sor.u32 $0x80, s30;
	[tilespmem:s23+$0x0 ss:$0x81] =	vst.msk $0xffff, v63;
	s21 =	sand.u32 $0x3FFFFFFF, s21;
	s22 =	sadd.s32 s29, s22  }
0x5c: {  	[hbm4b:s22+s31] =	stream.strided.scatter [tilespmem:s20], [sflag:$0x2], s21, s9, s31, $0x20;
	[tilespmem:$0x10100] =	vst v63  }
.LBB1_6:
0x5d: {  	_ =	sfence.sel $0x180000  }
0x5e: {  	s2 =	simm.s32 $0x1;
	[bflag:$0x0] =	sbarrier.arrive $0xFFFF  }
0x5f: {  	s31 =	simm.s32 $0x2;
	[sflag:s2] =	ssyncpa.u1 $0x1  }
0x60: {  	[sflag:s31] =	ssyncpa.u1 $0x1  }
0x61: {  	p0 =	sne.s32 s1, $0x0;
	_ =	strace $0x9000004A  }
0x62: {  	s0 =	sadd.s32 @!p0 $0x100000, s0;
	[bflag:$0x2] =	sbarrier.arrive $0xFFFF  }
0x63: {  	[sflag:s0] =	ssyncadd.tile.s32 @!p0 $0x1;
	_ =	shalt  }
.Lfunc_end1:
_tile_overlayer_lowered:
.L_overlay_start_2:
0x64: {  	(tag) =	ssettag $0x2  }
0x65: {  	s0 =	rddreg [dreg:$0x0];
	s2 =	stileid.u32  }
0x66: {  	s1 =	rddreg [dreg:$0x1];
	p0 =	sne.s32 s2, $0x0  }
0x67: {  	s3 =	rddreg [dreg:$0x2];
	[bflag:$0x3] =	sbarrier.arrive $0xFFFF;
	s2 =	simm.s32 @!p0 $0x1C01  }
0x68: {  	[timem:s3], [sflag:s2] =	dma.local @!p0 [hbm:s0], s1  }
0x69: {  	s0 =	simm.s32 @!p0 $0x1  }
0x6a: {  	_ =	swait.ge @!p0 [sflag:s0], s1  }
0x6b: {  	s1 =	ssub.s32 @!p0 $0x0, s1;
	[sflag:s0] =	ssyncset.done @!p0 $0x0  }
0x6c: {  	[sflag:s0] =	ssyncadd.s32 @!p0 s1  }
0x6d: {  	[bflag:$0x3] =	sbarrier.arrive $0xFFFF  }
0x6e: {  	_ =	shalt  }

</sc_bundles>
